<compile_context>
chip_gen: v7x
topology: tpu7x:2x2x1
jax: 0.10.2.dev20260603
libtpu: 0.0.44.dev20260713+nightly
codegen_flags: <defaults>
</compile_context>

<pallas_src>
import functools

import jax
import jax.numpy as jnp
from jax import lax
from jax.experimental import pallas as pl
from jax.experimental.pallas import tpu as pltpu
from jax.experimental.pallas import tpu_sc as plsc

K = 64
R = 128
N = 32768
L = 16
NB = N // L
SB = 1024
RB = 256
SAMPLE_STRIDE = 16
SAMPLE_MIN = 32
MASK31 = 0x7FFFFFFF


def _abs_bits(xv):
    return lax.bitcast_convert_type(xv, jnp.int32) & MASK31


def _body(x_hbm, idx_hbm, sgn_hbm, val_hbm,
          row_v, hist, sv, cand, sel, out_u, out_i, stg_val, stg_sgn, st):
    info = plsc.get_sparse_core_info()
    nc, ns = info.num_cores, info.num_subcores
    rows_per_w = R // (nc * ns)
    wid = lax.axis_index("s") * nc + lax.axis_index("c")

    lane = lax.iota(jnp.int32, L)
    ones = jnp.ones((L,), jnp.int32)
    zeros_i = jnp.zeros((L,), jnp.int32)

    def pcount(m):
        return plsc.all_reduce_population_count(m)[0]

    def zero_hist(b, carry):
        hist[pl.ds(b * L, L)] = zeros_i
        return carry

    lax.fori_loop(0, SB, zero_hist, 0, unroll=8)

    def s_of(b):
        return jnp.sum(sv[pl.ds(b * L, L)])

    def suffix_scan(nbkt):
        sv[pl.ds(nbkt * L, L)] = zeros_i

        def ss(t, run):
            b = nbkt - 1 - t
            run = run + hist[pl.ds(b * L, L)]
            sv[pl.ds(b * L, L)] = run
            hist[pl.ds(b * L, L)] = zeros_i
            return run

        lax.fori_loop(0, nbkt, ss, zeros_i, unroll=8)

    def bsearch(need, hi_bkt, steps):
        def step(_, lohi):
            lo, hi = lohi
            mid = (lo + hi + 1) // 2
            ge = s_of(mid) >= need
            return jnp.where(ge, mid, lo), jnp.where(ge, hi, mid - 1)

        lo, _ = lax.fori_loop(0, steps, step,
                              (jnp.int32(0), jnp.int32(hi_bkt)))
        return lo

    def split_level(shift, bstar):
        n_c = st[2]
        count_gt = s_of(bstar + 1)
        n_next = s_of(bstar) - count_gt

        def it(t, offs):
            o_s, o_c = offs
            iv = cand[pl.ds(t * L, L)]
            key = _abs_bits(plsc.load_gather(row_v, [iv]))
            digit = (key >> shift) & 255
            valid = (t * L + lane) < n_c
            m_gt = (digit > bstar) & valid
            m_eq = (digit == bstar) & valid
            plsc.store_compressed(sel.at[pl.ds(o_s, L)], iv, mask=m_gt)
            plsc.store_compressed(cand.at[pl.ds(o_c, L)], iv, mask=m_eq)
            return o_s + pcount(m_gt), o_c + pcount(m_eq)

        lax.fori_loop(0, (n_c + L - 1) // L, it, (st[0], jnp.int32(0)))
        st[0] = st[0] + count_gt
        st[1] = st[1] - count_gt
        st[2] = n_next
        plsc.store_scatter(cand, [n_next + lane], zeros_i)

    def do_row(r, carry):
        row = wid * rows_per_w + r
        pltpu.sync_copy(x_hbm.at[row], row_v)

        def hs(t, c):
            bits = lax.bitcast_convert_type(
                row_v[pl.ds(t * SAMPLE_STRIDE * L, L)], jnp.int32)
            addr = ((bits >> 17) & 0x3FF0) | lane
            plsc.addupdate_scatter(hist, [addr], ones)
            return c

        lax.fori_loop(0, NB // SAMPLE_STRIDE, hs, 0, unroll=8)
        suffix_scan(SB)
        b_est = bsearch(jnp.int32(SAMPLE_MIN), SB - 1, 10)
        thr = b_est << 21

        lane_base = lane * NB

        def p2a(t, off):
            key = _abs_bits(row_v[pl.ds(t * L, L)])
            m = key >= thr
            plsc.store_scatter(cand, [lane_base + off], t * L + lane, mask=m)
            return off + m.astype(jnp.int32)

        off_vec = lax.fori_loop(0, NB, p2a, zeros_i, unroll=8)
        n_all = jnp.sum(off_vec)
        bad = (n_all < K) | (n_all > NB)

        @pl.when(bad)
        def _():
            def fb(t, c):
                cand[pl.ds(t * L, L)] = t * L + lane
                return c

            lax.fori_loop(0, NB, fb, 0, unroll=8)

        @pl.when(jnp.logical_not(bad))
        def _():
            o = jnp.int32(0)
            for l in range(L):
                cnt = off_vec[l]

                def cp(j, c, l=l, cnt=cnt, o=o):
                    v = cand[pl.ds(l * NB + j * L, L)]
                    plsc.store_compressed(cand.at[pl.ds(o + j * L, L)], v,
                                          mask=(j * L + lane) < cnt)
                    return c

                lax.fori_loop(0, (cnt + L - 1) // L, cp, 0)
                o = o + cnt

        n_all = jnp.where(bad, jnp.int32(N), n_all)
        st[0] = jnp.int32(0)
        st[1] = jnp.int32(K)
        st[2] = n_all
        plsc.store_scatter(cand, [n_all + lane], zeros_i)

        for shift in (23, 15, 7, 0):
            @pl.when(st[2] != st[1])
            def _():
                n_c = st[2]

                def hl(t, c):
                    iv = cand[pl.ds(t * L, L)]
                    key = _abs_bits(plsc.load_gather(row_v, [iv]))
                    addr = (((key >> shift) & 255) << 4) | lane
                    m = (t * L + lane) < n_c
                    plsc.addupdate_scatter(hist, [addr], ones, mask=m)
                    return c

                lax.fori_loop(0, (n_c + L - 1) // L, hl, 0)
                suffix_scan(RB)
                split_level(shift, bsearch(st[1], RB - 1, 8))

        sel_off, need = st[0], st[1]
        n_c = st[2]
        nt = (n_c + L - 1) // L

        def tie_one(j, c):
            def mn(t, cur):
                iv = cand[pl.ds(t * L, L)]
                valid = (t * L + lane) < n_c
                return jnp.minimum(cur, jnp.where(valid, iv, MASK31))

            mvec = lax.fori_loop(0, nt, mn,
                                 jnp.full((L,), MASK31, jnp.int32))
            mi = jnp.min(mvec)
            plsc.store_scatter(sel, [jnp.full((L,), sel_off + j, jnp.int32)],
                               jnp.full((L,), mi, jnp.int32), mask=lane == 0)

            def rm(t, c2):
                iv = cand[pl.ds(t * L, L)]
                cand[pl.ds(t * L, L)] = jnp.where(iv == mi, MASK31, iv)
                return c2

            lax.fori_loop(0, nt, rm, 0)
            return c

        lax.fori_loop(0, need, tie_one, 0)

        ks, ivs = [], []
        for q in range(K // L):
            iv = sel[pl.ds(q * L, L)]
            ks.append(_abs_bits(plsc.load_gather(row_v, [iv])))
            ivs.append(iv)

        def pick(j, s_):
            k0, k1, k2, k3, i0, i1, i2, i3 = s_
            m = jnp.max(jnp.maximum(jnp.maximum(k0, k1), jnp.maximum(k2, k3)))
            c0_ = jnp.where(k0 == m, i0, MASK31)
            c1_ = jnp.where(k1 == m, i1, MASK31)
            c2_ = jnp.where(k2 == m, i2, MASK31)
            c3_ = jnp.where(k3 == m, i3, MASK31)
            i = jnp.min(jnp.minimum(jnp.minimum(c0_, c1_), jnp.minimum(c2_, c3_)))
            jv = jnp.full((L,), j, jnp.int32)
            lane0 = lane == 0
            plsc.store_scatter(out_u, [jv], jnp.full((L,), m, jnp.int32), mask=lane0)
            plsc.store_scatter(out_i, [jv], jnp.full((L,), i, jnp.int32), mask=lane0)
            k0 = jnp.where((k0 == m) & (i0 == i), jnp.int32(-1), k0)
            k1 = jnp.where((k1 == m) & (i1 == i), jnp.int32(-1), k1)
            k2 = jnp.where((k2 == m) & (i2 == i), jnp.int32(-1), k2)
            k3 = jnp.where((k3 == m) & (i3 == i), jnp.int32(-1), k3)
            return (k0, k1, k2, k3, i0, i1, i2, i3)

        lax.fori_loop(0, K, pick, tuple(ks) + tuple(ivs))

        for q in range(K // L):
            u = out_u[pl.ds(q * L, L)]
            iv = out_i[pl.ds(q * L, L)]
            stg_val[pl.ds(q * L, L)] = lax.bitcast_convert_type(u, jnp.float32)
            stg_sgn[pl.ds(q * L, L)] = jnp.sign(plsc.load_gather(row_v, [iv]))
        pltpu.sync_copy(out_i, idx_hbm.at[row])
        pltpu.sync_copy(stg_sgn, sgn_hbm.at[row])
        pltpu.sync_copy(stg_val, val_hbm.at[row])
        return carry

    lax.fori_loop(0, rows_per_w, do_row, 0)


@jax.jit
def kernel(x):
    mesh = plsc.VectorSubcoreMesh(core_axis_name="c", subcore_axis_name="s")
    out_type = (
        jax.ShapeDtypeStruct((R, K), jnp.int32),
        jax.ShapeDtypeStruct((R, K), jnp.float32),
        jax.ShapeDtypeStruct((R, K), jnp.float32),
    )
    scratch = [
        pltpu.VMEM((N,), jnp.float32),
        pltpu.VMEM((SB * L,), jnp.int32),
        pltpu.VMEM(((SB + 1) * L,), jnp.int32),
        pltpu.VMEM((N + L,), jnp.int32),
        pltpu.VMEM((K + L,), jnp.int32),
        pltpu.VMEM((K,), jnp.int32),
        pltpu.VMEM((K,), jnp.int32),
        pltpu.VMEM((K,), jnp.float32),
        pltpu.VMEM((K,), jnp.float32),
        pltpu.SMEM((4,), jnp.int32),
    ]
    f = pl.kernel(_body, out_type=out_type, mesh=mesh, scratch_types=scratch,
                  compiler_params=pltpu.CompilerParams(needs_layout_passes=False))
    return f(x)

# --- scband reference (transcript-rebuilt; emitter-appended) ---
"""Pipeline reference for scband-witness-extractor-30021821399042 (READ-ONLY COPY).

The authoritative reference and input builder live on the scoring server;
editing this copy changes nothing except your own understanding.
"""

import jax, jax.numpy as jnp
import numpy as np

NUM_WITNESSES = 64

def setup_inputs(seed: int = 0) -> dict:
    key = jax.random.key(seed)
    x = jax.random.normal(key, (128, 32768), dtype=jnp.float32)
    return {"x": x}

def reference(x):
    abs_x = jnp.abs(x)
    topk_values, indices = jax.lax.top_k(abs_x, NUM_WITNESSES)
    signs = jnp.take_along_axis(jnp.sign(x), indices, axis=-1)
    return (indices, signs, topk_values)

if __name__ == "__main__":
    import jax
    _d = setup_inputs()
    print(jax.jit(kernel)(*tuple(_d.values())))

</pallas_src>

<mosaic_0001>
#map = affine_map<(d0, d1) -> (0, 0)>
module attributes {stable_mosaic.version = 14 : i64} {
  func.func @_body(%arg0: i32, %arg1: i32, %arg2: memref<128x32768xf32, #tpu.memory_space<hbm>>, %arg3: memref<128x64xi32, #tpu.memory_space<hbm>>, %arg4: memref<128x64xf32, #tpu.memory_space<hbm>>, %arg5: memref<128x64xf32, #tpu.memory_space<hbm>>, %arg6: memref<32768xf32, #tpu.memory_space<vmem>>, %arg7: memref<16384xi32, #tpu.memory_space<vmem>>, %arg8: memref<16400xi32, #tpu.memory_space<vmem>>, %arg9: memref<32784xi32, #tpu.memory_space<vmem>>, %arg10: memref<80xi32, #tpu.memory_space<vmem>>, %arg11: memref<64xi32, #tpu.memory_space<vmem>>, %arg12: memref<64xi32, #tpu.memory_space<vmem>>, %arg13: memref<64xf32, #tpu.memory_space<vmem>>, %arg14: memref<64xf32, #tpu.memory_space<vmem>>, %arg15: memref<4xi32, #tpu.memory_space<smem>>) attributes {dimension_semantics = [#tpu.dimension_semantics<core_parallel>, #tpu.dimension_semantics<subcore_parallel>], iteration_bounds = array<i64: 2, 16>, scalar_prefetch = 0 : i64, scratch_operands = 10 : i64, tpu.core_type = #tpu.core_type<sc_vector_subcore>, window_params = [{transform_indices = #map}, {transform_indices = #map}, {transform_indices = #map}, {transform_indices = #map}]} {
    %mul3A = arith.constant 2 : i32
    %mul3A_0 = arith.muli %arg1, %mul3A : i32
    %add3A = arith.addi %mul3A_0, %arg0 : i32
    %iota3A = tpu.iota {dimensions = array<i32: 0>} : vector<16xi32>
    %broadcast_in_dim3A = arith.constant 1 : i32
    %broadcast_in_dim3A_1 = vector.broadcast %broadcast_in_dim3A : i32 to vector<16xi32>
    %broadcast_in_dim3A_2 = arith.constant 0 : i32
    %broadcast_in_dim3A_3 = vector.broadcast %broadcast_in_dim3A_2 : i32 to vector<16xi32>
    %scan3A = arith.constant 0 : i32
    %scan3A_4 = arith.constant 0 : i32
    %scan3A_5 = arith.constant 1024 : i32
    %scan3A_6 = arith.addi %scan3A_4, %scan3A_5 : i32
    %scan3A_7 = arith.constant 8 : i32
    scf.for %scan3A_15 = %scan3A_4 to %scan3A_6 step %scan3A_7  : i32 {
      %mul3A_16 = arith.constant 16 : i32
      %mul3A_17 = arith.muli %scan3A_15, %mul3A_16 : i32
      %swap3A = arith.index_cast %mul3A_17 : i32 to index
      %swap3A_18 = tpu.vector_load %arg7[%swap3A] {strides = array<i32>} : memref<16384xi32, #tpu.memory_space<vmem>>, vector<16xi32>,
      tpu.vector_store %arg7[%swap3A], %broadcast_in_dim3A_3 {strides = array<i32>} : memref<16384xi32, #tpu.memory_space<vmem>>, vector<16xi32>,
      %scan3A_19 = arith.constant 1 : i32
      %scan3A_20 = arith.addi %scan3A_15, %scan3A_19 : i32
      %mul3A_21 = arith.constant 16 : i32
      %mul3A_22 = arith.muli %scan3A_20, %mul3A_21 : i32
      %swap3A_23 = arith.index_cast %mul3A_22 : i32 to index
      %swap3A_24 = tpu.vector_load %arg7[%swap3A_23] {strides = array<i32>} : memref<16384xi32, #tpu.memory_space<vmem>>, vector<16xi32>,
      tpu.vector_store %arg7[%swap3A_23], %broadcast_in_dim3A_3 {strides = array<i32>} : memref<16384xi32, #tpu.memory_space<vmem>>, vector<16xi32>,
      %scan3A_25 = arith.constant 2 : i32
      %scan3A_26 = arith.addi %scan3A_15, %scan3A_25 : i32
      %mul3A_27 = arith.constant 16 : i32
      %mul3A_28 = arith.muli %scan3A_26, %mul3A_27 : i32
      %swap3A_29 = arith.index_cast %mul3A_28 : i32 to index
      %swap3A_30 = tpu.vector_load %arg7[%swap3A_29] {strides = array<i32>} : memref<16384xi32, #tpu.memory_space<vmem>>, vector<16xi32>,
      tpu.vector_store %arg7[%swap3A_29], %broadcast_in_dim3A_3 {strides = array<i32>} : memref<16384xi32, #tpu.memory_space<vmem>>, vector<16xi32>,
      %scan3A_31 = arith.constant 3 : i32
      %scan3A_32 = arith.addi %scan3A_15, %scan3A_31 : i32
      %mul3A_33 = arith.constant 16 : i32
      %mul3A_34 = arith.muli %scan3A_32, %mul3A_33 : i32
      %swap3A_35 = arith.index_cast %mul3A_34 : i32 to index
      %swap3A_36 = tpu.vector_load %arg7[%swap3A_35] {strides = array<i32>} : memref<16384xi32, #tpu.memory_space<vmem>>, vector<16xi32>,
      tpu.vector_store %arg7[%swap3A_35], %broadcast_in_dim3A_3 {strides = array<i32>} : memref<16384xi32, #tpu.memory_space<vmem>>, vector<16xi32>,
      %scan3A_37 = arith.constant 4 : i32
      %scan3A_38 = arith.addi %scan3A_15, %scan3A_37 : i32
      %mul3A_39 = arith.constant 16 : i32
      %mul3A_40 = arith.muli %scan3A_38, %mul3A_39 : i32
      %swap3A_41 = arith.index_cast %mul3A_40 : i32 to index
      %swap3A_42 = tpu.vector_load %arg7[%swap3A_41] {strides = array<i32>} : memref<16384xi32, #tpu.memory_space<vmem>>, vector<16xi32>,
      tpu.vector_store %arg7[%swap3A_41], %broadcast_in_dim3A_3 {strides = array<i32>} : memref<16384xi32, #tpu.memory_space<vmem>>, vector<16xi32>,
      %scan3A_43 = arith.constant 5 : i32
      %scan3A_44 = arith.addi %scan3A_15, %scan3A_43 : i32
      %mul3A_45 = arith.constant 16 : i32
      %mul3A_46 = arith.muli %scan3A_44, %mul3A_45 : i32
      %swap3A_47 = arith.index_cast %mul3A_46 : i32 to index
      %swap3A_48 = tpu.vector_load %arg7[%swap3A_47] {strides = array<i32>} : memref<16384xi32, #tpu.memory_space<vmem>>, vector<16xi32>,
      tpu.vector_store %arg7[%swap3A_47], %broadcast_in_dim3A_3 {strides = array<i32>} : memref<16384xi32, #tpu.memory_space<vmem>>, vector<16xi32>,
      %scan3A_49 = arith.constant 6 : i32
      %scan3A_50 = arith.addi %scan3A_15, %scan3A_49 : i32
      %mul3A_51 = arith.constant 16 : i32
      %mul3A_52 = arith.muli %scan3A_50, %mul3A_51 : i32
      %swap3A_53 = arith.index_cast %mul3A_52 : i32 to index
      %swap3A_54 = tpu.vector_load %arg7[%swap3A_53] {strides = array<i32>} : memref<16384xi32, #tpu.memory_space<vmem>>, vector<16xi32>,
      tpu.vector_store %arg7[%swap3A_53], %broadcast_in_dim3A_3 {strides = array<i32>} : memref<16384xi32, #tpu.memory_space<vmem>>, vector<16xi32>,
      %scan3A_55 = arith.constant 7 : i32
      %scan3A_56 = arith.addi %scan3A_15, %scan3A_55 : i32
      %mul3A_57 = arith.constant 16 : i32
      %mul3A_58 = arith.muli %scan3A_56, %mul3A_57 : i32
      %swap3A_59 = arith.index_cast %mul3A_58 : i32 to index
      %swap3A_60 = tpu.vector_load %arg7[%swap3A_59] {strides = array<i32>} : memref<16384xi32, #tpu.memory_space<vmem>>, vector<16xi32>,
      tpu.vector_store %arg7[%swap3A_59], %broadcast_in_dim3A_3 {strides = array<i32>} : memref<16384xi32, #tpu.memory_space<vmem>>, vector<16xi32>,
    }
    %scan3A_8 = arith.constant 1024 : i32
    %scan3A_9 = arith.constant 0 : i32
    %scan3A_10 = arith.constant 0 : i32
    %scan3A_11 = arith.constant 4 : i32
    %scan3A_12 = arith.addi %scan3A_10, %scan3A_11 : i32
    %scan3A_13 = arith.constant 1 : i32
    scf.for %scan3A_15 = %scan3A_10 to %scan3A_12 step %scan3A_13  : i32 {
      %mul3A_16 = arith.constant 4 : i32
      %mul3A_17 = arith.muli %add3A, %mul3A_16 : i32
      %add3A_18 = arith.addi %mul3A_17, %scan3A_15 : i32
      "tpu.region"() ({
        %run_scoped3A = tpu.sem_alloc : memref<!tpu.dma_semaphore, #tpu.memory_space<semaphore_mem>>
        %dma_start3A = arith.constant 0 : i32
        %dma_start3A_277 = tpu.memref_slice %arg2[%add3A_18, %dma_start3A] : memref<128x32768xf32, #tpu.memory_space<hbm>> -> memref<1x32768xf32, #tpu.memory_space<hbm>>
        %dma_start3A_278 = tpu.memref_squeeze %dma_start3A_277 : memref<1x32768xf32, #tpu.memory_space<hbm>> -> memref<32768xf32, #tpu.memory_space<hbm>>
        %dma_start3A_279 = arith.constant 0 : i32
        %dma_start3A_280 = tpu.memref_slice %arg2[%add3A_18, %dma_start3A_279] : memref<128x32768xf32, #tpu.memory_space<hbm>> -> memref<1x32768xf32, #tpu.memory_space<hbm>>
        %dma_start3A_281 = tpu.memref_squeeze %dma_start3A_280 : memref<1x32768xf32, #tpu.memory_space<hbm>> -> memref<32768xf32, #tpu.memory_space<hbm>>
        tpu.enqueue_dma source(%dma_start3A_281 : memref<32768xf32, #tpu.memory_space<hbm>>) target(%arg6 : memref<32768xf32, #tpu.memory_space<vmem>>) target_semaphore(%run_scoped3A : memref<!tpu.dma_semaphore, #tpu.memory_space<semaphore_mem>>)
        %dma_wait3A = arith.constant 0 : i32
        %dma_wait3A_282 = tpu.memref_slice %arg2[%add3A_18, %dma_wait3A] : memref<128x32768xf32, #tpu.memory_space<hbm>> -> memref<1x32768xf32, #tpu.memory_space<hbm>>
        %dma_wait3A_283 = tpu.memref_squeeze %dma_wait3A_282 : memref<1x32768xf32, #tpu.memory_space<hbm>> -> memref<32768xf32, #tpu.memory_space<hbm>>
        %dma_wait3A_284 = arith.constant 0 : i32
        %dma_wait3A_285 = tpu.memref_slice %arg2[%add3A_18, %dma_wait3A_284] : memref<128x32768xf32, #tpu.memory_space<hbm>> -> memref<1x32768xf32, #tpu.memory_space<hbm>>
        %dma_wait3A_286 = tpu.memref_squeeze %dma_wait3A_285 : memref<1x32768xf32, #tpu.memory_space<hbm>> -> memref<32768xf32, #tpu.memory_space<hbm>>
        tpu.wait_dma2 semaphore(%run_scoped3A : memref<!tpu.dma_semaphore, #tpu.memory_space<semaphore_mem>>) src(%dma_wait3A_286 : memref<32768xf32, #tpu.memory_space<hbm>>) dst(%arg6 : memref<32768xf32, #tpu.memory_space<vmem>>)
        tpu.yield
      }) : () -> ()
      %scan3A_19 = arith.constant 0 : i32
      %scan3A_20 = arith.constant 0 : i32
      %scan3A_21 = arith.constant 128 : i32
      %scan3A_22 = arith.addi %scan3A_20, %scan3A_21 : i32
      %scan3A_23 = arith.constant 8 : i32
      scf.for %scan3A_277 = %scan3A_20 to %scan3A_22 step %scan3A_23  : i32 {
        %mul3A_278 = arith.constant 16 : i32
        %mul3A_279 = arith.muli %scan3A_277, %mul3A_278 : i32
        %mul3A_280 = arith.constant 16 : i32
        %mul3A_281 = arith.muli %mul3A_279, %mul3A_280 : i32
        %get3A_282 = arith.index_cast %mul3A_281 : i32 to index
        %get3A_283 = tpu.vector_load %arg6[%get3A_282] {strides = array<i32>} : memref<32768xf32, #tpu.memory_space<vmem>>, vector<16xf32>,
        %bitcast_convert_type3A_284 = tpu.bitcast %get3A_283 : vector<16xf32> -> vector<16xi32>
        %shift_right_arithmetic3A = arith.constant 17 : i32
        %shift_right_arithmetic3A_285 = vector.broadcast %shift_right_arithmetic3A : i32 to vector<16xi32>
        %shift_right_arithmetic3A_286 = arith.shrsi %bitcast_convert_type3A_284, %shift_right_arithmetic3A_285 : vector<16xi32>
        %and3A_287 = arith.constant 16368 : i32
        %and3A_288 = vector.broadcast %and3A_287 : i32 to vector<16xi32>
        %and3A_289 = arith.andi %shift_right_arithmetic3A_286, %and3A_288 : vector<16xi32>
        %or3A_290 = arith.ori %and3A_289, %iota3A : vector<16xi32>
        tpu.vector_store_idx %arg7[%or3A_290], %broadcast_in_dim3A_1 {add = true} : memref<16384xi32, #tpu.memory_space<vmem>>[vector<16xi32>], vector<16xi32>,
        %scan3A_291 = arith.constant 1 : i32
        %scan3A_292 = arith.addi %scan3A_277, %scan3A_291 : i32
        %mul3A_293 = arith.constant 16 : i32
        %mul3A_294 = arith.muli %scan3A_292, %mul3A_293 : i32
        %mul3A_295 = arith.constant 16 : i32
        %mul3A_296 = arith.muli %mul3A_294, %mul3A_295 : i32
        %get3A_297 = arith.index_cast %mul3A_296 : i32 to index
        %get3A_298 = tpu.vector_load %arg6[%get3A_297] {strides = array<i32>} : memref<32768xf32, #tpu.memory_space<vmem>>, vector<16xf32>,
        %bitcast_convert_type3A_299 = tpu.bitcast %get3A_298 : vector<16xf32> -> vector<16xi32>
        %shift_right_arithmetic3A_300 = arith.constant 17 : i32
        %shift_right_arithmetic3A_301 = vector.broadcast %shift_right_arithmetic3A_300 : i32 to vector<16xi32>
        %shift_right_arithmetic3A_302 = arith.shrsi %bitcast_convert_type3A_299, %shift_right_arithmetic3A_301 : vector<16xi32>
        %and3A_303 = arith.constant 16368 : i32
        %and3A_304 = vector.broadcast %and3A_303 : i32 to vector<16xi32>
        %and3A_305 = arith.andi %shift_right_arithmetic3A_302, %and3A_304 : vector<16xi32>
        %or3A_306 = arith.ori %and3A_305, %iota3A : vector<16xi32>
        tpu.vector_store_idx %arg7[%or3A_306], %broadcast_in_dim3A_1 {add = true} : memref<16384xi32, #tpu.memory_space<vmem>>[vector<16xi32>], vector<16xi32>,
        %scan3A_307 = arith.constant 2 : i32
        %scan3A_308 = arith.addi %scan3A_277, %scan3A_307 : i32
        %mul3A_309 = arith.constant 16 : i32
        %mul3A_310 = arith.muli %scan3A_308, %mul3A_309 : i32
        %mul3A_311 = arith.constant 16 : i32
        %mul3A_312 = arith.muli %mul3A_310, %mul3A_311 : i32
        %get3A_313 = arith.index_cast %mul3A_312 : i32 to index
        %get3A_314 = tpu.vector_load %arg6[%get3A_313] {strides = array<i32>} : memref<32768xf32, #tpu.memory_space<vmem>>, vector<16xf32>,
        %bitcast_convert_type3A_315 = tpu.bitcast %get3A_314 : vector<16xf32> -> vector<16xi32>
        %shift_right_arithmetic3A_316 = arith.constant 17 : i32
        %shift_right_arithmetic3A_317 = vector.broadcast %shift_right_arithmetic3A_316 : i32 to vector<16xi32>
        %shift_right_arithmetic3A_318 = arith.shrsi %bitcast_convert_type3A_315, %shift_right_arithmetic3A_317 : vector<16xi32>
        %and3A_319 = arith.constant 16368 : i32
        %and3A_320 = vector.broadcast %and3A_319 : i32 to vector<16xi32>
        %and3A_321 = arith.andi %shift_right_arithmetic3A_318, %and3A_320 : vector<16xi32>
        %or3A_322 = arith.ori %and3A_321, %iota3A : vector<16xi32>
        tpu.vector_store_idx %arg7[%or3A_322], %broadcast_in_dim3A_1 {add = true} : memref<16384xi32, #tpu.memory_space<vmem>>[vector<16xi32>], vector<16xi32>,
        %scan3A_323 = arith.constant 3 : i32
        %scan3A_324 = arith.addi %scan3A_277, %scan3A_323 : i32
        %mul3A_325 = arith.constant 16 : i32
        %mul3A_326 = arith.muli %scan3A_324, %mul3A_325 : i32
        %mul3A_327 = arith.constant 16 : i32
        %mul3A_328 = arith.muli %mul3A_326, %mul3A_327 : i32
        %get3A_329 = arith.index_cast %mul3A_328 : i32 to index
        %get3A_330 = tpu.vector_load %arg6[%get3A_329] {strides = array<i32>} : memref<32768xf32, #tpu.memory_space<vmem>>, vector<16xf32>,
        %bitcast_convert_type3A_331 = tpu.bitcast %get3A_330 : vector<16xf32> -> vector<16xi32>
        %shift_right_arithmetic3A_332 = arith.constant 17 : i32
        %shift_right_arithmetic3A_333 = vector.broadcast %shift_right_arithmetic3A_332 : i32 to vector<16xi32>
        %shift_right_arithmetic3A_334 = arith.shrsi %bitcast_convert_type3A_331, %shift_right_arithmetic3A_333 : vector<16xi32>
        %and3A_335 = arith.constant 16368 : i32
        %and3A_336 = vector.broadcast %and3A_335 : i32 to vector<16xi32>
        %and3A_337 = arith.andi %shift_right_arithmetic3A_334, %and3A_336 : vector<16xi32>
        %or3A_338 = arith.ori %and3A_337, %iota3A : vector<16xi32>
        tpu.vector_store_idx %arg7[%or3A_338], %broadcast_in_dim3A_1 {add = true} : memref<16384xi32, #tpu.memory_space<vmem>>[vector<16xi32>], vector<16xi32>,
        %scan3A_339 = arith.constant 4 : i32
        %scan3A_340 = arith.addi %scan3A_277, %scan3A_339 : i32
        %mul3A_341 = arith.constant 16 : i32
        %mul3A_342 = arith.muli %scan3A_340, %mul3A_341 : i32
        %mul3A_343 = arith.constant 16 : i32
        %mul3A_344 = arith.muli %mul3A_342, %mul3A_343 : i32
        %get3A_345 = arith.index_cast %mul3A_344 : i32 to index
        %get3A_346 = tpu.vector_load %arg6[%get3A_345] {strides = array<i32>} : memref<32768xf32, #tpu.memory_space<vmem>>, vector<16xf32>,
        %bitcast_convert_type3A_347 = tpu.bitcast %get3A_346 : vector<16xf32> -> vector<16xi32>
        %shift_right_arithmetic3A_348 = arith.constant 17 : i32
        %shift_right_arithmetic3A_349 = vector.broadcast %shift_right_arithmetic3A_348 : i32 to vector<16xi32>
        %shift_right_arithmetic3A_350 = arith.shrsi %bitcast_convert_type3A_347, %shift_right_arithmetic3A_349 : vector<16xi32>
        %and3A_351 = arith.constant 16368 : i32
        %and3A_352 = vector.broadcast %and3A_351 : i32 to vector<16xi32>
        %and3A_353 = arith.andi %shift_right_arithmetic3A_350, %and3A_352 : vector<16xi32>
        %or3A_354 = arith.ori %and3A_353, %iota3A : vector<16xi32>
        tpu.vector_store_idx %arg7[%or3A_354], %broadcast_in_dim3A_1 {add = true} : memref<16384xi32, #tpu.memory_space<vmem>>[vector<16xi32>], vector<16xi32>,
        %scan3A_355 = arith.constant 5 : i32
        %scan3A_356 = arith.addi %scan3A_277, %scan3A_355 : i32
        %mul3A_357 = arith.constant 16 : i32
        %mul3A_358 = arith.muli %scan3A_356, %mul3A_357 : i32
        %mul3A_359 = arith.constant 16 : i32
        %mul3A_360 = arith.muli %mul3A_358, %mul3A_359 : i32
        %get3A_361 = arith.index_cast %mul3A_360 : i32 to index
        %get3A_362 = tpu.vector_load %arg6[%get3A_361] {strides = array<i32>} : memref<32768xf32, #tpu.memory_space<vmem>>, vector<16xf32>,
        %bitcast_convert_type3A_363 = tpu.bitcast %get3A_362 : vector<16xf32> -> vector<16xi32>
        %shift_right_arithmetic3A_364 = arith.constant 17 : i32
        %shift_right_arithmetic3A_365 = vector.broadcast %shift_right_arithmetic3A_364 : i32 to vector<16xi32>
        %shift_right_arithmetic3A_366 = arith.shrsi %bitcast_convert_type3A_363, %shift_right_arithmetic3A_365 : vector<16xi32>
        %and3A_367 = arith.constant 16368 : i32
        %and3A_368 = vector.broadcast %and3A_367 : i32 to vector<16xi32>
        %and3A_369 = arith.andi %shift_right_arithmetic3A_366, %and3A_368 : vector<16xi32>
        %or3A_370 = arith.ori %and3A_369, %iota3A : vector<16xi32>
        tpu.vector_store_idx %arg7[%or3A_370], %broadcast_in_dim3A_1 {add = true} : memref<16384xi32, #tpu.memory_space<vmem>>[vector<16xi32>], vector<16xi32>,
        %scan3A_371 = arith.constant 6 : i32
        %scan3A_372 = arith.addi %scan3A_277, %scan3A_371 : i32
        %mul3A_373 = arith.constant 16 : i32
        %mul3A_374 = arith.muli %scan3A_372, %mul3A_373 : i32
        %mul3A_375 = arith.constant 16 : i32
        %mul3A_376 = arith.muli %mul3A_374, %mul3A_375 : i32
        %get3A_377 = arith.index_cast %mul3A_376 : i32 to index
        %get3A_378 = tpu.vector_load %arg6[%get3A_377] {strides = array<i32>} : memref<32768xf32, #tpu.memory_space<vmem>>, vector<16xf32>,
        %bitcast_convert_type3A_379 = tpu.bitcast %get3A_378 : vector<16xf32> -> vector<16xi32>
        %shift_right_arithmetic3A_380 = arith.constant 17 : i32
        %shift_right_arithmetic3A_381 = vector.broadcast %shift_right_arithmetic3A_380 : i32 to vector<16xi32>
        %shift_right_arithmetic3A_382 = arith.shrsi %bitcast_convert_type3A_379, %shift_right_arithmetic3A_381 : vector<16xi32>
        %and3A_383 = arith.constant 16368 : i32
        %and3A_384 = vector.broadcast %and3A_383 : i32 to vector<16xi32>
        %and3A_385 = arith.andi %shift_right_arithmetic3A_382, %and3A_384 : vector<16xi32>
        %or3A_386 = arith.ori %and3A_385, %iota3A : vector<16xi32>
        tpu.vector_store_idx %arg7[%or3A_386], %broadcast_in_dim3A_1 {add = true} : memref<16384xi32, #tpu.memory_space<vmem>>[vector<16xi32>], vector<16xi32>,
        %scan3A_387 = arith.constant 7 : i32
        %scan3A_388 = arith.addi %scan3A_277, %scan3A_387 : i32
        %mul3A_389 = arith.constant 16 : i32
        %mul3A_390 = arith.muli %scan3A_388, %mul3A_389 : i32
        %mul3A_391 = arith.constant 16 : i32
        %mul3A_392 = arith.muli %mul3A_390, %mul3A_391 : i32
        %get3A_393 = arith.index_cast %mul3A_392 : i32 to index
        %get3A_394 = tpu.vector_load %arg6[%get3A_393] {strides = array<i32>} : memref<32768xf32, #tpu.memory_space<vmem>>, vector<16xf32>,
        %bitcast_convert_type3A_395 = tpu.bitcast %get3A_394 : vector<16xf32> -> vector<16xi32>
        %shift_right_arithmetic3A_396 = arith.constant 17 : i32
        %shift_right_arithmetic3A_397 = vector.broadcast %shift_right_arithmetic3A_396 : i32 to vector<16xi32>
        %shift_right_arithmetic3A_398 = arith.shrsi %bitcast_convert_type3A_395, %shift_right_arithmetic3A_397 : vector<16xi32>
        %and3A_399 = arith.constant 16368 : i32
        %and3A_400 = vector.broadcast %and3A_399 : i32 to vector<16xi32>
        %and3A_401 = arith.andi %shift_right_arithmetic3A_398, %and3A_400 : vector<16xi32>
        %or3A_402 = arith.ori %and3A_401, %iota3A : vector<16xi32>
        tpu.vector_store_idx %arg7[%or3A_402], %broadcast_in_dim3A_1 {add = true} : memref<16384xi32, #tpu.memory_space<vmem>>[vector<16xi32>], vector<16xi32>,
      }
      %scan3A_24 = arith.constant 128 : i32
      %swap3A = arith.constant 16384 : index
      %swap3A_25 = tpu.vector_load %arg8[%swap3A] {strides = array<i32>} : memref<16400xi32, #tpu.memory_space<vmem>>, vector<16xi32>,
      tpu.vector_store %arg8[%swap3A], %broadcast_in_dim3A_3 {strides = array<i32>} : memref<16400xi32, #tpu.memory_space<vmem>>, vector<16xi32>,
      %scan3A_26 = arith.constant 0 : i32
      %scan3A_27 = arith.constant 1024 : i32
      %scan3A_28 = arith.addi %scan3A_26, %scan3A_27 : i32
      %scan3A_29 = arith.constant 8 : i32
      %scan3A_30 = scf.for %scan3A_277 = %scan3A_26 to %scan3A_28 step %scan3A_29 iter_args(%scan3A_278 = %broadcast_in_dim3A_3) -> (vector<16xi32>)  : i32 {
        %sub3A_279 = arith.constant 1023 : i32
        %sub3A_280 = arith.subi %sub3A_279, %scan3A_277 : i32
        %mul3A_281 = arith.constant 16 : i32
        %mul3A_282 = arith.muli %sub3A_280, %mul3A_281 : i32
        %get3A_283 = arith.index_cast %mul3A_282 : i32 to index
        %get3A_284 = tpu.vector_load %arg7[%get3A_283] {strides = array<i32>} : memref<16384xi32, #tpu.memory_space<vmem>>, vector<16xi32>,
        %add3A_285 = arith.addi %scan3A_278, %get3A_284 : vector<16xi32>
        %mul3A_286 = arith.constant 16 : i32
        %mul3A_287 = arith.muli %sub3A_280, %mul3A_286 : i32
        %swap3A_288 = arith.index_cast %mul3A_287 : i32 to index
        %swap3A_289 = tpu.vector_load %arg8[%swap3A_288] {strides = array<i32>} : memref<16400xi32, #tpu.memory_space<vmem>>, vector<16xi32>,
        tpu.vector_store %arg8[%swap3A_288], %add3A_285 {strides = array<i32>} : memref<16400xi32, #tpu.memory_space<vmem>>, vector<16xi32>,
        %mul3A_290 = arith.constant 16 : i32
        %mul3A_291 = arith.muli %sub3A_280, %mul3A_290 : i32
        %swap3A_292 = arith.index_cast %mul3A_291 : i32 to index
        %swap3A_293 = tpu.vector_load %arg7[%swap3A_292] {strides = array<i32>} : memref<16384xi32, #tpu.memory_space<vmem>>, vector<16xi32>,
        tpu.vector_store %arg7[%swap3A_292], %broadcast_in_dim3A_3 {strides = array<i32>} : memref<16384xi32, #tpu.memory_space<vmem>>, vector<16xi32>,
        %scan3A_294 = arith.constant 1 : i32
        %scan3A_295 = arith.addi %scan3A_277, %scan3A_294 : i32
        %sub3A_296 = arith.constant 1023 : i32
        %sub3A_297 = arith.subi %sub3A_296, %scan3A_295 : i32
        %mul3A_298 = arith.constant 16 : i32
        %mul3A_299 = arith.muli %sub3A_297, %mul3A_298 : i32
        %get3A_300 = arith.index_cast %mul3A_299 : i32 to index
        %get3A_301 = tpu.vector_load %arg7[%get3A_300] {strides = array<i32>} : memref<16384xi32, #tpu.memory_space<vmem>>, vector<16xi32>,
        %add3A_302 = arith.addi %add3A_285, %get3A_301 : vector<16xi32>
        %mul3A_303 = arith.constant 16 : i32
        %mul3A_304 = arith.muli %sub3A_297, %mul3A_303 : i32
        %swap3A_305 = arith.index_cast %mul3A_304 : i32 to index
        %swap3A_306 = tpu.vector_load %arg8[%swap3A_305] {strides = array<i32>} : memref<16400xi32, #tpu.memory_space<vmem>>, vector<16xi32>,
        tpu.vector_store %arg8[%swap3A_305], %add3A_302 {strides = array<i32>} : memref<16400xi32, #tpu.memory_space<vmem>>, vector<16xi32>,
        %mul3A_307 = arith.constant 16 : i32
        %mul3A_308 = arith.muli %sub3A_297, %mul3A_307 : i32
        %swap3A_309 = arith.index_cast %mul3A_308 : i32 to index
        %swap3A_310 = tpu.vector_load %arg7[%swap3A_309] {strides = array<i32>} : memref<16384xi32, #tpu.memory_space<vmem>>, vector<16xi32>,
        tpu.vector_store %arg7[%swap3A_309], %broadcast_in_dim3A_3 {strides = array<i32>} : memref<16384xi32, #tpu.memory_space<vmem>>, vector<16xi32>,
        %scan3A_311 = arith.constant 2 : i32
        %scan3A_312 = arith.addi %scan3A_277, %scan3A_311 : i32
        %sub3A_313 = arith.constant 1023 : i32
        %sub3A_314 = arith.subi %sub3A_313, %scan3A_312 : i32
        %mul3A_315 = arith.constant 16 : i32
        %mul3A_316 = arith.muli %sub3A_314, %mul3A_315 : i32
        %get3A_317 = arith.index_cast %mul3A_316 : i32 to index
        %get3A_318 = tpu.vector_load %arg7[%get3A_317] {strides = array<i32>} : memref<16384xi32, #tpu.memory_space<vmem>>, vector<16xi32>,
        %add3A_319 = arith.addi %add3A_302, %get3A_318 : vector<16xi32>
        %mul3A_320 = arith.constant 16 : i32
        %mul3A_321 = arith.muli %sub3A_314, %mul3A_320 : i32
        %swap3A_322 = arith.index_cast %mul3A_321 : i32 to index
        %swap3A_323 = tpu.vector_load %arg8[%swap3A_322] {strides = array<i32>} : memref<16400xi32, #tpu.memory_space<vmem>>, vector<16xi32>,
        tpu.vector_store %arg8[%swap3A_322], %add3A_319 {strides = array<i32>} : memref<16400xi32, #tpu.memory_space<vmem>>, vector<16xi32>,
        %mul3A_324 = arith.constant 16 : i32
        %mul3A_325 = arith.muli %sub3A_314, %mul3A_324 : i32
        %swap3A_326 = arith.index_cast %mul3A_325 : i32 to index
        %swap3A_327 = tpu.vector_load %arg7[%swap3A_326] {strides = array<i32>} : memref<16384xi32, #tpu.memory_space<vmem>>, vector<16xi32>,
        tpu.vector_store %arg7[%swap3A_326], %broadcast_in_dim3A_3 {strides = array<i32>} : memref<16384xi32, #tpu.memory_space<vmem>>, vector<16xi32>,
        %scan3A_328 = arith.constant 3 : i32
        %scan3A_329 = arith.addi %scan3A_277, %scan3A_328 : i32
        %sub3A_330 = arith.constant 1023 : i32
        %sub3A_331 = arith.subi %sub3A_330, %scan3A_329 : i32
        %mul3A_332 = arith.constant 16 : i32
        %mul3A_333 = arith.muli %sub3A_331, %mul3A_332 : i32
        %get3A_334 = arith.index_cast %mul3A_333 : i32 to index
        %get3A_335 = tpu.vector_load %arg7[%get3A_334] {strides = array<i32>} : memref<16384xi32, #tpu.memory_space<vmem>>, vector<16xi32>,
        %add3A_336 = arith.addi %add3A_319, %get3A_335 : vector<16xi32>
        %mul3A_337 = arith.constant 16 : i32
        %mul3A_338 = arith.muli %sub3A_331, %mul3A_337 : i32
        %swap3A_339 = arith.index_cast %mul3A_338 : i32 to index
        %swap3A_340 = tpu.vector_load %arg8[%swap3A_339] {strides = array<i32>} : memref<16400xi32, #tpu.memory_space<vmem>>, vector<16xi32>,
        tpu.vector_store %arg8[%swap3A_339], %add3A_336 {strides = array<i32>} : memref<16400xi32, #tpu.memory_space<vmem>>, vector<16xi32>,
        %mul3A_341 = arith.constant 16 : i32
        %mul3A_342 = arith.muli %sub3A_331, %mul3A_341 : i32
        %swap3A_343 = arith.index_cast %mul3A_342 : i32 to index
        %swap3A_344 = tpu.vector_load %arg7[%swap3A_343] {strides = array<i32>} : memref<16384xi32, #tpu.memory_space<vmem>>, vector<16xi32>,
        tpu.vector_store %arg7[%swap3A_343], %broadcast_in_dim3A_3 {strides = array<i32>} : memref<16384xi32, #tpu.memory_space<vmem>>, vector<16xi32>,
        %scan3A_345 = arith.constant 4 : i32
        %scan3A_346 = arith.addi %scan3A_277, %scan3A_345 : i32
        %sub3A_347 = arith.constant 1023 : i32
        %sub3A_348 = arith.subi %sub3A_347, %scan3A_346 : i32
        %mul3A_349 = arith.constant 16 : i32
        %mul3A_350 = arith.muli %sub3A_348, %mul3A_349 : i32
        %get3A_351 = arith.index_cast %mul3A_350 : i32 to index
        %get3A_352 = tpu.vector_load %arg7[%get3A_351] {strides = array<i32>} : memref<16384xi32, #tpu.memory_space<vmem>>, vector<16xi32>,
        %add3A_353 = arith.addi %add3A_336, %get3A_352 : vector<16xi32>
        %mul3A_354 = arith.constant 16 : i32
        %mul3A_355 = arith.muli %sub3A_348, %mul3A_354 : i32
        %swap3A_356 = arith.index_cast %mul3A_355 : i32 to index
        %swap3A_357 = tpu.vector_load %arg8[%swap3A_356] {strides = array<i32>} : memref<16400xi32, #tpu.memory_space<vmem>>, vector<16xi32>,
        tpu.vector_store %arg8[%swap3A_356], %add3A_353 {strides = array<i32>} : memref<16400xi32, #tpu.memory_space<vmem>>, vector<16xi32>,
        %mul3A_358 = arith.constant 16 : i32
        %mul3A_359 = arith.muli %sub3A_348, %mul3A_358 : i32
        %swap3A_360 = arith.index_cast %mul3A_359 : i32 to index
        %swap3A_361 = tpu.vector_load %arg7[%swap3A_360] {strides = array<i32>} : memref<16384xi32, #tpu.memory_space<vmem>>, vector<16xi32>,
        tpu.vector_store %arg7[%swap3A_360], %broadcast_in_dim3A_3 {strides = array<i32>} : memref<16384xi32, #tpu.memory_space<vmem>>, vector<16xi32>,
        %scan3A_362 = arith.constant 5 : i32
        %scan3A_363 = arith.addi %scan3A_277, %scan3A_362 : i32
        %sub3A_364 = arith.constant 1023 : i32
        %sub3A_365 = arith.subi %sub3A_364, %scan3A_363 : i32
        %mul3A_366 = arith.constant 16 : i32
        %mul3A_367 = arith.muli %sub3A_365, %mul3A_366 : i32
        %get3A_368 = arith.index_cast %mul3A_367 : i32 to index
        %get3A_369 = tpu.vector_load %arg7[%get3A_368] {strides = array<i32>} : memref<16384xi32, #tpu.memory_space<vmem>>, vector<16xi32>,
        %add3A_370 = arith.addi %add3A_353, %get3A_369 : vector<16xi32>
        %mul3A_371 = arith.constant 16 : i32
        %mul3A_372 = arith.muli %sub3A_365, %mul3A_371 : i32
        %swap3A_373 = arith.index_cast %mul3A_372 : i32 to index
        %swap3A_374 = tpu.vector_load %arg8[%swap3A_373] {strides = array<i32>} : memref<16400xi32, #tpu.memory_space<vmem>>, vector<16xi32>,
        tpu.vector_store %arg8[%swap3A_373], %add3A_370 {strides = array<i32>} : memref<16400xi32, #tpu.memory_space<vmem>>, vector<16xi32>,
        %mul3A_375 = arith.constant 16 : i32
        %mul3A_376 = arith.muli %sub3A_365, %mul3A_375 : i32
        %swap3A_377 = arith.index_cast %mul3A_376 : i32 to index
        %swap3A_378 = tpu.vector_load %arg7[%swap3A_377] {strides = array<i32>} : memref<16384xi32, #tpu.memory_space<vmem>>, vector<16xi32>,
        tpu.vector_store %arg7[%swap3A_377], %broadcast_in_dim3A_3 {strides = array<i32>} : memref<16384xi32, #tpu.memory_space<vmem>>, vector<16xi32>,
        %scan3A_379 = arith.constant 6 : i32
        %scan3A_380 = arith.addi %scan3A_277, %scan3A_379 : i32
        %sub3A_381 = arith.constant 1023 : i32
        %sub3A_382 = arith.subi %sub3A_381, %scan3A_380 : i32
        %mul3A_383 = arith.constant 16 : i32
        %mul3A_384 = arith.muli %sub3A_382, %mul3A_383 : i32
        %get3A_385 = arith.index_cast %mul3A_384 : i32 to index
        %get3A_386 = tpu.vector_load %arg7[%get3A_385] {strides = array<i32>} : memref<16384xi32, #tpu.memory_space<vmem>>, vector<16xi32>,
        %add3A_387 = arith.addi %add3A_370, %get3A_386 : vector<16xi32>
        %mul3A_388 = arith.constant 16 : i32
        %mul3A_389 = arith.muli %sub3A_382, %mul3A_388 : i32
        %swap3A_390 = arith.index_cast %mul3A_389 : i32 to index
        %swap3A_391 = tpu.vector_load %arg8[%swap3A_390] {strides = array<i32>} : memref<16400xi32, #tpu.memory_space<vmem>>, vector<16xi32>,
        tpu.vector_store %arg8[%swap3A_390], %add3A_387 {strides = array<i32>} : memref<16400xi32, #tpu.memory_space<vmem>>, vector<16xi32>,
        %mul3A_392 = arith.constant 16 : i32
        %mul3A_393 = arith.muli %sub3A_382, %mul3A_392 : i32
        %swap3A_394 = arith.index_cast %mul3A_393 : i32 to index
        %swap3A_395 = tpu.vector_load %arg7[%swap3A_394] {strides = array<i32>} : memref<16384xi32, #tpu.memory_space<vmem>>, vector<16xi32>,
        tpu.vector_store %arg7[%swap3A_394], %broadcast_in_dim3A_3 {strides = array<i32>} : memref<16384xi32, #tpu.memory_space<vmem>>, vector<16xi32>,
        %scan3A_396 = arith.constant 7 : i32
        %scan3A_397 = arith.addi %scan3A_277, %scan3A_396 : i32
        %sub3A_398 = arith.constant 1023 : i32
        %sub3A_399 = arith.subi %sub3A_398, %scan3A_397 : i32
        %mul3A_400 = arith.constant 16 : i32
        %mul3A_401 = arith.muli %sub3A_399, %mul3A_400 : i32
        %get3A_402 = arith.index_cast %mul3A_401 : i32 to index
        %get3A_403 = tpu.vector_load %arg7[%get3A_402] {strides = array<i32>} : memref<16384xi32, #tpu.memory_space<vmem>>, vector<16xi32>,
        %add3A_404 = arith.addi %add3A_387, %get3A_403 : vector<16xi32>
        %mul3A_405 = arith.constant 16 : i32
        %mul3A_406 = arith.muli %sub3A_399, %mul3A_405 : i32
        %swap3A_407 = arith.index_cast %mul3A_406 : i32 to index
        %swap3A_408 = tpu.vector_load %arg8[%swap3A_407] {strides = array<i32>} : memref<16400xi32, #tpu.memory_space<vmem>>, vector<16xi32>,
        tpu.vector_store %arg8[%swap3A_407], %add3A_404 {strides = array<i32>} : memref<16400xi32, #tpu.memory_space<vmem>>, vector<16xi32>,
        %mul3A_409 = arith.constant 16 : i32
        %mul3A_410 = arith.muli %sub3A_399, %mul3A_409 : i32
        %swap3A_411 = arith.index_cast %mul3A_410 : i32 to index
        %swap3A_412 = tpu.vector_load %arg7[%swap3A_411] {strides = array<i32>} : memref<16384xi32, #tpu.memory_space<vmem>>, vector<16xi32>,
        tpu.vector_store %arg7[%swap3A_411], %broadcast_in_dim3A_3 {strides = array<i32>} : memref<16384xi32, #tpu.memory_space<vmem>>, vector<16xi32>,
        scf.yield %add3A_404 : vector<16xi32>
      }
      %scan3A_31 = arith.constant 1024 : i32
      %scan3A_32 = arith.constant 32 : i32
      %scan3A_33 = arith.constant 0 : i32
      %scan3A_34 = arith.constant 1023 : i32
      %scan3A_35 = arith.constant 0 : i32
      %scan3A_36 = arith.constant 10 : i32
      %scan3A_37 = arith.addi %scan3A_35, %scan3A_36 : i32
      %scan3A_38 = arith.constant 1 : i32
      %scan3A_39:2 = scf.for %scan3A_277 = %scan3A_35 to %scan3A_37 step %scan3A_38 iter_args(%scan3A_278 = %scan3A_33, %scan3A_279 = %scan3A_34) -> (i32, i32)  : i32 {
        %add3A_280 = arith.addi %scan3A_278, %scan3A_279 : i32
        %add3A_281 = arith.constant 1 : i32
        %add3A_282 = arith.addi %add3A_280, %add3A_281 : i32
        %jit3A_283 = arith.constant 2 : i32
        %div3A_284 = arith.divsi %add3A_282, %jit3A_283 : i32
        %sign3A_285 = arith.constant 0 : i32
        %sign3A_286 = arith.cmpi sgt, %add3A_282, %sign3A_285 : i32
        %sign3A_287 = arith.extui %sign3A_286 : i1 to i32
        %sign3A_288 = arith.constant 0 : i32
        %sign3A_289 = arith.cmpi slt, %add3A_282, %sign3A_288 : i32
        %sign3A_290 = arith.extui %sign3A_289 : i1 to i32
        %sign3A_291 = arith.subi %sign3A_287, %sign3A_290 : i32
        %sign3A_292 = arith.constant 0 : i32
        %sign3A_293 = arith.cmpi sgt, %jit3A_283, %sign3A_292 : i32
        %sign3A_294 = arith.extui %sign3A_293 : i1 to i32
        %sign3A_295 = arith.constant 0 : i32
        %sign3A_296 = arith.cmpi slt, %jit3A_283, %sign3A_295 : i32
        %sign3A_297 = arith.extui %sign3A_296 : i1 to i32
        %sign3A_298 = arith.subi %sign3A_294, %sign3A_297 : i32
        %ne3A_299 = arith.cmpi ne, %sign3A_291, %sign3A_298 : i32
        %rem3A_300 = arith.remsi %add3A_282, %jit3A_283 : i32
        %ne3A_301 = arith.constant 0 : i32
        %ne3A_302 = arith.cmpi ne, %rem3A_300, %ne3A_301 : i32
        %and3A_303 = arith.andi %ne3A_299, %ne3A_302 : i1
        %sub3A_304 = arith.constant 1 : i32
        %sub3A_305 = arith.subi %div3A_284, %sub3A_304 : i32
        %select_n3A_306 = arith.select %and3A_303, %sub3A_305, %div3A_284 : i32
        %mul3A_307 = arith.constant 16 : i32
        %mul3A_308 = arith.muli %select_n3A_306, %mul3A_307 : i32
        %get3A_309 = arith.index_cast %mul3A_308 : i32 to index
        %get3A_310 = tpu.vector_load %arg8[%get3A_309] {strides = array<i32>} : memref<16400xi32, #tpu.memory_space<vmem>>, vector<16xi32>,
        %reduce_sum3A_311 = arith.constant true
        %reduce_sum3A_312 = vector.broadcast %reduce_sum3A_311 : i1 to vector<16xi1>
        %reduce_sum3A_313 = tpu.scan <sum>, %get3A_310 masked %reduce_sum3A_312 : vector<16xi32>, vector<16xi1> -> vector<16xi32>
        %reduce_sum3A_314 = vector.extract %reduce_sum3A_313[15] : i32 from vector<16xi32>
        %ge3A = arith.cmpi sge, %reduce_sum3A_314, %scan3A_32 : i32
        %select_n3A_315 = arith.select %ge3A, %select_n3A_306, %scan3A_278 : i32
        %sub3A_316 = arith.constant 1 : i32
        %sub3A_317 = arith.subi %select_n3A_306, %sub3A_316 : i32
        %select_n3A_318 = arith.select %ge3A, %scan3A_279, %sub3A_317 : i32
        scf.yield %select_n3A_315, %select_n3A_318 : i32, i32
      }
      %scan3A_40 = arith.constant 10 : i32
      %shift_left3A = arith.constant 21 : i32
      %shift_left3A_41 = arith.shli %scan3A_39#0, %shift_left3A : i32
      %mul3A_42 = arith.constant 2048 : i32
      %mul3A_43 = vector.broadcast %mul3A_42 : i32 to vector<16xi32>
      %mul3A_44 = arith.muli %iota3A, %mul3A_43 : vector<16xi32>
      %scan3A_45 = arith.constant 0 : i32
      %scan3A_46 = arith.constant 2048 : i32
      %scan3A_47 = arith.addi %scan3A_45, %scan3A_46 : i32
      %scan3A_48 = arith.constant 8 : i32
      %scan3A_49 = scf.for %scan3A_277 = %scan3A_45 to %scan3A_47 step %scan3A_48 iter_args(%scan3A_278 = %broadcast_in_dim3A_3) -> (vector<16xi32>)  : i32 {
        %mul3A_279 = arith.constant 16 : i32
        %mul3A_280 = arith.muli %scan3A_277, %mul3A_279 : i32
        %get3A_281 = arith.index_cast %mul3A_280 : i32 to index
        %get3A_282 = tpu.vector_load %arg6[%get3A_281] {strides = array<i32>} : memref<32768xf32, #tpu.memory_space<vmem>>, vector<16xf32>,
        %bitcast_convert_type3A_283 = tpu.bitcast %get3A_282 : vector<16xf32> -> vector<16xi32>
        %and3A_284 = arith.constant 2147483647 : i32
        %and3A_285 = vector.broadcast %and3A_284 : i32 to vector<16xi32>
        %and3A_286 = arith.andi %bitcast_convert_type3A_283, %and3A_285 : vector<16xi32>
        %ge3A = vector.broadcast %shift_left3A_41 : i32 to vector<16xi32>
        %ge3A_287 = arith.cmpi sge, %and3A_286, %ge3A : vector<16xi32>
        %add3A_288 = arith.addi %mul3A_44, %scan3A_278 : vector<16xi32>
        %mul3A_289 = arith.constant 16 : i32
        %mul3A_290 = arith.muli %scan3A_277, %mul3A_289 : i32
        %add3A_291 = vector.broadcast %mul3A_290 : i32 to vector<16xi32>
        %add3A_292 = arith.addi %add3A_291, %iota3A : vector<16xi32>
        tpu.vector_store_idx %arg9[%add3A_288], %add3A_292 masked %ge3A_287 : memref<32784xi32, #tpu.memory_space<vmem>>[vector<16xi32>], vector<16xi32>, vector<16xi1>
        %convert_element_type3A_293 = arith.extui %ge3A_287 : vector<16xi1> to vector<16xi32>
        %add3A_294 = arith.addi %scan3A_278, %convert_element_type3A_293 : vector<16xi32>
        %scan3A_295 = arith.constant 1 : i32
        %scan3A_296 = arith.addi %scan3A_277, %scan3A_295 : i32
        %mul3A_297 = arith.constant 16 : i32
        %mul3A_298 = arith.muli %scan3A_296, %mul3A_297 : i32
        %get3A_299 = arith.index_cast %mul3A_298 : i32 to index
        %get3A_300 = tpu.vector_load %arg6[%get3A_299] {strides = array<i32>} : memref<32768xf32, #tpu.memory_space<vmem>>, vector<16xf32>,
        %bitcast_convert_type3A_301 = tpu.bitcast %get3A_300 : vector<16xf32> -> vector<16xi32>
        %and3A_302 = arith.constant 2147483647 : i32
        %and3A_303 = vector.broadcast %and3A_302 : i32 to vector<16xi32>
        %and3A_304 = arith.andi %bitcast_convert_type3A_301, %and3A_303 : vector<16xi32>
        %ge3A_305 = vector.broadcast %shift_left3A_41 : i32 to vector<16xi32>
        %ge3A_306 = arith.cmpi sge, %and3A_304, %ge3A_305 : vector<16xi32>
        %add3A_307 = arith.addi %mul3A_44, %add3A_294 : vector<16xi32>
        %mul3A_308 = arith.constant 16 : i32
        %mul3A_309 = arith.muli %scan3A_296, %mul3A_308 : i32
        %add3A_310 = vector.broadcast %mul3A_309 : i32 to vector<16xi32>
        %add3A_311 = arith.addi %add3A_310, %iota3A : vector<16xi32>
        tpu.vector_store_idx %arg9[%add3A_307], %add3A_311 masked %ge3A_306 : memref<32784xi32, #tpu.memory_space<vmem>>[vector<16xi32>], vector<16xi32>, vector<16xi1>
        %convert_element_type3A_312 = arith.extui %ge3A_306 : vector<16xi1> to vector<16xi32>
        %add3A_313 = arith.addi %add3A_294, %convert_element_type3A_312 : vector<16xi32>
        %scan3A_314 = arith.constant 2 : i32
        %scan3A_315 = arith.addi %scan3A_277, %scan3A_314 : i32
        %mul3A_316 = arith.constant 16 : i32
        %mul3A_317 = arith.muli %scan3A_315, %mul3A_316 : i32
        %get3A_318 = arith.index_cast %mul3A_317 : i32 to index
        %get3A_319 = tpu.vector_load %arg6[%get3A_318] {strides = array<i32>} : memref<32768xf32, #tpu.memory_space<vmem>>, vector<16xf32>,
        %bitcast_convert_type3A_320 = tpu.bitcast %get3A_319 : vector<16xf32> -> vector<16xi32>
        %and3A_321 = arith.constant 2147483647 : i32
        %and3A_322 = vector.broadcast %and3A_321 : i32 to vector<16xi32>
        %and3A_323 = arith.andi %bitcast_convert_type3A_320, %and3A_322 : vector<16xi32>
        %ge3A_324 = vector.broadcast %shift_left3A_41 : i32 to vector<16xi32>
        %ge3A_325 = arith.cmpi sge, %and3A_323, %ge3A_324 : vector<16xi32>
        %add3A_326 = arith.addi %mul3A_44, %add3A_313 : vector<16xi32>
        %mul3A_327 = arith.constant 16 : i32
        %mul3A_328 = arith.muli %scan3A_315, %mul3A_327 : i32
        %add3A_329 = vector.broadcast %mul3A_328 : i32 to vector<16xi32>
        %add3A_330 = arith.addi %add3A_329, %iota3A : vector<16xi32>
        tpu.vector_store_idx %arg9[%add3A_326], %add3A_330 masked %ge3A_325 : memref<32784xi32, #tpu.memory_space<vmem>>[vector<16xi32>], vector<16xi32>, vector<16xi1>
        %convert_element_type3A_331 = arith.extui %ge3A_325 : vector<16xi1> to vector<16xi32>
        %add3A_332 = arith.addi %add3A_313, %convert_element_type3A_331 : vector<16xi32>
        %scan3A_333 = arith.constant 3 : i32
        %scan3A_334 = arith.addi %scan3A_277, %scan3A_333 : i32
        %mul3A_335 = arith.constant 16 : i32
        %mul3A_336 = arith.muli %scan3A_334, %mul3A_335 : i32
        %get3A_337 = arith.index_cast %mul3A_336 : i32 to index
        %get3A_338 = tpu.vector_load %arg6[%get3A_337] {strides = array<i32>} : memref<32768xf32, #tpu.memory_space<vmem>>, vector<16xf32>,
        %bitcast_convert_type3A_339 = tpu.bitcast %get3A_338 : vector<16xf32> -> vector<16xi32>
        %and3A_340 = arith.constant 2147483647 : i32
        %and3A_341 = vector.broadcast %and3A_340 : i32 to vector<16xi32>
        %and3A_342 = arith.andi %bitcast_convert_type3A_339, %and3A_341 : vector<16xi32>
        %ge3A_343 = vector.broadcast %shift_left3A_41 : i32 to vector<16xi32>
        %ge3A_344 = arith.cmpi sge, %and3A_342, %ge3A_343 : vector<16xi32>
        %add3A_345 = arith.addi %mul3A_44, %add3A_332 : vector<16xi32>
        %mul3A_346 = arith.constant 16 : i32
        %mul3A_347 = arith.muli %scan3A_334, %mul3A_346 : i32
        %add3A_348 = vector.broadcast %mul3A_347 : i32 to vector<16xi32>
        %add3A_349 = arith.addi %add3A_348, %iota3A : vector<16xi32>
        tpu.vector_store_idx %arg9[%add3A_345], %add3A_349 masked %ge3A_344 : memref<32784xi32, #tpu.memory_space<vmem>>[vector<16xi32>], vector<16xi32>, vector<16xi1>
        %convert_element_type3A_350 = arith.extui %ge3A_344 : vector<16xi1> to vector<16xi32>
        %add3A_351 = arith.addi %add3A_332, %convert_element_type3A_350 : vector<16xi32>
        %scan3A_352 = arith.constant 4 : i32
        %scan3A_353 = arith.addi %scan3A_277, %scan3A_352 : i32
        %mul3A_354 = arith.constant 16 : i32
        %mul3A_355 = arith.muli %scan3A_353, %mul3A_354 : i32
        %get3A_356 = arith.index_cast %mul3A_355 : i32 to index
        %get3A_357 = tpu.vector_load %arg6[%get3A_356] {strides = array<i32>} : memref<32768xf32, #tpu.memory_space<vmem>>, vector<16xf32>,
        %bitcast_convert_type3A_358 = tpu.bitcast %get3A_357 : vector<16xf32> -> vector<16xi32>
        %and3A_359 = arith.constant 2147483647 : i32
        %and3A_360 = vector.broadcast %and3A_359 : i32 to vector<16xi32>
        %and3A_361 = arith.andi %bitcast_convert_type3A_358, %and3A_360 : vector<16xi32>
        %ge3A_362 = vector.broadcast %shift_left3A_41 : i32 to vector<16xi32>
        %ge3A_363 = arith.cmpi sge, %and3A_361, %ge3A_362 : vector<16xi32>
        %add3A_364 = arith.addi %mul3A_44, %add3A_351 : vector<16xi32>
        %mul3A_365 = arith.constant 16 : i32
        %mul3A_366 = arith.muli %scan3A_353, %mul3A_365 : i32
        %add3A_367 = vector.broadcast %mul3A_366 : i32 to vector<16xi32>
        %add3A_368 = arith.addi %add3A_367, %iota3A : vector<16xi32>
        tpu.vector_store_idx %arg9[%add3A_364], %add3A_368 masked %ge3A_363 : memref<32784xi32, #tpu.memory_space<vmem>>[vector<16xi32>], vector<16xi32>, vector<16xi1>
        %convert_element_type3A_369 = arith.extui %ge3A_363 : vector<16xi1> to vector<16xi32>
        %add3A_370 = arith.addi %add3A_351, %convert_element_type3A_369 : vector<16xi32>
        %scan3A_371 = arith.constant 5 : i32
        %scan3A_372 = arith.addi %scan3A_277, %scan3A_371 : i32
        %mul3A_373 = arith.constant 16 : i32
        %mul3A_374 = arith.muli %scan3A_372, %mul3A_373 : i32
        %get3A_375 = arith.index_cast %mul3A_374 : i32 to index
        %get3A_376 = tpu.vector_load %arg6[%get3A_375] {strides = array<i32>} : memref<32768xf32, #tpu.memory_space<vmem>>, vector<16xf32>,
        %bitcast_convert_type3A_377 = tpu.bitcast %get3A_376 : vector<16xf32> -> vector<16xi32>
        %and3A_378 = arith.constant 2147483647 : i32
        %and3A_379 = vector.broadcast %and3A_378 : i32 to vector<16xi32>
        %and3A_380 = arith.andi %bitcast_convert_type3A_377, %and3A_379 : vector<16xi32>
        %ge3A_381 = vector.broadcast %shift_left3A_41 : i32 to vector<16xi32>
        %ge3A_382 = arith.cmpi sge, %and3A_380, %ge3A_381 : vector<16xi32>
        %add3A_383 = arith.addi %mul3A_44, %add3A_370 : vector<16xi32>
        %mul3A_384 = arith.constant 16 : i32
        %mul3A_385 = arith.muli %scan3A_372, %mul3A_384 : i32
        %add3A_386 = vector.broadcast %mul3A_385 : i32 to vector<16xi32>
        %add3A_387 = arith.addi %add3A_386, %iota3A : vector<16xi32>
        tpu.vector_store_idx %arg9[%add3A_383], %add3A_387 masked %ge3A_382 : memref<32784xi32, #tpu.memory_space<vmem>>[vector<16xi32>], vector<16xi32>, vector<16xi1>
        %convert_element_type3A_388 = arith.extui %ge3A_382 : vector<16xi1> to vector<16xi32>
        %add3A_389 = arith.addi %add3A_370, %convert_element_type3A_388 : vector<16xi32>
        %scan3A_390 = arith.constant 6 : i32
        %scan3A_391 = arith.addi %scan3A_277, %scan3A_390 : i32
        %mul3A_392 = arith.constant 16 : i32
        %mul3A_393 = arith.muli %scan3A_391, %mul3A_392 : i32
        %get3A_394 = arith.index_cast %mul3A_393 : i32 to index
        %get3A_395 = tpu.vector_load %arg6[%get3A_394] {strides = array<i32>} : memref<32768xf32, #tpu.memory_space<vmem>>, vector<16xf32>,
        %bitcast_convert_type3A_396 = tpu.bitcast %get3A_395 : vector<16xf32> -> vector<16xi32>
        %and3A_397 = arith.constant 2147483647 : i32
        %and3A_398 = vector.broadcast %and3A_397 : i32 to vector<16xi32>
        %and3A_399 = arith.andi %bitcast_convert_type3A_396, %and3A_398 : vector<16xi32>
        %ge3A_400 = vector.broadcast %shift_left3A_41 : i32 to vector<16xi32>
        %ge3A_401 = arith.cmpi sge, %and3A_399, %ge3A_400 : vector<16xi32>
        %add3A_402 = arith.addi %mul3A_44, %add3A_389 : vector<16xi32>
        %mul3A_403 = arith.constant 16 : i32
        %mul3A_404 = arith.muli %scan3A_391, %mul3A_403 : i32
        %add3A_405 = vector.broadcast %mul3A_404 : i32 to vector<16xi32>
        %add3A_406 = arith.addi %add3A_405, %iota3A : vector<16xi32>
        tpu.vector_store_idx %arg9[%add3A_402], %add3A_406 masked %ge3A_401 : memref<32784xi32, #tpu.memory_space<vmem>>[vector<16xi32>], vector<16xi32>, vector<16xi1>
        %convert_element_type3A_407 = arith.extui %ge3A_401 : vector<16xi1> to vector<16xi32>
        %add3A_408 = arith.addi %add3A_389, %convert_element_type3A_407 : vector<16xi32>
        %scan3A_409 = arith.constant 7 : i32
        %scan3A_410 = arith.addi %scan3A_277, %scan3A_409 : i32
        %mul3A_411 = arith.constant 16 : i32
        %mul3A_412 = arith.muli %scan3A_410, %mul3A_411 : i32
        %get3A_413 = arith.index_cast %mul3A_412 : i32 to index
        %get3A_414 = tpu.vector_load %arg6[%get3A_413] {strides = array<i32>} : memref<32768xf32, #tpu.memory_space<vmem>>, vector<16xf32>,
        %bitcast_convert_type3A_415 = tpu.bitcast %get3A_414 : vector<16xf32> -> vector<16xi32>
        %and3A_416 = arith.constant 2147483647 : i32
        %and3A_417 = vector.broadcast %and3A_416 : i32 to vector<16xi32>
        %and3A_418 = arith.andi %bitcast_convert_type3A_415, %and3A_417 : vector<16xi32>
        %ge3A_419 = vector.broadcast %shift_left3A_41 : i32 to vector<16xi32>
        %ge3A_420 = arith.cmpi sge, %and3A_418, %ge3A_419 : vector<16xi32>
        %add3A_421 = arith.addi %mul3A_44, %add3A_408 : vector<16xi32>
        %mul3A_422 = arith.constant 16 : i32
        %mul3A_423 = arith.muli %scan3A_410, %mul3A_422 : i32
        %add3A_424 = vector.broadcast %mul3A_423 : i32 to vector<16xi32>
        %add3A_425 = arith.addi %add3A_424, %iota3A : vector<16xi32>
        tpu.vector_store_idx %arg9[%add3A_421], %add3A_425 masked %ge3A_420 : memref<32784xi32, #tpu.memory_space<vmem>>[vector<16xi32>], vector<16xi32>, vector<16xi1>
        %convert_element_type3A_426 = arith.extui %ge3A_420 : vector<16xi1> to vector<16xi32>
        %add3A_427 = arith.addi %add3A_408, %convert_element_type3A_426 : vector<16xi32>
        scf.yield %add3A_427 : vector<16xi32>
      }
      %scan3A_50 = arith.constant 2048 : i32
      %reduce_sum3A = arith.constant true
      %reduce_sum3A_51 = vector.broadcast %reduce_sum3A : i1 to vector<16xi1>
      %reduce_sum3A_52 = tpu.scan <sum>, %scan3A_49 masked %reduce_sum3A_51 : vector<16xi32>, vector<16xi1> -> vector<16xi32>
      %reduce_sum3A_53 = vector.extract %reduce_sum3A_52[15] : i32 from vector<16xi32>
      %lt3A = arith.constant 64 : i32
      %lt3A_54 = arith.cmpi slt, %reduce_sum3A_53, %lt3A : i32
      %gt3A = arith.constant 2048 : i32
      %gt3A_55 = arith.cmpi sgt, %reduce_sum3A_53, %gt3A : i32
      %or3A = arith.ori %lt3A_54, %gt3A_55 : i1
      %convert_element_type3A = arith.extui %or3A : i1 to i32
      %cond3A = arith.constant 0 : i32
      %cond3A_56 = arith.cmpi ne, %convert_element_type3A, %cond3A : i32
      scf.if %cond3A_56 {
        %scan3A_277 = arith.constant 0 : i32
        %scan3A_278 = arith.constant 0 : i32
        %scan3A_279 = arith.constant 2048 : i32
        %scan3A_280 = arith.addi %scan3A_278, %scan3A_279 : i32
        %scan3A_281 = arith.constant 8 : i32
        scf.for %scan3A_283 = %scan3A_278 to %scan3A_280 step %scan3A_281  : i32 {
          %mul3A_284 = arith.constant 16 : i32
          %mul3A_285 = arith.muli %scan3A_283, %mul3A_284 : i32
          %add3A_286 = vector.broadcast %mul3A_285 : i32 to vector<16xi32>
          %add3A_287 = arith.addi %add3A_286, %iota3A : vector<16xi32>
          %mul3A_288 = arith.constant 16 : i32
          %mul3A_289 = arith.muli %scan3A_283, %mul3A_288 : i32
          %swap3A_290 = arith.index_cast %mul3A_289 : i32 to index
          %swap3A_291 = tpu.vector_load %arg9[%swap3A_290] {strides = array<i32>} : memref<32784xi32, #tpu.memory_space<vmem>>, vector<16xi32>,
          tpu.vector_store %arg9[%swap3A_290], %add3A_287 {strides = array<i32>} : memref<32784xi32, #tpu.memory_space<vmem>>, vector<16xi32>,
          %scan3A_292 = arith.constant 1 : i32
          %scan3A_293 = arith.addi %scan3A_283, %scan3A_292 : i32
          %mul3A_294 = arith.constant 16 : i32
          %mul3A_295 = arith.muli %scan3A_293, %mul3A_294 : i32
          %add3A_296 = vector.broadcast %mul3A_295 : i32 to vector<16xi32>
          %add3A_297 = arith.addi %add3A_296, %iota3A : vector<16xi32>
          %mul3A_298 = arith.constant 16 : i32
          %mul3A_299 = arith.muli %scan3A_293, %mul3A_298 : i32
          %swap3A_300 = arith.index_cast %mul3A_299 : i32 to index
          %swap3A_301 = tpu.vector_load %arg9[%swap3A_300] {strides = array<i32>} : memref<32784xi32, #tpu.memory_space<vmem>>, vector<16xi32>,
          tpu.vector_store %arg9[%swap3A_300], %add3A_297 {strides = array<i32>} : memref<32784xi32, #tpu.memory_space<vmem>>, vector<16xi32>,
          %scan3A_302 = arith.constant 2 : i32
          %scan3A_303 = arith.addi %scan3A_283, %scan3A_302 : i32
          %mul3A_304 = arith.constant 16 : i32
          %mul3A_305 = arith.muli %scan3A_303, %mul3A_304 : i32
          %add3A_306 = vector.broadcast %mul3A_305 : i32 to vector<16xi32>
          %add3A_307 = arith.addi %add3A_306, %iota3A : vector<16xi32>
          %mul3A_308 = arith.constant 16 : i32
          %mul3A_309 = arith.muli %scan3A_303, %mul3A_308 : i32
          %swap3A_310 = arith.index_cast %mul3A_309 : i32 to index
          %swap3A_311 = tpu.vector_load %arg9[%swap3A_310] {strides = array<i32>} : memref<32784xi32, #tpu.memory_space<vmem>>, vector<16xi32>,
          tpu.vector_store %arg9[%swap3A_310], %add3A_307 {strides = array<i32>} : memref<32784xi32, #tpu.memory_space<vmem>>, vector<16xi32>,
          %scan3A_312 = arith.constant 3 : i32
          %scan3A_313 = arith.addi %scan3A_283, %scan3A_312 : i32
          %mul3A_314 = arith.constant 16 : i32
          %mul3A_315 = arith.muli %scan3A_313, %mul3A_314 : i32
          %add3A_316 = vector.broadcast %mul3A_315 : i32 to vector<16xi32>
          %add3A_317 = arith.addi %add3A_316, %iota3A : vector<16xi32>
          %mul3A_318 = arith.constant 16 : i32
          %mul3A_319 = arith.muli %scan3A_313, %mul3A_318 : i32
          %swap3A_320 = arith.index_cast %mul3A_319 : i32 to index
          %swap3A_321 = tpu.vector_load %arg9[%swap3A_320] {strides = array<i32>} : memref<32784xi32, #tpu.memory_space<vmem>>, vector<16xi32>,
          tpu.vector_store %arg9[%swap3A_320], %add3A_317 {strides = array<i32>} : memref<32784xi32, #tpu.memory_space<vmem>>, vector<16xi32>,
          %scan3A_322 = arith.constant 4 : i32
          %scan3A_323 = arith.addi %scan3A_283, %scan3A_322 : i32
          %mul3A_324 = arith.constant 16 : i32
          %mul3A_325 = arith.muli %scan3A_323, %mul3A_324 : i32
          %add3A_326 = vector.broadcast %mul3A_325 : i32 to vector<16xi32>
          %add3A_327 = arith.addi %add3A_326, %iota3A : vector<16xi32>
          %mul3A_328 = arith.constant 16 : i32
          %mul3A_329 = arith.muli %scan3A_323, %mul3A_328 : i32
          %swap3A_330 = arith.index_cast %mul3A_329 : i32 to index
          %swap3A_331 = tpu.vector_load %arg9[%swap3A_330] {strides = array<i32>} : memref<32784xi32, #tpu.memory_space<vmem>>, vector<16xi32>,
          tpu.vector_store %arg9[%swap3A_330], %add3A_327 {strides = array<i32>} : memref<32784xi32, #tpu.memory_space<vmem>>, vector<16xi32>,
          %scan3A_332 = arith.constant 5 : i32
          %scan3A_333 = arith.addi %scan3A_283, %scan3A_332 : i32
          %mul3A_334 = arith.constant 16 : i32
          %mul3A_335 = arith.muli %scan3A_333, %mul3A_334 : i32
          %add3A_336 = vector.broadcast %mul3A_335 : i32 to vector<16xi32>
          %add3A_337 = arith.addi %add3A_336, %iota3A : vector<16xi32>
          %mul3A_338 = arith.constant 16 : i32
          %mul3A_339 = arith.muli %scan3A_333, %mul3A_338 : i32
          %swap3A_340 = arith.index_cast %mul3A_339 : i32 to index
          %swap3A_341 = tpu.vector_load %arg9[%swap3A_340] {strides = array<i32>} : memref<32784xi32, #tpu.memory_space<vmem>>, vector<16xi32>,
          tpu.vector_store %arg9[%swap3A_340], %add3A_337 {strides = array<i32>} : memref<32784xi32, #tpu.memory_space<vmem>>, vector<16xi32>,
          %scan3A_342 = arith.constant 6 : i32
          %scan3A_343 = arith.addi %scan3A_283, %scan3A_342 : i32
          %mul3A_344 = arith.constant 16 : i32
          %mul3A_345 = arith.muli %scan3A_343, %mul3A_344 : i32
          %add3A_346 = vector.broadcast %mul3A_345 : i32 to vector<16xi32>
          %add3A_347 = arith.addi %add3A_346, %iota3A : vector<16xi32>
          %mul3A_348 = arith.constant 16 : i32
          %mul3A_349 = arith.muli %scan3A_343, %mul3A_348 : i32
          %swap3A_350 = arith.index_cast %mul3A_349 : i32 to index
          %swap3A_351 = tpu.vector_load %arg9[%swap3A_350] {strides = array<i32>} : memref<32784xi32, #tpu.memory_space<vmem>>, vector<16xi32>,
          tpu.vector_store %arg9[%swap3A_350], %add3A_347 {strides = array<i32>} : memref<32784xi32, #tpu.memory_space<vmem>>, vector<16xi32>,
          %scan3A_352 = arith.constant 7 : i32
          %scan3A_353 = arith.addi %scan3A_283, %scan3A_352 : i32
          %mul3A_354 = arith.constant 16 : i32
          %mul3A_355 = arith.muli %scan3A_353, %mul3A_354 : i32
          %add3A_356 = vector.broadcast %mul3A_355 : i32 to vector<16xi32>
          %add3A_357 = arith.addi %add3A_356, %iota3A : vector<16xi32>
          %mul3A_358 = arith.constant 16 : i32
          %mul3A_359 = arith.muli %scan3A_353, %mul3A_358 : i32
          %swap3A_360 = arith.index_cast %mul3A_359 : i32 to index
          %swap3A_361 = tpu.vector_load %arg9[%swap3A_360] {strides = array<i32>} : memref<32784xi32, #tpu.memory_space<vmem>>, vector<16xi32>,
          tpu.vector_store %arg9[%swap3A_360], %add3A_357 {strides = array<i32>} : memref<32784xi32, #tpu.memory_space<vmem>>, vector<16xi32>,
        }
        %scan3A_282 = arith.constant 2048 : i32
      } else {
      }
      %not3A = arith.constant true
      %not3A_57 = arith.xori %or3A, %not3A : i1
      %convert_element_type3A_58 = arith.extui %not3A_57 : i1 to i32
      %cond3A_59 = arith.constant 0 : i32
      %cond3A_60 = arith.cmpi ne, %convert_element_type3A_58, %cond3A_59 : i32
      scf.if %cond3A_60 {
        %slice3A = vector.extract_strided_slice %scan3A_49 {offsets = [0], sizes = [1], strides = [1]} : vector<16xi32> to vector<1xi32>
        %squeeze3A = vector.extract %slice3A[0] : i32 from vector<1xi32>
        %add3A_277 = arith.constant 16 : i32
        %add3A_278 = arith.addi %squeeze3A, %add3A_277 : i32
        %sub3A_279 = arith.constant 1 : i32
        %sub3A_280 = arith.subi %add3A_278, %sub3A_279 : i32
        %jit3A_281 = arith.constant 16 : i32
        %div3A_282 = arith.divsi %sub3A_280, %jit3A_281 : i32
        %sign3A_283 = arith.constant 0 : i32
        %sign3A_284 = arith.cmpi sgt, %sub3A_280, %sign3A_283 : i32
        %sign3A_285 = arith.extui %sign3A_284 : i1 to i32
        %sign3A_286 = arith.constant 0 : i32
        %sign3A_287 = arith.cmpi slt, %sub3A_280, %sign3A_286 : i32
        %sign3A_288 = arith.extui %sign3A_287 : i1 to i32
        %sign3A_289 = arith.subi %sign3A_285, %sign3A_288 : i32
        %sign3A_290 = arith.constant 0 : i32
        %sign3A_291 = arith.cmpi sgt, %jit3A_281, %sign3A_290 : i32
        %sign3A_292 = arith.extui %sign3A_291 : i1 to i32
        %sign3A_293 = arith.constant 0 : i32
        %sign3A_294 = arith.cmpi slt, %jit3A_281, %sign3A_293 : i32
        %sign3A_295 = arith.extui %sign3A_294 : i1 to i32
        %sign3A_296 = arith.subi %sign3A_292, %sign3A_295 : i32
        %ne3A_297 = arith.cmpi ne, %sign3A_289, %sign3A_296 : i32
        %rem3A_298 = arith.remsi %sub3A_280, %jit3A_281 : i32
        %ne3A_299 = arith.constant 0 : i32
        %ne3A_300 = arith.cmpi ne, %rem3A_298, %ne3A_299 : i32
        %and3A_301 = arith.andi %ne3A_297, %ne3A_300 : i1
        %sub3A_302 = arith.constant 1 : i32
        %sub3A_303 = arith.subi %div3A_282, %sub3A_302 : i32
        %select_n3A_304 = arith.select %and3A_301, %sub3A_303, %div3A_282 : i32
        %while3A_305 = arith.constant 0 : i32
        %while3A_306 = arith.constant 0 : i32
        %while3A_307 = arith.constant 0 : i32
        %while3A_308 = arith.subi %select_n3A_304, %while3A_307 : i32
        %while3A_309 = arith.addi %while3A_307, %while3A_308 : i32
        %while3A_310 = arith.constant 1 : i32
        %while3A_311 = arith.divsi %while3A_308, %while3A_310 : i32
        %while3A_312 = arith.muli %while3A_311, %while3A_310 : i32
        %while3A_313 = arith.addi %while3A_307, %while3A_312 : i32
        %while3A_314 = arith.constant 1 : i32
        scf.for %while3A_933 = %while3A_307 to %while3A_313 step %while3A_314  : i32 {
          %mul3A_934 = arith.constant 16 : i32
          %mul3A_935 = arith.muli %while3A_933, %mul3A_934 : i32
          %add3A_936 = arith.constant 0 : i32
          %add3A_937 = arith.addi %add3A_936, %mul3A_935 : i32
          %get3A_938 = arith.index_cast %add3A_937 : i32 to index
          %get3A_939 = tpu.vector_load %arg9[%get3A_938] {strides = array<i32>} : memref<32784xi32, #tpu.memory_space<vmem>>, vector<16xi32>,
          %mul3A_940 = arith.constant 16 : i32
          %mul3A_941 = arith.muli %while3A_933, %mul3A_940 : i32
          %add3A_942 = arith.addi %while3A_306, %mul3A_941 : i32
          %mul3A_943 = arith.constant 16 : i32
          %mul3A_944 = arith.muli %while3A_933, %mul3A_943 : i32
          %add3A_945 = vector.broadcast %mul3A_944 : i32 to vector<16xi32>
          %add3A_946 = arith.addi %add3A_945, %iota3A : vector<16xi32>
          %lt3A_947 = vector.broadcast %squeeze3A : i32 to vector<16xi32>
          %lt3A_948 = arith.cmpi slt, %add3A_946, %lt3A_947 : vector<16xi32>
          %swap3A_949 = arith.index_cast %add3A_942 : i32 to index
          %swap3A_950 = tpu.vector_load %arg9[%swap3A_949] masked %lt3A_948 {strides = array<i32>} : memref<32784xi32, #tpu.memory_space<vmem>>, vector<16xi32>, vector<16xi1>
          tpu.vector_store %arg9[%swap3A_949], %get3A_939 masked %lt3A_948 {strides = array<i32>} : memref<32784xi32, #tpu.memory_space<vmem>>, vector<16xi32>, vector<16xi1>
        }
        %while3A_315 = arith.constant 1 : i32
        scf.for %while3A_933 = %while3A_313 to %while3A_309 step %while3A_315  : i32 {
          %mul3A_934 = arith.constant 16 : i32
          %mul3A_935 = arith.muli %while3A_933, %mul3A_934 : i32
          %add3A_936 = arith.constant 0 : i32
          %add3A_937 = arith.addi %add3A_936, %mul3A_935 : i32
          %get3A_938 = arith.index_cast %add3A_937 : i32 to index
          %get3A_939 = tpu.vector_load %arg9[%get3A_938] {strides = array<i32>} : memref<32784xi32, #tpu.memory_space<vmem>>, vector<16xi32>,
          %mul3A_940 = arith.constant 16 : i32
          %mul3A_941 = arith.muli %while3A_933, %mul3A_940 : i32
          %add3A_942 = arith.addi %while3A_306, %mul3A_941 : i32
          %mul3A_943 = arith.constant 16 : i32
          %mul3A_944 = arith.muli %while3A_933, %mul3A_943 : i32
          %add3A_945 = vector.broadcast %mul3A_944 : i32 to vector<16xi32>
          %add3A_946 = arith.addi %add3A_945, %iota3A : vector<16xi32>
          %lt3A_947 = vector.broadcast %squeeze3A : i32 to vector<16xi32>
          %lt3A_948 = arith.cmpi slt, %add3A_946, %lt3A_947 : vector<16xi32>
          %swap3A_949 = arith.index_cast %add3A_942 : i32 to index
          %swap3A_950 = tpu.vector_load %arg9[%swap3A_949] masked %lt3A_948 {strides = array<i32>} : memref<32784xi32, #tpu.memory_space<vmem>>, vector<16xi32>, vector<16xi1>
          tpu.vector_store %arg9[%swap3A_949], %get3A_939 masked %lt3A_948 {strides = array<i32>} : memref<32784xi32, #tpu.memory_space<vmem>>, vector<16xi32>, vector<16xi1>
        }
        %add3A_316 = arith.constant 0 : i32
        %add3A_317 = arith.addi %add3A_316, %squeeze3A : i32
        %slice3A_318 = vector.extract_strided_slice %scan3A_49 {offsets = [1], sizes = [1], strides = [1]} : vector<16xi32> to vector<1xi32>
        %squeeze3A_319 = vector.extract %slice3A_318[0] : i32 from vector<1xi32>
        %add3A_320 = arith.constant 16 : i32
        %add3A_321 = arith.addi %squeeze3A_319, %add3A_320 : i32
        %sub3A_322 = arith.constant 1 : i32
        %sub3A_323 = arith.subi %add3A_321, %sub3A_322 : i32
        %jit3A_324 = arith.constant 16 : i32
        %div3A_325 = arith.divsi %sub3A_323, %jit3A_324 : i32
        %sign3A_326 = arith.constant 0 : i32
        %sign3A_327 = arith.cmpi sgt, %sub3A_323, %sign3A_326 : i32
        %sign3A_328 = arith.extui %sign3A_327 : i1 to i32
        %sign3A_329 = arith.constant 0 : i32
        %sign3A_330 = arith.cmpi slt, %sub3A_323, %sign3A_329 : i32
        %sign3A_331 = arith.extui %sign3A_330 : i1 to i32
        %sign3A_332 = arith.subi %sign3A_328, %sign3A_331 : i32
        %sign3A_333 = arith.constant 0 : i32
        %sign3A_334 = arith.cmpi sgt, %jit3A_324, %sign3A_333 : i32
        %sign3A_335 = arith.extui %sign3A_334 : i1 to i32
        %sign3A_336 = arith.constant 0 : i32
        %sign3A_337 = arith.cmpi slt, %jit3A_324, %sign3A_336 : i32
        %sign3A_338 = arith.extui %sign3A_337 : i1 to i32
        %sign3A_339 = arith.subi %sign3A_335, %sign3A_338 : i32
        %ne3A_340 = arith.cmpi ne, %sign3A_332, %sign3A_339 : i32
        %rem3A_341 = arith.remsi %sub3A_323, %jit3A_324 : i32
        %ne3A_342 = arith.constant 0 : i32
        %ne3A_343 = arith.cmpi ne, %rem3A_341, %ne3A_342 : i32
        %and3A_344 = arith.andi %ne3A_340, %ne3A_343 : i1
        %sub3A_345 = arith.constant 1 : i32
        %sub3A_346 = arith.subi %div3A_325, %sub3A_345 : i32
        %select_n3A_347 = arith.select %and3A_344, %sub3A_346, %div3A_325 : i32
        %while3A_348 = arith.constant 0 : i32
        %while3A_349 = arith.constant 0 : i32
        %while3A_350 = arith.subi %select_n3A_347, %while3A_349 : i32
        %while3A_351 = arith.addi %while3A_349, %while3A_350 : i32
        %while3A_352 = arith.constant 1 : i32
        %while3A_353 = arith.divsi %while3A_350, %while3A_352 : i32
        %while3A_354 = arith.muli %while3A_353, %while3A_352 : i32
        %while3A_355 = arith.addi %while3A_349, %while3A_354 : i32
        %while3A_356 = arith.constant 1 : i32
        scf.for %while3A_933 = %while3A_349 to %while3A_355 step %while3A_356  : i32 {
          %mul3A_934 = arith.constant 16 : i32
          %mul3A_935 = arith.muli %while3A_933, %mul3A_934 : i32
          %add3A_936 = arith.constant 2048 : i32
          %add3A_937 = arith.addi %add3A_936, %mul3A_935 : i32
          %get3A_938 = arith.index_cast %add3A_937 : i32 to index
          %get3A_939 = tpu.vector_load %arg9[%get3A_938] {strides = array<i32>} : memref<32784xi32, #tpu.memory_space<vmem>>, vector<16xi32>,
          %mul3A_940 = arith.constant 16 : i32
          %mul3A_941 = arith.muli %while3A_933, %mul3A_940 : i32
          %add3A_942 = arith.addi %add3A_317, %mul3A_941 : i32
          %mul3A_943 = arith.constant 16 : i32
          %mul3A_944 = arith.muli %while3A_933, %mul3A_943 : i32
          %add3A_945 = vector.broadcast %mul3A_944 : i32 to vector<16xi32>
          %add3A_946 = arith.addi %add3A_945, %iota3A : vector<16xi32>
          %lt3A_947 = vector.broadcast %squeeze3A_319 : i32 to vector<16xi32>
          %lt3A_948 = arith.cmpi slt, %add3A_946, %lt3A_947 : vector<16xi32>
          %swap3A_949 = arith.index_cast %add3A_942 : i32 to index
          %swap3A_950 = tpu.vector_load %arg9[%swap3A_949] masked %lt3A_948 {strides = array<i32>} : memref<32784xi32, #tpu.memory_space<vmem>>, vector<16xi32>, vector<16xi1>
          tpu.vector_store %arg9[%swap3A_949], %get3A_939 masked %lt3A_948 {strides = array<i32>} : memref<32784xi32, #tpu.memory_space<vmem>>, vector<16xi32>, vector<16xi1>
        }
        %while3A_357 = arith.constant 1 : i32
        scf.for %while3A_933 = %while3A_355 to %while3A_351 step %while3A_357  : i32 {
          %mul3A_934 = arith.constant 16 : i32
          %mul3A_935 = arith.muli %while3A_933, %mul3A_934 : i32
          %add3A_936 = arith.constant 2048 : i32
          %add3A_937 = arith.addi %add3A_936, %mul3A_935 : i32
          %get3A_938 = arith.index_cast %add3A_937 : i32 to index
          %get3A_939 = tpu.vector_load %arg9[%get3A_938] {strides = array<i32>} : memref<32784xi32, #tpu.memory_space<vmem>>, vector<16xi32>,
          %mul3A_940 = arith.constant 16 : i32
          %mul3A_941 = arith.muli %while3A_933, %mul3A_940 : i32
          %add3A_942 = arith.addi %add3A_317, %mul3A_941 : i32
          %mul3A_943 = arith.constant 16 : i32
          %mul3A_944 = arith.muli %while3A_933, %mul3A_943 : i32
          %add3A_945 = vector.broadcast %mul3A_944 : i32 to vector<16xi32>
          %add3A_946 = arith.addi %add3A_945, %iota3A : vector<16xi32>
          %lt3A_947 = vector.broadcast %squeeze3A_319 : i32 to vector<16xi32>
          %lt3A_948 = arith.cmpi slt, %add3A_946, %lt3A_947 : vector<16xi32>
          %swap3A_949 = arith.index_cast %add3A_942 : i32 to index
          %swap3A_950 = tpu.vector_load %arg9[%swap3A_949] masked %lt3A_948 {strides = array<i32>} : memref<32784xi32, #tpu.memory_space<vmem>>, vector<16xi32>, vector<16xi1>
          tpu.vector_store %arg9[%swap3A_949], %get3A_939 masked %lt3A_948 {strides = array<i32>} : memref<32784xi32, #tpu.memory_space<vmem>>, vector<16xi32>, vector<16xi1>
        }
        %add3A_358 = arith.addi %add3A_317, %squeeze3A_319 : i32
        %slice3A_359 = vector.extract_strided_slice %scan3A_49 {offsets = [2], sizes = [1], strides = [1]} : vector<16xi32> to vector<1xi32>
        %squeeze3A_360 = vector.extract %slice3A_359[0] : i32 from vector<1xi32>
        %add3A_361 = arith.constant 16 : i32
        %add3A_362 = arith.addi %squeeze3A_360, %add3A_361 : i32
        %sub3A_363 = arith.constant 1 : i32
        %sub3A_364 = arith.subi %add3A_362, %sub3A_363 : i32
        %jit3A_365 = arith.constant 16 : i32
        %div3A_366 = arith.divsi %sub3A_364, %jit3A_365 : i32
        %sign3A_367 = arith.constant 0 : i32
        %sign3A_368 = arith.cmpi sgt, %sub3A_364, %sign3A_367 : i32
        %sign3A_369 = arith.extui %sign3A_368 : i1 to i32
        %sign3A_370 = arith.constant 0 : i32
        %sign3A_371 = arith.cmpi slt, %sub3A_364, %sign3A_370 : i32
        %sign3A_372 = arith.extui %sign3A_371 : i1 to i32
        %sign3A_373 = arith.subi %sign3A_369, %sign3A_372 : i32
        %sign3A_374 = arith.constant 0 : i32
        %sign3A_375 = arith.cmpi sgt, %jit3A_365, %sign3A_374 : i32
        %sign3A_376 = arith.extui %sign3A_375 : i1 to i32
        %sign3A_377 = arith.constant 0 : i32
        %sign3A_378 = arith.cmpi slt, %jit3A_365, %sign3A_377 : i32
        %sign3A_379 = arith.extui %sign3A_378 : i1 to i32
        %sign3A_380 = arith.subi %sign3A_376, %sign3A_379 : i32
        %ne3A_381 = arith.cmpi ne, %sign3A_373, %sign3A_380 : i32
        %rem3A_382 = arith.remsi %sub3A_364, %jit3A_365 : i32
        %ne3A_383 = arith.constant 0 : i32
        %ne3A_384 = arith.cmpi ne, %rem3A_382, %ne3A_383 : i32
        %and3A_385 = arith.andi %ne3A_381, %ne3A_384 : i1
        %sub3A_386 = arith.constant 1 : i32
        %sub3A_387 = arith.subi %div3A_366, %sub3A_386 : i32
        %select_n3A_388 = arith.select %and3A_385, %sub3A_387, %div3A_366 : i32
        %while3A_389 = arith.constant 0 : i32
        %while3A_390 = arith.constant 0 : i32
        %while3A_391 = arith.subi %select_n3A_388, %while3A_390 : i32
        %while3A_392 = arith.addi %while3A_390, %while3A_391 : i32
        %while3A_393 = arith.constant 1 : i32
        %while3A_394 = arith.divsi %while3A_391, %while3A_393 : i32
        %while3A_395 = arith.muli %while3A_394, %while3A_393 : i32
        %while3A_396 = arith.addi %while3A_390, %while3A_395 : i32
        %while3A_397 = arith.constant 1 : i32
        scf.for %while3A_933 = %while3A_390 to %while3A_396 step %while3A_397  : i32 {
          %mul3A_934 = arith.constant 16 : i32
          %mul3A_935 = arith.muli %while3A_933, %mul3A_934 : i32
          %add3A_936 = arith.constant 4096 : i32
          %add3A_937 = arith.addi %add3A_936, %mul3A_935 : i32
          %get3A_938 = arith.index_cast %add3A_937 : i32 to index
          %get3A_939 = tpu.vector_load %arg9[%get3A_938] {strides = array<i32>} : memref<32784xi32, #tpu.memory_space<vmem>>, vector<16xi32>,
          %mul3A_940 = arith.constant 16 : i32
          %mul3A_941 = arith.muli %while3A_933, %mul3A_940 : i32
          %add3A_942 = arith.addi %add3A_358, %mul3A_941 : i32
          %mul3A_943 = arith.constant 16 : i32
          %mul3A_944 = arith.muli %while3A_933, %mul3A_943 : i32
          %add3A_945 = vector.broadcast %mul3A_944 : i32 to vector<16xi32>
          %add3A_946 = arith.addi %add3A_945, %iota3A : vector<16xi32>
          %lt3A_947 = vector.broadcast %squeeze3A_360 : i32 to vector<16xi32>
          %lt3A_948 = arith.cmpi slt, %add3A_946, %lt3A_947 : vector<16xi32>
          %swap3A_949 = arith.index_cast %add3A_942 : i32 to index
          %swap3A_950 = tpu.vector_load %arg9[%swap3A_949] masked %lt3A_948 {strides = array<i32>} : memref<32784xi32, #tpu.memory_space<vmem>>, vector<16xi32>, vector<16xi1>
          tpu.vector_store %arg9[%swap3A_949], %get3A_939 masked %lt3A_948 {strides = array<i32>} : memref<32784xi32, #tpu.memory_space<vmem>>, vector<16xi32>, vector<16xi1>
        }
        %while3A_398 = arith.constant 1 : i32
        scf.for %while3A_933 = %while3A_396 to %while3A_392 step %while3A_398  : i32 {
          %mul3A_934 = arith.constant 16 : i32
          %mul3A_935 = arith.muli %while3A_933, %mul3A_934 : i32
          %add3A_936 = arith.constant 4096 : i32
          %add3A_937 = arith.addi %add3A_936, %mul3A_935 : i32
          %get3A_938 = arith.index_cast %add3A_937 : i32 to index
          %get3A_939 = tpu.vector_load %arg9[%get3A_938] {strides = array<i32>} : memref<32784xi32, #tpu.memory_space<vmem>>, vector<16xi32>,
          %mul3A_940 = arith.constant 16 : i32
          %mul3A_941 = arith.muli %while3A_933, %mul3A_940 : i32
          %add3A_942 = arith.addi %add3A_358, %mul3A_941 : i32
          %mul3A_943 = arith.constant 16 : i32
          %mul3A_944 = arith.muli %while3A_933, %mul3A_943 : i32
          %add3A_945 = vector.broadcast %mul3A_944 : i32 to vector<16xi32>
          %add3A_946 = arith.addi %add3A_945, %iota3A : vector<16xi32>
          %lt3A_947 = vector.broadcast %squeeze3A_360 : i32 to vector<16xi32>
          %lt3A_948 = arith.cmpi slt, %add3A_946, %lt3A_947 : vector<16xi32>
          %swap3A_949 = arith.index_cast %add3A_942 : i32 to index
          %swap3A_950 = tpu.vector_load %arg9[%swap3A_949] masked %lt3A_948 {strides = array<i32>} : memref<32784xi32, #tpu.memory_space<vmem>>, vector<16xi32>, vector<16xi1>
          tpu.vector_store %arg9[%swap3A_949], %get3A_939 masked %lt3A_948 {strides = array<i32>} : memref<32784xi32, #tpu.memory_space<vmem>>, vector<16xi32>, vector<16xi1>
        }
        %add3A_399 = arith.addi %add3A_358, %squeeze3A_360 : i32
        %slice3A_400 = vector.extract_strided_slice %scan3A_49 {offsets = [3], sizes = [1], strides = [1]} : vector<16xi32> to vector<1xi32>
        %squeeze3A_401 = vector.extract %slice3A_400[0] : i32 from vector<1xi32>
        %add3A_402 = arith.constant 16 : i32
        %add3A_403 = arith.addi %squeeze3A_401, %add3A_402 : i32
        %sub3A_404 = arith.constant 1 : i32
        %sub3A_405 = arith.subi %add3A_403, %sub3A_404 : i32
        %jit3A_406 = arith.constant 16 : i32
        %div3A_407 = arith.divsi %sub3A_405, %jit3A_406 : i32
        %sign3A_408 = arith.constant 0 : i32
        %sign3A_409 = arith.cmpi sgt, %sub3A_405, %sign3A_408 : i32
        %sign3A_410 = arith.extui %sign3A_409 : i1 to i32
        %sign3A_411 = arith.constant 0 : i32
        %sign3A_412 = arith.cmpi slt, %sub3A_405, %sign3A_411 : i32
        %sign3A_413 = arith.extui %sign3A_412 : i1 to i32
        %sign3A_414 = arith.subi %sign3A_410, %sign3A_413 : i32
        %sign3A_415 = arith.constant 0 : i32
        %sign3A_416 = arith.cmpi sgt, %jit3A_406, %sign3A_415 : i32
        %sign3A_417 = arith.extui %sign3A_416 : i1 to i32
        %sign3A_418 = arith.constant 0 : i32
        %sign3A_419 = arith.cmpi slt, %jit3A_406, %sign3A_418 : i32
        %sign3A_420 = arith.extui %sign3A_419 : i1 to i32
        %sign3A_421 = arith.subi %sign3A_417, %sign3A_420 : i32
        %ne3A_422 = arith.cmpi ne, %sign3A_414, %sign3A_421 : i32
        %rem3A_423 = arith.remsi %sub3A_405, %jit3A_406 : i32
        %ne3A_424 = arith.constant 0 : i32
        %ne3A_425 = arith.cmpi ne, %rem3A_423, %ne3A_424 : i32
        %and3A_426 = arith.andi %ne3A_422, %ne3A_425 : i1
        %sub3A_427 = arith.constant 1 : i32
        %sub3A_428 = arith.subi %div3A_407, %sub3A_427 : i32
        %select_n3A_429 = arith.select %and3A_426, %sub3A_428, %div3A_407 : i32
        %while3A_430 = arith.constant 0 : i32
        %while3A_431 = arith.constant 0 : i32
        %while3A_432 = arith.subi %select_n3A_429, %while3A_431 : i32
        %while3A_433 = arith.addi %while3A_431, %while3A_432 : i32
        %while3A_434 = arith.constant 1 : i32
        %while3A_435 = arith.divsi %while3A_432, %while3A_434 : i32
        %while3A_436 = arith.muli %while3A_435, %while3A_434 : i32
        %while3A_437 = arith.addi %while3A_431, %while3A_436 : i32
        %while3A_438 = arith.constant 1 : i32
        scf.for %while3A_933 = %while3A_431 to %while3A_437 step %while3A_438  : i32 {
          %mul3A_934 = arith.constant 16 : i32
          %mul3A_935 = arith.muli %while3A_933, %mul3A_934 : i32
          %add3A_936 = arith.constant 6144 : i32
          %add3A_937 = arith.addi %add3A_936, %mul3A_935 : i32
          %get3A_938 = arith.index_cast %add3A_937 : i32 to index
          %get3A_939 = tpu.vector_load %arg9[%get3A_938] {strides = array<i32>} : memref<32784xi32, #tpu.memory_space<vmem>>, vector<16xi32>,
          %mul3A_940 = arith.constant 16 : i32
          %mul3A_941 = arith.muli %while3A_933, %mul3A_940 : i32
          %add3A_942 = arith.addi %add3A_399, %mul3A_941 : i32
          %mul3A_943 = arith.constant 16 : i32
          %mul3A_944 = arith.muli %while3A_933, %mul3A_943 : i32
          %add3A_945 = vector.broadcast %mul3A_944 : i32 to vector<16xi32>
          %add3A_946 = arith.addi %add3A_945, %iota3A : vector<16xi32>
          %lt3A_947 = vector.broadcast %squeeze3A_401 : i32 to vector<16xi32>
          %lt3A_948 = arith.cmpi slt, %add3A_946, %lt3A_947 : vector<16xi32>
          %swap3A_949 = arith.index_cast %add3A_942 : i32 to index
          %swap3A_950 = tpu.vector_load %arg9[%swap3A_949] masked %lt3A_948 {strides = array<i32>} : memref<32784xi32, #tpu.memory_space<vmem>>, vector<16xi32>, vector<16xi1>
          tpu.vector_store %arg9[%swap3A_949], %get3A_939 masked %lt3A_948 {strides = array<i32>} : memref<32784xi32, #tpu.memory_space<vmem>>, vector<16xi32>, vector<16xi1>
        }
        %while3A_439 = arith.constant 1 : i32
        scf.for %while3A_933 = %while3A_437 to %while3A_433 step %while3A_439  : i32 {
          %mul3A_934 = arith.constant 16 : i32
          %mul3A_935 = arith.muli %while3A_933, %mul3A_934 : i32
          %add3A_936 = arith.constant 6144 : i32
          %add3A_937 = arith.addi %add3A_936, %mul3A_935 : i32
          %get3A_938 = arith.index_cast %add3A_937 : i32 to index
          %get3A_939 = tpu.vector_load %arg9[%get3A_938] {strides = array<i32>} : memref<32784xi32, #tpu.memory_space<vmem>>, vector<16xi32>,
          %mul3A_940 = arith.constant 16 : i32
          %mul3A_941 = arith.muli %while3A_933, %mul3A_940 : i32
          %add3A_942 = arith.addi %add3A_399, %mul3A_941 : i32
          %mul3A_943 = arith.constant 16 : i32
          %mul3A_944 = arith.muli %while3A_933, %mul3A_943 : i32
          %add3A_945 = vector.broadcast %mul3A_944 : i32 to vector<16xi32>
          %add3A_946 = arith.addi %add3A_945, %iota3A : vector<16xi32>
          %lt3A_947 = vector.broadcast %squeeze3A_401 : i32 to vector<16xi32>
          %lt3A_948 = arith.cmpi slt, %add3A_946, %lt3A_947 : vector<16xi32>
          %swap3A_949 = arith.index_cast %add3A_942 : i32 to index
          %swap3A_950 = tpu.vector_load %arg9[%swap3A_949] masked %lt3A_948 {strides = array<i32>} : memref<32784xi32, #tpu.memory_space<vmem>>, vector<16xi32>, vector<16xi1>
          tpu.vector_store %arg9[%swap3A_949], %get3A_939 masked %lt3A_948 {strides = array<i32>} : memref<32784xi32, #tpu.memory_space<vmem>>, vector<16xi32>, vector<16xi1>
        }
        %add3A_440 = arith.addi %add3A_399, %squeeze3A_401 : i32
        %slice3A_441 = vector.extract_strided_slice %scan3A_49 {offsets = [4], sizes = [1], strides = [1]} : vector<16xi32> to vector<1xi32>
        %squeeze3A_442 = vector.extract %slice3A_441[0] : i32 from vector<1xi32>
        %add3A_443 = arith.constant 16 : i32
        %add3A_444 = arith.addi %squeeze3A_442, %add3A_443 : i32
        %sub3A_445 = arith.constant 1 : i32
        %sub3A_446 = arith.subi %add3A_444, %sub3A_445 : i32
        %jit3A_447 = arith.constant 16 : i32
        %div3A_448 = arith.divsi %sub3A_446, %jit3A_447 : i32
        %sign3A_449 = arith.constant 0 : i32
        %sign3A_450 = arith.cmpi sgt, %sub3A_446, %sign3A_449 : i32
        %sign3A_451 = arith.extui %sign3A_450 : i1 to i32
        %sign3A_452 = arith.constant 0 : i32
        %sign3A_453 = arith.cmpi slt, %sub3A_446, %sign3A_452 : i32
        %sign3A_454 = arith.extui %sign3A_453 : i1 to i32
        %sign3A_455 = arith.subi %sign3A_451, %sign3A_454 : i32
        %sign3A_456 = arith.constant 0 : i32
        %sign3A_457 = arith.cmpi sgt, %jit3A_447, %sign3A_456 : i32
        %sign3A_458 = arith.extui %sign3A_457 : i1 to i32
        %sign3A_459 = arith.constant 0 : i32
        %sign3A_460 = arith.cmpi slt, %jit3A_447, %sign3A_459 : i32
        %sign3A_461 = arith.extui %sign3A_460 : i1 to i32
        %sign3A_462 = arith.subi %sign3A_458, %sign3A_461 : i32
        %ne3A_463 = arith.cmpi ne, %sign3A_455, %sign3A_462 : i32
        %rem3A_464 = arith.remsi %sub3A_446, %jit3A_447 : i32
        %ne3A_465 = arith.constant 0 : i32
        %ne3A_466 = arith.cmpi ne, %rem3A_464, %ne3A_465 : i32
        %and3A_467 = arith.andi %ne3A_463, %ne3A_466 : i1
        %sub3A_468 = arith.constant 1 : i32
        %sub3A_469 = arith.subi %div3A_448, %sub3A_468 : i32
        %select_n3A_470 = arith.select %and3A_467, %sub3A_469, %div3A_448 : i32
        %while3A_471 = arith.constant 0 : i32
        %while3A_472 = arith.constant 0 : i32
        %while3A_473 = arith.subi %select_n3A_470, %while3A_472 : i32
        %while3A_474 = arith.addi %while3A_472, %while3A_473 : i32
        %while3A_475 = arith.constant 1 : i32
        %while3A_476 = arith.divsi %while3A_473, %while3A_475 : i32
        %while3A_477 = arith.muli %while3A_476, %while3A_475 : i32
        %while3A_478 = arith.addi %while3A_472, %while3A_477 : i32
        %while3A_479 = arith.constant 1 : i32
        scf.for %while3A_933 = %while3A_472 to %while3A_478 step %while3A_479  : i32 {
          %mul3A_934 = arith.constant 16 : i32
          %mul3A_935 = arith.muli %while3A_933, %mul3A_934 : i32
          %add3A_936 = arith.constant 8192 : i32
          %add3A_937 = arith.addi %add3A_936, %mul3A_935 : i32
          %get3A_938 = arith.index_cast %add3A_937 : i32 to index
          %get3A_939 = tpu.vector_load %arg9[%get3A_938] {strides = array<i32>} : memref<32784xi32, #tpu.memory_space<vmem>>, vector<16xi32>,
          %mul3A_940 = arith.constant 16 : i32
          %mul3A_941 = arith.muli %while3A_933, %mul3A_940 : i32
          %add3A_942 = arith.addi %add3A_440, %mul3A_941 : i32
          %mul3A_943 = arith.constant 16 : i32
          %mul3A_944 = arith.muli %while3A_933, %mul3A_943 : i32
          %add3A_945 = vector.broadcast %mul3A_944 : i32 to vector<16xi32>
          %add3A_946 = arith.addi %add3A_945, %iota3A : vector<16xi32>
          %lt3A_947 = vector.broadcast %squeeze3A_442 : i32 to vector<16xi32>
          %lt3A_948 = arith.cmpi slt, %add3A_946, %lt3A_947 : vector<16xi32>
          %swap3A_949 = arith.index_cast %add3A_942 : i32 to index
          %swap3A_950 = tpu.vector_load %arg9[%swap3A_949] masked %lt3A_948 {strides = array<i32>} : memref<32784xi32, #tpu.memory_space<vmem>>, vector<16xi32>, vector<16xi1>
          tpu.vector_store %arg9[%swap3A_949], %get3A_939 masked %lt3A_948 {strides = array<i32>} : memref<32784xi32, #tpu.memory_space<vmem>>, vector<16xi32>, vector<16xi1>
        }
        %while3A_480 = arith.constant 1 : i32
        scf.for %while3A_933 = %while3A_478 to %while3A_474 step %while3A_480  : i32 {
          %mul3A_934 = arith.constant 16 : i32
          %mul3A_935 = arith.muli %while3A_933, %mul3A_934 : i32
          %add3A_936 = arith.constant 8192 : i32
          %add3A_937 = arith.addi %add3A_936, %mul3A_935 : i32
          %get3A_938 = arith.index_cast %add3A_937 : i32 to index
          %get3A_939 = tpu.vector_load %arg9[%get3A_938] {strides = array<i32>} : memref<32784xi32, #tpu.memory_space<vmem>>, vector<16xi32>,
          %mul3A_940 = arith.constant 16 : i32
          %mul3A_941 = arith.muli %while3A_933, %mul3A_940 : i32
          %add3A_942 = arith.addi %add3A_440, %mul3A_941 : i32
          %mul3A_943 = arith.constant 16 : i32
          %mul3A_944 = arith.muli %while3A_933, %mul3A_943 : i32
          %add3A_945 = vector.broadcast %mul3A_944 : i32 to vector<16xi32>
          %add3A_946 = arith.addi %add3A_945, %iota3A : vector<16xi32>
          %lt3A_947 = vector.broadcast %squeeze3A_442 : i32 to vector<16xi32>
          %lt3A_948 = arith.cmpi slt, %add3A_946, %lt3A_947 : vector<16xi32>
          %swap3A_949 = arith.index_cast %add3A_942 : i32 to index
          %swap3A_950 = tpu.vector_load %arg9[%swap3A_949] masked %lt3A_948 {strides = array<i32>} : memref<32784xi32, #tpu.memory_space<vmem>>, vector<16xi32>, vector<16xi1>
          tpu.vector_store %arg9[%swap3A_949], %get3A_939 masked %lt3A_948 {strides = array<i32>} : memref<32784xi32, #tpu.memory_space<vmem>>, vector<16xi32>, vector<16xi1>
        }
        %add3A_481 = arith.addi %add3A_440, %squeeze3A_442 : i32
        %slice3A_482 = vector.extract_strided_slice %scan3A_49 {offsets = [5], sizes = [1], strides = [1]} : vector<16xi32> to vector<1xi32>
        %squeeze3A_483 = vector.extract %slice3A_482[0] : i32 from vector<1xi32>
        %add3A_484 = arith.constant 16 : i32
        %add3A_485 = arith.addi %squeeze3A_483, %add3A_484 : i32
        %sub3A_486 = arith.constant 1 : i32
        %sub3A_487 = arith.subi %add3A_485, %sub3A_486 : i32
        %jit3A_488 = arith.constant 16 : i32
        %div3A_489 = arith.divsi %sub3A_487, %jit3A_488 : i32
        %sign3A_490 = arith.constant 0 : i32
        %sign3A_491 = arith.cmpi sgt, %sub3A_487, %sign3A_490 : i32
        %sign3A_492 = arith.extui %sign3A_491 : i1 to i32
        %sign3A_493 = arith.constant 0 : i32
        %sign3A_494 = arith.cmpi slt, %sub3A_487, %sign3A_493 : i32
        %sign3A_495 = arith.extui %sign3A_494 : i1 to i32
        %sign3A_496 = arith.subi %sign3A_492, %sign3A_495 : i32
        %sign3A_497 = arith.constant 0 : i32
        %sign3A_498 = arith.cmpi sgt, %jit3A_488, %sign3A_497 : i32
        %sign3A_499 = arith.extui %sign3A_498 : i1 to i32
        %sign3A_500 = arith.constant 0 : i32
        %sign3A_501 = arith.cmpi slt, %jit3A_488, %sign3A_500 : i32
        %sign3A_502 = arith.extui %sign3A_501 : i1 to i32
        %sign3A_503 = arith.subi %sign3A_499, %sign3A_502 : i32
        %ne3A_504 = arith.cmpi ne, %sign3A_496, %sign3A_503 : i32
        %rem3A_505 = arith.remsi %sub3A_487, %jit3A_488 : i32
        %ne3A_506 = arith.constant 0 : i32
        %ne3A_507 = arith.cmpi ne, %rem3A_505, %ne3A_506 : i32
        %and3A_508 = arith.andi %ne3A_504, %ne3A_507 : i1
        %sub3A_509 = arith.constant 1 : i32
        %sub3A_510 = arith.subi %div3A_489, %sub3A_509 : i32
        %select_n3A_511 = arith.select %and3A_508, %sub3A_510, %div3A_489 : i32
        %while3A_512 = arith.constant 0 : i32
        %while3A_513 = arith.constant 0 : i32
        %while3A_514 = arith.subi %select_n3A_511, %while3A_513 : i32
        %while3A_515 = arith.addi %while3A_513, %while3A_514 : i32
        %while3A_516 = arith.constant 1 : i32
        %while3A_517 = arith.divsi %while3A_514, %while3A_516 : i32
        %while3A_518 = arith.muli %while3A_517, %while3A_516 : i32
        %while3A_519 = arith.addi %while3A_513, %while3A_518 : i32
        %while3A_520 = arith.constant 1 : i32
        scf.for %while3A_933 = %while3A_513 to %while3A_519 step %while3A_520  : i32 {
          %mul3A_934 = arith.constant 16 : i32
          %mul3A_935 = arith.muli %while3A_933, %mul3A_934 : i32
          %add3A_936 = arith.constant 10240 : i32
          %add3A_937 = arith.addi %add3A_936, %mul3A_935 : i32
          %get3A_938 = arith.index_cast %add3A_937 : i32 to index
          %get3A_939 = tpu.vector_load %arg9[%get3A_938] {strides = array<i32>} : memref<32784xi32, #tpu.memory_space<vmem>>, vector<16xi32>,
          %mul3A_940 = arith.constant 16 : i32
          %mul3A_941 = arith.muli %while3A_933, %mul3A_940 : i32
          %add3A_942 = arith.addi %add3A_481, %mul3A_941 : i32
          %mul3A_943 = arith.constant 16 : i32
          %mul3A_944 = arith.muli %while3A_933, %mul3A_943 : i32
          %add3A_945 = vector.broadcast %mul3A_944 : i32 to vector<16xi32>
          %add3A_946 = arith.addi %add3A_945, %iota3A : vector<16xi32>
          %lt3A_947 = vector.broadcast %squeeze3A_483 : i32 to vector<16xi32>
          %lt3A_948 = arith.cmpi slt, %add3A_946, %lt3A_947 : vector<16xi32>
          %swap3A_949 = arith.index_cast %add3A_942 : i32 to index
          %swap3A_950 = tpu.vector_load %arg9[%swap3A_949] masked %lt3A_948 {strides = array<i32>} : memref<32784xi32, #tpu.memory_space<vmem>>, vector<16xi32>, vector<16xi1>
          tpu.vector_store %arg9[%swap3A_949], %get3A_939 masked %lt3A_948 {strides = array<i32>} : memref<32784xi32, #tpu.memory_space<vmem>>, vector<16xi32>, vector<16xi1>
        }
        %while3A_521 = arith.constant 1 : i32
        scf.for %while3A_933 = %while3A_519 to %while3A_515 step %while3A_521  : i32 {
          %mul3A_934 = arith.constant 16 : i32
          %mul3A_935 = arith.muli %while3A_933, %mul3A_934 : i32
          %add3A_936 = arith.constant 10240 : i32
          %add3A_937 = arith.addi %add3A_936, %mul3A_935 : i32
          %get3A_938 = arith.index_cast %add3A_937 : i32 to index
          %get3A_939 = tpu.vector_load %arg9[%get3A_938] {strides = array<i32>} : memref<32784xi32, #tpu.memory_space<vmem>>, vector<16xi32>,
          %mul3A_940 = arith.constant 16 : i32
          %mul3A_941 = arith.muli %while3A_933, %mul3A_940 : i32
          %add3A_942 = arith.addi %add3A_481, %mul3A_941 : i32
          %mul3A_943 = arith.constant 16 : i32
          %mul3A_944 = arith.muli %while3A_933, %mul3A_943 : i32
          %add3A_945 = vector.broadcast %mul3A_944 : i32 to vector<16xi32>
          %add3A_946 = arith.addi %add3A_945, %iota3A : vector<16xi32>
          %lt3A_947 = vector.broadcast %squeeze3A_483 : i32 to vector<16xi32>
          %lt3A_948 = arith.cmpi slt, %add3A_946, %lt3A_947 : vector<16xi32>
          %swap3A_949 = arith.index_cast %add3A_942 : i32 to index
          %swap3A_950 = tpu.vector_load %arg9[%swap3A_949] masked %lt3A_948 {strides = array<i32>} : memref<32784xi32, #tpu.memory_space<vmem>>, vector<16xi32>, vector<16xi1>
          tpu.vector_store %arg9[%swap3A_949], %get3A_939 masked %lt3A_948 {strides = array<i32>} : memref<32784xi32, #tpu.memory_space<vmem>>, vector<16xi32>, vector<16xi1>
        }
        %add3A_522 = arith.addi %add3A_481, %squeeze3A_483 : i32
        %slice3A_523 = vector.extract_strided_slice %scan3A_49 {offsets = [6], sizes = [1], strides = [1]} : vector<16xi32> to vector<1xi32>
        %squeeze3A_524 = vector.extract %slice3A_523[0] : i32 from vector<1xi32>
        %add3A_525 = arith.constant 16 : i32
        %add3A_526 = arith.addi %squeeze3A_524, %add3A_525 : i32
        %sub3A_527 = arith.constant 1 : i32
        %sub3A_528 = arith.subi %add3A_526, %sub3A_527 : i32
        %jit3A_529 = arith.constant 16 : i32
        %div3A_530 = arith.divsi %sub3A_528, %jit3A_529 : i32
        %sign3A_531 = arith.constant 0 : i32
        %sign3A_532 = arith.cmpi sgt, %sub3A_528, %sign3A_531 : i32
        %sign3A_533 = arith.extui %sign3A_532 : i1 to i32
        %sign3A_534 = arith.constant 0 : i32
        %sign3A_535 = arith.cmpi slt, %sub3A_528, %sign3A_534 : i32
        %sign3A_536 = arith.extui %sign3A_535 : i1 to i32
        %sign3A_537 = arith.subi %sign3A_533, %sign3A_536 : i32
        %sign3A_538 = arith.constant 0 : i32
        %sign3A_539 = arith.cmpi sgt, %jit3A_529, %sign3A_538 : i32
        %sign3A_540 = arith.extui %sign3A_539 : i1 to i32
        %sign3A_541 = arith.constant 0 : i32
        %sign3A_542 = arith.cmpi slt, %jit3A_529, %sign3A_541 : i32
        %sign3A_543 = arith.extui %sign3A_542 : i1 to i32
        %sign3A_544 = arith.subi %sign3A_540, %sign3A_543 : i32
        %ne3A_545 = arith.cmpi ne, %sign3A_537, %sign3A_544 : i32
        %rem3A_546 = arith.remsi %sub3A_528, %jit3A_529 : i32
        %ne3A_547 = arith.constant 0 : i32
        %ne3A_548 = arith.cmpi ne, %rem3A_546, %ne3A_547 : i32
        %and3A_549 = arith.andi %ne3A_545, %ne3A_548 : i1
        %sub3A_550 = arith.constant 1 : i32
        %sub3A_551 = arith.subi %div3A_530, %sub3A_550 : i32
        %select_n3A_552 = arith.select %and3A_549, %sub3A_551, %div3A_530 : i32
        %while3A_553 = arith.constant 0 : i32
        %while3A_554 = arith.constant 0 : i32
        %while3A_555 = arith.subi %select_n3A_552, %while3A_554 : i32
        %while3A_556 = arith.addi %while3A_554, %while3A_555 : i32
        %while3A_557 = arith.constant 1 : i32
        %while3A_558 = arith.divsi %while3A_555, %while3A_557 : i32
        %while3A_559 = arith.muli %while3A_558, %while3A_557 : i32
        %while3A_560 = arith.addi %while3A_554, %while3A_559 : i32
        %while3A_561 = arith.constant 1 : i32
        scf.for %while3A_933 = %while3A_554 to %while3A_560 step %while3A_561  : i32 {
          %mul3A_934 = arith.constant 16 : i32
          %mul3A_935 = arith.muli %while3A_933, %mul3A_934 : i32
          %add3A_936 = arith.constant 12288 : i32
          %add3A_937 = arith.addi %add3A_936, %mul3A_935 : i32
          %get3A_938 = arith.index_cast %add3A_937 : i32 to index
          %get3A_939 = tpu.vector_load %arg9[%get3A_938] {strides = array<i32>} : memref<32784xi32, #tpu.memory_space<vmem>>, vector<16xi32>,
          %mul3A_940 = arith.constant 16 : i32
          %mul3A_941 = arith.muli %while3A_933, %mul3A_940 : i32
          %add3A_942 = arith.addi %add3A_522, %mul3A_941 : i32
          %mul3A_943 = arith.constant 16 : i32
          %mul3A_944 = arith.muli %while3A_933, %mul3A_943 : i32
          %add3A_945 = vector.broadcast %mul3A_944 : i32 to vector<16xi32>
          %add3A_946 = arith.addi %add3A_945, %iota3A : vector<16xi32>
          %lt3A_947 = vector.broadcast %squeeze3A_524 : i32 to vector<16xi32>
          %lt3A_948 = arith.cmpi slt, %add3A_946, %lt3A_947 : vector<16xi32>
          %swap3A_949 = arith.index_cast %add3A_942 : i32 to index
          %swap3A_950 = tpu.vector_load %arg9[%swap3A_949] masked %lt3A_948 {strides = array<i32>} : memref<32784xi32, #tpu.memory_space<vmem>>, vector<16xi32>, vector<16xi1>
          tpu.vector_store %arg9[%swap3A_949], %get3A_939 masked %lt3A_948 {strides = array<i32>} : memref<32784xi32, #tpu.memory_space<vmem>>, vector<16xi32>, vector<16xi1>
        }
        %while3A_562 = arith.constant 1 : i32
        scf.for %while3A_933 = %while3A_560 to %while3A_556 step %while3A_562  : i32 {
          %mul3A_934 = arith.constant 16 : i32
          %mul3A_935 = arith.muli %while3A_933, %mul3A_934 : i32
          %add3A_936 = arith.constant 12288 : i32
          %add3A_937 = arith.addi %add3A_936, %mul3A_935 : i32
          %get3A_938 = arith.index_cast %add3A_937 : i32 to index
          %get3A_939 = tpu.vector_load %arg9[%get3A_938] {strides = array<i32>} : memref<32784xi32, #tpu.memory_space<vmem>>, vector<16xi32>,
          %mul3A_940 = arith.constant 16 : i32
          %mul3A_941 = arith.muli %while3A_933, %mul3A_940 : i32
          %add3A_942 = arith.addi %add3A_522, %mul3A_941 : i32
          %mul3A_943 = arith.constant 16 : i32
          %mul3A_944 = arith.muli %while3A_933, %mul3A_943 : i32
          %add3A_945 = vector.broadcast %mul3A_944 : i32 to vector<16xi32>
          %add3A_946 = arith.addi %add3A_945, %iota3A : vector<16xi32>
          %lt3A_947 = vector.broadcast %squeeze3A_524 : i32 to vector<16xi32>
          %lt3A_948 = arith.cmpi slt, %add3A_946, %lt3A_947 : vector<16xi32>
          %swap3A_949 = arith.index_cast %add3A_942 : i32 to index
          %swap3A_950 = tpu.vector_load %arg9[%swap3A_949] masked %lt3A_948 {strides = array<i32>} : memref<32784xi32, #tpu.memory_space<vmem>>, vector<16xi32>, vector<16xi1>
          tpu.vector_store %arg9[%swap3A_949], %get3A_939 masked %lt3A_948 {strides = array<i32>} : memref<32784xi32, #tpu.memory_space<vmem>>, vector<16xi32>, vector<16xi1>
        }
        %add3A_563 = arith.addi %add3A_522, %squeeze3A_524 : i32
        %slice3A_564 = vector.extract_strided_slice %scan3A_49 {offsets = [7], sizes = [1], strides = [1]} : vector<16xi32> to vector<1xi32>
        %squeeze3A_565 = vector.extract %slice3A_564[0] : i32 from vector<1xi32>
        %add3A_566 = arith.constant 16 : i32
        %add3A_567 = arith.addi %squeeze3A_565, %add3A_566 : i32
        %sub3A_568 = arith.constant 1 : i32
        %sub3A_569 = arith.subi %add3A_567, %sub3A_568 : i32
        %jit3A_570 = arith.constant 16 : i32
        %div3A_571 = arith.divsi %sub3A_569, %jit3A_570 : i32
        %sign3A_572 = arith.constant 0 : i32
        %sign3A_573 = arith.cmpi sgt, %sub3A_569, %sign3A_572 : i32
        %sign3A_574 = arith.extui %sign3A_573 : i1 to i32
        %sign3A_575 = arith.constant 0 : i32
        %sign3A_576 = arith.cmpi slt, %sub3A_569, %sign3A_575 : i32
        %sign3A_577 = arith.extui %sign3A_576 : i1 to i32
        %sign3A_578 = arith.subi %sign3A_574, %sign3A_577 : i32
        %sign3A_579 = arith.constant 0 : i32
        %sign3A_580 = arith.cmpi sgt, %jit3A_570, %sign3A_579 : i32
        %sign3A_581 = arith.extui %sign3A_580 : i1 to i32
        %sign3A_582 = arith.constant 0 : i32
        %sign3A_583 = arith.cmpi slt, %jit3A_570, %sign3A_582 : i32
        %sign3A_584 = arith.extui %sign3A_583 : i1 to i32
        %sign3A_585 = arith.subi %sign3A_581, %sign3A_584 : i32
        %ne3A_586 = arith.cmpi ne, %sign3A_578, %sign3A_585 : i32
        %rem3A_587 = arith.remsi %sub3A_569, %jit3A_570 : i32
        %ne3A_588 = arith.constant 0 : i32
        %ne3A_589 = arith.cmpi ne, %rem3A_587, %ne3A_588 : i32
        %and3A_590 = arith.andi %ne3A_586, %ne3A_589 : i1
        %sub3A_591 = arith.constant 1 : i32
        %sub3A_592 = arith.subi %div3A_571, %sub3A_591 : i32
        %select_n3A_593 = arith.select %and3A_590, %sub3A_592, %div3A_571 : i32
        %while3A_594 = arith.constant 0 : i32
        %while3A_595 = arith.constant 0 : i32
        %while3A_596 = arith.subi %select_n3A_593, %while3A_595 : i32
        %while3A_597 = arith.addi %while3A_595, %while3A_596 : i32
        %while3A_598 = arith.constant 1 : i32
        %while3A_599 = arith.divsi %while3A_596, %while3A_598 : i32
        %while3A_600 = arith.muli %while3A_599, %while3A_598 : i32
        %while3A_601 = arith.addi %while3A_595, %while3A_600 : i32
        %while3A_602 = arith.constant 1 : i32
        scf.for %while3A_933 = %while3A_595 to %while3A_601 step %while3A_602  : i32 {
          %mul3A_934 = arith.constant 16 : i32
          %mul3A_935 = arith.muli %while3A_933, %mul3A_934 : i32
          %add3A_936 = arith.constant 14336 : i32
          %add3A_937 = arith.addi %add3A_936, %mul3A_935 : i32
          %get3A_938 = arith.index_cast %add3A_937 : i32 to index
          %get3A_939 = tpu.vector_load %arg9[%get3A_938] {strides = array<i32>} : memref<32784xi32, #tpu.memory_space<vmem>>, vector<16xi32>,
          %mul3A_940 = arith.constant 16 : i32
          %mul3A_941 = arith.muli %while3A_933, %mul3A_940 : i32
          %add3A_942 = arith.addi %add3A_563, %mul3A_941 : i32
          %mul3A_943 = arith.constant 16 : i32
          %mul3A_944 = arith.muli %while3A_933, %mul3A_943 : i32
          %add3A_945 = vector.broadcast %mul3A_944 : i32 to vector<16xi32>
          %add3A_946 = arith.addi %add3A_945, %iota3A : vector<16xi32>
          %lt3A_947 = vector.broadcast %squeeze3A_565 : i32 to vector<16xi32>
          %lt3A_948 = arith.cmpi slt, %add3A_946, %lt3A_947 : vector<16xi32>
          %swap3A_949 = arith.index_cast %add3A_942 : i32 to index
          %swap3A_950 = tpu.vector_load %arg9[%swap3A_949] masked %lt3A_948 {strides = array<i32>} : memref<32784xi32, #tpu.memory_space<vmem>>, vector<16xi32>, vector<16xi1>
          tpu.vector_store %arg9[%swap3A_949], %get3A_939 masked %lt3A_948 {strides = array<i32>} : memref<32784xi32, #tpu.memory_space<vmem>>, vector<16xi32>, vector<16xi1>
        }
        %while3A_603 = arith.constant 1 : i32
        scf.for %while3A_933 = %while3A_601 to %while3A_597 step %while3A_603  : i32 {
          %mul3A_934 = arith.constant 16 : i32
          %mul3A_935 = arith.muli %while3A_933, %mul3A_934 : i32
          %add3A_936 = arith.constant 14336 : i32
          %add3A_937 = arith.addi %add3A_936, %mul3A_935 : i32
          %get3A_938 = arith.index_cast %add3A_937 : i32 to index
          %get3A_939 = tpu.vector_load %arg9[%get3A_938] {strides = array<i32>} : memref<32784xi32, #tpu.memory_space<vmem>>, vector<16xi32>,
          %mul3A_940 = arith.constant 16 : i32
          %mul3A_941 = arith.muli %while3A_933, %mul3A_940 : i32
          %add3A_942 = arith.addi %add3A_563, %mul3A_941 : i32
          %mul3A_943 = arith.constant 16 : i32
          %mul3A_944 = arith.muli %while3A_933, %mul3A_943 : i32
          %add3A_945 = vector.broadcast %mul3A_944 : i32 to vector<16xi32>
          %add3A_946 = arith.addi %add3A_945, %iota3A : vector<16xi32>
          %lt3A_947 = vector.broadcast %squeeze3A_565 : i32 to vector<16xi32>
          %lt3A_948 = arith.cmpi slt, %add3A_946, %lt3A_947 : vector<16xi32>
          %swap3A_949 = arith.index_cast %add3A_942 : i32 to index
          %swap3A_950 = tpu.vector_load %arg9[%swap3A_949] masked %lt3A_948 {strides = array<i32>} : memref<32784xi32, #tpu.memory_space<vmem>>, vector<16xi32>, vector<16xi1>
          tpu.vector_store %arg9[%swap3A_949], %get3A_939 masked %lt3A_948 {strides = array<i32>} : memref<32784xi32, #tpu.memory_space<vmem>>, vector<16xi32>, vector<16xi1>
        }
        %add3A_604 = arith.addi %add3A_563, %squeeze3A_565 : i32
        %slice3A_605 = vector.extract_strided_slice %scan3A_49 {offsets = [8], sizes = [1], strides = [1]} : vector<16xi32> to vector<1xi32>
        %squeeze3A_606 = vector.extract %slice3A_605[0] : i32 from vector<1xi32>
        %add3A_607 = arith.constant 16 : i32
        %add3A_608 = arith.addi %squeeze3A_606, %add3A_607 : i32
        %sub3A_609 = arith.constant 1 : i32
        %sub3A_610 = arith.subi %add3A_608, %sub3A_609 : i32
        %jit3A_611 = arith.constant 16 : i32
        %div3A_612 = arith.divsi %sub3A_610, %jit3A_611 : i32
        %sign3A_613 = arith.constant 0 : i32
        %sign3A_614 = arith.cmpi sgt, %sub3A_610, %sign3A_613 : i32
        %sign3A_615 = arith.extui %sign3A_614 : i1 to i32
        %sign3A_616 = arith.constant 0 : i32
        %sign3A_617 = arith.cmpi slt, %sub3A_610, %sign3A_616 : i32
        %sign3A_618 = arith.extui %sign3A_617 : i1 to i32
        %sign3A_619 = arith.subi %sign3A_615, %sign3A_618 : i32
        %sign3A_620 = arith.constant 0 : i32
        %sign3A_621 = arith.cmpi sgt, %jit3A_611, %sign3A_620 : i32
        %sign3A_622 = arith.extui %sign3A_621 : i1 to i32
        %sign3A_623 = arith.constant 0 : i32
        %sign3A_624 = arith.cmpi slt, %jit3A_611, %sign3A_623 : i32
        %sign3A_625 = arith.extui %sign3A_624 : i1 to i32
        %sign3A_626 = arith.subi %sign3A_622, %sign3A_625 : i32
        %ne3A_627 = arith.cmpi ne, %sign3A_619, %sign3A_626 : i32
        %rem3A_628 = arith.remsi %sub3A_610, %jit3A_611 : i32
        %ne3A_629 = arith.constant 0 : i32
        %ne3A_630 = arith.cmpi ne, %rem3A_628, %ne3A_629 : i32
        %and3A_631 = arith.andi %ne3A_627, %ne3A_630 : i1
        %sub3A_632 = arith.constant 1 : i32
        %sub3A_633 = arith.subi %div3A_612, %sub3A_632 : i32
        %select_n3A_634 = arith.select %and3A_631, %sub3A_633, %div3A_612 : i32
        %while3A_635 = arith.constant 0 : i32
        %while3A_636 = arith.constant 0 : i32
        %while3A_637 = arith.subi %select_n3A_634, %while3A_636 : i32
        %while3A_638 = arith.addi %while3A_636, %while3A_637 : i32
        %while3A_639 = arith.constant 1 : i32
        %while3A_640 = arith.divsi %while3A_637, %while3A_639 : i32
        %while3A_641 = arith.muli %while3A_640, %while3A_639 : i32
        %while3A_642 = arith.addi %while3A_636, %while3A_641 : i32
        %while3A_643 = arith.constant 1 : i32
        scf.for %while3A_933 = %while3A_636 to %while3A_642 step %while3A_643  : i32 {
          %mul3A_934 = arith.constant 16 : i32
          %mul3A_935 = arith.muli %while3A_933, %mul3A_934 : i32
          %add3A_936 = arith.constant 16384 : i32
          %add3A_937 = arith.addi %add3A_936, %mul3A_935 : i32
          %get3A_938 = arith.index_cast %add3A_937 : i32 to index
          %get3A_939 = tpu.vector_load %arg9[%get3A_938] {strides = array<i32>} : memref<32784xi32, #tpu.memory_space<vmem>>, vector<16xi32>,
          %mul3A_940 = arith.constant 16 : i32
          %mul3A_941 = arith.muli %while3A_933, %mul3A_940 : i32
          %add3A_942 = arith.addi %add3A_604, %mul3A_941 : i32
          %mul3A_943 = arith.constant 16 : i32
          %mul3A_944 = arith.muli %while3A_933, %mul3A_943 : i32
          %add3A_945 = vector.broadcast %mul3A_944 : i32 to vector<16xi32>
          %add3A_946 = arith.addi %add3A_945, %iota3A : vector<16xi32>
          %lt3A_947 = vector.broadcast %squeeze3A_606 : i32 to vector<16xi32>
          %lt3A_948 = arith.cmpi slt, %add3A_946, %lt3A_947 : vector<16xi32>
          %swap3A_949 = arith.index_cast %add3A_942 : i32 to index
          %swap3A_950 = tpu.vector_load %arg9[%swap3A_949] masked %lt3A_948 {strides = array<i32>} : memref<32784xi32, #tpu.memory_space<vmem>>, vector<16xi32>, vector<16xi1>
          tpu.vector_store %arg9[%swap3A_949], %get3A_939 masked %lt3A_948 {strides = array<i32>} : memref<32784xi32, #tpu.memory_space<vmem>>, vector<16xi32>, vector<16xi1>
        }
        %while3A_644 = arith.constant 1 : i32
        scf.for %while3A_933 = %while3A_642 to %while3A_638 step %while3A_644  : i32 {
          %mul3A_934 = arith.constant 16 : i32
          %mul3A_935 = arith.muli %while3A_933, %mul3A_934 : i32
          %add3A_936 = arith.constant 16384 : i32
          %add3A_937 = arith.addi %add3A_936, %mul3A_935 : i32
          %get3A_938 = arith.index_cast %add3A_937 : i32 to index
          %get3A_939 = tpu.vector_load %arg9[%get3A_938] {strides = array<i32>} : memref<32784xi32, #tpu.memory_space<vmem>>, vector<16xi32>,
          %mul3A_940 = arith.constant 16 : i32
          %mul3A_941 = arith.muli %while3A_933, %mul3A_940 : i32
          %add3A_942 = arith.addi %add3A_604, %mul3A_941 : i32
          %mul3A_943 = arith.constant 16 : i32
          %mul3A_944 = arith.muli %while3A_933, %mul3A_943 : i32
          %add3A_945 = vector.broadcast %mul3A_944 : i32 to vector<16xi32>
          %add3A_946 = arith.addi %add3A_945, %iota3A : vector<16xi32>
          %lt3A_947 = vector.broadcast %squeeze3A_606 : i32 to vector<16xi32>
          %lt3A_948 = arith.cmpi slt, %add3A_946, %lt3A_947 : vector<16xi32>
          %swap3A_949 = arith.index_cast %add3A_942 : i32 to index
          %swap3A_950 = tpu.vector_load %arg9[%swap3A_949] masked %lt3A_948 {strides = array<i32>} : memref<32784xi32, #tpu.memory_space<vmem>>, vector<16xi32>, vector<16xi1>
          tpu.vector_store %arg9[%swap3A_949], %get3A_939 masked %lt3A_948 {strides = array<i32>} : memref<32784xi32, #tpu.memory_space<vmem>>, vector<16xi32>, vector<16xi1>
        }
        %add3A_645 = arith.addi %add3A_604, %squeeze3A_606 : i32
        %slice3A_646 = vector.extract_strided_slice %scan3A_49 {offsets = [9], sizes = [1], strides = [1]} : vector<16xi32> to vector<1xi32>
        %squeeze3A_647 = vector.extract %slice3A_646[0] : i32 from vector<1xi32>
        %add3A_648 = arith.constant 16 : i32
        %add3A_649 = arith.addi %squeeze3A_647, %add3A_648 : i32
        %sub3A_650 = arith.constant 1 : i32
        %sub3A_651 = arith.subi %add3A_649, %sub3A_650 : i32
        %jit3A_652 = arith.constant 16 : i32
        %div3A_653 = arith.divsi %sub3A_651, %jit3A_652 : i32
        %sign3A_654 = arith.constant 0 : i32
        %sign3A_655 = arith.cmpi sgt, %sub3A_651, %sign3A_654 : i32
        %sign3A_656 = arith.extui %sign3A_655 : i1 to i32
        %sign3A_657 = arith.constant 0 : i32
        %sign3A_658 = arith.cmpi slt, %sub3A_651, %sign3A_657 : i32
        %sign3A_659 = arith.extui %sign3A_658 : i1 to i32
        %sign3A_660 = arith.subi %sign3A_656, %sign3A_659 : i32
        %sign3A_661 = arith.constant 0 : i32
        %sign3A_662 = arith.cmpi sgt, %jit3A_652, %sign3A_661 : i32
        %sign3A_663 = arith.extui %sign3A_662 : i1 to i32
        %sign3A_664 = arith.constant 0 : i32
        %sign3A_665 = arith.cmpi slt, %jit3A_652, %sign3A_664 : i32
        %sign3A_666 = arith.extui %sign3A_665 : i1 to i32
        %sign3A_667 = arith.subi %sign3A_663, %sign3A_666 : i32
        %ne3A_668 = arith.cmpi ne, %sign3A_660, %sign3A_667 : i32
        %rem3A_669 = arith.remsi %sub3A_651, %jit3A_652 : i32
        %ne3A_670 = arith.constant 0 : i32
        %ne3A_671 = arith.cmpi ne, %rem3A_669, %ne3A_670 : i32
        %and3A_672 = arith.andi %ne3A_668, %ne3A_671 : i1
        %sub3A_673 = arith.constant 1 : i32
        %sub3A_674 = arith.subi %div3A_653, %sub3A_673 : i32
        %select_n3A_675 = arith.select %and3A_672, %sub3A_674, %div3A_653 : i32
        %while3A_676 = arith.constant 0 : i32
        %while3A_677 = arith.constant 0 : i32
        %while3A_678 = arith.subi %select_n3A_675, %while3A_677 : i32
        %while3A_679 = arith.addi %while3A_677, %while3A_678 : i32
        %while3A_680 = arith.constant 1 : i32
        %while3A_681 = arith.divsi %while3A_678, %while3A_680 : i32
        %while3A_682 = arith.muli %while3A_681, %while3A_680 : i32
        %while3A_683 = arith.addi %while3A_677, %while3A_682 : i32
        %while3A_684 = arith.constant 1 : i32
        scf.for %while3A_933 = %while3A_677 to %while3A_683 step %while3A_684  : i32 {
          %mul3A_934 = arith.constant 16 : i32
          %mul3A_935 = arith.muli %while3A_933, %mul3A_934 : i32
          %add3A_936 = arith.constant 18432 : i32
          %add3A_937 = arith.addi %add3A_936, %mul3A_935 : i32
          %get3A_938 = arith.index_cast %add3A_937 : i32 to index
          %get3A_939 = tpu.vector_load %arg9[%get3A_938] {strides = array<i32>} : memref<32784xi32, #tpu.memory_space<vmem>>, vector<16xi32>,
          %mul3A_940 = arith.constant 16 : i32
          %mul3A_941 = arith.muli %while3A_933, %mul3A_940 : i32
          %add3A_942 = arith.addi %add3A_645, %mul3A_941 : i32
          %mul3A_943 = arith.constant 16 : i32
          %mul3A_944 = arith.muli %while3A_933, %mul3A_943 : i32
          %add3A_945 = vector.broadcast %mul3A_944 : i32 to vector<16xi32>
          %add3A_946 = arith.addi %add3A_945, %iota3A : vector<16xi32>
          %lt3A_947 = vector.broadcast %squeeze3A_647 : i32 to vector<16xi32>
          %lt3A_948 = arith.cmpi slt, %add3A_946, %lt3A_947 : vector<16xi32>
          %swap3A_949 = arith.index_cast %add3A_942 : i32 to index
          %swap3A_950 = tpu.vector_load %arg9[%swap3A_949] masked %lt3A_948 {strides = array<i32>} : memref<32784xi32, #tpu.memory_space<vmem>>, vector<16xi32>, vector<16xi1>
          tpu.vector_store %arg9[%swap3A_949], %get3A_939 masked %lt3A_948 {strides = array<i32>} : memref<32784xi32, #tpu.memory_space<vmem>>, vector<16xi32>, vector<16xi1>
        }
        %while3A_685 = arith.constant 1 : i32
        scf.for %while3A_933 = %while3A_683 to %while3A_679 step %while3A_685  : i32 {
          %mul3A_934 = arith.constant 16 : i32
          %mul3A_935 = arith.muli %while3A_933, %mul3A_934 : i32
          %add3A_936 = arith.constant 18432 : i32
          %add3A_937 = arith.addi %add3A_936, %mul3A_935 : i32
          %get3A_938 = arith.index_cast %add3A_937 : i32 to index
          %get3A_939 = tpu.vector_load %arg9[%get3A_938] {strides = array<i32>} : memref<32784xi32, #tpu.memory_space<vmem>>, vector<16xi32>,
          %mul3A_940 = arith.constant 16 : i32
          %mul3A_941 = arith.muli %while3A_933, %mul3A_940 : i32
          %add3A_942 = arith.addi %add3A_645, %mul3A_941 : i32
          %mul3A_943 = arith.constant 16 : i32
          %mul3A_944 = arith.muli %while3A_933, %mul3A_943 : i32
          %add3A_945 = vector.broadcast %mul3A_944 : i32 to vector<16xi32>
          %add3A_946 = arith.addi %add3A_945, %iota3A : vector<16xi32>
          %lt3A_947 = vector.broadcast %squeeze3A_647 : i32 to vector<16xi32>
          %lt3A_948 = arith.cmpi slt, %add3A_946, %lt3A_947 : vector<16xi32>
          %swap3A_949 = arith.index_cast %add3A_942 : i32 to index
          %swap3A_950 = tpu.vector_load %arg9[%swap3A_949] masked %lt3A_948 {strides = array<i32>} : memref<32784xi32, #tpu.memory_space<vmem>>, vector<16xi32>, vector<16xi1>
          tpu.vector_store %arg9[%swap3A_949], %get3A_939 masked %lt3A_948 {strides = array<i32>} : memref<32784xi32, #tpu.memory_space<vmem>>, vector<16xi32>, vector<16xi1>
        }
        %add3A_686 = arith.addi %add3A_645, %squeeze3A_647 : i32
        %slice3A_687 = vector.extract_strided_slice %scan3A_49 {offsets = [10], sizes = [1], strides = [1]} : vector<16xi32> to vector<1xi32>
        %squeeze3A_688 = vector.extract %slice3A_687[0] : i32 from vector<1xi32>
        %add3A_689 = arith.constant 16 : i32
        %add3A_690 = arith.addi %squeeze3A_688, %add3A_689 : i32
        %sub3A_691 = arith.constant 1 : i32
        %sub3A_692 = arith.subi %add3A_690, %sub3A_691 : i32
        %jit3A_693 = arith.constant 16 : i32
        %div3A_694 = arith.divsi %sub3A_692, %jit3A_693 : i32
        %sign3A_695 = arith.constant 0 : i32
        %sign3A_696 = arith.cmpi sgt, %sub3A_692, %sign3A_695 : i32
        %sign3A_697 = arith.extui %sign3A_696 : i1 to i32
        %sign3A_698 = arith.constant 0 : i32
        %sign3A_699 = arith.cmpi slt, %sub3A_692, %sign3A_698 : i32
        %sign3A_700 = arith.extui %sign3A_699 : i1 to i32
        %sign3A_701 = arith.subi %sign3A_697, %sign3A_700 : i32
        %sign3A_702 = arith.constant 0 : i32
        %sign3A_703 = arith.cmpi sgt, %jit3A_693, %sign3A_702 : i32
        %sign3A_704 = arith.extui %sign3A_703 : i1 to i32
        %sign3A_705 = arith.constant 0 : i32
        %sign3A_706 = arith.cmpi slt, %jit3A_693, %sign3A_705 : i32
        %sign3A_707 = arith.extui %sign3A_706 : i1 to i32
        %sign3A_708 = arith.subi %sign3A_704, %sign3A_707 : i32
        %ne3A_709 = arith.cmpi ne, %sign3A_701, %sign3A_708 : i32
        %rem3A_710 = arith.remsi %sub3A_692, %jit3A_693 : i32
        %ne3A_711 = arith.constant 0 : i32
        %ne3A_712 = arith.cmpi ne, %rem3A_710, %ne3A_711 : i32
        %and3A_713 = arith.andi %ne3A_709, %ne3A_712 : i1
        %sub3A_714 = arith.constant 1 : i32
        %sub3A_715 = arith.subi %div3A_694, %sub3A_714 : i32
        %select_n3A_716 = arith.select %and3A_713, %sub3A_715, %div3A_694 : i32
        %while3A_717 = arith.constant 0 : i32
        %while3A_718 = arith.constant 0 : i32
        %while3A_719 = arith.subi %select_n3A_716, %while3A_718 : i32
        %while3A_720 = arith.addi %while3A_718, %while3A_719 : i32
        %while3A_721 = arith.constant 1 : i32
        %while3A_722 = arith.divsi %while3A_719, %while3A_721 : i32
        %while3A_723 = arith.muli %while3A_722, %while3A_721 : i32
        %while3A_724 = arith.addi %while3A_718, %while3A_723 : i32
        %while3A_725 = arith.constant 1 : i32
        scf.for %while3A_933 = %while3A_718 to %while3A_724 step %while3A_725  : i32 {
          %mul3A_934 = arith.constant 16 : i32
          %mul3A_935 = arith.muli %while3A_933, %mul3A_934 : i32
          %add3A_936 = arith.constant 20480 : i32
          %add3A_937 = arith.addi %add3A_936, %mul3A_935 : i32
          %get3A_938 = arith.index_cast %add3A_937 : i32 to index
          %get3A_939 = tpu.vector_load %arg9[%get3A_938] {strides = array<i32>} : memref<32784xi32, #tpu.memory_space<vmem>>, vector<16xi32>,
          %mul3A_940 = arith.constant 16 : i32
          %mul3A_941 = arith.muli %while3A_933, %mul3A_940 : i32
          %add3A_942 = arith.addi %add3A_686, %mul3A_941 : i32
          %mul3A_943 = arith.constant 16 : i32
          %mul3A_944 = arith.muli %while3A_933, %mul3A_943 : i32
          %add3A_945 = vector.broadcast %mul3A_944 : i32 to vector<16xi32>
          %add3A_946 = arith.addi %add3A_945, %iota3A : vector<16xi32>
          %lt3A_947 = vector.broadcast %squeeze3A_688 : i32 to vector<16xi32>
          %lt3A_948 = arith.cmpi slt, %add3A_946, %lt3A_947 : vector<16xi32>
          %swap3A_949 = arith.index_cast %add3A_942 : i32 to index
          %swap3A_950 = tpu.vector_load %arg9[%swap3A_949] masked %lt3A_948 {strides = array<i32>} : memref<32784xi32, #tpu.memory_space<vmem>>, vector<16xi32>, vector<16xi1>
          tpu.vector_store %arg9[%swap3A_949], %get3A_939 masked %lt3A_948 {strides = array<i32>} : memref<32784xi32, #tpu.memory_space<vmem>>, vector<16xi32>, vector<16xi1>
        }
        %while3A_726 = arith.constant 1 : i32
        scf.for %while3A_933 = %while3A_724 to %while3A_720 step %while3A_726  : i32 {
          %mul3A_934 = arith.constant 16 : i32
          %mul3A_935 = arith.muli %while3A_933, %mul3A_934 : i32
          %add3A_936 = arith.constant 20480 : i32
          %add3A_937 = arith.addi %add3A_936, %mul3A_935 : i32
          %get3A_938 = arith.index_cast %add3A_937 : i32 to index
          %get3A_939 = tpu.vector_load %arg9[%get3A_938] {strides = array<i32>} : memref<32784xi32, #tpu.memory_space<vmem>>, vector<16xi32>,
          %mul3A_940 = arith.constant 16 : i32
          %mul3A_941 = arith.muli %while3A_933, %mul3A_940 : i32
          %add3A_942 = arith.addi %add3A_686, %mul3A_941 : i32
          %mul3A_943 = arith.constant 16 : i32
          %mul3A_944 = arith.muli %while3A_933, %mul3A_943 : i32
          %add3A_945 = vector.broadcast %mul3A_944 : i32 to vector<16xi32>
          %add3A_946 = arith.addi %add3A_945, %iota3A : vector<16xi32>
          %lt3A_947 = vector.broadcast %squeeze3A_688 : i32 to vector<16xi32>
          %lt3A_948 = arith.cmpi slt, %add3A_946, %lt3A_947 : vector<16xi32>
          %swap3A_949 = arith.index_cast %add3A_942 : i32 to index
          %swap3A_950 = tpu.vector_load %arg9[%swap3A_949] masked %lt3A_948 {strides = array<i32>} : memref<32784xi32, #tpu.memory_space<vmem>>, vector<16xi32>, vector<16xi1>
          tpu.vector_store %arg9[%swap3A_949], %get3A_939 masked %lt3A_948 {strides = array<i32>} : memref<32784xi32, #tpu.memory_space<vmem>>, vector<16xi32>, vector<16xi1>
        }
        %add3A_727 = arith.addi %add3A_686, %squeeze3A_688 : i32
        %slice3A_728 = vector.extract_strided_slice %scan3A_49 {offsets = [11], sizes = [1], strides = [1]} : vector<16xi32> to vector<1xi32>
        %squeeze3A_729 = vector.extract %slice3A_728[0] : i32 from vector<1xi32>
        %add3A_730 = arith.constant 16 : i32
        %add3A_731 = arith.addi %squeeze3A_729, %add3A_730 : i32
        %sub3A_732 = arith.constant 1 : i32
        %sub3A_733 = arith.subi %add3A_731, %sub3A_732 : i32
        %jit3A_734 = arith.constant 16 : i32
        %div3A_735 = arith.divsi %sub3A_733, %jit3A_734 : i32
        %sign3A_736 = arith.constant 0 : i32
        %sign3A_737 = arith.cmpi sgt, %sub3A_733, %sign3A_736 : i32
        %sign3A_738 = arith.extui %sign3A_737 : i1 to i32
        %sign3A_739 = arith.constant 0 : i32
        %sign3A_740 = arith.cmpi slt, %sub3A_733, %sign3A_739 : i32
        %sign3A_741 = arith.extui %sign3A_740 : i1 to i32
        %sign3A_742 = arith.subi %sign3A_738, %sign3A_741 : i32
        %sign3A_743 = arith.constant 0 : i32
        %sign3A_744 = arith.cmpi sgt, %jit3A_734, %sign3A_743 : i32
        %sign3A_745 = arith.extui %sign3A_744 : i1 to i32
        %sign3A_746 = arith.constant 0 : i32
        %sign3A_747 = arith.cmpi slt, %jit3A_734, %sign3A_746 : i32
        %sign3A_748 = arith.extui %sign3A_747 : i1 to i32
        %sign3A_749 = arith.subi %sign3A_745, %sign3A_748 : i32
        %ne3A_750 = arith.cmpi ne, %sign3A_742, %sign3A_749 : i32
        %rem3A_751 = arith.remsi %sub3A_733, %jit3A_734 : i32
        %ne3A_752 = arith.constant 0 : i32
        %ne3A_753 = arith.cmpi ne, %rem3A_751, %ne3A_752 : i32
        %and3A_754 = arith.andi %ne3A_750, %ne3A_753 : i1
        %sub3A_755 = arith.constant 1 : i32
        %sub3A_756 = arith.subi %div3A_735, %sub3A_755 : i32
        %select_n3A_757 = arith.select %and3A_754, %sub3A_756, %div3A_735 : i32
        %while3A_758 = arith.constant 0 : i32
        %while3A_759 = arith.constant 0 : i32
        %while3A_760 = arith.subi %select_n3A_757, %while3A_759 : i32
        %while3A_761 = arith.addi %while3A_759, %while3A_760 : i32
        %while3A_762 = arith.constant 1 : i32
        %while3A_763 = arith.divsi %while3A_760, %while3A_762 : i32
        %while3A_764 = arith.muli %while3A_763, %while3A_762 : i32
        %while3A_765 = arith.addi %while3A_759, %while3A_764 : i32
        %while3A_766 = arith.constant 1 : i32
        scf.for %while3A_933 = %while3A_759 to %while3A_765 step %while3A_766  : i32 {
          %mul3A_934 = arith.constant 16 : i32
          %mul3A_935 = arith.muli %while3A_933, %mul3A_934 : i32
          %add3A_936 = arith.constant 22528 : i32
          %add3A_937 = arith.addi %add3A_936, %mul3A_935 : i32
          %get3A_938 = arith.index_cast %add3A_937 : i32 to index
          %get3A_939 = tpu.vector_load %arg9[%get3A_938] {strides = array<i32>} : memref<32784xi32, #tpu.memory_space<vmem>>, vector<16xi32>,
          %mul3A_940 = arith.constant 16 : i32
          %mul3A_941 = arith.muli %while3A_933, %mul3A_940 : i32
          %add3A_942 = arith.addi %add3A_727, %mul3A_941 : i32
          %mul3A_943 = arith.constant 16 : i32
          %mul3A_944 = arith.muli %while3A_933, %mul3A_943 : i32
          %add3A_945 = vector.broadcast %mul3A_944 : i32 to vector<16xi32>
          %add3A_946 = arith.addi %add3A_945, %iota3A : vector<16xi32>
          %lt3A_947 = vector.broadcast %squeeze3A_729 : i32 to vector<16xi32>
          %lt3A_948 = arith.cmpi slt, %add3A_946, %lt3A_947 : vector<16xi32>
          %swap3A_949 = arith.index_cast %add3A_942 : i32 to index
          %swap3A_950 = tpu.vector_load %arg9[%swap3A_949] masked %lt3A_948 {strides = array<i32>} : memref<32784xi32, #tpu.memory_space<vmem>>, vector<16xi32>, vector<16xi1>
          tpu.vector_store %arg9[%swap3A_949], %get3A_939 masked %lt3A_948 {strides = array<i32>} : memref<32784xi32, #tpu.memory_space<vmem>>, vector<16xi32>, vector<16xi1>
        }
        %while3A_767 = arith.constant 1 : i32
        scf.for %while3A_933 = %while3A_765 to %while3A_761 step %while3A_767  : i32 {
          %mul3A_934 = arith.constant 16 : i32
          %mul3A_935 = arith.muli %while3A_933, %mul3A_934 : i32
          %add3A_936 = arith.constant 22528 : i32
          %add3A_937 = arith.addi %add3A_936, %mul3A_935 : i32
          %get3A_938 = arith.index_cast %add3A_937 : i32 to index
          %get3A_939 = tpu.vector_load %arg9[%get3A_938] {strides = array<i32>} : memref<32784xi32, #tpu.memory_space<vmem>>, vector<16xi32>,
          %mul3A_940 = arith.constant 16 : i32
          %mul3A_941 = arith.muli %while3A_933, %mul3A_940 : i32
          %add3A_942 = arith.addi %add3A_727, %mul3A_941 : i32
          %mul3A_943 = arith.constant 16 : i32
          %mul3A_944 = arith.muli %while3A_933, %mul3A_943 : i32
          %add3A_945 = vector.broadcast %mul3A_944 : i32 to vector<16xi32>
          %add3A_946 = arith.addi %add3A_945, %iota3A : vector<16xi32>
          %lt3A_947 = vector.broadcast %squeeze3A_729 : i32 to vector<16xi32>
          %lt3A_948 = arith.cmpi slt, %add3A_946, %lt3A_947 : vector<16xi32>
          %swap3A_949 = arith.index_cast %add3A_942 : i32 to index
          %swap3A_950 = tpu.vector_load %arg9[%swap3A_949] masked %lt3A_948 {strides = array<i32>} : memref<32784xi32, #tpu.memory_space<vmem>>, vector<16xi32>, vector<16xi1>
          tpu.vector_store %arg9[%swap3A_949], %get3A_939 masked %lt3A_948 {strides = array<i32>} : memref<32784xi32, #tpu.memory_space<vmem>>, vector<16xi32>, vector<16xi1>
        }
        %add3A_768 = arith.addi %add3A_727, %squeeze3A_729 : i32
        %slice3A_769 = vector.extract_strided_slice %scan3A_49 {offsets = [12], sizes = [1], strides = [1]} : vector<16xi32> to vector<1xi32>
        %squeeze3A_770 = vector.extract %slice3A_769[0] : i32 from vector<1xi32>
        %add3A_771 = arith.constant 16 : i32
        %add3A_772 = arith.addi %squeeze3A_770, %add3A_771 : i32
        %sub3A_773 = arith.constant 1 : i32
        %sub3A_774 = arith.subi %add3A_772, %sub3A_773 : i32
        %jit3A_775 = arith.constant 16 : i32
        %div3A_776 = arith.divsi %sub3A_774, %jit3A_775 : i32
        %sign3A_777 = arith.constant 0 : i32
        %sign3A_778 = arith.cmpi sgt, %sub3A_774, %sign3A_777 : i32
        %sign3A_779 = arith.extui %sign3A_778 : i1 to i32
        %sign3A_780 = arith.constant 0 : i32
        %sign3A_781 = arith.cmpi slt, %sub3A_774, %sign3A_780 : i32
        %sign3A_782 = arith.extui %sign3A_781 : i1 to i32
        %sign3A_783 = arith.subi %sign3A_779, %sign3A_782 : i32
        %sign3A_784 = arith.constant 0 : i32
        %sign3A_785 = arith.cmpi sgt, %jit3A_775, %sign3A_784 : i32
        %sign3A_786 = arith.extui %sign3A_785 : i1 to i32
        %sign3A_787 = arith.constant 0 : i32
        %sign3A_788 = arith.cmpi slt, %jit3A_775, %sign3A_787 : i32
        %sign3A_789 = arith.extui %sign3A_788 : i1 to i32
        %sign3A_790 = arith.subi %sign3A_786, %sign3A_789 : i32
        %ne3A_791 = arith.cmpi ne, %sign3A_783, %sign3A_790 : i32
        %rem3A_792 = arith.remsi %sub3A_774, %jit3A_775 : i32
        %ne3A_793 = arith.constant 0 : i32
        %ne3A_794 = arith.cmpi ne, %rem3A_792, %ne3A_793 : i32
        %and3A_795 = arith.andi %ne3A_791, %ne3A_794 : i1
        %sub3A_796 = arith.constant 1 : i32
        %sub3A_797 = arith.subi %div3A_776, %sub3A_796 : i32
        %select_n3A_798 = arith.select %and3A_795, %sub3A_797, %div3A_776 : i32
        %while3A_799 = arith.constant 0 : i32
        %while3A_800 = arith.constant 0 : i32
        %while3A_801 = arith.subi %select_n3A_798, %while3A_800 : i32
        %while3A_802 = arith.addi %while3A_800, %while3A_801 : i32
        %while3A_803 = arith.constant 1 : i32
        %while3A_804 = arith.divsi %while3A_801, %while3A_803 : i32
        %while3A_805 = arith.muli %while3A_804, %while3A_803 : i32
        %while3A_806 = arith.addi %while3A_800, %while3A_805 : i32
        %while3A_807 = arith.constant 1 : i32
        scf.for %while3A_933 = %while3A_800 to %while3A_806 step %while3A_807  : i32 {
          %mul3A_934 = arith.constant 16 : i32
          %mul3A_935 = arith.muli %while3A_933, %mul3A_934 : i32
          %add3A_936 = arith.constant 24576 : i32
          %add3A_937 = arith.addi %add3A_936, %mul3A_935 : i32
          %get3A_938 = arith.index_cast %add3A_937 : i32 to index
          %get3A_939 = tpu.vector_load %arg9[%get3A_938] {strides = array<i32>} : memref<32784xi32, #tpu.memory_space<vmem>>, vector<16xi32>,
          %mul3A_940 = arith.constant 16 : i32
          %mul3A_941 = arith.muli %while3A_933, %mul3A_940 : i32
          %add3A_942 = arith.addi %add3A_768, %mul3A_941 : i32
          %mul3A_943 = arith.constant 16 : i32
          %mul3A_944 = arith.muli %while3A_933, %mul3A_943 : i32
          %add3A_945 = vector.broadcast %mul3A_944 : i32 to vector<16xi32>
          %add3A_946 = arith.addi %add3A_945, %iota3A : vector<16xi32>
          %lt3A_947 = vector.broadcast %squeeze3A_770 : i32 to vector<16xi32>
          %lt3A_948 = arith.cmpi slt, %add3A_946, %lt3A_947 : vector<16xi32>
          %swap3A_949 = arith.index_cast %add3A_942 : i32 to index
          %swap3A_950 = tpu.vector_load %arg9[%swap3A_949] masked %lt3A_948 {strides = array<i32>} : memref<32784xi32, #tpu.memory_space<vmem>>, vector<16xi32>, vector<16xi1>
          tpu.vector_store %arg9[%swap3A_949], %get3A_939 masked %lt3A_948 {strides = array<i32>} : memref<32784xi32, #tpu.memory_space<vmem>>, vector<16xi32>, vector<16xi1>
        }
        %while3A_808 = arith.constant 1 : i32
        scf.for %while3A_933 = %while3A_806 to %while3A_802 step %while3A_808  : i32 {
          %mul3A_934 = arith.constant 16 : i32
          %mul3A_935 = arith.muli %while3A_933, %mul3A_934 : i32
          %add3A_936 = arith.constant 24576 : i32
          %add3A_937 = arith.addi %add3A_936, %mul3A_935 : i32
          %get3A_938 = arith.index_cast %add3A_937 : i32 to index
          %get3A_939 = tpu.vector_load %arg9[%get3A_938] {strides = array<i32>} : memref<32784xi32, #tpu.memory_space<vmem>>, vector<16xi32>,
          %mul3A_940 = arith.constant 16 : i32
          %mul3A_941 = arith.muli %while3A_933, %mul3A_940 : i32
          %add3A_942 = arith.addi %add3A_768, %mul3A_941 : i32
          %mul3A_943 = arith.constant 16 : i32
          %mul3A_944 = arith.muli %while3A_933, %mul3A_943 : i32
          %add3A_945 = vector.broadcast %mul3A_944 : i32 to vector<16xi32>
          %add3A_946 = arith.addi %add3A_945, %iota3A : vector<16xi32>
          %lt3A_947 = vector.broadcast %squeeze3A_770 : i32 to vector<16xi32>
          %lt3A_948 = arith.cmpi slt, %add3A_946, %lt3A_947 : vector<16xi32>
          %swap3A_949 = arith.index_cast %add3A_942 : i32 to index
          %swap3A_950 = tpu.vector_load %arg9[%swap3A_949] masked %lt3A_948 {strides = array<i32>} : memref<32784xi32, #tpu.memory_space<vmem>>, vector<16xi32>, vector<16xi1>
          tpu.vector_store %arg9[%swap3A_949], %get3A_939 masked %lt3A_948 {strides = array<i32>} : memref<32784xi32, #tpu.memory_space<vmem>>, vector<16xi32>, vector<16xi1>
        }
        %add3A_809 = arith.addi %add3A_768, %squeeze3A_770 : i32
        %slice3A_810 = vector.extract_strided_slice %scan3A_49 {offsets = [13], sizes = [1], strides = [1]} : vector<16xi32> to vector<1xi32>
        %squeeze3A_811 = vector.extract %slice3A_810[0] : i32 from vector<1xi32>
        %add3A_812 = arith.constant 16 : i32
        %add3A_813 = arith.addi %squeeze3A_811, %add3A_812 : i32
        %sub3A_814 = arith.constant 1 : i32
        %sub3A_815 = arith.subi %add3A_813, %sub3A_814 : i32
        %jit3A_816 = arith.constant 16 : i32
        %div3A_817 = arith.divsi %sub3A_815, %jit3A_816 : i32
        %sign3A_818 = arith.constant 0 : i32
        %sign3A_819 = arith.cmpi sgt, %sub3A_815, %sign3A_818 : i32
        %sign3A_820 = arith.extui %sign3A_819 : i1 to i32
        %sign3A_821 = arith.constant 0 : i32
        %sign3A_822 = arith.cmpi slt, %sub3A_815, %sign3A_821 : i32
        %sign3A_823 = arith.extui %sign3A_822 : i1 to i32
        %sign3A_824 = arith.subi %sign3A_820, %sign3A_823 : i32
        %sign3A_825 = arith.constant 0 : i32
        %sign3A_826 = arith.cmpi sgt, %jit3A_816, %sign3A_825 : i32
        %sign3A_827 = arith.extui %sign3A_826 : i1 to i32
        %sign3A_828 = arith.constant 0 : i32
        %sign3A_829 = arith.cmpi slt, %jit3A_816, %sign3A_828 : i32
        %sign3A_830 = arith.extui %sign3A_829 : i1 to i32
        %sign3A_831 = arith.subi %sign3A_827, %sign3A_830 : i32
        %ne3A_832 = arith.cmpi ne, %sign3A_824, %sign3A_831 : i32
        %rem3A_833 = arith.remsi %sub3A_815, %jit3A_816 : i32
        %ne3A_834 = arith.constant 0 : i32
        %ne3A_835 = arith.cmpi ne, %rem3A_833, %ne3A_834 : i32
        %and3A_836 = arith.andi %ne3A_832, %ne3A_835 : i1
        %sub3A_837 = arith.constant 1 : i32
        %sub3A_838 = arith.subi %div3A_817, %sub3A_837 : i32
        %select_n3A_839 = arith.select %and3A_836, %sub3A_838, %div3A_817 : i32
        %while3A_840 = arith.constant 0 : i32
        %while3A_841 = arith.constant 0 : i32
        %while3A_842 = arith.subi %select_n3A_839, %while3A_841 : i32
        %while3A_843 = arith.addi %while3A_841, %while3A_842 : i32
        %while3A_844 = arith.constant 1 : i32
        %while3A_845 = arith.divsi %while3A_842, %while3A_844 : i32
        %while3A_846 = arith.muli %while3A_845, %while3A_844 : i32
        %while3A_847 = arith.addi %while3A_841, %while3A_846 : i32
        %while3A_848 = arith.constant 1 : i32
        scf.for %while3A_933 = %while3A_841 to %while3A_847 step %while3A_848  : i32 {
          %mul3A_934 = arith.constant 16 : i32
          %mul3A_935 = arith.muli %while3A_933, %mul3A_934 : i32
          %add3A_936 = arith.constant 26624 : i32
          %add3A_937 = arith.addi %add3A_936, %mul3A_935 : i32
          %get3A_938 = arith.index_cast %add3A_937 : i32 to index
          %get3A_939 = tpu.vector_load %arg9[%get3A_938] {strides = array<i32>} : memref<32784xi32, #tpu.memory_space<vmem>>, vector<16xi32>,
          %mul3A_940 = arith.constant 16 : i32
          %mul3A_941 = arith.muli %while3A_933, %mul3A_940 : i32
          %add3A_942 = arith.addi %add3A_809, %mul3A_941 : i32
          %mul3A_943 = arith.constant 16 : i32
          %mul3A_944 = arith.muli %while3A_933, %mul3A_943 : i32
          %add3A_945 = vector.broadcast %mul3A_944 : i32 to vector<16xi32>
          %add3A_946 = arith.addi %add3A_945, %iota3A : vector<16xi32>
          %lt3A_947 = vector.broadcast %squeeze3A_811 : i32 to vector<16xi32>
          %lt3A_948 = arith.cmpi slt, %add3A_946, %lt3A_947 : vector<16xi32>
          %swap3A_949 = arith.index_cast %add3A_942 : i32 to index
          %swap3A_950 = tpu.vector_load %arg9[%swap3A_949] masked %lt3A_948 {strides = array<i32>} : memref<32784xi32, #tpu.memory_space<vmem>>, vector<16xi32>, vector<16xi1>
          tpu.vector_store %arg9[%swap3A_949], %get3A_939 masked %lt3A_948 {strides = array<i32>} : memref<32784xi32, #tpu.memory_space<vmem>>, vector<16xi32>, vector<16xi1>
        }
        %while3A_849 = arith.constant 1 : i32
        scf.for %while3A_933 = %while3A_847 to %while3A_843 step %while3A_849  : i32 {
          %mul3A_934 = arith.constant 16 : i32
          %mul3A_935 = arith.muli %while3A_933, %mul3A_934 : i32
          %add3A_936 = arith.constant 26624 : i32
          %add3A_937 = arith.addi %add3A_936, %mul3A_935 : i32
          %get3A_938 = arith.index_cast %add3A_937 : i32 to index
          %get3A_939 = tpu.vector_load %arg9[%get3A_938] {strides = array<i32>} : memref<32784xi32, #tpu.memory_space<vmem>>, vector<16xi32>,
          %mul3A_940 = arith.constant 16 : i32
          %mul3A_941 = arith.muli %while3A_933, %mul3A_940 : i32
          %add3A_942 = arith.addi %add3A_809, %mul3A_941 : i32
          %mul3A_943 = arith.constant 16 : i32
          %mul3A_944 = arith.muli %while3A_933, %mul3A_943 : i32
          %add3A_945 = vector.broadcast %mul3A_944 : i32 to vector<16xi32>
          %add3A_946 = arith.addi %add3A_945, %iota3A : vector<16xi32>
          %lt3A_947 = vector.broadcast %squeeze3A_811 : i32 to vector<16xi32>
          %lt3A_948 = arith.cmpi slt, %add3A_946, %lt3A_947 : vector<16xi32>
          %swap3A_949 = arith.index_cast %add3A_942 : i32 to index
          %swap3A_950 = tpu.vector_load %arg9[%swap3A_949] masked %lt3A_948 {strides = array<i32>} : memref<32784xi32, #tpu.memory_space<vmem>>, vector<16xi32>, vector<16xi1>
          tpu.vector_store %arg9[%swap3A_949], %get3A_939 masked %lt3A_948 {strides = array<i32>} : memref<32784xi32, #tpu.memory_space<vmem>>, vector<16xi32>, vector<16xi1>
        }
        %add3A_850 = arith.addi %add3A_809, %squeeze3A_811 : i32
        %slice3A_851 = vector.extract_strided_slice %scan3A_49 {offsets = [14], sizes = [1], strides = [1]} : vector<16xi32> to vector<1xi32>
        %squeeze3A_852 = vector.extract %slice3A_851[0] : i32 from vector<1xi32>
        %add3A_853 = arith.constant 16 : i32
        %add3A_854 = arith.addi %squeeze3A_852, %add3A_853 : i32
        %sub3A_855 = arith.constant 1 : i32
        %sub3A_856 = arith.subi %add3A_854, %sub3A_855 : i32
        %jit3A_857 = arith.constant 16 : i32
        %div3A_858 = arith.divsi %sub3A_856, %jit3A_857 : i32
        %sign3A_859 = arith.constant 0 : i32
        %sign3A_860 = arith.cmpi sgt, %sub3A_856, %sign3A_859 : i32
        %sign3A_861 = arith.extui %sign3A_860 : i1 to i32
        %sign3A_862 = arith.constant 0 : i32
        %sign3A_863 = arith.cmpi slt, %sub3A_856, %sign3A_862 : i32
        %sign3A_864 = arith.extui %sign3A_863 : i1 to i32
        %sign3A_865 = arith.subi %sign3A_861, %sign3A_864 : i32
        %sign3A_866 = arith.constant 0 : i32
        %sign3A_867 = arith.cmpi sgt, %jit3A_857, %sign3A_866 : i32
        %sign3A_868 = arith.extui %sign3A_867 : i1 to i32
        %sign3A_869 = arith.constant 0 : i32
        %sign3A_870 = arith.cmpi slt, %jit3A_857, %sign3A_869 : i32
        %sign3A_871 = arith.extui %sign3A_870 : i1 to i32
        %sign3A_872 = arith.subi %sign3A_868, %sign3A_871 : i32
        %ne3A_873 = arith.cmpi ne, %sign3A_865, %sign3A_872 : i32
        %rem3A_874 = arith.remsi %sub3A_856, %jit3A_857 : i32
        %ne3A_875 = arith.constant 0 : i32
        %ne3A_876 = arith.cmpi ne, %rem3A_874, %ne3A_875 : i32
        %and3A_877 = arith.andi %ne3A_873, %ne3A_876 : i1
        %sub3A_878 = arith.constant 1 : i32
        %sub3A_879 = arith.subi %div3A_858, %sub3A_878 : i32
        %select_n3A_880 = arith.select %and3A_877, %sub3A_879, %div3A_858 : i32
        %while3A_881 = arith.constant 0 : i32
        %while3A_882 = arith.constant 0 : i32
        %while3A_883 = arith.subi %select_n3A_880, %while3A_882 : i32
        %while3A_884 = arith.addi %while3A_882, %while3A_883 : i32
        %while3A_885 = arith.constant 1 : i32
        %while3A_886 = arith.divsi %while3A_883, %while3A_885 : i32
        %while3A_887 = arith.muli %while3A_886, %while3A_885 : i32
        %while3A_888 = arith.addi %while3A_882, %while3A_887 : i32
        %while3A_889 = arith.constant 1 : i32
        scf.for %while3A_933 = %while3A_882 to %while3A_888 step %while3A_889  : i32 {
          %mul3A_934 = arith.constant 16 : i32
          %mul3A_935 = arith.muli %while3A_933, %mul3A_934 : i32
          %add3A_936 = arith.constant 28672 : i32
          %add3A_937 = arith.addi %add3A_936, %mul3A_935 : i32
          %get3A_938 = arith.index_cast %add3A_937 : i32 to index
          %get3A_939 = tpu.vector_load %arg9[%get3A_938] {strides = array<i32>} : memref<32784xi32, #tpu.memory_space<vmem>>, vector<16xi32>,
          %mul3A_940 = arith.constant 16 : i32
          %mul3A_941 = arith.muli %while3A_933, %mul3A_940 : i32
          %add3A_942 = arith.addi %add3A_850, %mul3A_941 : i32
          %mul3A_943 = arith.constant 16 : i32
          %mul3A_944 = arith.muli %while3A_933, %mul3A_943 : i32
          %add3A_945 = vector.broadcast %mul3A_944 : i32 to vector<16xi32>
          %add3A_946 = arith.addi %add3A_945, %iota3A : vector<16xi32>
          %lt3A_947 = vector.broadcast %squeeze3A_852 : i32 to vector<16xi32>
          %lt3A_948 = arith.cmpi slt, %add3A_946, %lt3A_947 : vector<16xi32>
          %swap3A_949 = arith.index_cast %add3A_942 : i32 to index
          %swap3A_950 = tpu.vector_load %arg9[%swap3A_949] masked %lt3A_948 {strides = array<i32>} : memref<32784xi32, #tpu.memory_space<vmem>>, vector<16xi32>, vector<16xi1>
          tpu.vector_store %arg9[%swap3A_949], %get3A_939 masked %lt3A_948 {strides = array<i32>} : memref<32784xi32, #tpu.memory_space<vmem>>, vector<16xi32>, vector<16xi1>
        }
        %while3A_890 = arith.constant 1 : i32
        scf.for %while3A_933 = %while3A_888 to %while3A_884 step %while3A_890  : i32 {
          %mul3A_934 = arith.constant 16 : i32
          %mul3A_935 = arith.muli %while3A_933, %mul3A_934 : i32
          %add3A_936 = arith.constant 28672 : i32
          %add3A_937 = arith.addi %add3A_936, %mul3A_935 : i32
          %get3A_938 = arith.index_cast %add3A_937 : i32 to index
          %get3A_939 = tpu.vector_load %arg9[%get3A_938] {strides = array<i32>} : memref<32784xi32, #tpu.memory_space<vmem>>, vector<16xi32>,
          %mul3A_940 = arith.constant 16 : i32
          %mul3A_941 = arith.muli %while3A_933, %mul3A_940 : i32
          %add3A_942 = arith.addi %add3A_850, %mul3A_941 : i32
          %mul3A_943 = arith.constant 16 : i32
          %mul3A_944 = arith.muli %while3A_933, %mul3A_943 : i32
          %add3A_945 = vector.broadcast %mul3A_944 : i32 to vector<16xi32>
          %add3A_946 = arith.addi %add3A_945, %iota3A : vector<16xi32>
          %lt3A_947 = vector.broadcast %squeeze3A_852 : i32 to vector<16xi32>
          %lt3A_948 = arith.cmpi slt, %add3A_946, %lt3A_947 : vector<16xi32>
          %swap3A_949 = arith.index_cast %add3A_942 : i32 to index
          %swap3A_950 = tpu.vector_load %arg9[%swap3A_949] masked %lt3A_948 {strides = array<i32>} : memref<32784xi32, #tpu.memory_space<vmem>>, vector<16xi32>, vector<16xi1>
          tpu.vector_store %arg9[%swap3A_949], %get3A_939 masked %lt3A_948 {strides = array<i32>} : memref<32784xi32, #tpu.memory_space<vmem>>, vector<16xi32>, vector<16xi1>
        }
        %add3A_891 = arith.addi %add3A_850, %squeeze3A_852 : i32
        %slice3A_892 = vector.extract_strided_slice %scan3A_49 {offsets = [15], sizes = [1], strides = [1]} : vector<16xi32> to vector<1xi32>
        %squeeze3A_893 = vector.extract %slice3A_892[0] : i32 from vector<1xi32>
        %add3A_894 = arith.constant 16 : i32
        %add3A_895 = arith.addi %squeeze3A_893, %add3A_894 : i32
        %sub3A_896 = arith.constant 1 : i32
        %sub3A_897 = arith.subi %add3A_895, %sub3A_896 : i32
        %jit3A_898 = arith.constant 16 : i32
        %div3A_899 = arith.divsi %sub3A_897, %jit3A_898 : i32
        %sign3A_900 = arith.constant 0 : i32
        %sign3A_901 = arith.cmpi sgt, %sub3A_897, %sign3A_900 : i32
        %sign3A_902 = arith.extui %sign3A_901 : i1 to i32
        %sign3A_903 = arith.constant 0 : i32
        %sign3A_904 = arith.cmpi slt, %sub3A_897, %sign3A_903 : i32
        %sign3A_905 = arith.extui %sign3A_904 : i1 to i32
        %sign3A_906 = arith.subi %sign3A_902, %sign3A_905 : i32
        %sign3A_907 = arith.constant 0 : i32
        %sign3A_908 = arith.cmpi sgt, %jit3A_898, %sign3A_907 : i32
        %sign3A_909 = arith.extui %sign3A_908 : i1 to i32
        %sign3A_910 = arith.constant 0 : i32
        %sign3A_911 = arith.cmpi slt, %jit3A_898, %sign3A_910 : i32
        %sign3A_912 = arith.extui %sign3A_911 : i1 to i32
        %sign3A_913 = arith.subi %sign3A_909, %sign3A_912 : i32
        %ne3A_914 = arith.cmpi ne, %sign3A_906, %sign3A_913 : i32
        %rem3A_915 = arith.remsi %sub3A_897, %jit3A_898 : i32
        %ne3A_916 = arith.constant 0 : i32
        %ne3A_917 = arith.cmpi ne, %rem3A_915, %ne3A_916 : i32
        %and3A_918 = arith.andi %ne3A_914, %ne3A_917 : i1
        %sub3A_919 = arith.constant 1 : i32
        %sub3A_920 = arith.subi %div3A_899, %sub3A_919 : i32
        %select_n3A_921 = arith.select %and3A_918, %sub3A_920, %div3A_899 : i32
        %while3A_922 = arith.constant 0 : i32
        %while3A_923 = arith.constant 0 : i32
        %while3A_924 = arith.subi %select_n3A_921, %while3A_923 : i32
        %while3A_925 = arith.addi %while3A_923, %while3A_924 : i32
        %while3A_926 = arith.constant 1 : i32
        %while3A_927 = arith.divsi %while3A_924, %while3A_926 : i32
        %while3A_928 = arith.muli %while3A_927, %while3A_926 : i32
        %while3A_929 = arith.addi %while3A_923, %while3A_928 : i32
        %while3A_930 = arith.constant 1 : i32
        scf.for %while3A_933 = %while3A_923 to %while3A_929 step %while3A_930  : i32 {
          %mul3A_934 = arith.constant 16 : i32
          %mul3A_935 = arith.muli %while3A_933, %mul3A_934 : i32
          %add3A_936 = arith.constant 30720 : i32
          %add3A_937 = arith.addi %add3A_936, %mul3A_935 : i32
          %get3A_938 = arith.index_cast %add3A_937 : i32 to index
          %get3A_939 = tpu.vector_load %arg9[%get3A_938] {strides = array<i32>} : memref<32784xi32, #tpu.memory_space<vmem>>, vector<16xi32>,
          %mul3A_940 = arith.constant 16 : i32
          %mul3A_941 = arith.muli %while3A_933, %mul3A_940 : i32
          %add3A_942 = arith.addi %add3A_891, %mul3A_941 : i32
          %mul3A_943 = arith.constant 16 : i32
          %mul3A_944 = arith.muli %while3A_933, %mul3A_943 : i32
          %add3A_945 = vector.broadcast %mul3A_944 : i32 to vector<16xi32>
          %add3A_946 = arith.addi %add3A_945, %iota3A : vector<16xi32>
          %lt3A_947 = vector.broadcast %squeeze3A_893 : i32 to vector<16xi32>
          %lt3A_948 = arith.cmpi slt, %add3A_946, %lt3A_947 : vector<16xi32>
          %swap3A_949 = arith.index_cast %add3A_942 : i32 to index
          %swap3A_950 = tpu.vector_load %arg9[%swap3A_949] masked %lt3A_948 {strides = array<i32>} : memref<32784xi32, #tpu.memory_space<vmem>>, vector<16xi32>, vector<16xi1>
          tpu.vector_store %arg9[%swap3A_949], %get3A_939 masked %lt3A_948 {strides = array<i32>} : memref<32784xi32, #tpu.memory_space<vmem>>, vector<16xi32>, vector<16xi1>
        }
        %while3A_931 = arith.constant 1 : i32
        scf.for %while3A_933 = %while3A_929 to %while3A_925 step %while3A_931  : i32 {
          %mul3A_934 = arith.constant 16 : i32
          %mul3A_935 = arith.muli %while3A_933, %mul3A_934 : i32
          %add3A_936 = arith.constant 30720 : i32
          %add3A_937 = arith.addi %add3A_936, %mul3A_935 : i32
          %get3A_938 = arith.index_cast %add3A_937 : i32 to index
          %get3A_939 = tpu.vector_load %arg9[%get3A_938] {strides = array<i32>} : memref<32784xi32, #tpu.memory_space<vmem>>, vector<16xi32>,
          %mul3A_940 = arith.constant 16 : i32
          %mul3A_941 = arith.muli %while3A_933, %mul3A_940 : i32
          %add3A_942 = arith.addi %add3A_891, %mul3A_941 : i32
          %mul3A_943 = arith.constant 16 : i32
          %mul3A_944 = arith.muli %while3A_933, %mul3A_943 : i32
          %add3A_945 = vector.broadcast %mul3A_944 : i32 to vector<16xi32>
          %add3A_946 = arith.addi %add3A_945, %iota3A : vector<16xi32>
          %lt3A_947 = vector.broadcast %squeeze3A_893 : i32 to vector<16xi32>
          %lt3A_948 = arith.cmpi slt, %add3A_946, %lt3A_947 : vector<16xi32>
          %swap3A_949 = arith.index_cast %add3A_942 : i32 to index
          %swap3A_950 = tpu.vector_load %arg9[%swap3A_949] masked %lt3A_948 {strides = array<i32>} : memref<32784xi32, #tpu.memory_space<vmem>>, vector<16xi32>, vector<16xi1>
          tpu.vector_store %arg9[%swap3A_949], %get3A_939 masked %lt3A_948 {strides = array<i32>} : memref<32784xi32, #tpu.memory_space<vmem>>, vector<16xi32>, vector<16xi1>
        }
        %add3A_932 = arith.addi %add3A_891, %squeeze3A_893 : i32
      } else {
      }
      %jit3A = arith.constant 32768 : i32
      %select_n3A = arith.select %or3A, %jit3A, %reduce_sum3A_53 : i32
      %swap3A_61 = arith.constant 0 : i32
      %swap3A_62 = arith.constant 0 : i32
      %swap3A_63 = arith.index_cast %swap3A_62 : i32 to index
      %swap3A_64 = memref.load %arg15[%swap3A_63] : memref<4xi32, #tpu.memory_space<smem>>
      memref.store %swap3A_61, %arg15[%swap3A_63] : memref<4xi32, #tpu.memory_space<smem>>
      %swap3A_65 = arith.constant 64 : i32
      %swap3A_66 = arith.constant 1 : i32
      %swap3A_67 = arith.index_cast %swap3A_66 : i32 to index
      %swap3A_68 = memref.load %arg15[%swap3A_67] : memref<4xi32, #tpu.memory_space<smem>>
      memref.store %swap3A_65, %arg15[%swap3A_67] : memref<4xi32, #tpu.memory_space<smem>>
      %swap3A_69 = arith.constant 2 : i32
      %swap3A_70 = arith.index_cast %swap3A_69 : i32 to index
      %swap3A_71 = memref.load %arg15[%swap3A_70] : memref<4xi32, #tpu.memory_space<smem>>
      memref.store %select_n3A, %arg15[%swap3A_70] : memref<4xi32, #tpu.memory_space<smem>>
      %add3A_72 = vector.broadcast %select_n3A : i32 to vector<16xi32>
      %add3A_73 = arith.addi %add3A_72, %iota3A : vector<16xi32>
      tpu.vector_store_idx %arg9[%add3A_73], %broadcast_in_dim3A_3 : memref<32784xi32, #tpu.memory_space<vmem>>[vector<16xi32>], vector<16xi32>,
      %get3A = arith.constant 2 : i32
      %get3A_74 = arith.index_cast %get3A : i32 to index
      %get3A_75 = memref.load %arg15[%get3A_74] : memref<4xi32, #tpu.memory_space<smem>>
      %get3A_76 = arith.constant 1 : i32
      %get3A_77 = arith.index_cast %get3A_76 : i32 to index
      %get3A_78 = memref.load %arg15[%get3A_77] : memref<4xi32, #tpu.memory_space<smem>>
      %ne3A = arith.cmpi ne, %get3A_75, %get3A_78 : i32
      %convert_element_type3A_79 = arith.extui %ne3A : i1 to i32
      %cond3A_80 = arith.constant 0 : i32
      %cond3A_81 = arith.cmpi ne, %convert_element_type3A_79, %cond3A_80 : i32
      scf.if %cond3A_81 {
        %get3A_277 = arith.constant 2 : i32
        %get3A_278 = arith.index_cast %get3A_277 : i32 to index
        %get3A_279 = memref.load %arg15[%get3A_278] : memref<4xi32, #tpu.memory_space<smem>>
        %add3A_280 = arith.constant 16 : i32
        %add3A_281 = arith.addi %get3A_279, %add3A_280 : i32
        %sub3A_282 = arith.constant 1 : i32
        %sub3A_283 = arith.subi %add3A_281, %sub3A_282 : i32
        %jit3A_284 = arith.constant 16 : i32
        %div3A_285 = arith.divsi %sub3A_283, %jit3A_284 : i32
        %sign3A_286 = arith.constant 0 : i32
        %sign3A_287 = arith.cmpi sgt, %sub3A_283, %sign3A_286 : i32
        %sign3A_288 = arith.extui %sign3A_287 : i1 to i32
        %sign3A_289 = arith.constant 0 : i32
        %sign3A_290 = arith.cmpi slt, %sub3A_283, %sign3A_289 : i32
        %sign3A_291 = arith.extui %sign3A_290 : i1 to i32
        %sign3A_292 = arith.subi %sign3A_288, %sign3A_291 : i32
        %sign3A_293 = arith.constant 0 : i32
        %sign3A_294 = arith.cmpi sgt, %jit3A_284, %sign3A_293 : i32
        %sign3A_295 = arith.extui %sign3A_294 : i1 to i32
        %sign3A_296 = arith.constant 0 : i32
        %sign3A_297 = arith.cmpi slt, %jit3A_284, %sign3A_296 : i32
        %sign3A_298 = arith.extui %sign3A_297 : i1 to i32
        %sign3A_299 = arith.subi %sign3A_295, %sign3A_298 : i32
        %ne3A_300 = arith.cmpi ne, %sign3A_292, %sign3A_299 : i32
        %rem3A_301 = arith.remsi %sub3A_283, %jit3A_284 : i32
        %ne3A_302 = arith.constant 0 : i32
        %ne3A_303 = arith.cmpi ne, %rem3A_301, %ne3A_302 : i32
        %and3A_304 = arith.andi %ne3A_300, %ne3A_303 : i1
        %sub3A_305 = arith.constant 1 : i32
        %sub3A_306 = arith.subi %div3A_285, %sub3A_305 : i32
        %select_n3A_307 = arith.select %and3A_304, %sub3A_306, %div3A_285 : i32
        %while3A_308 = arith.constant 0 : i32
        %while3A_309 = arith.constant 0 : i32
        %while3A_310 = arith.subi %select_n3A_307, %while3A_309 : i32
        %while3A_311 = arith.addi %while3A_309, %while3A_310 : i32
        %while3A_312 = arith.constant 1 : i32
        %while3A_313 = arith.divsi %while3A_310, %while3A_312 : i32
        %while3A_314 = arith.muli %while3A_313, %while3A_312 : i32
        %while3A_315 = arith.addi %while3A_309, %while3A_314 : i32
        %while3A_316 = arith.constant 1 : i32
        scf.for %while3A_421 = %while3A_309 to %while3A_315 step %while3A_316  : i32 {
          %mul3A_422 = arith.constant 16 : i32
          %mul3A_423 = arith.muli %while3A_421, %mul3A_422 : i32
          %get3A_424 = arith.index_cast %mul3A_423 : i32 to index
          %get3A_425 = tpu.vector_load %arg9[%get3A_424] {strides = array<i32>} : memref<32784xi32, #tpu.memory_space<vmem>>, vector<16xi32>,
          %gather3A_426 = tpu.vector_load_idx %arg6[%get3A_425] : memref<32768xf32, #tpu.memory_space<vmem>>[vector<16xi32>], vector<16xf32>,
          %bitcast_convert_type3A_427 = tpu.bitcast %gather3A_426 : vector<16xf32> -> vector<16xi32>
          %and3A_428 = arith.constant 2147483647 : i32
          %and3A_429 = vector.broadcast %and3A_428 : i32 to vector<16xi32>
          %and3A_430 = arith.andi %bitcast_convert_type3A_427, %and3A_429 : vector<16xi32>
          %shift_right_arithmetic3A = arith.constant 23 : i32
          %shift_right_arithmetic3A_431 = vector.broadcast %shift_right_arithmetic3A : i32 to vector<16xi32>
          %shift_right_arithmetic3A_432 = arith.shrsi %and3A_430, %shift_right_arithmetic3A_431 : vector<16xi32>
          %and3A_433 = arith.constant 255 : i32
          %and3A_434 = vector.broadcast %and3A_433 : i32 to vector<16xi32>
          %and3A_435 = arith.andi %shift_right_arithmetic3A_432, %and3A_434 : vector<16xi32>
          %shift_left3A_436 = arith.constant 4 : i32
          %shift_left3A_437 = vector.broadcast %shift_left3A_436 : i32 to vector<16xi32>
          %shift_left3A_438 = arith.shli %and3A_435, %shift_left3A_437 : vector<16xi32>
          %or3A_439 = arith.ori %shift_left3A_438, %iota3A : vector<16xi32>
          %mul3A_440 = arith.constant 16 : i32
          %mul3A_441 = arith.muli %while3A_421, %mul3A_440 : i32
          %add3A_442 = vector.broadcast %mul3A_441 : i32 to vector<16xi32>
          %add3A_443 = arith.addi %add3A_442, %iota3A : vector<16xi32>
          %lt3A_444 = vector.broadcast %get3A_279 : i32 to vector<16xi32>
          %lt3A_445 = arith.cmpi slt, %add3A_443, %lt3A_444 : vector<16xi32>
          tpu.vector_store_idx %arg7[%or3A_439], %broadcast_in_dim3A_1 masked %lt3A_445 {add = true} : memref<16384xi32, #tpu.memory_space<vmem>>[vector<16xi32>], vector<16xi32>, vector<16xi1>
        }
        %while3A_317 = arith.constant 1 : i32
        scf.for %while3A_421 = %while3A_315 to %while3A_311 step %while3A_317  : i32 {
          %mul3A_422 = arith.constant 16 : i32
          %mul3A_423 = arith.muli %while3A_421, %mul3A_422 : i32
          %get3A_424 = arith.index_cast %mul3A_423 : i32 to index
          %get3A_425 = tpu.vector_load %arg9[%get3A_424] {strides = array<i32>} : memref<32784xi32, #tpu.memory_space<vmem>>, vector<16xi32>,
          %gather3A_426 = tpu.vector_load_idx %arg6[%get3A_425] : memref<32768xf32, #tpu.memory_space<vmem>>[vector<16xi32>], vector<16xf32>,
          %bitcast_convert_type3A_427 = tpu.bitcast %gather3A_426 : vector<16xf32> -> vector<16xi32>
          %and3A_428 = arith.constant 2147483647 : i32
          %and3A_429 = vector.broadcast %and3A_428 : i32 to vector<16xi32>
          %and3A_430 = arith.andi %bitcast_convert_type3A_427, %and3A_429 : vector<16xi32>
          %shift_right_arithmetic3A = arith.constant 23 : i32
          %shift_right_arithmetic3A_431 = vector.broadcast %shift_right_arithmetic3A : i32 to vector<16xi32>
          %shift_right_arithmetic3A_432 = arith.shrsi %and3A_430, %shift_right_arithmetic3A_431 : vector<16xi32>
          %and3A_433 = arith.constant 255 : i32
          %and3A_434 = vector.broadcast %and3A_433 : i32 to vector<16xi32>
          %and3A_435 = arith.andi %shift_right_arithmetic3A_432, %and3A_434 : vector<16xi32>
          %shift_left3A_436 = arith.constant 4 : i32
          %shift_left3A_437 = vector.broadcast %shift_left3A_436 : i32 to vector<16xi32>
          %shift_left3A_438 = arith.shli %and3A_435, %shift_left3A_437 : vector<16xi32>
          %or3A_439 = arith.ori %shift_left3A_438, %iota3A : vector<16xi32>
          %mul3A_440 = arith.constant 16 : i32
          %mul3A_441 = arith.muli %while3A_421, %mul3A_440 : i32
          %add3A_442 = vector.broadcast %mul3A_441 : i32 to vector<16xi32>
          %add3A_443 = arith.addi %add3A_442, %iota3A : vector<16xi32>
          %lt3A_444 = vector.broadcast %get3A_279 : i32 to vector<16xi32>
          %lt3A_445 = arith.cmpi slt, %add3A_443, %lt3A_444 : vector<16xi32>
          tpu.vector_store_idx %arg7[%or3A_439], %broadcast_in_dim3A_1 masked %lt3A_445 {add = true} : memref<16384xi32, #tpu.memory_space<vmem>>[vector<16xi32>], vector<16xi32>, vector<16xi1>
        }
        %swap3A_318 = arith.constant 4096 : index
        %swap3A_319 = tpu.vector_load %arg8[%swap3A_318] {strides = array<i32>} : memref<16400xi32, #tpu.memory_space<vmem>>, vector<16xi32>,
        tpu.vector_store %arg8[%swap3A_318], %broadcast_in_dim3A_3 {strides = array<i32>} : memref<16400xi32, #tpu.memory_space<vmem>>, vector<16xi32>,
        %scan3A_320 = arith.constant 0 : i32
        %scan3A_321 = arith.constant 256 : i32
        %scan3A_322 = arith.addi %scan3A_320, %scan3A_321 : i32
        %scan3A_323 = arith.constant 8 : i32
        %scan3A_324 = scf.for %scan3A_421 = %scan3A_320 to %scan3A_322 step %scan3A_323 iter_args(%scan3A_422 = %broadcast_in_dim3A_3) -> (vector<16xi32>)  : i32 {
          %sub3A_423 = arith.constant 255 : i32
          %sub3A_424 = arith.subi %sub3A_423, %scan3A_421 : i32
          %mul3A_425 = arith.constant 16 : i32
          %mul3A_426 = arith.muli %sub3A_424, %mul3A_425 : i32
          %get3A_427 = arith.index_cast %mul3A_426 : i32 to index
          %get3A_428 = tpu.vector_load %arg7[%get3A_427] {strides = array<i32>} : memref<16384xi32, #tpu.memory_space<vmem>>, vector<16xi32>,
          %add3A_429 = arith.addi %scan3A_422, %get3A_428 : vector<16xi32>
          %mul3A_430 = arith.constant 16 : i32
          %mul3A_431 = arith.muli %sub3A_424, %mul3A_430 : i32
          %swap3A_432 = arith.index_cast %mul3A_431 : i32 to index
          %swap3A_433 = tpu.vector_load %arg8[%swap3A_432] {strides = array<i32>} : memref<16400xi32, #tpu.memory_space<vmem>>, vector<16xi32>,
          tpu.vector_store %arg8[%swap3A_432], %add3A_429 {strides = array<i32>} : memref<16400xi32, #tpu.memory_space<vmem>>, vector<16xi32>,
          %mul3A_434 = arith.constant 16 : i32
          %mul3A_435 = arith.muli %sub3A_424, %mul3A_434 : i32
          %swap3A_436 = arith.index_cast %mul3A_435 : i32 to index
          %swap3A_437 = tpu.vector_load %arg7[%swap3A_436] {strides = array<i32>} : memref<16384xi32, #tpu.memory_space<vmem>>, vector<16xi32>,
          tpu.vector_store %arg7[%swap3A_436], %broadcast_in_dim3A_3 {strides = array<i32>} : memref<16384xi32, #tpu.memory_space<vmem>>, vector<16xi32>,
          %scan3A_438 = arith.constant 1 : i32
          %scan3A_439 = arith.addi %scan3A_421, %scan3A_438 : i32
          %sub3A_440 = arith.constant 255 : i32
          %sub3A_441 = arith.subi %sub3A_440, %scan3A_439 : i32
          %mul3A_442 = arith.constant 16 : i32
          %mul3A_443 = arith.muli %sub3A_441, %mul3A_442 : i32
          %get3A_444 = arith.index_cast %mul3A_443 : i32 to index
          %get3A_445 = tpu.vector_load %arg7[%get3A_444] {strides = array<i32>} : memref<16384xi32, #tpu.memory_space<vmem>>, vector<16xi32>,
          %add3A_446 = arith.addi %add3A_429, %get3A_445 : vector<16xi32>
          %mul3A_447 = arith.constant 16 : i32
          %mul3A_448 = arith.muli %sub3A_441, %mul3A_447 : i32
          %swap3A_449 = arith.index_cast %mul3A_448 : i32 to index
          %swap3A_450 = tpu.vector_load %arg8[%swap3A_449] {strides = array<i32>} : memref<16400xi32, #tpu.memory_space<vmem>>, vector<16xi32>,
          tpu.vector_store %arg8[%swap3A_449], %add3A_446 {strides = array<i32>} : memref<16400xi32, #tpu.memory_space<vmem>>, vector<16xi32>,
          %mul3A_451 = arith.constant 16 : i32
          %mul3A_452 = arith.muli %sub3A_441, %mul3A_451 : i32
          %swap3A_453 = arith.index_cast %mul3A_452 : i32 to index
          %swap3A_454 = tpu.vector_load %arg7[%swap3A_453] {strides = array<i32>} : memref<16384xi32, #tpu.memory_space<vmem>>, vector<16xi32>,
          tpu.vector_store %arg7[%swap3A_453], %broadcast_in_dim3A_3 {strides = array<i32>} : memref<16384xi32, #tpu.memory_space<vmem>>, vector<16xi32>,
          %scan3A_455 = arith.constant 2 : i32
          %scan3A_456 = arith.addi %scan3A_421, %scan3A_455 : i32
          %sub3A_457 = arith.constant 255 : i32
          %sub3A_458 = arith.subi %sub3A_457, %scan3A_456 : i32
          %mul3A_459 = arith.constant 16 : i32
          %mul3A_460 = arith.muli %sub3A_458, %mul3A_459 : i32
          %get3A_461 = arith.index_cast %mul3A_460 : i32 to index
          %get3A_462 = tpu.vector_load %arg7[%get3A_461] {strides = array<i32>} : memref<16384xi32, #tpu.memory_space<vmem>>, vector<16xi32>,
          %add3A_463 = arith.addi %add3A_446, %get3A_462 : vector<16xi32>
          %mul3A_464 = arith.constant 16 : i32
          %mul3A_465 = arith.muli %sub3A_458, %mul3A_464 : i32
          %swap3A_466 = arith.index_cast %mul3A_465 : i32 to index
          %swap3A_467 = tpu.vector_load %arg8[%swap3A_466] {strides = array<i32>} : memref<16400xi32, #tpu.memory_space<vmem>>, vector<16xi32>,
          tpu.vector_store %arg8[%swap3A_466], %add3A_463 {strides = array<i32>} : memref<16400xi32, #tpu.memory_space<vmem>>, vector<16xi32>,
          %mul3A_468 = arith.constant 16 : i32
          %mul3A_469 = arith.muli %sub3A_458, %mul3A_468 : i32
          %swap3A_470 = arith.index_cast %mul3A_469 : i32 to index
          %swap3A_471 = tpu.vector_load %arg7[%swap3A_470] {strides = array<i32>} : memref<16384xi32, #tpu.memory_space<vmem>>, vector<16xi32>,
          tpu.vector_store %arg7[%swap3A_470], %broadcast_in_dim3A_3 {strides = array<i32>} : memref<16384xi32, #tpu.memory_space<vmem>>, vector<16xi32>,
          %scan3A_472 = arith.constant 3 : i32
          %scan3A_473 = arith.addi %scan3A_421, %scan3A_472 : i32
          %sub3A_474 = arith.constant 255 : i32
          %sub3A_475 = arith.subi %sub3A_474, %scan3A_473 : i32
          %mul3A_476 = arith.constant 16 : i32
          %mul3A_477 = arith.muli %sub3A_475, %mul3A_476 : i32
          %get3A_478 = arith.index_cast %mul3A_477 : i32 to index
          %get3A_479 = tpu.vector_load %arg7[%get3A_478] {strides = array<i32>} : memref<16384xi32, #tpu.memory_space<vmem>>, vector<16xi32>,
          %add3A_480 = arith.addi %add3A_463, %get3A_479 : vector<16xi32>
          %mul3A_481 = arith.constant 16 : i32
          %mul3A_482 = arith.muli %sub3A_475, %mul3A_481 : i32
          %swap3A_483 = arith.index_cast %mul3A_482 : i32 to index
          %swap3A_484 = tpu.vector_load %arg8[%swap3A_483] {strides = array<i32>} : memref<16400xi32, #tpu.memory_space<vmem>>, vector<16xi32>,
          tpu.vector_store %arg8[%swap3A_483], %add3A_480 {strides = array<i32>} : memref<16400xi32, #tpu.memory_space<vmem>>, vector<16xi32>,
          %mul3A_485 = arith.constant 16 : i32
          %mul3A_486 = arith.muli %sub3A_475, %mul3A_485 : i32
          %swap3A_487 = arith.index_cast %mul3A_486 : i32 to index
          %swap3A_488 = tpu.vector_load %arg7[%swap3A_487] {strides = array<i32>} : memref<16384xi32, #tpu.memory_space<vmem>>, vector<16xi32>,
          tpu.vector_store %arg7[%swap3A_487], %broadcast_in_dim3A_3 {strides = array<i32>} : memref<16384xi32, #tpu.memory_space<vmem>>, vector<16xi32>,
          %scan3A_489 = arith.constant 4 : i32
          %scan3A_490 = arith.addi %scan3A_421, %scan3A_489 : i32
          %sub3A_491 = arith.constant 255 : i32
          %sub3A_492 = arith.subi %sub3A_491, %scan3A_490 : i32
          %mul3A_493 = arith.constant 16 : i32
          %mul3A_494 = arith.muli %sub3A_492, %mul3A_493 : i32
          %get3A_495 = arith.index_cast %mul3A_494 : i32 to index
          %get3A_496 = tpu.vector_load %arg7[%get3A_495] {strides = array<i32>} : memref<16384xi32, #tpu.memory_space<vmem>>, vector<16xi32>,
          %add3A_497 = arith.addi %add3A_480, %get3A_496 : vector<16xi32>
          %mul3A_498 = arith.constant 16 : i32
          %mul3A_499 = arith.muli %sub3A_492, %mul3A_498 : i32
          %swap3A_500 = arith.index_cast %mul3A_499 : i32 to index
          %swap3A_501 = tpu.vector_load %arg8[%swap3A_500] {strides = array<i32>} : memref<16400xi32, #tpu.memory_space<vmem>>, vector<16xi32>,
          tpu.vector_store %arg8[%swap3A_500], %add3A_497 {strides = array<i32>} : memref<16400xi32, #tpu.memory_space<vmem>>, vector<16xi32>,
          %mul3A_502 = arith.constant 16 : i32
          %mul3A_503 = arith.muli %sub3A_492, %mul3A_502 : i32
          %swap3A_504 = arith.index_cast %mul3A_503 : i32 to index
          %swap3A_505 = tpu.vector_load %arg7[%swap3A_504] {strides = array<i32>} : memref<16384xi32, #tpu.memory_space<vmem>>, vector<16xi32>,
          tpu.vector_store %arg7[%swap3A_504], %broadcast_in_dim3A_3 {strides = array<i32>} : memref<16384xi32, #tpu.memory_space<vmem>>, vector<16xi32>,
          %scan3A_506 = arith.constant 5 : i32
          %scan3A_507 = arith.addi %scan3A_421, %scan3A_506 : i32
          %sub3A_508 = arith.constant 255 : i32
          %sub3A_509 = arith.subi %sub3A_508, %scan3A_507 : i32
          %mul3A_510 = arith.constant 16 : i32
          %mul3A_511 = arith.muli %sub3A_509, %mul3A_510 : i32
          %get3A_512 = arith.index_cast %mul3A_511 : i32 to index
          %get3A_513 = tpu.vector_load %arg7[%get3A_512] {strides = array<i32>} : memref<16384xi32, #tpu.memory_space<vmem>>, vector<16xi32>,
          %add3A_514 = arith.addi %add3A_497, %get3A_513 : vector<16xi32>
          %mul3A_515 = arith.constant 16 : i32
          %mul3A_516 = arith.muli %sub3A_509, %mul3A_515 : i32
          %swap3A_517 = arith.index_cast %mul3A_516 : i32 to index
          %swap3A_518 = tpu.vector_load %arg8[%swap3A_517] {strides = array<i32>} : memref<16400xi32, #tpu.memory_space<vmem>>, vector<16xi32>,
          tpu.vector_store %arg8[%swap3A_517], %add3A_514 {strides = array<i32>} : memref<16400xi32, #tpu.memory_space<vmem>>, vector<16xi32>,
          %mul3A_519 = arith.constant 16 : i32
          %mul3A_520 = arith.muli %sub3A_509, %mul3A_519 : i32
          %swap3A_521 = arith.index_cast %mul3A_520 : i32 to index
          %swap3A_522 = tpu.vector_load %arg7[%swap3A_521] {strides = array<i32>} : memref<16384xi32, #tpu.memory_space<vmem>>, vector<16xi32>,
          tpu.vector_store %arg7[%swap3A_521], %broadcast_in_dim3A_3 {strides = array<i32>} : memref<16384xi32, #tpu.memory_space<vmem>>, vector<16xi32>,
          %scan3A_523 = arith.constant 6 : i32
          %scan3A_524 = arith.addi %scan3A_421, %scan3A_523 : i32
          %sub3A_525 = arith.constant 255 : i32
          %sub3A_526 = arith.subi %sub3A_525, %scan3A_524 : i32
          %mul3A_527 = arith.constant 16 : i32
          %mul3A_528 = arith.muli %sub3A_526, %mul3A_527 : i32
          %get3A_529 = arith.index_cast %mul3A_528 : i32 to index
          %get3A_530 = tpu.vector_load %arg7[%get3A_529] {strides = array<i32>} : memref<16384xi32, #tpu.memory_space<vmem>>, vector<16xi32>,
          %add3A_531 = arith.addi %add3A_514, %get3A_530 : vector<16xi32>
          %mul3A_532 = arith.constant 16 : i32
          %mul3A_533 = arith.muli %sub3A_526, %mul3A_532 : i32
          %swap3A_534 = arith.index_cast %mul3A_533 : i32 to index
          %swap3A_535 = tpu.vector_load %arg8[%swap3A_534] {strides = array<i32>} : memref<16400xi32, #tpu.memory_space<vmem>>, vector<16xi32>,
          tpu.vector_store %arg8[%swap3A_534], %add3A_531 {strides = array<i32>} : memref<16400xi32, #tpu.memory_space<vmem>>, vector<16xi32>,
          %mul3A_536 = arith.constant 16 : i32
          %mul3A_537 = arith.muli %sub3A_526, %mul3A_536 : i32
          %swap3A_538 = arith.index_cast %mul3A_537 : i32 to index
          %swap3A_539 = tpu.vector_load %arg7[%swap3A_538] {strides = array<i32>} : memref<16384xi32, #tpu.memory_space<vmem>>, vector<16xi32>,
          tpu.vector_store %arg7[%swap3A_538], %broadcast_in_dim3A_3 {strides = array<i32>} : memref<16384xi32, #tpu.memory_space<vmem>>, vector<16xi32>,
          %scan3A_540 = arith.constant 7 : i32
          %scan3A_541 = arith.addi %scan3A_421, %scan3A_540 : i32
          %sub3A_542 = arith.constant 255 : i32
          %sub3A_543 = arith.subi %sub3A_542, %scan3A_541 : i32
          %mul3A_544 = arith.constant 16 : i32
          %mul3A_545 = arith.muli %sub3A_543, %mul3A_544 : i32
          %get3A_546 = arith.index_cast %mul3A_545 : i32 to index
          %get3A_547 = tpu.vector_load %arg7[%get3A_546] {strides = array<i32>} : memref<16384xi32, #tpu.memory_space<vmem>>, vector<16xi32>,
          %add3A_548 = arith.addi %add3A_531, %get3A_547 : vector<16xi32>
          %mul3A_549 = arith.constant 16 : i32
          %mul3A_550 = arith.muli %sub3A_543, %mul3A_549 : i32
          %swap3A_551 = arith.index_cast %mul3A_550 : i32 to index
          %swap3A_552 = tpu.vector_load %arg8[%swap3A_551] {strides = array<i32>} : memref<16400xi32, #tpu.memory_space<vmem>>, vector<16xi32>,
          tpu.vector_store %arg8[%swap3A_551], %add3A_548 {strides = array<i32>} : memref<16400xi32, #tpu.memory_space<vmem>>, vector<16xi32>,
          %mul3A_553 = arith.constant 16 : i32
          %mul3A_554 = arith.muli %sub3A_543, %mul3A_553 : i32
          %swap3A_555 = arith.index_cast %mul3A_554 : i32 to index
          %swap3A_556 = tpu.vector_load %arg7[%swap3A_555] {strides = array<i32>} : memref<16384xi32, #tpu.memory_space<vmem>>, vector<16xi32>,
          tpu.vector_store %arg7[%swap3A_555], %broadcast_in_dim3A_3 {strides = array<i32>} : memref<16384xi32, #tpu.memory_space<vmem>>, vector<16xi32>,
          scf.yield %add3A_548 : vector<16xi32>
        }
        %scan3A_325 = arith.constant 256 : i32
        %get3A_326 = arith.constant 1 : i32
        %get3A_327 = arith.index_cast %get3A_326 : i32 to index
        %get3A_328 = memref.load %arg15[%get3A_327] : memref<4xi32, #tpu.memory_space<smem>>
        %scan3A_329 = arith.constant 0 : i32
        %scan3A_330 = arith.constant 255 : i32
        %scan3A_331 = arith.constant 0 : i32
        %scan3A_332 = arith.constant 8 : i32
        %scan3A_333 = arith.addi %scan3A_331, %scan3A_332 : i32
        %scan3A_334 = arith.constant 1 : i32
        %scan3A_335:2 = scf.for %scan3A_421 = %scan3A_331 to %scan3A_333 step %scan3A_334 iter_args(%scan3A_422 = %scan3A_329, %scan3A_423 = %scan3A_330) -> (i32, i32)  : i32 {
          %add3A_424 = arith.addi %scan3A_422, %scan3A_423 : i32
          %add3A_425 = arith.constant 1 : i32
          %add3A_426 = arith.addi %add3A_424, %add3A_425 : i32
          %jit3A_427 = arith.constant 2 : i32
          %div3A_428 = arith.divsi %add3A_426, %jit3A_427 : i32
          %sign3A_429 = arith.constant 0 : i32
          %sign3A_430 = arith.cmpi sgt, %add3A_426, %sign3A_429 : i32
          %sign3A_431 = arith.extui %sign3A_430 : i1 to i32
          %sign3A_432 = arith.constant 0 : i32
          %sign3A_433 = arith.cmpi slt, %add3A_426, %sign3A_432 : i32
          %sign3A_434 = arith.extui %sign3A_433 : i1 to i32
          %sign3A_435 = arith.subi %sign3A_431, %sign3A_434 : i32
          %sign3A_436 = arith.constant 0 : i32
          %sign3A_437 = arith.cmpi sgt, %jit3A_427, %sign3A_436 : i32
          %sign3A_438 = arith.extui %sign3A_437 : i1 to i32
          %sign3A_439 = arith.constant 0 : i32
          %sign3A_440 = arith.cmpi slt, %jit3A_427, %sign3A_439 : i32
          %sign3A_441 = arith.extui %sign3A_440 : i1 to i32
          %sign3A_442 = arith.subi %sign3A_438, %sign3A_441 : i32
          %ne3A_443 = arith.cmpi ne, %sign3A_435, %sign3A_442 : i32
          %rem3A_444 = arith.remsi %add3A_426, %jit3A_427 : i32
          %ne3A_445 = arith.constant 0 : i32
          %ne3A_446 = arith.cmpi ne, %rem3A_444, %ne3A_445 : i32
          %and3A_447 = arith.andi %ne3A_443, %ne3A_446 : i1
          %sub3A_448 = arith.constant 1 : i32
          %sub3A_449 = arith.subi %div3A_428, %sub3A_448 : i32
          %select_n3A_450 = arith.select %and3A_447, %sub3A_449, %div3A_428 : i32
          %mul3A_451 = arith.constant 16 : i32
          %mul3A_452 = arith.muli %select_n3A_450, %mul3A_451 : i32
          %get3A_453 = arith.index_cast %mul3A_452 : i32 to index
          %get3A_454 = tpu.vector_load %arg8[%get3A_453] {strides = array<i32>} : memref<16400xi32, #tpu.memory_space<vmem>>, vector<16xi32>,
          %reduce_sum3A_455 = arith.constant true
          %reduce_sum3A_456 = vector.broadcast %reduce_sum3A_455 : i1 to vector<16xi1>
          %reduce_sum3A_457 = tpu.scan <sum>, %get3A_454 masked %reduce_sum3A_456 : vector<16xi32>, vector<16xi1> -> vector<16xi32>
          %reduce_sum3A_458 = vector.extract %reduce_sum3A_457[15] : i32 from vector<16xi32>
          %ge3A = arith.cmpi sge, %reduce_sum3A_458, %get3A_328 : i32
          %select_n3A_459 = arith.select %ge3A, %select_n3A_450, %scan3A_422 : i32
          %sub3A_460 = arith.constant 1 : i32
          %sub3A_461 = arith.subi %select_n3A_450, %sub3A_460 : i32
          %select_n3A_462 = arith.select %ge3A, %scan3A_423, %sub3A_461 : i32
          scf.yield %select_n3A_459, %select_n3A_462 : i32, i32
        }
        %scan3A_336 = arith.constant 8 : i32
        %get3A_337 = arith.constant 2 : i32
        %get3A_338 = arith.index_cast %get3A_337 : i32 to index
        %get3A_339 = memref.load %arg15[%get3A_338] : memref<4xi32, #tpu.memory_space<smem>>
        %add3A_340 = arith.constant 1 : i32
        %add3A_341 = arith.addi %scan3A_335#0, %add3A_340 : i32
        %mul3A_342 = arith.constant 16 : i32
        %mul3A_343 = arith.muli %add3A_341, %mul3A_342 : i32
        %get3A_344 = arith.index_cast %mul3A_343 : i32 to index
        %get3A_345 = tpu.vector_load %arg8[%get3A_344] {strides = array<i32>} : memref<16400xi32, #tpu.memory_space<vmem>>, vector<16xi32>,
        %reduce_sum3A_346 = arith.constant true
        %reduce_sum3A_347 = vector.broadcast %reduce_sum3A_346 : i1 to vector<16xi1>
        %reduce_sum3A_348 = tpu.scan <sum>, %get3A_345 masked %reduce_sum3A_347 : vector<16xi32>, vector<16xi1> -> vector<16xi32>
        %reduce_sum3A_349 = vector.extract %reduce_sum3A_348[15] : i32 from vector<16xi32>
        %mul3A_350 = arith.constant 16 : i32
        %mul3A_351 = arith.muli %scan3A_335#0, %mul3A_350 : i32
        %get3A_352 = arith.index_cast %mul3A_351 : i32 to index
        %get3A_353 = tpu.vector_load %arg8[%get3A_352] {strides = array<i32>} : memref<16400xi32, #tpu.memory_space<vmem>>, vector<16xi32>,
        %reduce_sum3A_354 = arith.constant true
        %reduce_sum3A_355 = vector.broadcast %reduce_sum3A_354 : i1 to vector<16xi1>
        %reduce_sum3A_356 = tpu.scan <sum>, %get3A_353 masked %reduce_sum3A_355 : vector<16xi32>, vector<16xi1> -> vector<16xi32>
        %reduce_sum3A_357 = vector.extract %reduce_sum3A_356[15] : i32 from vector<16xi32>
        %sub3A_358 = arith.subi %reduce_sum3A_357, %reduce_sum3A_349 : i32
        %add3A_359 = arith.constant 16 : i32
        %add3A_360 = arith.addi %get3A_339, %add3A_359 : i32
        %sub3A_361 = arith.constant 1 : i32
        %sub3A_362 = arith.subi %add3A_360, %sub3A_361 : i32
        %jit3A_363 = arith.constant 16 : i32
        %div3A_364 = arith.divsi %sub3A_362, %jit3A_363 : i32
        %sign3A_365 = arith.constant 0 : i32
        %sign3A_366 = arith.cmpi sgt, %sub3A_362, %sign3A_365 : i32
        %sign3A_367 = arith.extui %sign3A_366 : i1 to i32
        %sign3A_368 = arith.constant 0 : i32
        %sign3A_369 = arith.cmpi slt, %sub3A_362, %sign3A_368 : i32
        %sign3A_370 = arith.extui %sign3A_369 : i1 to i32
        %sign3A_371 = arith.subi %sign3A_367, %sign3A_370 : i32
        %sign3A_372 = arith.constant 0 : i32
        %sign3A_373 = arith.cmpi sgt, %jit3A_363, %sign3A_372 : i32
        %sign3A_374 = arith.extui %sign3A_373 : i1 to i32
        %sign3A_375 = arith.constant 0 : i32
        %sign3A_376 = arith.cmpi slt, %jit3A_363, %sign3A_375 : i32
        %sign3A_377 = arith.extui %sign3A_376 : i1 to i32
        %sign3A_378 = arith.subi %sign3A_374, %sign3A_377 : i32
        %ne3A_379 = arith.cmpi ne, %sign3A_371, %sign3A_378 : i32
        %rem3A_380 = arith.remsi %sub3A_362, %jit3A_363 : i32
        %ne3A_381 = arith.constant 0 : i32
        %ne3A_382 = arith.cmpi ne, %rem3A_380, %ne3A_381 : i32
        %and3A_383 = arith.andi %ne3A_379, %ne3A_382 : i1
        %sub3A_384 = arith.constant 1 : i32
        %sub3A_385 = arith.subi %div3A_364, %sub3A_384 : i32
        %select_n3A_386 = arith.select %and3A_383, %sub3A_385, %div3A_364 : i32
        %get3A_387 = arith.constant 0 : i32
        %get3A_388 = arith.index_cast %get3A_387 : i32 to index
        %get3A_389 = memref.load %arg15[%get3A_388] : memref<4xi32, #tpu.memory_space<smem>>
        %while3A_390 = arith.constant 0 : i32
        %while3A_391 = arith.constant 0 : i32
        %while3A_392 = arith.subi %select_n3A_386, %while3A_390 : i32
        %while3A_393 = arith.addi %while3A_390, %while3A_392 : i32
        %while3A_394 = arith.constant 1 : i32
        %while3A_395 = arith.divsi %while3A_392, %while3A_394 : i32
        %while3A_396 = arith.muli %while3A_395, %while3A_394 : i32
        %while3A_397 = arith.addi %while3A_390, %while3A_396 : i32
        %while3A_398 = arith.constant 1 : i32
        %while3A_399:2 = scf.for %while3A_421 = %while3A_390 to %while3A_397 step %while3A_398 iter_args(%while3A_422 = %get3A_389, %while3A_423 = %while3A_391) -> (i32, i32)  : i32 {
          %mul3A_424 = arith.constant 16 : i32
          %mul3A_425 = arith.muli %while3A_421, %mul3A_424 : i32
          %get3A_426 = arith.index_cast %mul3A_425 : i32 to index
          %get3A_427 = tpu.vector_load %arg9[%get3A_426] {strides = array<i32>} : memref<32784xi32, #tpu.memory_space<vmem>>, vector<16xi32>,
          %gather3A_428 = tpu.vector_load_idx %arg6[%get3A_427] : memref<32768xf32, #tpu.memory_space<vmem>>[vector<16xi32>], vector<16xf32>,
          %bitcast_convert_type3A_429 = tpu.bitcast %gather3A_428 : vector<16xf32> -> vector<16xi32>
          %and3A_430 = arith.constant 2147483647 : i32
          %and3A_431 = vector.broadcast %and3A_430 : i32 to vector<16xi32>
          %and3A_432 = arith.andi %bitcast_convert_type3A_429, %and3A_431 : vector<16xi32>
          %shift_right_arithmetic3A = arith.constant 23 : i32
          %shift_right_arithmetic3A_433 = vector.broadcast %shift_right_arithmetic3A : i32 to vector<16xi32>
          %shift_right_arithmetic3A_434 = arith.shrsi %and3A_432, %shift_right_arithmetic3A_433 : vector<16xi32>
          %and3A_435 = arith.constant 255 : i32
          %and3A_436 = vector.broadcast %and3A_435 : i32 to vector<16xi32>
          %and3A_437 = arith.andi %shift_right_arithmetic3A_434, %and3A_436 : vector<16xi32>
          %mul3A_438 = arith.constant 16 : i32
          %mul3A_439 = arith.muli %while3A_421, %mul3A_438 : i32
          %add3A_440 = vector.broadcast %mul3A_439 : i32 to vector<16xi32>
          %add3A_441 = arith.addi %add3A_440, %iota3A : vector<16xi32>
          %lt3A_442 = vector.broadcast %get3A_339 : i32 to vector<16xi32>
          %lt3A_443 = arith.cmpi slt, %add3A_441, %lt3A_442 : vector<16xi32>
          %gt3A_444 = vector.broadcast %scan3A_335#0 : i32 to vector<16xi32>
          %gt3A_445 = arith.cmpi sgt, %and3A_437, %gt3A_444 : vector<16xi32>
          %and3A_446 = arith.andi %gt3A_445, %lt3A_443 : vector<16xi1>
          %eq3A = vector.broadcast %scan3A_335#0 : i32 to vector<16xi32>
          %eq3A_447 = arith.cmpi eq, %and3A_437, %eq3A : vector<16xi32>
          %and3A_448 = arith.andi %eq3A_447, %lt3A_443 : vector<16xi1>
          %swap3A_449 = arith.index_cast %while3A_422 : i32 to index
          %swap3A_450 = tpu.vector_load %arg10[%swap3A_449] masked %and3A_446 {strides = array<i32>} : memref<80xi32, #tpu.memory_space<vmem>>, vector<16xi32>, vector<16xi1>
          tpu.vector_store %arg10[%swap3A_449], %get3A_427 masked %and3A_446 {strides = array<i32>} : memref<80xi32, #tpu.memory_space<vmem>>, vector<16xi32>, vector<16xi1>
          %swap3A_451 = arith.index_cast %while3A_423 : i32 to index
          %swap3A_452 = tpu.vector_load %arg9[%swap3A_451] masked %and3A_448 {strides = array<i32>} : memref<32784xi32, #tpu.memory_space<vmem>>, vector<16xi32>, vector<16xi1>
          tpu.vector_store %arg9[%swap3A_451], %get3A_427 masked %and3A_448 {strides = array<i32>} : memref<32784xi32, #tpu.memory_space<vmem>>, vector<16xi32>, vector<16xi1>
          %all_reduce_population_count3A = tpu.all_reduce %and3A_446 {dim = 0 : i64, kind = #tpu.reduction_kind<sum>} : vector<16xi1> -> vector<16xi32>
          %slice3A = vector.extract_strided_slice %all_reduce_population_count3A {offsets = [0], sizes = [1], strides = [1]} : vector<16xi32> to vector<1xi32>
          %squeeze3A = vector.extract %slice3A[0] : i32 from vector<1xi32>
          %add3A_453 = arith.addi %while3A_422, %squeeze3A : i32
          %all_reduce_population_count3A_454 = tpu.all_reduce %and3A_448 {dim = 0 : i64, kind = #tpu.reduction_kind<sum>} : vector<16xi1> -> vector<16xi32>
          %slice3A_455 = vector.extract_strided_slice %all_reduce_population_count3A_454 {offsets = [0], sizes = [1], strides = [1]} : vector<16xi32> to vector<1xi32>
          %squeeze3A_456 = vector.extract %slice3A_455[0] : i32 from vector<1xi32>
          %add3A_457 = arith.addi %while3A_423, %squeeze3A_456 : i32
          scf.yield %add3A_453, %add3A_457 : i32, i32
        }
        %while3A_400 = arith.constant 1 : i32
        %while3A_401:2 = scf.for %while3A_421 = %while3A_397 to %while3A_393 step %while3A_400 iter_args(%while3A_422 = %while3A_399#0, %while3A_423 = %while3A_399#1) -> (i32, i32)  : i32 {
          %mul3A_424 = arith.constant 16 : i32
          %mul3A_425 = arith.muli %while3A_421, %mul3A_424 : i32
          %get3A_426 = arith.index_cast %mul3A_425 : i32 to index
          %get3A_427 = tpu.vector_load %arg9[%get3A_426] {strides = array<i32>} : memref<32784xi32, #tpu.memory_space<vmem>>, vector<16xi32>,
          %gather3A_428 = tpu.vector_load_idx %arg6[%get3A_427] : memref<32768xf32, #tpu.memory_space<vmem>>[vector<16xi32>], vector<16xf32>,
          %bitcast_convert_type3A_429 = tpu.bitcast %gather3A_428 : vector<16xf32> -> vector<16xi32>
          %and3A_430 = arith.constant 2147483647 : i32
          %and3A_431 = vector.broadcast %and3A_430 : i32 to vector<16xi32>
          %and3A_432 = arith.andi %bitcast_convert_type3A_429, %and3A_431 : vector<16xi32>
          %shift_right_arithmetic3A = arith.constant 23 : i32
          %shift_right_arithmetic3A_433 = vector.broadcast %shift_right_arithmetic3A : i32 to vector<16xi32>
          %shift_right_arithmetic3A_434 = arith.shrsi %and3A_432, %shift_right_arithmetic3A_433 : vector<16xi32>
          %and3A_435 = arith.constant 255 : i32
          %and3A_436 = vector.broadcast %and3A_435 : i32 to vector<16xi32>
          %and3A_437 = arith.andi %shift_right_arithmetic3A_434, %and3A_436 : vector<16xi32>
          %mul3A_438 = arith.constant 16 : i32
          %mul3A_439 = arith.muli %while3A_421, %mul3A_438 : i32
          %add3A_440 = vector.broadcast %mul3A_439 : i32 to vector<16xi32>
          %add3A_441 = arith.addi %add3A_440, %iota3A : vector<16xi32>
          %lt3A_442 = vector.broadcast %get3A_339 : i32 to vector<16xi32>
          %lt3A_443 = arith.cmpi slt, %add3A_441, %lt3A_442 : vector<16xi32>
          %gt3A_444 = vector.broadcast %scan3A_335#0 : i32 to vector<16xi32>
          %gt3A_445 = arith.cmpi sgt, %and3A_437, %gt3A_444 : vector<16xi32>
          %and3A_446 = arith.andi %gt3A_445, %lt3A_443 : vector<16xi1>
          %eq3A = vector.broadcast %scan3A_335#0 : i32 to vector<16xi32>
          %eq3A_447 = arith.cmpi eq, %and3A_437, %eq3A : vector<16xi32>
          %and3A_448 = arith.andi %eq3A_447, %lt3A_443 : vector<16xi1>
          %swap3A_449 = arith.index_cast %while3A_422 : i32 to index
          %swap3A_450 = tpu.vector_load %arg10[%swap3A_449] masked %and3A_446 {strides = array<i32>} : memref<80xi32, #tpu.memory_space<vmem>>, vector<16xi32>, vector<16xi1>
          tpu.vector_store %arg10[%swap3A_449], %get3A_427 masked %and3A_446 {strides = array<i32>} : memref<80xi32, #tpu.memory_space<vmem>>, vector<16xi32>, vector<16xi1>
          %swap3A_451 = arith.index_cast %while3A_423 : i32 to index
          %swap3A_452 = tpu.vector_load %arg9[%swap3A_451] masked %and3A_448 {strides = array<i32>} : memref<32784xi32, #tpu.memory_space<vmem>>, vector<16xi32>, vector<16xi1>
          tpu.vector_store %arg9[%swap3A_451], %get3A_427 masked %and3A_448 {strides = array<i32>} : memref<32784xi32, #tpu.memory_space<vmem>>, vector<16xi32>, vector<16xi1>
          %all_reduce_population_count3A = tpu.all_reduce %and3A_446 {dim = 0 : i64, kind = #tpu.reduction_kind<sum>} : vector<16xi1> -> vector<16xi32>
          %slice3A = vector.extract_strided_slice %all_reduce_population_count3A {offsets = [0], sizes = [1], strides = [1]} : vector<16xi32> to vector<1xi32>
          %squeeze3A = vector.extract %slice3A[0] : i32 from vector<1xi32>
          %add3A_453 = arith.addi %while3A_422, %squeeze3A : i32
          %all_reduce_population_count3A_454 = tpu.all_reduce %and3A_448 {dim = 0 : i64, kind = #tpu.reduction_kind<sum>} : vector<16xi1> -> vector<16xi32>
          %slice3A_455 = vector.extract_strided_slice %all_reduce_population_count3A_454 {offsets = [0], sizes = [1], strides = [1]} : vector<16xi32> to vector<1xi32>
          %squeeze3A_456 = vector.extract %slice3A_455[0] : i32 from vector<1xi32>
          %add3A_457 = arith.addi %while3A_423, %squeeze3A_456 : i32
          scf.yield %add3A_453, %add3A_457 : i32, i32
        }
        %get3A_402 = arith.constant 0 : i32
        %get3A_403 = arith.index_cast %get3A_402 : i32 to index
        %get3A_404 = memref.load %arg15[%get3A_403] : memref<4xi32, #tpu.memory_space<smem>>
        %add3A_405 = arith.addi %get3A_404, %reduce_sum3A_349 : i32
        %swap3A_406 = arith.constant 0 : i32
        %swap3A_407 = arith.index_cast %swap3A_406 : i32 to index
        %swap3A_408 = memref.load %arg15[%swap3A_407] : memref<4xi32, #tpu.memory_space<smem>>
        memref.store %add3A_405, %arg15[%swap3A_407] : memref<4xi32, #tpu.memory_space<smem>>
        %get3A_409 = arith.constant 1 : i32
        %get3A_410 = arith.index_cast %get3A_409 : i32 to index
        %get3A_411 = memref.load %arg15[%get3A_410] : memref<4xi32, #tpu.memory_space<smem>>
        %sub3A_412 = arith.subi %get3A_411, %reduce_sum3A_349 : i32
        %swap3A_413 = arith.constant 1 : i32
        %swap3A_414 = arith.index_cast %swap3A_413 : i32 to index
        %swap3A_415 = memref.load %arg15[%swap3A_414] : memref<4xi32, #tpu.memory_space<smem>>
        memref.store %sub3A_412, %arg15[%swap3A_414] : memref<4xi32, #tpu.memory_space<smem>>
        %swap3A_416 = arith.constant 2 : i32
        %swap3A_417 = arith.index_cast %swap3A_416 : i32 to index
        %swap3A_418 = memref.load %arg15[%swap3A_417] : memref<4xi32, #tpu.memory_space<smem>>
        memref.store %sub3A_358, %arg15[%swap3A_417] : memref<4xi32, #tpu.memory_space<smem>>
        %add3A_419 = vector.broadcast %sub3A_358 : i32 to vector<16xi32>
        %add3A_420 = arith.addi %add3A_419, %iota3A : vector<16xi32>
        tpu.vector_store_idx %arg9[%add3A_420], %broadcast_in_dim3A_3 : memref<32784xi32, #tpu.memory_space<vmem>>[vector<16xi32>], vector<16xi32>,
      } else {
      }
      %get3A_82 = arith.constant 2 : i32
      %get3A_83 = arith.index_cast %get3A_82 : i32 to index
      %get3A_84 = memref.load %arg15[%get3A_83] : memref<4xi32, #tpu.memory_space<smem>>
      %get3A_85 = arith.constant 1 : i32
      %get3A_86 = arith.index_cast %get3A_85 : i32 to index
      %get3A_87 = memref.load %arg15[%get3A_86] : memref<4xi32, #tpu.memory_space<smem>>
      %ne3A_88 = arith.cmpi ne, %get3A_84, %get3A_87 : i32
      %convert_element_type3A_89 = arith.extui %ne3A_88 : i1 to i32
      %cond3A_90 = arith.constant 0 : i32
      %cond3A_91 = arith.cmpi ne, %convert_element_type3A_89, %cond3A_90 : i32
      scf.if %cond3A_91 {
        %get3A_277 = arith.constant 2 : i32
        %get3A_278 = arith.index_cast %get3A_277 : i32 to index
        %get3A_279 = memref.load %arg15[%get3A_278] : memref<4xi32, #tpu.memory_space<smem>>
        %add3A_280 = arith.constant 16 : i32
        %add3A_281 = arith.addi %get3A_279, %add3A_280 : i32
        %sub3A_282 = arith.constant 1 : i32
        %sub3A_283 = arith.subi %add3A_281, %sub3A_282 : i32
        %jit3A_284 = arith.constant 16 : i32
        %div3A_285 = arith.divsi %sub3A_283, %jit3A_284 : i32
        %sign3A_286 = arith.constant 0 : i32
        %sign3A_287 = arith.cmpi sgt, %sub3A_283, %sign3A_286 : i32
        %sign3A_288 = arith.extui %sign3A_287 : i1 to i32
        %sign3A_289 = arith.constant 0 : i32
        %sign3A_290 = arith.cmpi slt, %sub3A_283, %sign3A_289 : i32
        %sign3A_291 = arith.extui %sign3A_290 : i1 to i32
        %sign3A_292 = arith.subi %sign3A_288, %sign3A_291 : i32
        %sign3A_293 = arith.constant 0 : i32
        %sign3A_294 = arith.cmpi sgt, %jit3A_284, %sign3A_293 : i32
        %sign3A_295 = arith.extui %sign3A_294 : i1 to i32
        %sign3A_296 = arith.constant 0 : i32
        %sign3A_297 = arith.cmpi slt, %jit3A_284, %sign3A_296 : i32
        %sign3A_298 = arith.extui %sign3A_297 : i1 to i32
        %sign3A_299 = arith.subi %sign3A_295, %sign3A_298 : i32
        %ne3A_300 = arith.cmpi ne, %sign3A_292, %sign3A_299 : i32
        %rem3A_301 = arith.remsi %sub3A_283, %jit3A_284 : i32
        %ne3A_302 = arith.constant 0 : i32
        %ne3A_303 = arith.cmpi ne, %rem3A_301, %ne3A_302 : i32
        %and3A_304 = arith.andi %ne3A_300, %ne3A_303 : i1
        %sub3A_305 = arith.constant 1 : i32
        %sub3A_306 = arith.subi %div3A_285, %sub3A_305 : i32
        %select_n3A_307 = arith.select %and3A_304, %sub3A_306, %div3A_285 : i32
        %while3A_308 = arith.constant 0 : i32
        %while3A_309 = arith.constant 0 : i32
        %while3A_310 = arith.subi %select_n3A_307, %while3A_309 : i32
        %while3A_311 = arith.addi %while3A_309, %while3A_310 : i32
        %while3A_312 = arith.constant 1 : i32
        %while3A_313 = arith.divsi %while3A_310, %while3A_312 : i32
        %while3A_314 = arith.muli %while3A_313, %while3A_312 : i32
        %while3A_315 = arith.addi %while3A_309, %while3A_314 : i32
        %while3A_316 = arith.constant 1 : i32
        scf.for %while3A_421 = %while3A_309 to %while3A_315 step %while3A_316  : i32 {
          %mul3A_422 = arith.constant 16 : i32
          %mul3A_423 = arith.muli %while3A_421, %mul3A_422 : i32
          %get3A_424 = arith.index_cast %mul3A_423 : i32 to index
          %get3A_425 = tpu.vector_load %arg9[%get3A_424] {strides = array<i32>} : memref<32784xi32, #tpu.memory_space<vmem>>, vector<16xi32>,
          %gather3A_426 = tpu.vector_load_idx %arg6[%get3A_425] : memref<32768xf32, #tpu.memory_space<vmem>>[vector<16xi32>], vector<16xf32>,
          %bitcast_convert_type3A_427 = tpu.bitcast %gather3A_426 : vector<16xf32> -> vector<16xi32>
          %and3A_428 = arith.constant 2147483647 : i32
          %and3A_429 = vector.broadcast %and3A_428 : i32 to vector<16xi32>
          %and3A_430 = arith.andi %bitcast_convert_type3A_427, %and3A_429 : vector<16xi32>
          %shift_right_arithmetic3A = arith.constant 15 : i32
          %shift_right_arithmetic3A_431 = vector.broadcast %shift_right_arithmetic3A : i32 to vector<16xi32>
          %shift_right_arithmetic3A_432 = arith.shrsi %and3A_430, %shift_right_arithmetic3A_431 : vector<16xi32>
          %and3A_433 = arith.constant 255 : i32
          %and3A_434 = vector.broadcast %and3A_433 : i32 to vector<16xi32>
          %and3A_435 = arith.andi %shift_right_arithmetic3A_432, %and3A_434 : vector<16xi32>
          %shift_left3A_436 = arith.constant 4 : i32
          %shift_left3A_437 = vector.broadcast %shift_left3A_436 : i32 to vector<16xi32>
          %shift_left3A_438 = arith.shli %and3A_435, %shift_left3A_437 : vector<16xi32>
          %or3A_439 = arith.ori %shift_left3A_438, %iota3A : vector<16xi32>
          %mul3A_440 = arith.constant 16 : i32
          %mul3A_441 = arith.muli %while3A_421, %mul3A_440 : i32
          %add3A_442 = vector.broadcast %mul3A_441 : i32 to vector<16xi32>
          %add3A_443 = arith.addi %add3A_442, %iota3A : vector<16xi32>
          %lt3A_444 = vector.broadcast %get3A_279 : i32 to vector<16xi32>
          %lt3A_445 = arith.cmpi slt, %add3A_443, %lt3A_444 : vector<16xi32>
          tpu.vector_store_idx %arg7[%or3A_439], %broadcast_in_dim3A_1 masked %lt3A_445 {add = true} : memref<16384xi32, #tpu.memory_space<vmem>>[vector<16xi32>], vector<16xi32>, vector<16xi1>
        }
        %while3A_317 = arith.constant 1 : i32
        scf.for %while3A_421 = %while3A_315 to %while3A_311 step %while3A_317  : i32 {
          %mul3A_422 = arith.constant 16 : i32
          %mul3A_423 = arith.muli %while3A_421, %mul3A_422 : i32
          %get3A_424 = arith.index_cast %mul3A_423 : i32 to index
          %get3A_425 = tpu.vector_load %arg9[%get3A_424] {strides = array<i32>} : memref<32784xi32, #tpu.memory_space<vmem>>, vector<16xi32>,
          %gather3A_426 = tpu.vector_load_idx %arg6[%get3A_425] : memref<32768xf32, #tpu.memory_space<vmem>>[vector<16xi32>], vector<16xf32>,
          %bitcast_convert_type3A_427 = tpu.bitcast %gather3A_426 : vector<16xf32> -> vector<16xi32>
          %and3A_428 = arith.constant 2147483647 : i32
          %and3A_429 = vector.broadcast %and3A_428 : i32 to vector<16xi32>
          %and3A_430 = arith.andi %bitcast_convert_type3A_427, %and3A_429 : vector<16xi32>
          %shift_right_arithmetic3A = arith.constant 15 : i32
          %shift_right_arithmetic3A_431 = vector.broadcast %shift_right_arithmetic3A : i32 to vector<16xi32>
          %shift_right_arithmetic3A_432 = arith.shrsi %and3A_430, %shift_right_arithmetic3A_431 : vector<16xi32>
          %and3A_433 = arith.constant 255 : i32
          %and3A_434 = vector.broadcast %and3A_433 : i32 to vector<16xi32>
          %and3A_435 = arith.andi %shift_right_arithmetic3A_432, %and3A_434 : vector<16xi32>
          %shift_left3A_436 = arith.constant 4 : i32
          %shift_left3A_437 = vector.broadcast %shift_left3A_436 : i32 to vector<16xi32>
          %shift_left3A_438 = arith.shli %and3A_435, %shift_left3A_437 : vector<16xi32>
          %or3A_439 = arith.ori %shift_left3A_438, %iota3A : vector<16xi32>
          %mul3A_440 = arith.constant 16 : i32
          %mul3A_441 = arith.muli %while3A_421, %mul3A_440 : i32
          %add3A_442 = vector.broadcast %mul3A_441 : i32 to vector<16xi32>
          %add3A_443 = arith.addi %add3A_442, %iota3A : vector<16xi32>
          %lt3A_444 = vector.broadcast %get3A_279 : i32 to vector<16xi32>
          %lt3A_445 = arith.cmpi slt, %add3A_443, %lt3A_444 : vector<16xi32>
          tpu.vector_store_idx %arg7[%or3A_439], %broadcast_in_dim3A_1 masked %lt3A_445 {add = true} : memref<16384xi32, #tpu.memory_space<vmem>>[vector<16xi32>], vector<16xi32>, vector<16xi1>
        }
        %swap3A_318 = arith.constant 4096 : index
        %swap3A_319 = tpu.vector_load %arg8[%swap3A_318] {strides = array<i32>} : memref<16400xi32, #tpu.memory_space<vmem>>, vector<16xi32>,
        tpu.vector_store %arg8[%swap3A_318], %broadcast_in_dim3A_3 {strides = array<i32>} : memref<16400xi32, #tpu.memory_space<vmem>>, vector<16xi32>,
        %scan3A_320 = arith.constant 0 : i32
        %scan3A_321 = arith.constant 256 : i32
        %scan3A_322 = arith.addi %scan3A_320, %scan3A_321 : i32
        %scan3A_323 = arith.constant 8 : i32
        %scan3A_324 = scf.for %scan3A_421 = %scan3A_320 to %scan3A_322 step %scan3A_323 iter_args(%scan3A_422 = %broadcast_in_dim3A_3) -> (vector<16xi32>)  : i32 {
          %sub3A_423 = arith.constant 255 : i32
          %sub3A_424 = arith.subi %sub3A_423, %scan3A_421 : i32
          %mul3A_425 = arith.constant 16 : i32
          %mul3A_426 = arith.muli %sub3A_424, %mul3A_425 : i32
          %get3A_427 = arith.index_cast %mul3A_426 : i32 to index
          %get3A_428 = tpu.vector_load %arg7[%get3A_427] {strides = array<i32>} : memref<16384xi32, #tpu.memory_space<vmem>>, vector<16xi32>,
          %add3A_429 = arith.addi %scan3A_422, %get3A_428 : vector<16xi32>
          %mul3A_430 = arith.constant 16 : i32
          %mul3A_431 = arith.muli %sub3A_424, %mul3A_430 : i32
          %swap3A_432 = arith.index_cast %mul3A_431 : i32 to index
          %swap3A_433 = tpu.vector_load %arg8[%swap3A_432] {strides = array<i32>} : memref<16400xi32, #tpu.memory_space<vmem>>, vector<16xi32>,
          tpu.vector_store %arg8[%swap3A_432], %add3A_429 {strides = array<i32>} : memref<16400xi32, #tpu.memory_space<vmem>>, vector<16xi32>,
          %mul3A_434 = arith.constant 16 : i32
          %mul3A_435 = arith.muli %sub3A_424, %mul3A_434 : i32
          %swap3A_436 = arith.index_cast %mul3A_435 : i32 to index
          %swap3A_437 = tpu.vector_load %arg7[%swap3A_436] {strides = array<i32>} : memref<16384xi32, #tpu.memory_space<vmem>>, vector<16xi32>,
          tpu.vector_store %arg7[%swap3A_436], %broadcast_in_dim3A_3 {strides = array<i32>} : memref<16384xi32, #tpu.memory_space<vmem>>, vector<16xi32>,
          %scan3A_438 = arith.constant 1 : i32
          %scan3A_439 = arith.addi %scan3A_421, %scan3A_438 : i32
          %sub3A_440 = arith.constant 255 : i32
          %sub3A_441 = arith.subi %sub3A_440, %scan3A_439 : i32
          %mul3A_442 = arith.constant 16 : i32
          %mul3A_443 = arith.muli %sub3A_441, %mul3A_442 : i32
          %get3A_444 = arith.index_cast %mul3A_443 : i32 to index
          %get3A_445 = tpu.vector_load %arg7[%get3A_444] {strides = array<i32>} : memref<16384xi32, #tpu.memory_space<vmem>>, vector<16xi32>,
          %add3A_446 = arith.addi %add3A_429, %get3A_445 : vector<16xi32>
          %mul3A_447 = arith.constant 16 : i32
          %mul3A_448 = arith.muli %sub3A_441, %mul3A_447 : i32
          %swap3A_449 = arith.index_cast %mul3A_448 : i32 to index
          %swap3A_450 = tpu.vector_load %arg8[%swap3A_449] {strides = array<i32>} : memref<16400xi32, #tpu.memory_space<vmem>>, vector<16xi32>,
          tpu.vector_store %arg8[%swap3A_449], %add3A_446 {strides = array<i32>} : memref<16400xi32, #tpu.memory_space<vmem>>, vector<16xi32>,
          %mul3A_451 = arith.constant 16 : i32
          %mul3A_452 = arith.muli %sub3A_441, %mul3A_451 : i32
          %swap3A_453 = arith.index_cast %mul3A_452 : i32 to index
          %swap3A_454 = tpu.vector_load %arg7[%swap3A_453] {strides = array<i32>} : memref<16384xi32, #tpu.memory_space<vmem>>, vector<16xi32>,
          tpu.vector_store %arg7[%swap3A_453], %broadcast_in_dim3A_3 {strides = array<i32>} : memref<16384xi32, #tpu.memory_space<vmem>>, vector<16xi32>,
          %scan3A_455 = arith.constant 2 : i32
          %scan3A_456 = arith.addi %scan3A_421, %scan3A_455 : i32
          %sub3A_457 = arith.constant 255 : i32
          %sub3A_458 = arith.subi %sub3A_457, %scan3A_456 : i32
          %mul3A_459 = arith.constant 16 : i32
          %mul3A_460 = arith.muli %sub3A_458, %mul3A_459 : i32
          %get3A_461 = arith.index_cast %mul3A_460 : i32 to index
          %get3A_462 = tpu.vector_load %arg7[%get3A_461] {strides = array<i32>} : memref<16384xi32, #tpu.memory_space<vmem>>, vector<16xi32>,
          %add3A_463 = arith.addi %add3A_446, %get3A_462 : vector<16xi32>
          %mul3A_464 = arith.constant 16 : i32
          %mul3A_465 = arith.muli %sub3A_458, %mul3A_464 : i32
          %swap3A_466 = arith.index_cast %mul3A_465 : i32 to index
          %swap3A_467 = tpu.vector_load %arg8[%swap3A_466] {strides = array<i32>} : memref<16400xi32, #tpu.memory_space<vmem>>, vector<16xi32>,
          tpu.vector_store %arg8[%swap3A_466], %add3A_463 {strides = array<i32>} : memref<16400xi32, #tpu.memory_space<vmem>>, vector<16xi32>,
          %mul3A_468 = arith.constant 16 : i32
          %mul3A_469 = arith.muli %sub3A_458, %mul3A_468 : i32
          %swap3A_470 = arith.index_cast %mul3A_469 : i32 to index
          %swap3A_471 = tpu.vector_load %arg7[%swap3A_470] {strides = array<i32>} : memref<16384xi32, #tpu.memory_space<vmem>>, vector<16xi32>,
          tpu.vector_store %arg7[%swap3A_470], %broadcast_in_dim3A_3 {strides = array<i32>} : memref<16384xi32, #tpu.memory_space<vmem>>, vector<16xi32>,
          %scan3A_472 = arith.constant 3 : i32
          %scan3A_473 = arith.addi %scan3A_421, %scan3A_472 : i32
          %sub3A_474 = arith.constant 255 : i32
          %sub3A_475 = arith.subi %sub3A_474, %scan3A_473 : i32
          %mul3A_476 = arith.constant 16 : i32
          %mul3A_477 = arith.muli %sub3A_475, %mul3A_476 : i32
          %get3A_478 = arith.index_cast %mul3A_477 : i32 to index
          %get3A_479 = tpu.vector_load %arg7[%get3A_478] {strides = array<i32>} : memref<16384xi32, #tpu.memory_space<vmem>>, vector<16xi32>,
          %add3A_480 = arith.addi %add3A_463, %get3A_479 : vector<16xi32>
          %mul3A_481 = arith.constant 16 : i32
          %mul3A_482 = arith.muli %sub3A_475, %mul3A_481 : i32
          %swap3A_483 = arith.index_cast %mul3A_482 : i32 to index
          %swap3A_484 = tpu.vector_load %arg8[%swap3A_483] {strides = array<i32>} : memref<16400xi32, #tpu.memory_space<vmem>>, vector<16xi32>,
          tpu.vector_store %arg8[%swap3A_483], %add3A_480 {strides = array<i32>} : memref<16400xi32, #tpu.memory_space<vmem>>, vector<16xi32>,
          %mul3A_485 = arith.constant 16 : i32
          %mul3A_486 = arith.muli %sub3A_475, %mul3A_485 : i32
          %swap3A_487 = arith.index_cast %mul3A_486 : i32 to index
          %swap3A_488 = tpu.vector_load %arg7[%swap3A_487] {strides = array<i32>} : memref<16384xi32, #tpu.memory_space<vmem>>, vector<16xi32>,
          tpu.vector_store %arg7[%swap3A_487], %broadcast_in_dim3A_3 {strides = array<i32>} : memref<16384xi32, #tpu.memory_space<vmem>>, vector<16xi32>,
          %scan3A_489 = arith.constant 4 : i32
          %scan3A_490 = arith.addi %scan3A_421, %scan3A_489 : i32
          %sub3A_491 = arith.constant 255 : i32
          %sub3A_492 = arith.subi %sub3A_491, %scan3A_490 : i32
          %mul3A_493 = arith.constant 16 : i32
          %mul3A_494 = arith.muli %sub3A_492, %mul3A_493 : i32
          %get3A_495 = arith.index_cast %mul3A_494 : i32 to index
          %get3A_496 = tpu.vector_load %arg7[%get3A_495] {strides = array<i32>} : memref<16384xi32, #tpu.memory_space<vmem>>, vector<16xi32>,
          %add3A_497 = arith.addi %add3A_480, %get3A_496 : vector<16xi32>
          %mul3A_498 = arith.constant 16 : i32
          %mul3A_499 = arith.muli %sub3A_492, %mul3A_498 : i32
          %swap3A_500 = arith.index_cast %mul3A_499 : i32 to index
          %swap3A_501 = tpu.vector_load %arg8[%swap3A_500] {strides = array<i32>} : memref<16400xi32, #tpu.memory_space<vmem>>, vector<16xi32>,
          tpu.vector_store %arg8[%swap3A_500], %add3A_497 {strides = array<i32>} : memref<16400xi32, #tpu.memory_space<vmem>>, vector<16xi32>,
          %mul3A_502 = arith.constant 16 : i32
          %mul3A_503 = arith.muli %sub3A_492, %mul3A_502 : i32
          %swap3A_504 = arith.index_cast %mul3A_503 : i32 to index
          %swap3A_505 = tpu.vector_load %arg7[%swap3A_504] {strides = array<i32>} : memref<16384xi32, #tpu.memory_space<vmem>>, vector<16xi32>,
          tpu.vector_store %arg7[%swap3A_504], %broadcast_in_dim3A_3 {strides = array<i32>} : memref<16384xi32, #tpu.memory_space<vmem>>, vector<16xi32>,
          %scan3A_506 = arith.constant 5 : i32
          %scan3A_507 = arith.addi %scan3A_421, %scan3A_506 : i32
          %sub3A_508 = arith.constant 255 : i32
          %sub3A_509 = arith.subi %sub3A_508, %scan3A_507 : i32
          %mul3A_510 = arith.constant 16 : i32
          %mul3A_511 = arith.muli %sub3A_509, %mul3A_510 : i32
          %get3A_512 = arith.index_cast %mul3A_511 : i32 to index
          %get3A_513 = tpu.vector_load %arg7[%get3A_512] {strides = array<i32>} : memref<16384xi32, #tpu.memory_space<vmem>>, vector<16xi32>,
          %add3A_514 = arith.addi %add3A_497, %get3A_513 : vector<16xi32>
          %mul3A_515 = arith.constant 16 : i32
          %mul3A_516 = arith.muli %sub3A_509, %mul3A_515 : i32
          %swap3A_517 = arith.index_cast %mul3A_516 : i32 to index
          %swap3A_518 = tpu.vector_load %arg8[%swap3A_517] {strides = array<i32>} : memref<16400xi32, #tpu.memory_space<vmem>>, vector<16xi32>,
          tpu.vector_store %arg8[%swap3A_517], %add3A_514 {strides = array<i32>} : memref<16400xi32, #tpu.memory_space<vmem>>, vector<16xi32>,
          %mul3A_519 = arith.constant 16 : i32
          %mul3A_520 = arith.muli %sub3A_509, %mul3A_519 : i32
          %swap3A_521 = arith.index_cast %mul3A_520 : i32 to index
          %swap3A_522 = tpu.vector_load %arg7[%swap3A_521] {strides = array<i32>} : memref<16384xi32, #tpu.memory_space<vmem>>, vector<16xi32>,
          tpu.vector_store %arg7[%swap3A_521], %broadcast_in_dim3A_3 {strides = array<i32>} : memref<16384xi32, #tpu.memory_space<vmem>>, vector<16xi32>,
          %scan3A_523 = arith.constant 6 : i32
          %scan3A_524 = arith.addi %scan3A_421, %scan3A_523 : i32
          %sub3A_525 = arith.constant 255 : i32
          %sub3A_526 = arith.subi %sub3A_525, %scan3A_524 : i32
          %mul3A_527 = arith.constant 16 : i32
          %mul3A_528 = arith.muli %sub3A_526, %mul3A_527 : i32
          %get3A_529 = arith.index_cast %mul3A_528 : i32 to index
          %get3A_530 = tpu.vector_load %arg7[%get3A_529] {strides = array<i32>} : memref<16384xi32, #tpu.memory_space<vmem>>, vector<16xi32>,
          %add3A_531 = arith.addi %add3A_514, %get3A_530 : vector<16xi32>
          %mul3A_532 = arith.constant 16 : i32
          %mul3A_533 = arith.muli %sub3A_526, %mul3A_532 : i32
          %swap3A_534 = arith.index_cast %mul3A_533 : i32 to index
          %swap3A_535 = tpu.vector_load %arg8[%swap3A_534] {strides = array<i32>} : memref<16400xi32, #tpu.memory_space<vmem>>, vector<16xi32>,
          tpu.vector_store %arg8[%swap3A_534], %add3A_531 {strides = array<i32>} : memref<16400xi32, #tpu.memory_space<vmem>>, vector<16xi32>,
          %mul3A_536 = arith.constant 16 : i32
          %mul3A_537 = arith.muli %sub3A_526, %mul3A_536 : i32
          %swap3A_538 = arith.index_cast %mul3A_537 : i32 to index
          %swap3A_539 = tpu.vector_load %arg7[%swap3A_538] {strides = array<i32>} : memref<16384xi32, #tpu.memory_space<vmem>>, vector<16xi32>,
          tpu.vector_store %arg7[%swap3A_538], %broadcast_in_dim3A_3 {strides = array<i32>} : memref<16384xi32, #tpu.memory_space<vmem>>, vector<16xi32>,
          %scan3A_540 = arith.constant 7 : i32
          %scan3A_541 = arith.addi %scan3A_421, %scan3A_540 : i32
          %sub3A_542 = arith.constant 255 : i32
          %sub3A_543 = arith.subi %sub3A_542, %scan3A_541 : i32
          %mul3A_544 = arith.constant 16 : i32
          %mul3A_545 = arith.muli %sub3A_543, %mul3A_544 : i32
          %get3A_546 = arith.index_cast %mul3A_545 : i32 to index
          %get3A_547 = tpu.vector_load %arg7[%get3A_546] {strides = array<i32>} : memref<16384xi32, #tpu.memory_space<vmem>>, vector<16xi32>,
          %add3A_548 = arith.addi %add3A_531, %get3A_547 : vector<16xi32>
          %mul3A_549 = arith.constant 16 : i32
          %mul3A_550 = arith.muli %sub3A_543, %mul3A_549 : i32
          %swap3A_551 = arith.index_cast %mul3A_550 : i32 to index
          %swap3A_552 = tpu.vector_load %arg8[%swap3A_551] {strides = array<i32>} : memref<16400xi32, #tpu.memory_space<vmem>>, vector<16xi32>,
          tpu.vector_store %arg8[%swap3A_551], %add3A_548 {strides = array<i32>} : memref<16400xi32, #tpu.memory_space<vmem>>, vector<16xi32>,
          %mul3A_553 = arith.constant 16 : i32
          %mul3A_554 = arith.muli %sub3A_543, %mul3A_553 : i32
          %swap3A_555 = arith.index_cast %mul3A_554 : i32 to index
          %swap3A_556 = tpu.vector_load %arg7[%swap3A_555] {strides = array<i32>} : memref<16384xi32, #tpu.memory_space<vmem>>, vector<16xi32>,
          tpu.vector_store %arg7[%swap3A_555], %broadcast_in_dim3A_3 {strides = array<i32>} : memref<16384xi32, #tpu.memory_space<vmem>>, vector<16xi32>,
          scf.yield %add3A_548 : vector<16xi32>
        }
        %scan3A_325 = arith.constant 256 : i32
        %get3A_326 = arith.constant 1 : i32
        %get3A_327 = arith.index_cast %get3A_326 : i32 to index
        %get3A_328 = memref.load %arg15[%get3A_327] : memref<4xi32, #tpu.memory_space<smem>>
        %scan3A_329 = arith.constant 0 : i32
        %scan3A_330 = arith.constant 255 : i32
        %scan3A_331 = arith.constant 0 : i32
        %scan3A_332 = arith.constant 8 : i32
        %scan3A_333 = arith.addi %scan3A_331, %scan3A_332 : i32
        %scan3A_334 = arith.constant 1 : i32
        %scan3A_335:2 = scf.for %scan3A_421 = %scan3A_331 to %scan3A_333 step %scan3A_334 iter_args(%scan3A_422 = %scan3A_329, %scan3A_423 = %scan3A_330) -> (i32, i32)  : i32 {
          %add3A_424 = arith.addi %scan3A_422, %scan3A_423 : i32
          %add3A_425 = arith.constant 1 : i32
          %add3A_426 = arith.addi %add3A_424, %add3A_425 : i32
          %jit3A_427 = arith.constant 2 : i32
          %div3A_428 = arith.divsi %add3A_426, %jit3A_427 : i32
          %sign3A_429 = arith.constant 0 : i32
          %sign3A_430 = arith.cmpi sgt, %add3A_426, %sign3A_429 : i32
          %sign3A_431 = arith.extui %sign3A_430 : i1 to i32
          %sign3A_432 = arith.constant 0 : i32
          %sign3A_433 = arith.cmpi slt, %add3A_426, %sign3A_432 : i32
          %sign3A_434 = arith.extui %sign3A_433 : i1 to i32
          %sign3A_435 = arith.subi %sign3A_431, %sign3A_434 : i32
          %sign3A_436 = arith.constant 0 : i32
          %sign3A_437 = arith.cmpi sgt, %jit3A_427, %sign3A_436 : i32
          %sign3A_438 = arith.extui %sign3A_437 : i1 to i32
          %sign3A_439 = arith.constant 0 : i32
          %sign3A_440 = arith.cmpi slt, %jit3A_427, %sign3A_439 : i32
          %sign3A_441 = arith.extui %sign3A_440 : i1 to i32
          %sign3A_442 = arith.subi %sign3A_438, %sign3A_441 : i32
          %ne3A_443 = arith.cmpi ne, %sign3A_435, %sign3A_442 : i32
          %rem3A_444 = arith.remsi %add3A_426, %jit3A_427 : i32
          %ne3A_445 = arith.constant 0 : i32
          %ne3A_446 = arith.cmpi ne, %rem3A_444, %ne3A_445 : i32
          %and3A_447 = arith.andi %ne3A_443, %ne3A_446 : i1
          %sub3A_448 = arith.constant 1 : i32
          %sub3A_449 = arith.subi %div3A_428, %sub3A_448 : i32
          %select_n3A_450 = arith.select %and3A_447, %sub3A_449, %div3A_428 : i32
          %mul3A_451 = arith.constant 16 : i32
          %mul3A_452 = arith.muli %select_n3A_450, %mul3A_451 : i32
          %get3A_453 = arith.index_cast %mul3A_452 : i32 to index
          %get3A_454 = tpu.vector_load %arg8[%get3A_453] {strides = array<i32>} : memref<16400xi32, #tpu.memory_space<vmem>>, vector<16xi32>,
          %reduce_sum3A_455 = arith.constant true
          %reduce_sum3A_456 = vector.broadcast %reduce_sum3A_455 : i1 to vector<16xi1>
          %reduce_sum3A_457 = tpu.scan <sum>, %get3A_454 masked %reduce_sum3A_456 : vector<16xi32>, vector<16xi1> -> vector<16xi32>
          %reduce_sum3A_458 = vector.extract %reduce_sum3A_457[15] : i32 from vector<16xi32>
          %ge3A = arith.cmpi sge, %reduce_sum3A_458, %get3A_328 : i32
          %select_n3A_459 = arith.select %ge3A, %select_n3A_450, %scan3A_422 : i32
          %sub3A_460 = arith.constant 1 : i32
          %sub3A_461 = arith.subi %select_n3A_450, %sub3A_460 : i32
          %select_n3A_462 = arith.select %ge3A, %scan3A_423, %sub3A_461 : i32
          scf.yield %select_n3A_459, %select_n3A_462 : i32, i32
        }
        %scan3A_336 = arith.constant 8 : i32
        %get3A_337 = arith.constant 2 : i32
        %get3A_338 = arith.index_cast %get3A_337 : i32 to index
        %get3A_339 = memref.load %arg15[%get3A_338] : memref<4xi32, #tpu.memory_space<smem>>
        %add3A_340 = arith.constant 1 : i32
        %add3A_341 = arith.addi %scan3A_335#0, %add3A_340 : i32
        %mul3A_342 = arith.constant 16 : i32
        %mul3A_343 = arith.muli %add3A_341, %mul3A_342 : i32
        %get3A_344 = arith.index_cast %mul3A_343 : i32 to index
        %get3A_345 = tpu.vector_load %arg8[%get3A_344] {strides = array<i32>} : memref<16400xi32, #tpu.memory_space<vmem>>, vector<16xi32>,
        %reduce_sum3A_346 = arith.constant true
        %reduce_sum3A_347 = vector.broadcast %reduce_sum3A_346 : i1 to vector<16xi1>
        %reduce_sum3A_348 = tpu.scan <sum>, %get3A_345 masked %reduce_sum3A_347 : vector<16xi32>, vector<16xi1> -> vector<16xi32>
        %reduce_sum3A_349 = vector.extract %reduce_sum3A_348[15] : i32 from vector<16xi32>
        %mul3A_350 = arith.constant 16 : i32
        %mul3A_351 = arith.muli %scan3A_335#0, %mul3A_350 : i32
        %get3A_352 = arith.index_cast %mul3A_351 : i32 to index
        %get3A_353 = tpu.vector_load %arg8[%get3A_352] {strides = array<i32>} : memref<16400xi32, #tpu.memory_space<vmem>>, vector<16xi32>,
        %reduce_sum3A_354 = arith.constant true
        %reduce_sum3A_355 = vector.broadcast %reduce_sum3A_354 : i1 to vector<16xi1>
        %reduce_sum3A_356 = tpu.scan <sum>, %get3A_353 masked %reduce_sum3A_355 : vector<16xi32>, vector<16xi1> -> vector<16xi32>
        %reduce_sum3A_357 = vector.extract %reduce_sum3A_356[15] : i32 from vector<16xi32>
        %sub3A_358 = arith.subi %reduce_sum3A_357, %reduce_sum3A_349 : i32
        %add3A_359 = arith.constant 16 : i32
        %add3A_360 = arith.addi %get3A_339, %add3A_359 : i32
        %sub3A_361 = arith.constant 1 : i32
        %sub3A_362 = arith.subi %add3A_360, %sub3A_361 : i32
        %jit3A_363 = arith.constant 16 : i32
        %div3A_364 = arith.divsi %sub3A_362, %jit3A_363 : i32
        %sign3A_365 = arith.constant 0 : i32
        %sign3A_366 = arith.cmpi sgt, %sub3A_362, %sign3A_365 : i32
        %sign3A_367 = arith.extui %sign3A_366 : i1 to i32
        %sign3A_368 = arith.constant 0 : i32
        %sign3A_369 = arith.cmpi slt, %sub3A_362, %sign3A_368 : i32
        %sign3A_370 = arith.extui %sign3A_369 : i1 to i32
        %sign3A_371 = arith.subi %sign3A_367, %sign3A_370 : i32
        %sign3A_372 = arith.constant 0 : i32
        %sign3A_373 = arith.cmpi sgt, %jit3A_363, %sign3A_372 : i32
        %sign3A_374 = arith.extui %sign3A_373 : i1 to i32
        %sign3A_375 = arith.constant 0 : i32
        %sign3A_376 = arith.cmpi slt, %jit3A_363, %sign3A_375 : i32
        %sign3A_377 = arith.extui %sign3A_376 : i1 to i32
        %sign3A_378 = arith.subi %sign3A_374, %sign3A_377 : i32
        %ne3A_379 = arith.cmpi ne, %sign3A_371, %sign3A_378 : i32
        %rem3A_380 = arith.remsi %sub3A_362, %jit3A_363 : i32
        %ne3A_381 = arith.constant 0 : i32
        %ne3A_382 = arith.cmpi ne, %rem3A_380, %ne3A_381 : i32
        %and3A_383 = arith.andi %ne3A_379, %ne3A_382 : i1
        %sub3A_384 = arith.constant 1 : i32
        %sub3A_385 = arith.subi %div3A_364, %sub3A_384 : i32
        %select_n3A_386 = arith.select %and3A_383, %sub3A_385, %div3A_364 : i32
        %get3A_387 = arith.constant 0 : i32
        %get3A_388 = arith.index_cast %get3A_387 : i32 to index
        %get3A_389 = memref.load %arg15[%get3A_388] : memref<4xi32, #tpu.memory_space<smem>>
        %while3A_390 = arith.constant 0 : i32
        %while3A_391 = arith.constant 0 : i32
        %while3A_392 = arith.subi %select_n3A_386, %while3A_390 : i32
        %while3A_393 = arith.addi %while3A_390, %while3A_392 : i32
        %while3A_394 = arith.constant 1 : i32
        %while3A_395 = arith.divsi %while3A_392, %while3A_394 : i32
        %while3A_396 = arith.muli %while3A_395, %while3A_394 : i32
        %while3A_397 = arith.addi %while3A_390, %while3A_396 : i32
        %while3A_398 = arith.constant 1 : i32
        %while3A_399:2 = scf.for %while3A_421 = %while3A_390 to %while3A_397 step %while3A_398 iter_args(%while3A_422 = %get3A_389, %while3A_423 = %while3A_391) -> (i32, i32)  : i32 {
          %mul3A_424 = arith.constant 16 : i32
          %mul3A_425 = arith.muli %while3A_421, %mul3A_424 : i32
          %get3A_426 = arith.index_cast %mul3A_425 : i32 to index
          %get3A_427 = tpu.vector_load %arg9[%get3A_426] {strides = array<i32>} : memref<32784xi32, #tpu.memory_space<vmem>>, vector<16xi32>,
          %gather3A_428 = tpu.vector_load_idx %arg6[%get3A_427] : memref<32768xf32, #tpu.memory_space<vmem>>[vector<16xi32>], vector<16xf32>,
          %bitcast_convert_type3A_429 = tpu.bitcast %gather3A_428 : vector<16xf32> -> vector<16xi32>
          %and3A_430 = arith.constant 2147483647 : i32
          %and3A_431 = vector.broadcast %and3A_430 : i32 to vector<16xi32>
          %and3A_432 = arith.andi %bitcast_convert_type3A_429, %and3A_431 : vector<16xi32>
          %shift_right_arithmetic3A = arith.constant 15 : i32
          %shift_right_arithmetic3A_433 = vector.broadcast %shift_right_arithmetic3A : i32 to vector<16xi32>
          %shift_right_arithmetic3A_434 = arith.shrsi %and3A_432, %shift_right_arithmetic3A_433 : vector<16xi32>
          %and3A_435 = arith.constant 255 : i32
          %and3A_436 = vector.broadcast %and3A_435 : i32 to vector<16xi32>
          %and3A_437 = arith.andi %shift_right_arithmetic3A_434, %and3A_436 : vector<16xi32>
          %mul3A_438 = arith.constant 16 : i32
          %mul3A_439 = arith.muli %while3A_421, %mul3A_438 : i32
          %add3A_440 = vector.broadcast %mul3A_439 : i32 to vector<16xi32>
          %add3A_441 = arith.addi %add3A_440, %iota3A : vector<16xi32>
          %lt3A_442 = vector.broadcast %get3A_339 : i32 to vector<16xi32>
          %lt3A_443 = arith.cmpi slt, %add3A_441, %lt3A_442 : vector<16xi32>
          %gt3A_444 = vector.broadcast %scan3A_335#0 : i32 to vector<16xi32>
          %gt3A_445 = arith.cmpi sgt, %and3A_437, %gt3A_444 : vector<16xi32>
          %and3A_446 = arith.andi %gt3A_445, %lt3A_443 : vector<16xi1>
          %eq3A = vector.broadcast %scan3A_335#0 : i32 to vector<16xi32>
          %eq3A_447 = arith.cmpi eq, %and3A_437, %eq3A : vector<16xi32>
          %and3A_448 = arith.andi %eq3A_447, %lt3A_443 : vector<16xi1>
          %swap3A_449 = arith.index_cast %while3A_422 : i32 to index
          %swap3A_450 = tpu.vector_load %arg10[%swap3A_449] masked %and3A_446 {strides = array<i32>} : memref<80xi32, #tpu.memory_space<vmem>>, vector<16xi32>, vector<16xi1>
          tpu.vector_store %arg10[%swap3A_449], %get3A_427 masked %and3A_446 {strides = array<i32>} : memref<80xi32, #tpu.memory_space<vmem>>, vector<16xi32>, vector<16xi1>
          %swap3A_451 = arith.index_cast %while3A_423 : i32 to index
          %swap3A_452 = tpu.vector_load %arg9[%swap3A_451] masked %and3A_448 {strides = array<i32>} : memref<32784xi32, #tpu.memory_space<vmem>>, vector<16xi32>, vector<16xi1>
          tpu.vector_store %arg9[%swap3A_451], %get3A_427 masked %and3A_448 {strides = array<i32>} : memref<32784xi32, #tpu.memory_space<vmem>>, vector<16xi32>, vector<16xi1>
          %all_reduce_population_count3A = tpu.all_reduce %and3A_446 {dim = 0 : i64, kind = #tpu.reduction_kind<sum>} : vector<16xi1> -> vector<16xi32>
          %slice3A = vector.extract_strided_slice %all_reduce_population_count3A {offsets = [0], sizes = [1], strides = [1]} : vector<16xi32> to vector<1xi32>
          %squeeze3A = vector.extract %slice3A[0] : i32 from vector<1xi32>
          %add3A_453 = arith.addi %while3A_422, %squeeze3A : i32
          %all_reduce_population_count3A_454 = tpu.all_reduce %and3A_448 {dim = 0 : i64, kind = #tpu.reduction_kind<sum>} : vector<16xi1> -> vector<16xi32>
          %slice3A_455 = vector.extract_strided_slice %all_reduce_population_count3A_454 {offsets = [0], sizes = [1], strides = [1]} : vector<16xi32> to vector<1xi32>
          %squeeze3A_456 = vector.extract %slice3A_455[0] : i32 from vector<1xi32>
          %add3A_457 = arith.addi %while3A_423, %squeeze3A_456 : i32
          scf.yield %add3A_453, %add3A_457 : i32, i32
        }
        %while3A_400 = arith.constant 1 : i32
        %while3A_401:2 = scf.for %while3A_421 = %while3A_397 to %while3A_393 step %while3A_400 iter_args(%while3A_422 = %while3A_399#0, %while3A_423 = %while3A_399#1) -> (i32, i32)  : i32 {
          %mul3A_424 = arith.constant 16 : i32
          %mul3A_425 = arith.muli %while3A_421, %mul3A_424 : i32
          %get3A_426 = arith.index_cast %mul3A_425 : i32 to index
          %get3A_427 = tpu.vector_load %arg9[%get3A_426] {strides = array<i32>} : memref<32784xi32, #tpu.memory_space<vmem>>, vector<16xi32>,
          %gather3A_428 = tpu.vector_load_idx %arg6[%get3A_427] : memref<32768xf32, #tpu.memory_space<vmem>>[vector<16xi32>], vector<16xf32>,
          %bitcast_convert_type3A_429 = tpu.bitcast %gather3A_428 : vector<16xf32> -> vector<16xi32>
          %and3A_430 = arith.constant 2147483647 : i32
          %and3A_431 = vector.broadcast %and3A_430 : i32 to vector<16xi32>
          %and3A_432 = arith.andi %bitcast_convert_type3A_429, %and3A_431 : vector<16xi32>
          %shift_right_arithmetic3A = arith.constant 15 : i32
          %shift_right_arithmetic3A_433 = vector.broadcast %shift_right_arithmetic3A : i32 to vector<16xi32>
          %shift_right_arithmetic3A_434 = arith.shrsi %and3A_432, %shift_right_arithmetic3A_433 : vector<16xi32>
          %and3A_435 = arith.constant 255 : i32
          %and3A_436 = vector.broadcast %and3A_435 : i32 to vector<16xi32>
          %and3A_437 = arith.andi %shift_right_arithmetic3A_434, %and3A_436 : vector<16xi32>
          %mul3A_438 = arith.constant 16 : i32
          %mul3A_439 = arith.muli %while3A_421, %mul3A_438 : i32
          %add3A_440 = vector.broadcast %mul3A_439 : i32 to vector<16xi32>
          %add3A_441 = arith.addi %add3A_440, %iota3A : vector<16xi32>
          %lt3A_442 = vector.broadcast %get3A_339 : i32 to vector<16xi32>
          %lt3A_443 = arith.cmpi slt, %add3A_441, %lt3A_442 : vector<16xi32>
          %gt3A_444 = vector.broadcast %scan3A_335#0 : i32 to vector<16xi32>
          %gt3A_445 = arith.cmpi sgt, %and3A_437, %gt3A_444 : vector<16xi32>
          %and3A_446 = arith.andi %gt3A_445, %lt3A_443 : vector<16xi1>
          %eq3A = vector.broadcast %scan3A_335#0 : i32 to vector<16xi32>
          %eq3A_447 = arith.cmpi eq, %and3A_437, %eq3A : vector<16xi32>
          %and3A_448 = arith.andi %eq3A_447, %lt3A_443 : vector<16xi1>
          %swap3A_449 = arith.index_cast %while3A_422 : i32 to index
          %swap3A_450 = tpu.vector_load %arg10[%swap3A_449] masked %and3A_446 {strides = array<i32>} : memref<80xi32, #tpu.memory_space<vmem>>, vector<16xi32>, vector<16xi1>
          tpu.vector_store %arg10[%swap3A_449], %get3A_427 masked %and3A_446 {strides = array<i32>} : memref<80xi32, #tpu.memory_space<vmem>>, vector<16xi32>, vector<16xi1>
          %swap3A_451 = arith.index_cast %while3A_423 : i32 to index
          %swap3A_452 = tpu.vector_load %arg9[%swap3A_451] masked %and3A_448 {strides = array<i32>} : memref<32784xi32, #tpu.memory_space<vmem>>, vector<16xi32>, vector<16xi1>
          tpu.vector_store %arg9[%swap3A_451], %get3A_427 masked %and3A_448 {strides = array<i32>} : memref<32784xi32, #tpu.memory_space<vmem>>, vector<16xi32>, vector<16xi1>
          %all_reduce_population_count3A = tpu.all_reduce %and3A_446 {dim = 0 : i64, kind = #tpu.reduction_kind<sum>} : vector<16xi1> -> vector<16xi32>
          %slice3A = vector.extract_strided_slice %all_reduce_population_count3A {offsets = [0], sizes = [1], strides = [1]} : vector<16xi32> to vector<1xi32>
          %squeeze3A = vector.extract %slice3A[0] : i32 from vector<1xi32>
          %add3A_453 = arith.addi %while3A_422, %squeeze3A : i32
          %all_reduce_population_count3A_454 = tpu.all_reduce %and3A_448 {dim = 0 : i64, kind = #tpu.reduction_kind<sum>} : vector<16xi1> -> vector<16xi32>
          %slice3A_455 = vector.extract_strided_slice %all_reduce_population_count3A_454 {offsets = [0], sizes = [1], strides = [1]} : vector<16xi32> to vector<1xi32>
          %squeeze3A_456 = vector.extract %slice3A_455[0] : i32 from vector<1xi32>
          %add3A_457 = arith.addi %while3A_423, %squeeze3A_456 : i32
          scf.yield %add3A_453, %add3A_457 : i32, i32
        }
        %get3A_402 = arith.constant 0 : i32
        %get3A_403 = arith.index_cast %get3A_402 : i32 to index
        %get3A_404 = memref.load %arg15[%get3A_403] : memref<4xi32, #tpu.memory_space<smem>>
        %add3A_405 = arith.addi %get3A_404, %reduce_sum3A_349 : i32
        %swap3A_406 = arith.constant 0 : i32
        %swap3A_407 = arith.index_cast %swap3A_406 : i32 to index
        %swap3A_408 = memref.load %arg15[%swap3A_407] : memref<4xi32, #tpu.memory_space<smem>>
        memref.store %add3A_405, %arg15[%swap3A_407] : memref<4xi32, #tpu.memory_space<smem>>
        %get3A_409 = arith.constant 1 : i32
        %get3A_410 = arith.index_cast %get3A_409 : i32 to index
        %get3A_411 = memref.load %arg15[%get3A_410] : memref<4xi32, #tpu.memory_space<smem>>
        %sub3A_412 = arith.subi %get3A_411, %reduce_sum3A_349 : i32
        %swap3A_413 = arith.constant 1 : i32
        %swap3A_414 = arith.index_cast %swap3A_413 : i32 to index
        %swap3A_415 = memref.load %arg15[%swap3A_414] : memref<4xi32, #tpu.memory_space<smem>>
        memref.store %sub3A_412, %arg15[%swap3A_414] : memref<4xi32, #tpu.memory_space<smem>>
        %swap3A_416 = arith.constant 2 : i32
        %swap3A_417 = arith.index_cast %swap3A_416 : i32 to index
        %swap3A_418 = memref.load %arg15[%swap3A_417] : memref<4xi32, #tpu.memory_space<smem>>
        memref.store %sub3A_358, %arg15[%swap3A_417] : memref<4xi32, #tpu.memory_space<smem>>
        %add3A_419 = vector.broadcast %sub3A_358 : i32 to vector<16xi32>
        %add3A_420 = arith.addi %add3A_419, %iota3A : vector<16xi32>
        tpu.vector_store_idx %arg9[%add3A_420], %broadcast_in_dim3A_3 : memref<32784xi32, #tpu.memory_space<vmem>>[vector<16xi32>], vector<16xi32>,
      } else {
      }
      %get3A_92 = arith.constant 2 : i32
      %get3A_93 = arith.index_cast %get3A_92 : i32 to index
      %get3A_94 = memref.load %arg15[%get3A_93] : memref<4xi32, #tpu.memory_space<smem>>
      %get3A_95 = arith.constant 1 : i32
      %get3A_96 = arith.index_cast %get3A_95 : i32 to index
      %get3A_97 = memref.load %arg15[%get3A_96] : memref<4xi32, #tpu.memory_space<smem>>
      %ne3A_98 = arith.cmpi ne, %get3A_94, %get3A_97 : i32
      %convert_element_type3A_99 = arith.extui %ne3A_98 : i1 to i32
      %cond3A_100 = arith.constant 0 : i32
      %cond3A_101 = arith.cmpi ne, %convert_element_type3A_99, %cond3A_100 : i32
      scf.if %cond3A_101 {
        %get3A_277 = arith.constant 2 : i32
        %get3A_278 = arith.index_cast %get3A_277 : i32 to index
        %get3A_279 = memref.load %arg15[%get3A_278] : memref<4xi32, #tpu.memory_space<smem>>
        %add3A_280 = arith.constant 16 : i32
        %add3A_281 = arith.addi %get3A_279, %add3A_280 : i32
        %sub3A_282 = arith.constant 1 : i32
        %sub3A_283 = arith.subi %add3A_281, %sub3A_282 : i32
        %jit3A_284 = arith.constant 16 : i32
        %div3A_285 = arith.divsi %sub3A_283, %jit3A_284 : i32
        %sign3A_286 = arith.constant 0 : i32
        %sign3A_287 = arith.cmpi sgt, %sub3A_283, %sign3A_286 : i32
        %sign3A_288 = arith.extui %sign3A_287 : i1 to i32
        %sign3A_289 = arith.constant 0 : i32
        %sign3A_290 = arith.cmpi slt, %sub3A_283, %sign3A_289 : i32
        %sign3A_291 = arith.extui %sign3A_290 : i1 to i32
        %sign3A_292 = arith.subi %sign3A_288, %sign3A_291 : i32
        %sign3A_293 = arith.constant 0 : i32
        %sign3A_294 = arith.cmpi sgt, %jit3A_284, %sign3A_293 : i32
        %sign3A_295 = arith.extui %sign3A_294 : i1 to i32
        %sign3A_296 = arith.constant 0 : i32
        %sign3A_297 = arith.cmpi slt, %jit3A_284, %sign3A_296 : i32
        %sign3A_298 = arith.extui %sign3A_297 : i1 to i32
        %sign3A_299 = arith.subi %sign3A_295, %sign3A_298 : i32
        %ne3A_300 = arith.cmpi ne, %sign3A_292, %sign3A_299 : i32
        %rem3A_301 = arith.remsi %sub3A_283, %jit3A_284 : i32
        %ne3A_302 = arith.constant 0 : i32
        %ne3A_303 = arith.cmpi ne, %rem3A_301, %ne3A_302 : i32
        %and3A_304 = arith.andi %ne3A_300, %ne3A_303 : i1
        %sub3A_305 = arith.constant 1 : i32
        %sub3A_306 = arith.subi %div3A_285, %sub3A_305 : i32
        %select_n3A_307 = arith.select %and3A_304, %sub3A_306, %div3A_285 : i32
        %while3A_308 = arith.constant 0 : i32
        %while3A_309 = arith.constant 0 : i32
        %while3A_310 = arith.subi %select_n3A_307, %while3A_309 : i32
        %while3A_311 = arith.addi %while3A_309, %while3A_310 : i32
        %while3A_312 = arith.constant 1 : i32
        %while3A_313 = arith.divsi %while3A_310, %while3A_312 : i32
        %while3A_314 = arith.muli %while3A_313, %while3A_312 : i32
        %while3A_315 = arith.addi %while3A_309, %while3A_314 : i32
        %while3A_316 = arith.constant 1 : i32
        scf.for %while3A_421 = %while3A_309 to %while3A_315 step %while3A_316  : i32 {
          %mul3A_422 = arith.constant 16 : i32
          %mul3A_423 = arith.muli %while3A_421, %mul3A_422 : i32
          %get3A_424 = arith.index_cast %mul3A_423 : i32 to index
          %get3A_425 = tpu.vector_load %arg9[%get3A_424] {strides = array<i32>} : memref<32784xi32, #tpu.memory_space<vmem>>, vector<16xi32>,
          %gather3A_426 = tpu.vector_load_idx %arg6[%get3A_425] : memref<32768xf32, #tpu.memory_space<vmem>>[vector<16xi32>], vector<16xf32>,
          %bitcast_convert_type3A_427 = tpu.bitcast %gather3A_426 : vector<16xf32> -> vector<16xi32>
          %and3A_428 = arith.constant 2147483647 : i32
          %and3A_429 = vector.broadcast %and3A_428 : i32 to vector<16xi32>
          %and3A_430 = arith.andi %bitcast_convert_type3A_427, %and3A_429 : vector<16xi32>
          %shift_right_arithmetic3A = arith.constant 7 : i32
          %shift_right_arithmetic3A_431 = vector.broadcast %shift_right_arithmetic3A : i32 to vector<16xi32>
          %shift_right_arithmetic3A_432 = arith.shrsi %and3A_430, %shift_right_arithmetic3A_431 : vector<16xi32>
          %and3A_433 = arith.constant 255 : i32
          %and3A_434 = vector.broadcast %and3A_433 : i32 to vector<16xi32>
          %and3A_435 = arith.andi %shift_right_arithmetic3A_432, %and3A_434 : vector<16xi32>
          %shift_left3A_436 = arith.constant 4 : i32
          %shift_left3A_437 = vector.broadcast %shift_left3A_436 : i32 to vector<16xi32>
          %shift_left3A_438 = arith.shli %and3A_435, %shift_left3A_437 : vector<16xi32>
          %or3A_439 = arith.ori %shift_left3A_438, %iota3A : vector<16xi32>
          %mul3A_440 = arith.constant 16 : i32
          %mul3A_441 = arith.muli %while3A_421, %mul3A_440 : i32
          %add3A_442 = vector.broadcast %mul3A_441 : i32 to vector<16xi32>
          %add3A_443 = arith.addi %add3A_442, %iota3A : vector<16xi32>
          %lt3A_444 = vector.broadcast %get3A_279 : i32 to vector<16xi32>
          %lt3A_445 = arith.cmpi slt, %add3A_443, %lt3A_444 : vector<16xi32>
          tpu.vector_store_idx %arg7[%or3A_439], %broadcast_in_dim3A_1 masked %lt3A_445 {add = true} : memref<16384xi32, #tpu.memory_space<vmem>>[vector<16xi32>], vector<16xi32>, vector<16xi1>
        }
        %while3A_317 = arith.constant 1 : i32
        scf.for %while3A_421 = %while3A_315 to %while3A_311 step %while3A_317  : i32 {
          %mul3A_422 = arith.constant 16 : i32
          %mul3A_423 = arith.muli %while3A_421, %mul3A_422 : i32
          %get3A_424 = arith.index_cast %mul3A_423 : i32 to index
          %get3A_425 = tpu.vector_load %arg9[%get3A_424] {strides = array<i32>} : memref<32784xi32, #tpu.memory_space<vmem>>, vector<16xi32>,
          %gather3A_426 = tpu.vector_load_idx %arg6[%get3A_425] : memref<32768xf32, #tpu.memory_space<vmem>>[vector<16xi32>], vector<16xf32>,
          %bitcast_convert_type3A_427 = tpu.bitcast %gather3A_426 : vector<16xf32> -> vector<16xi32>
          %and3A_428 = arith.constant 2147483647 : i32
          %and3A_429 = vector.broadcast %and3A_428 : i32 to vector<16xi32>
          %and3A_430 = arith.andi %bitcast_convert_type3A_427, %and3A_429 : vector<16xi32>
          %shift_right_arithmetic3A = arith.constant 7 : i32
          %shift_right_arithmetic3A_431 = vector.broadcast %shift_right_arithmetic3A : i32 to vector<16xi32>
          %shift_right_arithmetic3A_432 = arith.shrsi %and3A_430, %shift_right_arithmetic3A_431 : vector<16xi32>
          %and3A_433 = arith.constant 255 : i32
          %and3A_434 = vector.broadcast %and3A_433 : i32 to vector<16xi32>
          %and3A_435 = arith.andi %shift_right_arithmetic3A_432, %and3A_434 : vector<16xi32>
          %shift_left3A_436 = arith.constant 4 : i32
          %shift_left3A_437 = vector.broadcast %shift_left3A_436 : i32 to vector<16xi32>
          %shift_left3A_438 = arith.shli %and3A_435, %shift_left3A_437 : vector<16xi32>
          %or3A_439 = arith.ori %shift_left3A_438, %iota3A : vector<16xi32>
          %mul3A_440 = arith.constant 16 : i32
          %mul3A_441 = arith.muli %while3A_421, %mul3A_440 : i32
          %add3A_442 = vector.broadcast %mul3A_441 : i32 to vector<16xi32>
          %add3A_443 = arith.addi %add3A_442, %iota3A : vector<16xi32>
          %lt3A_444 = vector.broadcast %get3A_279 : i32 to vector<16xi32>
          %lt3A_445 = arith.cmpi slt, %add3A_443, %lt3A_444 : vector<16xi32>
          tpu.vector_store_idx %arg7[%or3A_439], %broadcast_in_dim3A_1 masked %lt3A_445 {add = true} : memref<16384xi32, #tpu.memory_space<vmem>>[vector<16xi32>], vector<16xi32>, vector<16xi1>
        }
        %swap3A_318 = arith.constant 4096 : index
        %swap3A_319 = tpu.vector_load %arg8[%swap3A_318] {strides = array<i32>} : memref<16400xi32, #tpu.memory_space<vmem>>, vector<16xi32>,
        tpu.vector_store %arg8[%swap3A_318], %broadcast_in_dim3A_3 {strides = array<i32>} : memref<16400xi32, #tpu.memory_space<vmem>>, vector<16xi32>,
        %scan3A_320 = arith.constant 0 : i32
        %scan3A_321 = arith.constant 256 : i32
        %scan3A_322 = arith.addi %scan3A_320, %scan3A_321 : i32
        %scan3A_323 = arith.constant 8 : i32
        %scan3A_324 = scf.for %scan3A_421 = %scan3A_320 to %scan3A_322 step %scan3A_323 iter_args(%scan3A_422 = %broadcast_in_dim3A_3) -> (vector<16xi32>)  : i32 {
          %sub3A_423 = arith.constant 255 : i32
          %sub3A_424 = arith.subi %sub3A_423, %scan3A_421 : i32
          %mul3A_425 = arith.constant 16 : i32
          %mul3A_426 = arith.muli %sub3A_424, %mul3A_425 : i32
          %get3A_427 = arith.index_cast %mul3A_426 : i32 to index
          %get3A_428 = tpu.vector_load %arg7[%get3A_427] {strides = array<i32>} : memref<16384xi32, #tpu.memory_space<vmem>>, vector<16xi32>,
          %add3A_429 = arith.addi %scan3A_422, %get3A_428 : vector<16xi32>
          %mul3A_430 = arith.constant 16 : i32
          %mul3A_431 = arith.muli %sub3A_424, %mul3A_430 : i32
          %swap3A_432 = arith.index_cast %mul3A_431 : i32 to index
          %swap3A_433 = tpu.vector_load %arg8[%swap3A_432] {strides = array<i32>} : memref<16400xi32, #tpu.memory_space<vmem>>, vector<16xi32>,
          tpu.vector_store %arg8[%swap3A_432], %add3A_429 {strides = array<i32>} : memref<16400xi32, #tpu.memory_space<vmem>>, vector<16xi32>,
          %mul3A_434 = arith.constant 16 : i32
          %mul3A_435 = arith.muli %sub3A_424, %mul3A_434 : i32
          %swap3A_436 = arith.index_cast %mul3A_435 : i32 to index
          %swap3A_437 = tpu.vector_load %arg7[%swap3A_436] {strides = array<i32>} : memref<16384xi32, #tpu.memory_space<vmem>>, vector<16xi32>,
          tpu.vector_store %arg7[%swap3A_436], %broadcast_in_dim3A_3 {strides = array<i32>} : memref<16384xi32, #tpu.memory_space<vmem>>, vector<16xi32>,
          %scan3A_438 = arith.constant 1 : i32
          %scan3A_439 = arith.addi %scan3A_421, %scan3A_438 : i32
          %sub3A_440 = arith.constant 255 : i32
          %sub3A_441 = arith.subi %sub3A_440, %scan3A_439 : i32
          %mul3A_442 = arith.constant 16 : i32
          %mul3A_443 = arith.muli %sub3A_441, %mul3A_442 : i32
          %get3A_444 = arith.index_cast %mul3A_443 : i32 to index
          %get3A_445 = tpu.vector_load %arg7[%get3A_444] {strides = array<i32>} : memref<16384xi32, #tpu.memory_space<vmem>>, vector<16xi32>,
          %add3A_446 = arith.addi %add3A_429, %get3A_445 : vector<16xi32>
          %mul3A_447 = arith.constant 16 : i32
          %mul3A_448 = arith.muli %sub3A_441, %mul3A_447 : i32
          %swap3A_449 = arith.index_cast %mul3A_448 : i32 to index
          %swap3A_450 = tpu.vector_load %arg8[%swap3A_449] {strides = array<i32>} : memref<16400xi32, #tpu.memory_space<vmem>>, vector<16xi32>,
          tpu.vector_store %arg8[%swap3A_449], %add3A_446 {strides = array<i32>} : memref<16400xi32, #tpu.memory_space<vmem>>, vector<16xi32>,
          %mul3A_451 = arith.constant 16 : i32
          %mul3A_452 = arith.muli %sub3A_441, %mul3A_451 : i32
          %swap3A_453 = arith.index_cast %mul3A_452 : i32 to index
          %swap3A_454 = tpu.vector_load %arg7[%swap3A_453] {strides = array<i32>} : memref<16384xi32, #tpu.memory_space<vmem>>, vector<16xi32>,
          tpu.vector_store %arg7[%swap3A_453], %broadcast_in_dim3A_3 {strides = array<i32>} : memref<16384xi32, #tpu.memory_space<vmem>>, vector<16xi32>,
          %scan3A_455 = arith.constant 2 : i32
          %scan3A_456 = arith.addi %scan3A_421, %scan3A_455 : i32
          %sub3A_457 = arith.constant 255 : i32
          %sub3A_458 = arith.subi %sub3A_457, %scan3A_456 : i32
          %mul3A_459 = arith.constant 16 : i32
          %mul3A_460 = arith.muli %sub3A_458, %mul3A_459 : i32
          %get3A_461 = arith.index_cast %mul3A_460 : i32 to index
          %get3A_462 = tpu.vector_load %arg7[%get3A_461] {strides = array<i32>} : memref<16384xi32, #tpu.memory_space<vmem>>, vector<16xi32>,
          %add3A_463 = arith.addi %add3A_446, %get3A_462 : vector<16xi32>
          %mul3A_464 = arith.constant 16 : i32
          %mul3A_465 = arith.muli %sub3A_458, %mul3A_464 : i32
          %swap3A_466 = arith.index_cast %mul3A_465 : i32 to index
          %swap3A_467 = tpu.vector_load %arg8[%swap3A_466] {strides = array<i32>} : memref<16400xi32, #tpu.memory_space<vmem>>, vector<16xi32>,
          tpu.vector_store %arg8[%swap3A_466], %add3A_463 {strides = array<i32>} : memref<16400xi32, #tpu.memory_space<vmem>>, vector<16xi32>,
          %mul3A_468 = arith.constant 16 : i32
          %mul3A_469 = arith.muli %sub3A_458, %mul3A_468 : i32
          %swap3A_470 = arith.index_cast %mul3A_469 : i32 to index
          %swap3A_471 = tpu.vector_load %arg7[%swap3A_470] {strides = array<i32>} : memref<16384xi32, #tpu.memory_space<vmem>>, vector<16xi32>,
          tpu.vector_store %arg7[%swap3A_470], %broadcast_in_dim3A_3 {strides = array<i32>} : memref<16384xi32, #tpu.memory_space<vmem>>, vector<16xi32>,
          %scan3A_472 = arith.constant 3 : i32
          %scan3A_473 = arith.addi %scan3A_421, %scan3A_472 : i32
          %sub3A_474 = arith.constant 255 : i32
          %sub3A_475 = arith.subi %sub3A_474, %scan3A_473 : i32
          %mul3A_476 = arith.constant 16 : i32
          %mul3A_477 = arith.muli %sub3A_475, %mul3A_476 : i32
          %get3A_478 = arith.index_cast %mul3A_477 : i32 to index
          %get3A_479 = tpu.vector_load %arg7[%get3A_478] {strides = array<i32>} : memref<16384xi32, #tpu.memory_space<vmem>>, vector<16xi32>,
          %add3A_480 = arith.addi %add3A_463, %get3A_479 : vector<16xi32>
          %mul3A_481 = arith.constant 16 : i32
          %mul3A_482 = arith.muli %sub3A_475, %mul3A_481 : i32
          %swap3A_483 = arith.index_cast %mul3A_482 : i32 to index
          %swap3A_484 = tpu.vector_load %arg8[%swap3A_483] {strides = array<i32>} : memref<16400xi32, #tpu.memory_space<vmem>>, vector<16xi32>,
          tpu.vector_store %arg8[%swap3A_483], %add3A_480 {strides = array<i32>} : memref<16400xi32, #tpu.memory_space<vmem>>, vector<16xi32>,
          %mul3A_485 = arith.constant 16 : i32
          %mul3A_486 = arith.muli %sub3A_475, %mul3A_485 : i32
          %swap3A_487 = arith.index_cast %mul3A_486 : i32 to index
          %swap3A_488 = tpu.vector_load %arg7[%swap3A_487] {strides = array<i32>} : memref<16384xi32, #tpu.memory_space<vmem>>, vector<16xi32>,
          tpu.vector_store %arg7[%swap3A_487], %broadcast_in_dim3A_3 {strides = array<i32>} : memref<16384xi32, #tpu.memory_space<vmem>>, vector<16xi32>,
          %scan3A_489 = arith.constant 4 : i32
          %scan3A_490 = arith.addi %scan3A_421, %scan3A_489 : i32
          %sub3A_491 = arith.constant 255 : i32
          %sub3A_492 = arith.subi %sub3A_491, %scan3A_490 : i32
          %mul3A_493 = arith.constant 16 : i32
          %mul3A_494 = arith.muli %sub3A_492, %mul3A_493 : i32
          %get3A_495 = arith.index_cast %mul3A_494 : i32 to index
          %get3A_496 = tpu.vector_load %arg7[%get3A_495] {strides = array<i32>} : memref<16384xi32, #tpu.memory_space<vmem>>, vector<16xi32>,
          %add3A_497 = arith.addi %add3A_480, %get3A_496 : vector<16xi32>
          %mul3A_498 = arith.constant 16 : i32
          %mul3A_499 = arith.muli %sub3A_492, %mul3A_498 : i32
          %swap3A_500 = arith.index_cast %mul3A_499 : i32 to index
          %swap3A_501 = tpu.vector_load %arg8[%swap3A_500] {strides = array<i32>} : memref<16400xi32, #tpu.memory_space<vmem>>, vector<16xi32>,
          tpu.vector_store %arg8[%swap3A_500], %add3A_497 {strides = array<i32>} : memref<16400xi32, #tpu.memory_space<vmem>>, vector<16xi32>,
          %mul3A_502 = arith.constant 16 : i32
          %mul3A_503 = arith.muli %sub3A_492, %mul3A_502 : i32
          %swap3A_504 = arith.index_cast %mul3A_503 : i32 to index
          %swap3A_505 = tpu.vector_load %arg7[%swap3A_504] {strides = array<i32>} : memref<16384xi32, #tpu.memory_space<vmem>>, vector<16xi32>,
          tpu.vector_store %arg7[%swap3A_504], %broadcast_in_dim3A_3 {strides = array<i32>} : memref<16384xi32, #tpu.memory_space<vmem>>, vector<16xi32>,
          %scan3A_506 = arith.constant 5 : i32
          %scan3A_507 = arith.addi %scan3A_421, %scan3A_506 : i32
          %sub3A_508 = arith.constant 255 : i32
          %sub3A_509 = arith.subi %sub3A_508, %scan3A_507 : i32
          %mul3A_510 = arith.constant 16 : i32
          %mul3A_511 = arith.muli %sub3A_509, %mul3A_510 : i32
          %get3A_512 = arith.index_cast %mul3A_511 : i32 to index
          %get3A_513 = tpu.vector_load %arg7[%get3A_512] {strides = array<i32>} : memref<16384xi32, #tpu.memory_space<vmem>>, vector<16xi32>,
          %add3A_514 = arith.addi %add3A_497, %get3A_513 : vector<16xi32>
          %mul3A_515 = arith.constant 16 : i32
          %mul3A_516 = arith.muli %sub3A_509, %mul3A_515 : i32
          %swap3A_517 = arith.index_cast %mul3A_516 : i32 to index
          %swap3A_518 = tpu.vector_load %arg8[%swap3A_517] {strides = array<i32>} : memref<16400xi32, #tpu.memory_space<vmem>>, vector<16xi32>,
          tpu.vector_store %arg8[%swap3A_517], %add3A_514 {strides = array<i32>} : memref<16400xi32, #tpu.memory_space<vmem>>, vector<16xi32>,
          %mul3A_519 = arith.constant 16 : i32
          %mul3A_520 = arith.muli %sub3A_509, %mul3A_519 : i32
          %swap3A_521 = arith.index_cast %mul3A_520 : i32 to index
          %swap3A_522 = tpu.vector_load %arg7[%swap3A_521] {strides = array<i32>} : memref<16384xi32, #tpu.memory_space<vmem>>, vector<16xi32>,
          tpu.vector_store %arg7[%swap3A_521], %broadcast_in_dim3A_3 {strides = array<i32>} : memref<16384xi32, #tpu.memory_space<vmem>>, vector<16xi32>,
          %scan3A_523 = arith.constant 6 : i32
          %scan3A_524 = arith.addi %scan3A_421, %scan3A_523 : i32
          %sub3A_525 = arith.constant 255 : i32
          %sub3A_526 = arith.subi %sub3A_525, %scan3A_524 : i32
          %mul3A_527 = arith.constant 16 : i32
          %mul3A_528 = arith.muli %sub3A_526, %mul3A_527 : i32
          %get3A_529 = arith.index_cast %mul3A_528 : i32 to index
          %get3A_530 = tpu.vector_load %arg7[%get3A_529] {strides = array<i32>} : memref<16384xi32, #tpu.memory_space<vmem>>, vector<16xi32>,
          %add3A_531 = arith.addi %add3A_514, %get3A_530 : vector<16xi32>
          %mul3A_532 = arith.constant 16 : i32
          %mul3A_533 = arith.muli %sub3A_526, %mul3A_532 : i32
          %swap3A_534 = arith.index_cast %mul3A_533 : i32 to index
          %swap3A_535 = tpu.vector_load %arg8[%swap3A_534] {strides = array<i32>} : memref<16400xi32, #tpu.memory_space<vmem>>, vector<16xi32>,
          tpu.vector_store %arg8[%swap3A_534], %add3A_531 {strides = array<i32>} : memref<16400xi32, #tpu.memory_space<vmem>>, vector<16xi32>,
          %mul3A_536 = arith.constant 16 : i32
          %mul3A_537 = arith.muli %sub3A_526, %mul3A_536 : i32
          %swap3A_538 = arith.index_cast %mul3A_537 : i32 to index
          %swap3A_539 = tpu.vector_load %arg7[%swap3A_538] {strides = array<i32>} : memref<16384xi32, #tpu.memory_space<vmem>>, vector<16xi32>,
          tpu.vector_store %arg7[%swap3A_538], %broadcast_in_dim3A_3 {strides = array<i32>} : memref<16384xi32, #tpu.memory_space<vmem>>, vector<16xi32>,
          %scan3A_540 = arith.constant 7 : i32
          %scan3A_541 = arith.addi %scan3A_421, %scan3A_540 : i32
          %sub3A_542 = arith.constant 255 : i32
          %sub3A_543 = arith.subi %sub3A_542, %scan3A_541 : i32
          %mul3A_544 = arith.constant 16 : i32
          %mul3A_545 = arith.muli %sub3A_543, %mul3A_544 : i32
          %get3A_546 = arith.index_cast %mul3A_545 : i32 to index
          %get3A_547 = tpu.vector_load %arg7[%get3A_546] {strides = array<i32>} : memref<16384xi32, #tpu.memory_space<vmem>>, vector<16xi32>,
          %add3A_548 = arith.addi %add3A_531, %get3A_547 : vector<16xi32>
          %mul3A_549 = arith.constant 16 : i32
          %mul3A_550 = arith.muli %sub3A_543, %mul3A_549 : i32
          %swap3A_551 = arith.index_cast %mul3A_550 : i32 to index
          %swap3A_552 = tpu.vector_load %arg8[%swap3A_551] {strides = array<i32>} : memref<16400xi32, #tpu.memory_space<vmem>>, vector<16xi32>,
          tpu.vector_store %arg8[%swap3A_551], %add3A_548 {strides = array<i32>} : memref<16400xi32, #tpu.memory_space<vmem>>, vector<16xi32>,
          %mul3A_553 = arith.constant 16 : i32
          %mul3A_554 = arith.muli %sub3A_543, %mul3A_553 : i32
          %swap3A_555 = arith.index_cast %mul3A_554 : i32 to index
          %swap3A_556 = tpu.vector_load %arg7[%swap3A_555] {strides = array<i32>} : memref<16384xi32, #tpu.memory_space<vmem>>, vector<16xi32>,
          tpu.vector_store %arg7[%swap3A_555], %broadcast_in_dim3A_3 {strides = array<i32>} : memref<16384xi32, #tpu.memory_space<vmem>>, vector<16xi32>,
          scf.yield %add3A_548 : vector<16xi32>
        }
        %scan3A_325 = arith.constant 256 : i32
        %get3A_326 = arith.constant 1 : i32
        %get3A_327 = arith.index_cast %get3A_326 : i32 to index
        %get3A_328 = memref.load %arg15[%get3A_327] : memref<4xi32, #tpu.memory_space<smem>>
        %scan3A_329 = arith.constant 0 : i32
        %scan3A_330 = arith.constant 255 : i32
        %scan3A_331 = arith.constant 0 : i32
        %scan3A_332 = arith.constant 8 : i32
        %scan3A_333 = arith.addi %scan3A_331, %scan3A_332 : i32
        %scan3A_334 = arith.constant 1 : i32
        %scan3A_335:2 = scf.for %scan3A_421 = %scan3A_331 to %scan3A_333 step %scan3A_334 iter_args(%scan3A_422 = %scan3A_329, %scan3A_423 = %scan3A_330) -> (i32, i32)  : i32 {
          %add3A_424 = arith.addi %scan3A_422, %scan3A_423 : i32
          %add3A_425 = arith.constant 1 : i32
          %add3A_426 = arith.addi %add3A_424, %add3A_425 : i32
          %jit3A_427 = arith.constant 2 : i32
          %div3A_428 = arith.divsi %add3A_426, %jit3A_427 : i32
          %sign3A_429 = arith.constant 0 : i32
          %sign3A_430 = arith.cmpi sgt, %add3A_426, %sign3A_429 : i32
          %sign3A_431 = arith.extui %sign3A_430 : i1 to i32
          %sign3A_432 = arith.constant 0 : i32
          %sign3A_433 = arith.cmpi slt, %add3A_426, %sign3A_432 : i32
          %sign3A_434 = arith.extui %sign3A_433 : i1 to i32
          %sign3A_435 = arith.subi %sign3A_431, %sign3A_434 : i32
          %sign3A_436 = arith.constant 0 : i32
          %sign3A_437 = arith.cmpi sgt, %jit3A_427, %sign3A_436 : i32
          %sign3A_438 = arith.extui %sign3A_437 : i1 to i32
          %sign3A_439 = arith.constant 0 : i32
          %sign3A_440 = arith.cmpi slt, %jit3A_427, %sign3A_439 : i32
          %sign3A_441 = arith.extui %sign3A_440 : i1 to i32
          %sign3A_442 = arith.subi %sign3A_438, %sign3A_441 : i32
          %ne3A_443 = arith.cmpi ne, %sign3A_435, %sign3A_442 : i32
          %rem3A_444 = arith.remsi %add3A_426, %jit3A_427 : i32
          %ne3A_445 = arith.constant 0 : i32
          %ne3A_446 = arith.cmpi ne, %rem3A_444, %ne3A_445 : i32
          %and3A_447 = arith.andi %ne3A_443, %ne3A_446 : i1
          %sub3A_448 = arith.constant 1 : i32
          %sub3A_449 = arith.subi %div3A_428, %sub3A_448 : i32
          %select_n3A_450 = arith.select %and3A_447, %sub3A_449, %div3A_428 : i32
          %mul3A_451 = arith.constant 16 : i32
          %mul3A_452 = arith.muli %select_n3A_450, %mul3A_451 : i32
          %get3A_453 = arith.index_cast %mul3A_452 : i32 to index
          %get3A_454 = tpu.vector_load %arg8[%get3A_453] {strides = array<i32>} : memref<16400xi32, #tpu.memory_space<vmem>>, vector<16xi32>,
          %reduce_sum3A_455 = arith.constant true
          %reduce_sum3A_456 = vector.broadcast %reduce_sum3A_455 : i1 to vector<16xi1>
          %reduce_sum3A_457 = tpu.scan <sum>, %get3A_454 masked %reduce_sum3A_456 : vector<16xi32>, vector<16xi1> -> vector<16xi32>
          %reduce_sum3A_458 = vector.extract %reduce_sum3A_457[15] : i32 from vector<16xi32>
          %ge3A = arith.cmpi sge, %reduce_sum3A_458, %get3A_328 : i32
          %select_n3A_459 = arith.select %ge3A, %select_n3A_450, %scan3A_422 : i32
          %sub3A_460 = arith.constant 1 : i32
          %sub3A_461 = arith.subi %select_n3A_450, %sub3A_460 : i32
          %select_n3A_462 = arith.select %ge3A, %scan3A_423, %sub3A_461 : i32
          scf.yield %select_n3A_459, %select_n3A_462 : i32, i32
        }
        %scan3A_336 = arith.constant 8 : i32
        %get3A_337 = arith.constant 2 : i32
        %get3A_338 = arith.index_cast %get3A_337 : i32 to index
        %get3A_339 = memref.load %arg15[%get3A_338] : memref<4xi32, #tpu.memory_space<smem>>
        %add3A_340 = arith.constant 1 : i32
        %add3A_341 = arith.addi %scan3A_335#0, %add3A_340 : i32
        %mul3A_342 = arith.constant 16 : i32
        %mul3A_343 = arith.muli %add3A_341, %mul3A_342 : i32
        %get3A_344 = arith.index_cast %mul3A_343 : i32 to index
        %get3A_345 = tpu.vector_load %arg8[%get3A_344] {strides = array<i32>} : memref<16400xi32, #tpu.memory_space<vmem>>, vector<16xi32>,
        %reduce_sum3A_346 = arith.constant true
        %reduce_sum3A_347 = vector.broadcast %reduce_sum3A_346 : i1 to vector<16xi1>
        %reduce_sum3A_348 = tpu.scan <sum>, %get3A_345 masked %reduce_sum3A_347 : vector<16xi32>, vector<16xi1> -> vector<16xi32>
        %reduce_sum3A_349 = vector.extract %reduce_sum3A_348[15] : i32 from vector<16xi32>
        %mul3A_350 = arith.constant 16 : i32
        %mul3A_351 = arith.muli %scan3A_335#0, %mul3A_350 : i32
        %get3A_352 = arith.index_cast %mul3A_351 : i32 to index
        %get3A_353 = tpu.vector_load %arg8[%get3A_352] {strides = array<i32>} : memref<16400xi32, #tpu.memory_space<vmem>>, vector<16xi32>,
        %reduce_sum3A_354 = arith.constant true
        %reduce_sum3A_355 = vector.broadcast %reduce_sum3A_354 : i1 to vector<16xi1>
        %reduce_sum3A_356 = tpu.scan <sum>, %get3A_353 masked %reduce_sum3A_355 : vector<16xi32>, vector<16xi1> -> vector<16xi32>
        %reduce_sum3A_357 = vector.extract %reduce_sum3A_356[15] : i32 from vector<16xi32>
        %sub3A_358 = arith.subi %reduce_sum3A_357, %reduce_sum3A_349 : i32
        %add3A_359 = arith.constant 16 : i32
        %add3A_360 = arith.addi %get3A_339, %add3A_359 : i32
        %sub3A_361 = arith.constant 1 : i32
        %sub3A_362 = arith.subi %add3A_360, %sub3A_361 : i32
        %jit3A_363 = arith.constant 16 : i32
        %div3A_364 = arith.divsi %sub3A_362, %jit3A_363 : i32
        %sign3A_365 = arith.constant 0 : i32
        %sign3A_366 = arith.cmpi sgt, %sub3A_362, %sign3A_365 : i32
        %sign3A_367 = arith.extui %sign3A_366 : i1 to i32
        %sign3A_368 = arith.constant 0 : i32
        %sign3A_369 = arith.cmpi slt, %sub3A_362, %sign3A_368 : i32
        %sign3A_370 = arith.extui %sign3A_369 : i1 to i32
        %sign3A_371 = arith.subi %sign3A_367, %sign3A_370 : i32
        %sign3A_372 = arith.constant 0 : i32
        %sign3A_373 = arith.cmpi sgt, %jit3A_363, %sign3A_372 : i32
        %sign3A_374 = arith.extui %sign3A_373 : i1 to i32
        %sign3A_375 = arith.constant 0 : i32
        %sign3A_376 = arith.cmpi slt, %jit3A_363, %sign3A_375 : i32
        %sign3A_377 = arith.extui %sign3A_376 : i1 to i32
        %sign3A_378 = arith.subi %sign3A_374, %sign3A_377 : i32
        %ne3A_379 = arith.cmpi ne, %sign3A_371, %sign3A_378 : i32
        %rem3A_380 = arith.remsi %sub3A_362, %jit3A_363 : i32
        %ne3A_381 = arith.constant 0 : i32
        %ne3A_382 = arith.cmpi ne, %rem3A_380, %ne3A_381 : i32
        %and3A_383 = arith.andi %ne3A_379, %ne3A_382 : i1
        %sub3A_384 = arith.constant 1 : i32
        %sub3A_385 = arith.subi %div3A_364, %sub3A_384 : i32
        %select_n3A_386 = arith.select %and3A_383, %sub3A_385, %div3A_364 : i32
        %get3A_387 = arith.constant 0 : i32
        %get3A_388 = arith.index_cast %get3A_387 : i32 to index
        %get3A_389 = memref.load %arg15[%get3A_388] : memref<4xi32, #tpu.memory_space<smem>>
        %while3A_390 = arith.constant 0 : i32
        %while3A_391 = arith.constant 0 : i32
        %while3A_392 = arith.subi %select_n3A_386, %while3A_390 : i32
        %while3A_393 = arith.addi %while3A_390, %while3A_392 : i32
        %while3A_394 = arith.constant 1 : i32
        %while3A_395 = arith.divsi %while3A_392, %while3A_394 : i32
        %while3A_396 = arith.muli %while3A_395, %while3A_394 : i32
        %while3A_397 = arith.addi %while3A_390, %while3A_396 : i32
        %while3A_398 = arith.constant 1 : i32
        %while3A_399:2 = scf.for %while3A_421 = %while3A_390 to %while3A_397 step %while3A_398 iter_args(%while3A_422 = %get3A_389, %while3A_423 = %while3A_391) -> (i32, i32)  : i32 {
          %mul3A_424 = arith.constant 16 : i32
          %mul3A_425 = arith.muli %while3A_421, %mul3A_424 : i32
          %get3A_426 = arith.index_cast %mul3A_425 : i32 to index
          %get3A_427 = tpu.vector_load %arg9[%get3A_426] {strides = array<i32>} : memref<32784xi32, #tpu.memory_space<vmem>>, vector<16xi32>,
          %gather3A_428 = tpu.vector_load_idx %arg6[%get3A_427] : memref<32768xf32, #tpu.memory_space<vmem>>[vector<16xi32>], vector<16xf32>,
          %bitcast_convert_type3A_429 = tpu.bitcast %gather3A_428 : vector<16xf32> -> vector<16xi32>
          %and3A_430 = arith.constant 2147483647 : i32
          %and3A_431 = vector.broadcast %and3A_430 : i32 to vector<16xi32>
          %and3A_432 = arith.andi %bitcast_convert_type3A_429, %and3A_431 : vector<16xi32>
          %shift_right_arithmetic3A = arith.constant 7 : i32
          %shift_right_arithmetic3A_433 = vector.broadcast %shift_right_arithmetic3A : i32 to vector<16xi32>
          %shift_right_arithmetic3A_434 = arith.shrsi %and3A_432, %shift_right_arithmetic3A_433 : vector<16xi32>
          %and3A_435 = arith.constant 255 : i32
          %and3A_436 = vector.broadcast %and3A_435 : i32 to vector<16xi32>
          %and3A_437 = arith.andi %shift_right_arithmetic3A_434, %and3A_436 : vector<16xi32>
          %mul3A_438 = arith.constant 16 : i32
          %mul3A_439 = arith.muli %while3A_421, %mul3A_438 : i32
          %add3A_440 = vector.broadcast %mul3A_439 : i32 to vector<16xi32>
          %add3A_441 = arith.addi %add3A_440, %iota3A : vector<16xi32>
          %lt3A_442 = vector.broadcast %get3A_339 : i32 to vector<16xi32>
          %lt3A_443 = arith.cmpi slt, %add3A_441, %lt3A_442 : vector<16xi32>
          %gt3A_444 = vector.broadcast %scan3A_335#0 : i32 to vector<16xi32>
          %gt3A_445 = arith.cmpi sgt, %and3A_437, %gt3A_444 : vector<16xi32>
          %and3A_446 = arith.andi %gt3A_445, %lt3A_443 : vector<16xi1>
          %eq3A = vector.broadcast %scan3A_335#0 : i32 to vector<16xi32>
          %eq3A_447 = arith.cmpi eq, %and3A_437, %eq3A : vector<16xi32>
          %and3A_448 = arith.andi %eq3A_447, %lt3A_443 : vector<16xi1>
          %swap3A_449 = arith.index_cast %while3A_422 : i32 to index
          %swap3A_450 = tpu.vector_load %arg10[%swap3A_449] masked %and3A_446 {strides = array<i32>} : memref<80xi32, #tpu.memory_space<vmem>>, vector<16xi32>, vector<16xi1>
          tpu.vector_store %arg10[%swap3A_449], %get3A_427 masked %and3A_446 {strides = array<i32>} : memref<80xi32, #tpu.memory_space<vmem>>, vector<16xi32>, vector<16xi1>
          %swap3A_451 = arith.index_cast %while3A_423 : i32 to index
          %swap3A_452 = tpu.vector_load %arg9[%swap3A_451] masked %and3A_448 {strides = array<i32>} : memref<32784xi32, #tpu.memory_space<vmem>>, vector<16xi32>, vector<16xi1>
          tpu.vector_store %arg9[%swap3A_451], %get3A_427 masked %and3A_448 {strides = array<i32>} : memref<32784xi32, #tpu.memory_space<vmem>>, vector<16xi32>, vector<16xi1>
          %all_reduce_population_count3A = tpu.all_reduce %and3A_446 {dim = 0 : i64, kind = #tpu.reduction_kind<sum>} : vector<16xi1> -> vector<16xi32>
          %slice3A = vector.extract_strided_slice %all_reduce_population_count3A {offsets = [0], sizes = [1], strides = [1]} : vector<16xi32> to vector<1xi32>
          %squeeze3A = vector.extract %slice3A[0] : i32 from vector<1xi32>
          %add3A_453 = arith.addi %while3A_422, %squeeze3A : i32
          %all_reduce_population_count3A_454 = tpu.all_reduce %and3A_448 {dim = 0 : i64, kind = #tpu.reduction_kind<sum>} : vector<16xi1> -> vector<16xi32>
          %slice3A_455 = vector.extract_strided_slice %all_reduce_population_count3A_454 {offsets = [0], sizes = [1], strides = [1]} : vector<16xi32> to vector<1xi32>
          %squeeze3A_456 = vector.extract %slice3A_455[0] : i32 from vector<1xi32>
          %add3A_457 = arith.addi %while3A_423, %squeeze3A_456 : i32
          scf.yield %add3A_453, %add3A_457 : i32, i32
        }
        %while3A_400 = arith.constant 1 : i32
        %while3A_401:2 = scf.for %while3A_421 = %while3A_397 to %while3A_393 step %while3A_400 iter_args(%while3A_422 = %while3A_399#0, %while3A_423 = %while3A_399#1) -> (i32, i32)  : i32 {
          %mul3A_424 = arith.constant 16 : i32
          %mul3A_425 = arith.muli %while3A_421, %mul3A_424 : i32
          %get3A_426 = arith.index_cast %mul3A_425 : i32 to index
          %get3A_427 = tpu.vector_load %arg9[%get3A_426] {strides = array<i32>} : memref<32784xi32, #tpu.memory_space<vmem>>, vector<16xi32>,
          %gather3A_428 = tpu.vector_load_idx %arg6[%get3A_427] : memref<32768xf32, #tpu.memory_space<vmem>>[vector<16xi32>], vector<16xf32>,
          %bitcast_convert_type3A_429 = tpu.bitcast %gather3A_428 : vector<16xf32> -> vector<16xi32>
          %and3A_430 = arith.constant 2147483647 : i32
          %and3A_431 = vector.broadcast %and3A_430 : i32 to vector<16xi32>
          %and3A_432 = arith.andi %bitcast_convert_type3A_429, %and3A_431 : vector<16xi32>
          %shift_right_arithmetic3A = arith.constant 7 : i32
          %shift_right_arithmetic3A_433 = vector.broadcast %shift_right_arithmetic3A : i32 to vector<16xi32>
          %shift_right_arithmetic3A_434 = arith.shrsi %and3A_432, %shift_right_arithmetic3A_433 : vector<16xi32>
          %and3A_435 = arith.constant 255 : i32
          %and3A_436 = vector.broadcast %and3A_435 : i32 to vector<16xi32>
          %and3A_437 = arith.andi %shift_right_arithmetic3A_434, %and3A_436 : vector<16xi32>
          %mul3A_438 = arith.constant 16 : i32
          %mul3A_439 = arith.muli %while3A_421, %mul3A_438 : i32
          %add3A_440 = vector.broadcast %mul3A_439 : i32 to vector<16xi32>
          %add3A_441 = arith.addi %add3A_440, %iota3A : vector<16xi32>
          %lt3A_442 = vector.broadcast %get3A_339 : i32 to vector<16xi32>
          %lt3A_443 = arith.cmpi slt, %add3A_441, %lt3A_442 : vector<16xi32>
          %gt3A_444 = vector.broadcast %scan3A_335#0 : i32 to vector<16xi32>
          %gt3A_445 = arith.cmpi sgt, %and3A_437, %gt3A_444 : vector<16xi32>
          %and3A_446 = arith.andi %gt3A_445, %lt3A_443 : vector<16xi1>
          %eq3A = vector.broadcast %scan3A_335#0 : i32 to vector<16xi32>
          %eq3A_447 = arith.cmpi eq, %and3A_437, %eq3A : vector<16xi32>
          %and3A_448 = arith.andi %eq3A_447, %lt3A_443 : vector<16xi1>
          %swap3A_449 = arith.index_cast %while3A_422 : i32 to index
          %swap3A_450 = tpu.vector_load %arg10[%swap3A_449] masked %and3A_446 {strides = array<i32>} : memref<80xi32, #tpu.memory_space<vmem>>, vector<16xi32>, vector<16xi1>
          tpu.vector_store %arg10[%swap3A_449], %get3A_427 masked %and3A_446 {strides = array<i32>} : memref<80xi32, #tpu.memory_space<vmem>>, vector<16xi32>, vector<16xi1>
          %swap3A_451 = arith.index_cast %while3A_423 : i32 to index
          %swap3A_452 = tpu.vector_load %arg9[%swap3A_451] masked %and3A_448 {strides = array<i32>} : memref<32784xi32, #tpu.memory_space<vmem>>, vector<16xi32>, vector<16xi1>
          tpu.vector_store %arg9[%swap3A_451], %get3A_427 masked %and3A_448 {strides = array<i32>} : memref<32784xi32, #tpu.memory_space<vmem>>, vector<16xi32>, vector<16xi1>
          %all_reduce_population_count3A = tpu.all_reduce %and3A_446 {dim = 0 : i64, kind = #tpu.reduction_kind<sum>} : vector<16xi1> -> vector<16xi32>
          %slice3A = vector.extract_strided_slice %all_reduce_population_count3A {offsets = [0], sizes = [1], strides = [1]} : vector<16xi32> to vector<1xi32>
          %squeeze3A = vector.extract %slice3A[0] : i32 from vector<1xi32>
          %add3A_453 = arith.addi %while3A_422, %squeeze3A : i32
          %all_reduce_population_count3A_454 = tpu.all_reduce %and3A_448 {dim = 0 : i64, kind = #tpu.reduction_kind<sum>} : vector<16xi1> -> vector<16xi32>
          %slice3A_455 = vector.extract_strided_slice %all_reduce_population_count3A_454 {offsets = [0], sizes = [1], strides = [1]} : vector<16xi32> to vector<1xi32>
          %squeeze3A_456 = vector.extract %slice3A_455[0] : i32 from vector<1xi32>
          %add3A_457 = arith.addi %while3A_423, %squeeze3A_456 : i32
          scf.yield %add3A_453, %add3A_457 : i32, i32
        }
        %get3A_402 = arith.constant 0 : i32
        %get3A_403 = arith.index_cast %get3A_402 : i32 to index
        %get3A_404 = memref.load %arg15[%get3A_403] : memref<4xi32, #tpu.memory_space<smem>>
        %add3A_405 = arith.addi %get3A_404, %reduce_sum3A_349 : i32
        %swap3A_406 = arith.constant 0 : i32
        %swap3A_407 = arith.index_cast %swap3A_406 : i32 to index
        %swap3A_408 = memref.load %arg15[%swap3A_407] : memref<4xi32, #tpu.memory_space<smem>>
        memref.store %add3A_405, %arg15[%swap3A_407] : memref<4xi32, #tpu.memory_space<smem>>
        %get3A_409 = arith.constant 1 : i32
        %get3A_410 = arith.index_cast %get3A_409 : i32 to index
        %get3A_411 = memref.load %arg15[%get3A_410] : memref<4xi32, #tpu.memory_space<smem>>
        %sub3A_412 = arith.subi %get3A_411, %reduce_sum3A_349 : i32
        %swap3A_413 = arith.constant 1 : i32
        %swap3A_414 = arith.index_cast %swap3A_413 : i32 to index
        %swap3A_415 = memref.load %arg15[%swap3A_414] : memref<4xi32, #tpu.memory_space<smem>>
        memref.store %sub3A_412, %arg15[%swap3A_414] : memref<4xi32, #tpu.memory_space<smem>>
        %swap3A_416 = arith.constant 2 : i32
        %swap3A_417 = arith.index_cast %swap3A_416 : i32 to index
        %swap3A_418 = memref.load %arg15[%swap3A_417] : memref<4xi32, #tpu.memory_space<smem>>
        memref.store %sub3A_358, %arg15[%swap3A_417] : memref<4xi32, #tpu.memory_space<smem>>
        %add3A_419 = vector.broadcast %sub3A_358 : i32 to vector<16xi32>
        %add3A_420 = arith.addi %add3A_419, %iota3A : vector<16xi32>
        tpu.vector_store_idx %arg9[%add3A_420], %broadcast_in_dim3A_3 : memref<32784xi32, #tpu.memory_space<vmem>>[vector<16xi32>], vector<16xi32>,
      } else {
      }
      %get3A_102 = arith.constant 2 : i32
      %get3A_103 = arith.index_cast %get3A_102 : i32 to index
      %get3A_104 = memref.load %arg15[%get3A_103] : memref<4xi32, #tpu.memory_space<smem>>
      %get3A_105 = arith.constant 1 : i32
      %get3A_106 = arith.index_cast %get3A_105 : i32 to index
      %get3A_107 = memref.load %arg15[%get3A_106] : memref<4xi32, #tpu.memory_space<smem>>
      %ne3A_108 = arith.cmpi ne, %get3A_104, %get3A_107 : i32
      %convert_element_type3A_109 = arith.extui %ne3A_108 : i1 to i32
      %cond3A_110 = arith.constant 0 : i32
      %cond3A_111 = arith.cmpi ne, %convert_element_type3A_109, %cond3A_110 : i32
      scf.if %cond3A_111 {
        %get3A_277 = arith.constant 2 : i32
        %get3A_278 = arith.index_cast %get3A_277 : i32 to index
        %get3A_279 = memref.load %arg15[%get3A_278] : memref<4xi32, #tpu.memory_space<smem>>
        %add3A_280 = arith.constant 16 : i32
        %add3A_281 = arith.addi %get3A_279, %add3A_280 : i32
        %sub3A_282 = arith.constant 1 : i32
        %sub3A_283 = arith.subi %add3A_281, %sub3A_282 : i32
        %jit3A_284 = arith.constant 16 : i32
        %div3A_285 = arith.divsi %sub3A_283, %jit3A_284 : i32
        %sign3A_286 = arith.constant 0 : i32
        %sign3A_287 = arith.cmpi sgt, %sub3A_283, %sign3A_286 : i32
        %sign3A_288 = arith.extui %sign3A_287 : i1 to i32
        %sign3A_289 = arith.constant 0 : i32
        %sign3A_290 = arith.cmpi slt, %sub3A_283, %sign3A_289 : i32
        %sign3A_291 = arith.extui %sign3A_290 : i1 to i32
        %sign3A_292 = arith.subi %sign3A_288, %sign3A_291 : i32
        %sign3A_293 = arith.constant 0 : i32
        %sign3A_294 = arith.cmpi sgt, %jit3A_284, %sign3A_293 : i32
        %sign3A_295 = arith.extui %sign3A_294 : i1 to i32
        %sign3A_296 = arith.constant 0 : i32
        %sign3A_297 = arith.cmpi slt, %jit3A_284, %sign3A_296 : i32
        %sign3A_298 = arith.extui %sign3A_297 : i1 to i32
        %sign3A_299 = arith.subi %sign3A_295, %sign3A_298 : i32
        %ne3A_300 = arith.cmpi ne, %sign3A_292, %sign3A_299 : i32
        %rem3A_301 = arith.remsi %sub3A_283, %jit3A_284 : i32
        %ne3A_302 = arith.constant 0 : i32
        %ne3A_303 = arith.cmpi ne, %rem3A_301, %ne3A_302 : i32
        %and3A_304 = arith.andi %ne3A_300, %ne3A_303 : i1
        %sub3A_305 = arith.constant 1 : i32
        %sub3A_306 = arith.subi %div3A_285, %sub3A_305 : i32
        %select_n3A_307 = arith.select %and3A_304, %sub3A_306, %div3A_285 : i32
        %while3A_308 = arith.constant 0 : i32
        %while3A_309 = arith.constant 0 : i32
        %while3A_310 = arith.subi %select_n3A_307, %while3A_309 : i32
        %while3A_311 = arith.addi %while3A_309, %while3A_310 : i32
        %while3A_312 = arith.constant 1 : i32
        %while3A_313 = arith.divsi %while3A_310, %while3A_312 : i32
        %while3A_314 = arith.muli %while3A_313, %while3A_312 : i32
        %while3A_315 = arith.addi %while3A_309, %while3A_314 : i32
        %while3A_316 = arith.constant 1 : i32
        scf.for %while3A_421 = %while3A_309 to %while3A_315 step %while3A_316  : i32 {
          %mul3A_422 = arith.constant 16 : i32
          %mul3A_423 = arith.muli %while3A_421, %mul3A_422 : i32
          %get3A_424 = arith.index_cast %mul3A_423 : i32 to index
          %get3A_425 = tpu.vector_load %arg9[%get3A_424] {strides = array<i32>} : memref<32784xi32, #tpu.memory_space<vmem>>, vector<16xi32>,
          %gather3A_426 = tpu.vector_load_idx %arg6[%get3A_425] : memref<32768xf32, #tpu.memory_space<vmem>>[vector<16xi32>], vector<16xf32>,
          %bitcast_convert_type3A_427 = tpu.bitcast %gather3A_426 : vector<16xf32> -> vector<16xi32>
          %and3A_428 = arith.constant 2147483647 : i32
          %and3A_429 = vector.broadcast %and3A_428 : i32 to vector<16xi32>
          %and3A_430 = arith.andi %bitcast_convert_type3A_427, %and3A_429 : vector<16xi32>
          %shift_right_arithmetic3A = arith.constant 0 : i32
          %shift_right_arithmetic3A_431 = vector.broadcast %shift_right_arithmetic3A : i32 to vector<16xi32>
          %shift_right_arithmetic3A_432 = arith.shrsi %and3A_430, %shift_right_arithmetic3A_431 : vector<16xi32>
          %and3A_433 = arith.constant 255 : i32
          %and3A_434 = vector.broadcast %and3A_433 : i32 to vector<16xi32>
          %and3A_435 = arith.andi %shift_right_arithmetic3A_432, %and3A_434 : vector<16xi32>
          %shift_left3A_436 = arith.constant 4 : i32
          %shift_left3A_437 = vector.broadcast %shift_left3A_436 : i32 to vector<16xi32>
          %shift_left3A_438 = arith.shli %and3A_435, %shift_left3A_437 : vector<16xi32>
          %or3A_439 = arith.ori %shift_left3A_438, %iota3A : vector<16xi32>
          %mul3A_440 = arith.constant 16 : i32
          %mul3A_441 = arith.muli %while3A_421, %mul3A_440 : i32
          %add3A_442 = vector.broadcast %mul3A_441 : i32 to vector<16xi32>
          %add3A_443 = arith.addi %add3A_442, %iota3A : vector<16xi32>
          %lt3A_444 = vector.broadcast %get3A_279 : i32 to vector<16xi32>
          %lt3A_445 = arith.cmpi slt, %add3A_443, %lt3A_444 : vector<16xi32>
          tpu.vector_store_idx %arg7[%or3A_439], %broadcast_in_dim3A_1 masked %lt3A_445 {add = true} : memref<16384xi32, #tpu.memory_space<vmem>>[vector<16xi32>], vector<16xi32>, vector<16xi1>
        }
        %while3A_317 = arith.constant 1 : i32
        scf.for %while3A_421 = %while3A_315 to %while3A_311 step %while3A_317  : i32 {
          %mul3A_422 = arith.constant 16 : i32
          %mul3A_423 = arith.muli %while3A_421, %mul3A_422 : i32
          %get3A_424 = arith.index_cast %mul3A_423 : i32 to index
          %get3A_425 = tpu.vector_load %arg9[%get3A_424] {strides = array<i32>} : memref<32784xi32, #tpu.memory_space<vmem>>, vector<16xi32>,
          %gather3A_426 = tpu.vector_load_idx %arg6[%get3A_425] : memref<32768xf32, #tpu.memory_space<vmem>>[vector<16xi32>], vector<16xf32>,
          %bitcast_convert_type3A_427 = tpu.bitcast %gather3A_426 : vector<16xf32> -> vector<16xi32>
          %and3A_428 = arith.constant 2147483647 : i32
          %and3A_429 = vector.broadcast %and3A_428 : i32 to vector<16xi32>
          %and3A_430 = arith.andi %bitcast_convert_type3A_427, %and3A_429 : vector<16xi32>
          %shift_right_arithmetic3A = arith.constant 0 : i32
          %shift_right_arithmetic3A_431 = vector.broadcast %shift_right_arithmetic3A : i32 to vector<16xi32>
          %shift_right_arithmetic3A_432 = arith.shrsi %and3A_430, %shift_right_arithmetic3A_431 : vector<16xi32>
          %and3A_433 = arith.constant 255 : i32
          %and3A_434 = vector.broadcast %and3A_433 : i32 to vector<16xi32>
          %and3A_435 = arith.andi %shift_right_arithmetic3A_432, %and3A_434 : vector<16xi32>
          %shift_left3A_436 = arith.constant 4 : i32
          %shift_left3A_437 = vector.broadcast %shift_left3A_436 : i32 to vector<16xi32>
          %shift_left3A_438 = arith.shli %and3A_435, %shift_left3A_437 : vector<16xi32>
          %or3A_439 = arith.ori %shift_left3A_438, %iota3A : vector<16xi32>
          %mul3A_440 = arith.constant 16 : i32
          %mul3A_441 = arith.muli %while3A_421, %mul3A_440 : i32
          %add3A_442 = vector.broadcast %mul3A_441 : i32 to vector<16xi32>
          %add3A_443 = arith.addi %add3A_442, %iota3A : vector<16xi32>
          %lt3A_444 = vector.broadcast %get3A_279 : i32 to vector<16xi32>
          %lt3A_445 = arith.cmpi slt, %add3A_443, %lt3A_444 : vector<16xi32>
          tpu.vector_store_idx %arg7[%or3A_439], %broadcast_in_dim3A_1 masked %lt3A_445 {add = true} : memref<16384xi32, #tpu.memory_space<vmem>>[vector<16xi32>], vector<16xi32>, vector<16xi1>
        }
        %swap3A_318 = arith.constant 4096 : index
        %swap3A_319 = tpu.vector_load %arg8[%swap3A_318] {strides = array<i32>} : memref<16400xi32, #tpu.memory_space<vmem>>, vector<16xi32>,
        tpu.vector_store %arg8[%swap3A_318], %broadcast_in_dim3A_3 {strides = array<i32>} : memref<16400xi32, #tpu.memory_space<vmem>>, vector<16xi32>,
        %scan3A_320 = arith.constant 0 : i32
        %scan3A_321 = arith.constant 256 : i32
        %scan3A_322 = arith.addi %scan3A_320, %scan3A_321 : i32
        %scan3A_323 = arith.constant 8 : i32
        %scan3A_324 = scf.for %scan3A_421 = %scan3A_320 to %scan3A_322 step %scan3A_323 iter_args(%scan3A_422 = %broadcast_in_dim3A_3) -> (vector<16xi32>)  : i32 {
          %sub3A_423 = arith.constant 255 : i32
          %sub3A_424 = arith.subi %sub3A_423, %scan3A_421 : i32
          %mul3A_425 = arith.constant 16 : i32
          %mul3A_426 = arith.muli %sub3A_424, %mul3A_425 : i32
          %get3A_427 = arith.index_cast %mul3A_426 : i32 to index
          %get3A_428 = tpu.vector_load %arg7[%get3A_427] {strides = array<i32>} : memref<16384xi32, #tpu.memory_space<vmem>>, vector<16xi32>,
          %add3A_429 = arith.addi %scan3A_422, %get3A_428 : vector<16xi32>
          %mul3A_430 = arith.constant 16 : i32
          %mul3A_431 = arith.muli %sub3A_424, %mul3A_430 : i32
          %swap3A_432 = arith.index_cast %mul3A_431 : i32 to index
          %swap3A_433 = tpu.vector_load %arg8[%swap3A_432] {strides = array<i32>} : memref<16400xi32, #tpu.memory_space<vmem>>, vector<16xi32>,
          tpu.vector_store %arg8[%swap3A_432], %add3A_429 {strides = array<i32>} : memref<16400xi32, #tpu.memory_space<vmem>>, vector<16xi32>,
          %mul3A_434 = arith.constant 16 : i32
          %mul3A_435 = arith.muli %sub3A_424, %mul3A_434 : i32
          %swap3A_436 = arith.index_cast %mul3A_435 : i32 to index
          %swap3A_437 = tpu.vector_load %arg7[%swap3A_436] {strides = array<i32>} : memref<16384xi32, #tpu.memory_space<vmem>>, vector<16xi32>,
          tpu.vector_store %arg7[%swap3A_436], %broadcast_in_dim3A_3 {strides = array<i32>} : memref<16384xi32, #tpu.memory_space<vmem>>, vector<16xi32>,
          %scan3A_438 = arith.constant 1 : i32
          %scan3A_439 = arith.addi %scan3A_421, %scan3A_438 : i32
          %sub3A_440 = arith.constant 255 : i32
          %sub3A_441 = arith.subi %sub3A_440, %scan3A_439 : i32
          %mul3A_442 = arith.constant 16 : i32
          %mul3A_443 = arith.muli %sub3A_441, %mul3A_442 : i32
          %get3A_444 = arith.index_cast %mul3A_443 : i32 to index
          %get3A_445 = tpu.vector_load %arg7[%get3A_444] {strides = array<i32>} : memref<16384xi32, #tpu.memory_space<vmem>>, vector<16xi32>,
          %add3A_446 = arith.addi %add3A_429, %get3A_445 : vector<16xi32>
          %mul3A_447 = arith.constant 16 : i32
          %mul3A_448 = arith.muli %sub3A_441, %mul3A_447 : i32
          %swap3A_449 = arith.index_cast %mul3A_448 : i32 to index
          %swap3A_450 = tpu.vector_load %arg8[%swap3A_449] {strides = array<i32>} : memref<16400xi32, #tpu.memory_space<vmem>>, vector<16xi32>,
          tpu.vector_store %arg8[%swap3A_449], %add3A_446 {strides = array<i32>} : memref<16400xi32, #tpu.memory_space<vmem>>, vector<16xi32>,
          %mul3A_451 = arith.constant 16 : i32
          %mul3A_452 = arith.muli %sub3A_441, %mul3A_451 : i32
          %swap3A_453 = arith.index_cast %mul3A_452 : i32 to index
          %swap3A_454 = tpu.vector_load %arg7[%swap3A_453] {strides = array<i32>} : memref<16384xi32, #tpu.memory_space<vmem>>, vector<16xi32>,
          tpu.vector_store %arg7[%swap3A_453], %broadcast_in_dim3A_3 {strides = array<i32>} : memref<16384xi32, #tpu.memory_space<vmem>>, vector<16xi32>,
          %scan3A_455 = arith.constant 2 : i32
          %scan3A_456 = arith.addi %scan3A_421, %scan3A_455 : i32
          %sub3A_457 = arith.constant 255 : i32
          %sub3A_458 = arith.subi %sub3A_457, %scan3A_456 : i32
          %mul3A_459 = arith.constant 16 : i32
          %mul3A_460 = arith.muli %sub3A_458, %mul3A_459 : i32
          %get3A_461 = arith.index_cast %mul3A_460 : i32 to index
          %get3A_462 = tpu.vector_load %arg7[%get3A_461] {strides = array<i32>} : memref<16384xi32, #tpu.memory_space<vmem>>, vector<16xi32>,
          %add3A_463 = arith.addi %add3A_446, %get3A_462 : vector<16xi32>
          %mul3A_464 = arith.constant 16 : i32
          %mul3A_465 = arith.muli %sub3A_458, %mul3A_464 : i32
          %swap3A_466 = arith.index_cast %mul3A_465 : i32 to index
          %swap3A_467 = tpu.vector_load %arg8[%swap3A_466] {strides = array<i32>} : memref<16400xi32, #tpu.memory_space<vmem>>, vector<16xi32>,
          tpu.vector_store %arg8[%swap3A_466], %add3A_463 {strides = array<i32>} : memref<16400xi32, #tpu.memory_space<vmem>>, vector<16xi32>,
          %mul3A_468 = arith.constant 16 : i32
          %mul3A_469 = arith.muli %sub3A_458, %mul3A_468 : i32
          %swap3A_470 = arith.index_cast %mul3A_469 : i32 to index
          %swap3A_471 = tpu.vector_load %arg7[%swap3A_470] {strides = array<i32>} : memref<16384xi32, #tpu.memory_space<vmem>>, vector<16xi32>,
          tpu.vector_store %arg7[%swap3A_470], %broadcast_in_dim3A_3 {strides = array<i32>} : memref<16384xi32, #tpu.memory_space<vmem>>, vector<16xi32>,
          %scan3A_472 = arith.constant 3 : i32
          %scan3A_473 = arith.addi %scan3A_421, %scan3A_472 : i32
          %sub3A_474 = arith.constant 255 : i32
          %sub3A_475 = arith.subi %sub3A_474, %scan3A_473 : i32
          %mul3A_476 = arith.constant 16 : i32
          %mul3A_477 = arith.muli %sub3A_475, %mul3A_476 : i32
          %get3A_478 = arith.index_cast %mul3A_477 : i32 to index
          %get3A_479 = tpu.vector_load %arg7[%get3A_478] {strides = array<i32>} : memref<16384xi32, #tpu.memory_space<vmem>>, vector<16xi32>,
          %add3A_480 = arith.addi %add3A_463, %get3A_479 : vector<16xi32>
          %mul3A_481 = arith.constant 16 : i32
          %mul3A_482 = arith.muli %sub3A_475, %mul3A_481 : i32
          %swap3A_483 = arith.index_cast %mul3A_482 : i32 to index
          %swap3A_484 = tpu.vector_load %arg8[%swap3A_483] {strides = array<i32>} : memref<16400xi32, #tpu.memory_space<vmem>>, vector<16xi32>,
          tpu.vector_store %arg8[%swap3A_483], %add3A_480 {strides = array<i32>} : memref<16400xi32, #tpu.memory_space<vmem>>, vector<16xi32>,
          %mul3A_485 = arith.constant 16 : i32
          %mul3A_486 = arith.muli %sub3A_475, %mul3A_485 : i32
          %swap3A_487 = arith.index_cast %mul3A_486 : i32 to index
          %swap3A_488 = tpu.vector_load %arg7[%swap3A_487] {strides = array<i32>} : memref<16384xi32, #tpu.memory_space<vmem>>, vector<16xi32>,
          tpu.vector_store %arg7[%swap3A_487], %broadcast_in_dim3A_3 {strides = array<i32>} : memref<16384xi32, #tpu.memory_space<vmem>>, vector<16xi32>,
          %scan3A_489 = arith.constant 4 : i32
          %scan3A_490 = arith.addi %scan3A_421, %scan3A_489 : i32
          %sub3A_491 = arith.constant 255 : i32
          %sub3A_492 = arith.subi %sub3A_491, %scan3A_490 : i32
          %mul3A_493 = arith.constant 16 : i32
          %mul3A_494 = arith.muli %sub3A_492, %mul3A_493 : i32
          %get3A_495 = arith.index_cast %mul3A_494 : i32 to index
          %get3A_496 = tpu.vector_load %arg7[%get3A_495] {strides = array<i32>} : memref<16384xi32, #tpu.memory_space<vmem>>, vector<16xi32>,
          %add3A_497 = arith.addi %add3A_480, %get3A_496 : vector<16xi32>
          %mul3A_498 = arith.constant 16 : i32
          %mul3A_499 = arith.muli %sub3A_492, %mul3A_498 : i32
          %swap3A_500 = arith.index_cast %mul3A_499 : i32 to index
          %swap3A_501 = tpu.vector_load %arg8[%swap3A_500] {strides = array<i32>} : memref<16400xi32, #tpu.memory_space<vmem>>, vector<16xi32>,
          tpu.vector_store %arg8[%swap3A_500], %add3A_497 {strides = array<i32>} : memref<16400xi32, #tpu.memory_space<vmem>>, vector<16xi32>,
          %mul3A_502 = arith.constant 16 : i32
          %mul3A_503 = arith.muli %sub3A_492, %mul3A_502 : i32
          %swap3A_504 = arith.index_cast %mul3A_503 : i32 to index
          %swap3A_505 = tpu.vector_load %arg7[%swap3A_504] {strides = array<i32>} : memref<16384xi32, #tpu.memory_space<vmem>>, vector<16xi32>,
          tpu.vector_store %arg7[%swap3A_504], %broadcast_in_dim3A_3 {strides = array<i32>} : memref<16384xi32, #tpu.memory_space<vmem>>, vector<16xi32>,
          %scan3A_506 = arith.constant 5 : i32
          %scan3A_507 = arith.addi %scan3A_421, %scan3A_506 : i32
          %sub3A_508 = arith.constant 255 : i32
          %sub3A_509 = arith.subi %sub3A_508, %scan3A_507 : i32
          %mul3A_510 = arith.constant 16 : i32
          %mul3A_511 = arith.muli %sub3A_509, %mul3A_510 : i32
          %get3A_512 = arith.index_cast %mul3A_511 : i32 to index
          %get3A_513 = tpu.vector_load %arg7[%get3A_512] {strides = array<i32>} : memref<16384xi32, #tpu.memory_space<vmem>>, vector<16xi32>,
          %add3A_514 = arith.addi %add3A_497, %get3A_513 : vector<16xi32>
          %mul3A_515 = arith.constant 16 : i32
          %mul3A_516 = arith.muli %sub3A_509, %mul3A_515 : i32
          %swap3A_517 = arith.index_cast %mul3A_516 : i32 to index
          %swap3A_518 = tpu.vector_load %arg8[%swap3A_517] {strides = array<i32>} : memref<16400xi32, #tpu.memory_space<vmem>>, vector<16xi32>,
          tpu.vector_store %arg8[%swap3A_517], %add3A_514 {strides = array<i32>} : memref<16400xi32, #tpu.memory_space<vmem>>, vector<16xi32>,
          %mul3A_519 = arith.constant 16 : i32
          %mul3A_520 = arith.muli %sub3A_509, %mul3A_519 : i32
          %swap3A_521 = arith.index_cast %mul3A_520 : i32 to index
          %swap3A_522 = tpu.vector_load %arg7[%swap3A_521] {strides = array<i32>} : memref<16384xi32, #tpu.memory_space<vmem>>, vector<16xi32>,
          tpu.vector_store %arg7[%swap3A_521], %broadcast_in_dim3A_3 {strides = array<i32>} : memref<16384xi32, #tpu.memory_space<vmem>>, vector<16xi32>,
          %scan3A_523 = arith.constant 6 : i32
          %scan3A_524 = arith.addi %scan3A_421, %scan3A_523 : i32
          %sub3A_525 = arith.constant 255 : i32
          %sub3A_526 = arith.subi %sub3A_525, %scan3A_524 : i32
          %mul3A_527 = arith.constant 16 : i32
          %mul3A_528 = arith.muli %sub3A_526, %mul3A_527 : i32
          %get3A_529 = arith.index_cast %mul3A_528 : i32 to index
          %get3A_530 = tpu.vector_load %arg7[%get3A_529] {strides = array<i32>} : memref<16384xi32, #tpu.memory_space<vmem>>, vector<16xi32>,
          %add3A_531 = arith.addi %add3A_514, %get3A_530 : vector<16xi32>
          %mul3A_532 = arith.constant 16 : i32
          %mul3A_533 = arith.muli %sub3A_526, %mul3A_532 : i32
          %swap3A_534 = arith.index_cast %mul3A_533 : i32 to index
          %swap3A_535 = tpu.vector_load %arg8[%swap3A_534] {strides = array<i32>} : memref<16400xi32, #tpu.memory_space<vmem>>, vector<16xi32>,
          tpu.vector_store %arg8[%swap3A_534], %add3A_531 {strides = array<i32>} : memref<16400xi32, #tpu.memory_space<vmem>>, vector<16xi32>,
          %mul3A_536 = arith.constant 16 : i32
          %mul3A_537 = arith.muli %sub3A_526, %mul3A_536 : i32
          %swap3A_538 = arith.index_cast %mul3A_537 : i32 to index
          %swap3A_539 = tpu.vector_load %arg7[%swap3A_538] {strides = array<i32>} : memref<16384xi32, #tpu.memory_space<vmem>>, vector<16xi32>,
          tpu.vector_store %arg7[%swap3A_538], %broadcast_in_dim3A_3 {strides = array<i32>} : memref<16384xi32, #tpu.memory_space<vmem>>, vector<16xi32>,
          %scan3A_540 = arith.constant 7 : i32
          %scan3A_541 = arith.addi %scan3A_421, %scan3A_540 : i32
          %sub3A_542 = arith.constant 255 : i32
          %sub3A_543 = arith.subi %sub3A_542, %scan3A_541 : i32
          %mul3A_544 = arith.constant 16 : i32
          %mul3A_545 = arith.muli %sub3A_543, %mul3A_544 : i32
          %get3A_546 = arith.index_cast %mul3A_545 : i32 to index
          %get3A_547 = tpu.vector_load %arg7[%get3A_546] {strides = array<i32>} : memref<16384xi32, #tpu.memory_space<vmem>>, vector<16xi32>,
          %add3A_548 = arith.addi %add3A_531, %get3A_547 : vector<16xi32>
          %mul3A_549 = arith.constant 16 : i32
          %mul3A_550 = arith.muli %sub3A_543, %mul3A_549 : i32
          %swap3A_551 = arith.index_cast %mul3A_550 : i32 to index
          %swap3A_552 = tpu.vector_load %arg8[%swap3A_551] {strides = array<i32>} : memref<16400xi32, #tpu.memory_space<vmem>>, vector<16xi32>,
          tpu.vector_store %arg8[%swap3A_551], %add3A_548 {strides = array<i32>} : memref<16400xi32, #tpu.memory_space<vmem>>, vector<16xi32>,
          %mul3A_553 = arith.constant 16 : i32
          %mul3A_554 = arith.muli %sub3A_543, %mul3A_553 : i32
          %swap3A_555 = arith.index_cast %mul3A_554 : i32 to index
          %swap3A_556 = tpu.vector_load %arg7[%swap3A_555] {strides = array<i32>} : memref<16384xi32, #tpu.memory_space<vmem>>, vector<16xi32>,
          tpu.vector_store %arg7[%swap3A_555], %broadcast_in_dim3A_3 {strides = array<i32>} : memref<16384xi32, #tpu.memory_space<vmem>>, vector<16xi32>,
          scf.yield %add3A_548 : vector<16xi32>
        }
        %scan3A_325 = arith.constant 256 : i32
        %get3A_326 = arith.constant 1 : i32
        %get3A_327 = arith.index_cast %get3A_326 : i32 to index
        %get3A_328 = memref.load %arg15[%get3A_327] : memref<4xi32, #tpu.memory_space<smem>>
        %scan3A_329 = arith.constant 0 : i32
        %scan3A_330 = arith.constant 255 : i32
        %scan3A_331 = arith.constant 0 : i32
        %scan3A_332 = arith.constant 8 : i32
        %scan3A_333 = arith.addi %scan3A_331, %scan3A_332 : i32
        %scan3A_334 = arith.constant 1 : i32
        %scan3A_335:2 = scf.for %scan3A_421 = %scan3A_331 to %scan3A_333 step %scan3A_334 iter_args(%scan3A_422 = %scan3A_329, %scan3A_423 = %scan3A_330) -> (i32, i32)  : i32 {
          %add3A_424 = arith.addi %scan3A_422, %scan3A_423 : i32
          %add3A_425 = arith.constant 1 : i32
          %add3A_426 = arith.addi %add3A_424, %add3A_425 : i32
          %jit3A_427 = arith.constant 2 : i32
          %div3A_428 = arith.divsi %add3A_426, %jit3A_427 : i32
          %sign3A_429 = arith.constant 0 : i32
          %sign3A_430 = arith.cmpi sgt, %add3A_426, %sign3A_429 : i32
          %sign3A_431 = arith.extui %sign3A_430 : i1 to i32
          %sign3A_432 = arith.constant 0 : i32
          %sign3A_433 = arith.cmpi slt, %add3A_426, %sign3A_432 : i32
          %sign3A_434 = arith.extui %sign3A_433 : i1 to i32
          %sign3A_435 = arith.subi %sign3A_431, %sign3A_434 : i32
          %sign3A_436 = arith.constant 0 : i32
          %sign3A_437 = arith.cmpi sgt, %jit3A_427, %sign3A_436 : i32
          %sign3A_438 = arith.extui %sign3A_437 : i1 to i32
          %sign3A_439 = arith.constant 0 : i32
          %sign3A_440 = arith.cmpi slt, %jit3A_427, %sign3A_439 : i32
          %sign3A_441 = arith.extui %sign3A_440 : i1 to i32
          %sign3A_442 = arith.subi %sign3A_438, %sign3A_441 : i32
          %ne3A_443 = arith.cmpi ne, %sign3A_435, %sign3A_442 : i32
          %rem3A_444 = arith.remsi %add3A_426, %jit3A_427 : i32
          %ne3A_445 = arith.constant 0 : i32
          %ne3A_446 = arith.cmpi ne, %rem3A_444, %ne3A_445 : i32
          %and3A_447 = arith.andi %ne3A_443, %ne3A_446 : i1
          %sub3A_448 = arith.constant 1 : i32
          %sub3A_449 = arith.subi %div3A_428, %sub3A_448 : i32
          %select_n3A_450 = arith.select %and3A_447, %sub3A_449, %div3A_428 : i32
          %mul3A_451 = arith.constant 16 : i32
          %mul3A_452 = arith.muli %select_n3A_450, %mul3A_451 : i32
          %get3A_453 = arith.index_cast %mul3A_452 : i32 to index
          %get3A_454 = tpu.vector_load %arg8[%get3A_453] {strides = array<i32>} : memref<16400xi32, #tpu.memory_space<vmem>>, vector<16xi32>,
          %reduce_sum3A_455 = arith.constant true
          %reduce_sum3A_456 = vector.broadcast %reduce_sum3A_455 : i1 to vector<16xi1>
          %reduce_sum3A_457 = tpu.scan <sum>, %get3A_454 masked %reduce_sum3A_456 : vector<16xi32>, vector<16xi1> -> vector<16xi32>
          %reduce_sum3A_458 = vector.extract %reduce_sum3A_457[15] : i32 from vector<16xi32>
          %ge3A = arith.cmpi sge, %reduce_sum3A_458, %get3A_328 : i32
          %select_n3A_459 = arith.select %ge3A, %select_n3A_450, %scan3A_422 : i32
          %sub3A_460 = arith.constant 1 : i32
          %sub3A_461 = arith.subi %select_n3A_450, %sub3A_460 : i32
          %select_n3A_462 = arith.select %ge3A, %scan3A_423, %sub3A_461 : i32
          scf.yield %select_n3A_459, %select_n3A_462 : i32, i32
        }
        %scan3A_336 = arith.constant 8 : i32
        %get3A_337 = arith.constant 2 : i32
        %get3A_338 = arith.index_cast %get3A_337 : i32 to index
        %get3A_339 = memref.load %arg15[%get3A_338] : memref<4xi32, #tpu.memory_space<smem>>
        %add3A_340 = arith.constant 1 : i32
        %add3A_341 = arith.addi %scan3A_335#0, %add3A_340 : i32
        %mul3A_342 = arith.constant 16 : i32
        %mul3A_343 = arith.muli %add3A_341, %mul3A_342 : i32
        %get3A_344 = arith.index_cast %mul3A_343 : i32 to index
        %get3A_345 = tpu.vector_load %arg8[%get3A_344] {strides = array<i32>} : memref<16400xi32, #tpu.memory_space<vmem>>, vector<16xi32>,
        %reduce_sum3A_346 = arith.constant true
        %reduce_sum3A_347 = vector.broadcast %reduce_sum3A_346 : i1 to vector<16xi1>
        %reduce_sum3A_348 = tpu.scan <sum>, %get3A_345 masked %reduce_sum3A_347 : vector<16xi32>, vector<16xi1> -> vector<16xi32>
        %reduce_sum3A_349 = vector.extract %reduce_sum3A_348[15] : i32 from vector<16xi32>
        %mul3A_350 = arith.constant 16 : i32
        %mul3A_351 = arith.muli %scan3A_335#0, %mul3A_350 : i32
        %get3A_352 = arith.index_cast %mul3A_351 : i32 to index
        %get3A_353 = tpu.vector_load %arg8[%get3A_352] {strides = array<i32>} : memref<16400xi32, #tpu.memory_space<vmem>>, vector<16xi32>,
        %reduce_sum3A_354 = arith.constant true
        %reduce_sum3A_355 = vector.broadcast %reduce_sum3A_354 : i1 to vector<16xi1>
        %reduce_sum3A_356 = tpu.scan <sum>, %get3A_353 masked %reduce_sum3A_355 : vector<16xi32>, vector<16xi1> -> vector<16xi32>
        %reduce_sum3A_357 = vector.extract %reduce_sum3A_356[15] : i32 from vector<16xi32>
        %sub3A_358 = arith.subi %reduce_sum3A_357, %reduce_sum3A_349 : i32
        %add3A_359 = arith.constant 16 : i32
        %add3A_360 = arith.addi %get3A_339, %add3A_359 : i32
        %sub3A_361 = arith.constant 1 : i32
        %sub3A_362 = arith.subi %add3A_360, %sub3A_361 : i32
        %jit3A_363 = arith.constant 16 : i32
        %div3A_364 = arith.divsi %sub3A_362, %jit3A_363 : i32
        %sign3A_365 = arith.constant 0 : i32
        %sign3A_366 = arith.cmpi sgt, %sub3A_362, %sign3A_365 : i32
        %sign3A_367 = arith.extui %sign3A_366 : i1 to i32
        %sign3A_368 = arith.constant 0 : i32
        %sign3A_369 = arith.cmpi slt, %sub3A_362, %sign3A_368 : i32
        %sign3A_370 = arith.extui %sign3A_369 : i1 to i32
        %sign3A_371 = arith.subi %sign3A_367, %sign3A_370 : i32
        %sign3A_372 = arith.constant 0 : i32
        %sign3A_373 = arith.cmpi sgt, %jit3A_363, %sign3A_372 : i32
        %sign3A_374 = arith.extui %sign3A_373 : i1 to i32
        %sign3A_375 = arith.constant 0 : i32
        %sign3A_376 = arith.cmpi slt, %jit3A_363, %sign3A_375 : i32
        %sign3A_377 = arith.extui %sign3A_376 : i1 to i32
        %sign3A_378 = arith.subi %sign3A_374, %sign3A_377 : i32
        %ne3A_379 = arith.cmpi ne, %sign3A_371, %sign3A_378 : i32
        %rem3A_380 = arith.remsi %sub3A_362, %jit3A_363 : i32
        %ne3A_381 = arith.constant 0 : i32
        %ne3A_382 = arith.cmpi ne, %rem3A_380, %ne3A_381 : i32
        %and3A_383 = arith.andi %ne3A_379, %ne3A_382 : i1
        %sub3A_384 = arith.constant 1 : i32
        %sub3A_385 = arith.subi %div3A_364, %sub3A_384 : i32
        %select_n3A_386 = arith.select %and3A_383, %sub3A_385, %div3A_364 : i32
        %get3A_387 = arith.constant 0 : i32
        %get3A_388 = arith.index_cast %get3A_387 : i32 to index
        %get3A_389 = memref.load %arg15[%get3A_388] : memref<4xi32, #tpu.memory_space<smem>>
        %while3A_390 = arith.constant 0 : i32
        %while3A_391 = arith.constant 0 : i32
        %while3A_392 = arith.subi %select_n3A_386, %while3A_390 : i32
        %while3A_393 = arith.addi %while3A_390, %while3A_392 : i32
        %while3A_394 = arith.constant 1 : i32
        %while3A_395 = arith.divsi %while3A_392, %while3A_394 : i32
        %while3A_396 = arith.muli %while3A_395, %while3A_394 : i32
        %while3A_397 = arith.addi %while3A_390, %while3A_396 : i32
        %while3A_398 = arith.constant 1 : i32
        %while3A_399:2 = scf.for %while3A_421 = %while3A_390 to %while3A_397 step %while3A_398 iter_args(%while3A_422 = %get3A_389, %while3A_423 = %while3A_391) -> (i32, i32)  : i32 {
          %mul3A_424 = arith.constant 16 : i32
          %mul3A_425 = arith.muli %while3A_421, %mul3A_424 : i32
          %get3A_426 = arith.index_cast %mul3A_425 : i32 to index
          %get3A_427 = tpu.vector_load %arg9[%get3A_426] {strides = array<i32>} : memref<32784xi32, #tpu.memory_space<vmem>>, vector<16xi32>,
          %gather3A_428 = tpu.vector_load_idx %arg6[%get3A_427] : memref<32768xf32, #tpu.memory_space<vmem>>[vector<16xi32>], vector<16xf32>,
          %bitcast_convert_type3A_429 = tpu.bitcast %gather3A_428 : vector<16xf32> -> vector<16xi32>
          %and3A_430 = arith.constant 2147483647 : i32
          %and3A_431 = vector.broadcast %and3A_430 : i32 to vector<16xi32>
          %and3A_432 = arith.andi %bitcast_convert_type3A_429, %and3A_431 : vector<16xi32>
          %shift_right_arithmetic3A = arith.constant 0 : i32
          %shift_right_arithmetic3A_433 = vector.broadcast %shift_right_arithmetic3A : i32 to vector<16xi32>
          %shift_right_arithmetic3A_434 = arith.shrsi %and3A_432, %shift_right_arithmetic3A_433 : vector<16xi32>
          %and3A_435 = arith.constant 255 : i32
          %and3A_436 = vector.broadcast %and3A_435 : i32 to vector<16xi32>
          %and3A_437 = arith.andi %shift_right_arithmetic3A_434, %and3A_436 : vector<16xi32>
          %mul3A_438 = arith.constant 16 : i32
          %mul3A_439 = arith.muli %while3A_421, %mul3A_438 : i32
          %add3A_440 = vector.broadcast %mul3A_439 : i32 to vector<16xi32>
          %add3A_441 = arith.addi %add3A_440, %iota3A : vector<16xi32>
          %lt3A_442 = vector.broadcast %get3A_339 : i32 to vector<16xi32>
          %lt3A_443 = arith.cmpi slt, %add3A_441, %lt3A_442 : vector<16xi32>
          %gt3A_444 = vector.broadcast %scan3A_335#0 : i32 to vector<16xi32>
          %gt3A_445 = arith.cmpi sgt, %and3A_437, %gt3A_444 : vector<16xi32>
          %and3A_446 = arith.andi %gt3A_445, %lt3A_443 : vector<16xi1>
          %eq3A = vector.broadcast %scan3A_335#0 : i32 to vector<16xi32>
          %eq3A_447 = arith.cmpi eq, %and3A_437, %eq3A : vector<16xi32>
          %and3A_448 = arith.andi %eq3A_447, %lt3A_443 : vector<16xi1>
          %swap3A_449 = arith.index_cast %while3A_422 : i32 to index
          %swap3A_450 = tpu.vector_load %arg10[%swap3A_449] masked %and3A_446 {strides = array<i32>} : memref<80xi32, #tpu.memory_space<vmem>>, vector<16xi32>, vector<16xi1>
          tpu.vector_store %arg10[%swap3A_449], %get3A_427 masked %and3A_446 {strides = array<i32>} : memref<80xi32, #tpu.memory_space<vmem>>, vector<16xi32>, vector<16xi1>
          %swap3A_451 = arith.index_cast %while3A_423 : i32 to index
          %swap3A_452 = tpu.vector_load %arg9[%swap3A_451] masked %and3A_448 {strides = array<i32>} : memref<32784xi32, #tpu.memory_space<vmem>>, vector<16xi32>, vector<16xi1>
          tpu.vector_store %arg9[%swap3A_451], %get3A_427 masked %and3A_448 {strides = array<i32>} : memref<32784xi32, #tpu.memory_space<vmem>>, vector<16xi32>, vector<16xi1>
          %all_reduce_population_count3A = tpu.all_reduce %and3A_446 {dim = 0 : i64, kind = #tpu.reduction_kind<sum>} : vector<16xi1> -> vector<16xi32>
          %slice3A = vector.extract_strided_slice %all_reduce_population_count3A {offsets = [0], sizes = [1], strides = [1]} : vector<16xi32> to vector<1xi32>
          %squeeze3A = vector.extract %slice3A[0] : i32 from vector<1xi32>
          %add3A_453 = arith.addi %while3A_422, %squeeze3A : i32
          %all_reduce_population_count3A_454 = tpu.all_reduce %and3A_448 {dim = 0 : i64, kind = #tpu.reduction_kind<sum>} : vector<16xi1> -> vector<16xi32>
          %slice3A_455 = vector.extract_strided_slice %all_reduce_population_count3A_454 {offsets = [0], sizes = [1], strides = [1]} : vector<16xi32> to vector<1xi32>
          %squeeze3A_456 = vector.extract %slice3A_455[0] : i32 from vector<1xi32>
          %add3A_457 = arith.addi %while3A_423, %squeeze3A_456 : i32
          scf.yield %add3A_453, %add3A_457 : i32, i32
        }
        %while3A_400 = arith.constant 1 : i32
        %while3A_401:2 = scf.for %while3A_421 = %while3A_397 to %while3A_393 step %while3A_400 iter_args(%while3A_422 = %while3A_399#0, %while3A_423 = %while3A_399#1) -> (i32, i32)  : i32 {
          %mul3A_424 = arith.constant 16 : i32
          %mul3A_425 = arith.muli %while3A_421, %mul3A_424 : i32
          %get3A_426 = arith.index_cast %mul3A_425 : i32 to index
          %get3A_427 = tpu.vector_load %arg9[%get3A_426] {strides = array<i32>} : memref<32784xi32, #tpu.memory_space<vmem>>, vector<16xi32>,
          %gather3A_428 = tpu.vector_load_idx %arg6[%get3A_427] : memref<32768xf32, #tpu.memory_space<vmem>>[vector<16xi32>], vector<16xf32>,
          %bitcast_convert_type3A_429 = tpu.bitcast %gather3A_428 : vector<16xf32> -> vector<16xi32>
          %and3A_430 = arith.constant 2147483647 : i32
          %and3A_431 = vector.broadcast %and3A_430 : i32 to vector<16xi32>
          %and3A_432 = arith.andi %bitcast_convert_type3A_429, %and3A_431 : vector<16xi32>
          %shift_right_arithmetic3A = arith.constant 0 : i32
          %shift_right_arithmetic3A_433 = vector.broadcast %shift_right_arithmetic3A : i32 to vector<16xi32>
          %shift_right_arithmetic3A_434 = arith.shrsi %and3A_432, %shift_right_arithmetic3A_433 : vector<16xi32>
          %and3A_435 = arith.constant 255 : i32
          %and3A_436 = vector.broadcast %and3A_435 : i32 to vector<16xi32>
          %and3A_437 = arith.andi %shift_right_arithmetic3A_434, %and3A_436 : vector<16xi32>
          %mul3A_438 = arith.constant 16 : i32
          %mul3A_439 = arith.muli %while3A_421, %mul3A_438 : i32
          %add3A_440 = vector.broadcast %mul3A_439 : i32 to vector<16xi32>
          %add3A_441 = arith.addi %add3A_440, %iota3A : vector<16xi32>
          %lt3A_442 = vector.broadcast %get3A_339 : i32 to vector<16xi32>
          %lt3A_443 = arith.cmpi slt, %add3A_441, %lt3A_442 : vector<16xi32>
          %gt3A_444 = vector.broadcast %scan3A_335#0 : i32 to vector<16xi32>
          %gt3A_445 = arith.cmpi sgt, %and3A_437, %gt3A_444 : vector<16xi32>
          %and3A_446 = arith.andi %gt3A_445, %lt3A_443 : vector<16xi1>
          %eq3A = vector.broadcast %scan3A_335#0 : i32 to vector<16xi32>
          %eq3A_447 = arith.cmpi eq, %and3A_437, %eq3A : vector<16xi32>
          %and3A_448 = arith.andi %eq3A_447, %lt3A_443 : vector<16xi1>
          %swap3A_449 = arith.index_cast %while3A_422 : i32 to index
          %swap3A_450 = tpu.vector_load %arg10[%swap3A_449] masked %and3A_446 {strides = array<i32>} : memref<80xi32, #tpu.memory_space<vmem>>, vector<16xi32>, vector<16xi1>
          tpu.vector_store %arg10[%swap3A_449], %get3A_427 masked %and3A_446 {strides = array<i32>} : memref<80xi32, #tpu.memory_space<vmem>>, vector<16xi32>, vector<16xi1>
          %swap3A_451 = arith.index_cast %while3A_423 : i32 to index
          %swap3A_452 = tpu.vector_load %arg9[%swap3A_451] masked %and3A_448 {strides = array<i32>} : memref<32784xi32, #tpu.memory_space<vmem>>, vector<16xi32>, vector<16xi1>
          tpu.vector_store %arg9[%swap3A_451], %get3A_427 masked %and3A_448 {strides = array<i32>} : memref<32784xi32, #tpu.memory_space<vmem>>, vector<16xi32>, vector<16xi1>
          %all_reduce_population_count3A = tpu.all_reduce %and3A_446 {dim = 0 : i64, kind = #tpu.reduction_kind<sum>} : vector<16xi1> -> vector<16xi32>
          %slice3A = vector.extract_strided_slice %all_reduce_population_count3A {offsets = [0], sizes = [1], strides = [1]} : vector<16xi32> to vector<1xi32>
          %squeeze3A = vector.extract %slice3A[0] : i32 from vector<1xi32>
          %add3A_453 = arith.addi %while3A_422, %squeeze3A : i32
          %all_reduce_population_count3A_454 = tpu.all_reduce %and3A_448 {dim = 0 : i64, kind = #tpu.reduction_kind<sum>} : vector<16xi1> -> vector<16xi32>
          %slice3A_455 = vector.extract_strided_slice %all_reduce_population_count3A_454 {offsets = [0], sizes = [1], strides = [1]} : vector<16xi32> to vector<1xi32>
          %squeeze3A_456 = vector.extract %slice3A_455[0] : i32 from vector<1xi32>
          %add3A_457 = arith.addi %while3A_423, %squeeze3A_456 : i32
          scf.yield %add3A_453, %add3A_457 : i32, i32
        }
        %get3A_402 = arith.constant 0 : i32
        %get3A_403 = arith.index_cast %get3A_402 : i32 to index
        %get3A_404 = memref.load %arg15[%get3A_403] : memref<4xi32, #tpu.memory_space<smem>>
        %add3A_405 = arith.addi %get3A_404, %reduce_sum3A_349 : i32
        %swap3A_406 = arith.constant 0 : i32
        %swap3A_407 = arith.index_cast %swap3A_406 : i32 to index
        %swap3A_408 = memref.load %arg15[%swap3A_407] : memref<4xi32, #tpu.memory_space<smem>>
        memref.store %add3A_405, %arg15[%swap3A_407] : memref<4xi32, #tpu.memory_space<smem>>
        %get3A_409 = arith.constant 1 : i32
        %get3A_410 = arith.index_cast %get3A_409 : i32 to index
        %get3A_411 = memref.load %arg15[%get3A_410] : memref<4xi32, #tpu.memory_space<smem>>
        %sub3A_412 = arith.subi %get3A_411, %reduce_sum3A_349 : i32
        %swap3A_413 = arith.constant 1 : i32
        %swap3A_414 = arith.index_cast %swap3A_413 : i32 to index
        %swap3A_415 = memref.load %arg15[%swap3A_414] : memref<4xi32, #tpu.memory_space<smem>>
        memref.store %sub3A_412, %arg15[%swap3A_414] : memref<4xi32, #tpu.memory_space<smem>>
        %swap3A_416 = arith.constant 2 : i32
        %swap3A_417 = arith.index_cast %swap3A_416 : i32 to index
        %swap3A_418 = memref.load %arg15[%swap3A_417] : memref<4xi32, #tpu.memory_space<smem>>
        memref.store %sub3A_358, %arg15[%swap3A_417] : memref<4xi32, #tpu.memory_space<smem>>
        %add3A_419 = vector.broadcast %sub3A_358 : i32 to vector<16xi32>
        %add3A_420 = arith.addi %add3A_419, %iota3A : vector<16xi32>
        tpu.vector_store_idx %arg9[%add3A_420], %broadcast_in_dim3A_3 : memref<32784xi32, #tpu.memory_space<vmem>>[vector<16xi32>], vector<16xi32>,
      } else {
      }
      %get3A_112 = arith.constant 0 : i32
      %get3A_113 = arith.index_cast %get3A_112 : i32 to index
      %get3A_114 = memref.load %arg15[%get3A_113] : memref<4xi32, #tpu.memory_space<smem>>
      %get3A_115 = arith.constant 1 : i32
      %get3A_116 = arith.index_cast %get3A_115 : i32 to index
      %get3A_117 = memref.load %arg15[%get3A_116] : memref<4xi32, #tpu.memory_space<smem>>
      %get3A_118 = arith.constant 2 : i32
      %get3A_119 = arith.index_cast %get3A_118 : i32 to index
      %get3A_120 = memref.load %arg15[%get3A_119] : memref<4xi32, #tpu.memory_space<smem>>
      %add3A_121 = arith.constant 16 : i32
      %add3A_122 = arith.addi %get3A_120, %add3A_121 : i32
      %sub3A = arith.constant 1 : i32
      %sub3A_123 = arith.subi %add3A_122, %sub3A : i32
      %jit3A_124 = arith.constant 16 : i32
      %div3A = arith.divsi %sub3A_123, %jit3A_124 : i32
      %sign3A = arith.constant 0 : i32
      %sign3A_125 = arith.cmpi sgt, %sub3A_123, %sign3A : i32
      %sign3A_126 = arith.extui %sign3A_125 : i1 to i32
      %sign3A_127 = arith.constant 0 : i32
      %sign3A_128 = arith.cmpi slt, %sub3A_123, %sign3A_127 : i32
      %sign3A_129 = arith.extui %sign3A_128 : i1 to i32
      %sign3A_130 = arith.subi %sign3A_126, %sign3A_129 : i32
      %sign3A_131 = arith.constant 0 : i32
      %sign3A_132 = arith.cmpi sgt, %jit3A_124, %sign3A_131 : i32
      %sign3A_133 = arith.extui %sign3A_132 : i1 to i32
      %sign3A_134 = arith.constant 0 : i32
      %sign3A_135 = arith.cmpi slt, %jit3A_124, %sign3A_134 : i32
      %sign3A_136 = arith.extui %sign3A_135 : i1 to i32
      %sign3A_137 = arith.subi %sign3A_133, %sign3A_136 : i32
      %ne3A_138 = arith.cmpi ne, %sign3A_130, %sign3A_137 : i32
      %rem3A = arith.remsi %sub3A_123, %jit3A_124 : i32
      %ne3A_139 = arith.constant 0 : i32
      %ne3A_140 = arith.cmpi ne, %rem3A, %ne3A_139 : i32
      %and3A = arith.andi %ne3A_138, %ne3A_140 : i1
      %sub3A_141 = arith.constant 1 : i32
      %sub3A_142 = arith.subi %div3A, %sub3A_141 : i32
      %select_n3A_143 = arith.select %and3A, %sub3A_142, %div3A : i32
      %while3A = arith.constant 0 : i32
      %while3A_144 = arith.constant 0 : i32
      %while3A_145 = arith.subi %get3A_117, %while3A_144 : i32
      %while3A_146 = arith.addi %while3A_144, %while3A_145 : i32
      %while3A_147 = arith.constant 1 : i32
      %while3A_148 = arith.divsi %while3A_145, %while3A_147 : i32
      %while3A_149 = arith.muli %while3A_148, %while3A_147 : i32
      %while3A_150 = arith.addi %while3A_144, %while3A_149 : i32
      %while3A_151 = arith.constant 1 : i32
      scf.for %while3A_277 = %while3A_144 to %while3A_150 step %while3A_151  : i32 {
        %broadcast_in_dim3A_278 = arith.constant 2147483647 : i32
        %broadcast_in_dim3A_279 = vector.broadcast %broadcast_in_dim3A_278 : i32 to vector<16xi32>
        %while3A_280 = arith.constant 0 : i32
        %while3A_281 = arith.subi %select_n3A_143, %while3A_280 : i32
        %while3A_282 = arith.addi %while3A_280, %while3A_281 : i32
        %while3A_283 = arith.constant 1 : i32
        %while3A_284 = arith.divsi %while3A_281, %while3A_283 : i32
        %while3A_285 = arith.muli %while3A_284, %while3A_283 : i32
        %while3A_286 = arith.addi %while3A_280, %while3A_285 : i32
        %while3A_287 = arith.constant 1 : i32
        %while3A_288 = scf.for %while3A_313 = %while3A_280 to %while3A_286 step %while3A_287 iter_args(%while3A_314 = %broadcast_in_dim3A_279) -> (vector<16xi32>)  : i32 {
          %mul3A_315 = arith.constant 16 : i32
          %mul3A_316 = arith.muli %while3A_313, %mul3A_315 : i32
          %get3A_317 = arith.index_cast %mul3A_316 : i32 to index
          %get3A_318 = tpu.vector_load %arg9[%get3A_317] {strides = array<i32>} : memref<32784xi32, #tpu.memory_space<vmem>>, vector<16xi32>,
          %mul3A_319 = arith.constant 16 : i32
          %mul3A_320 = arith.muli %while3A_313, %mul3A_319 : i32
          %add3A_321 = vector.broadcast %mul3A_320 : i32 to vector<16xi32>
          %add3A_322 = arith.addi %add3A_321, %iota3A : vector<16xi32>
          %lt3A_323 = vector.broadcast %get3A_120 : i32 to vector<16xi32>
          %lt3A_324 = arith.cmpi slt, %add3A_322, %lt3A_323 : vector<16xi32>
          %jit3A_325 = arith.constant 2147483647 : i32
          %broadcast_in_dim3A_326 = vector.broadcast %jit3A_325 : i32 to vector<16xi32>
          %select_n3A_327 = arith.select %lt3A_324, %get3A_318, %broadcast_in_dim3A_326 : vector<16xi1>, vector<16xi32>
          %min3A = arith.minsi %while3A_314, %select_n3A_327 : vector<16xi32>
          scf.yield %min3A : vector<16xi32>
        }
        %while3A_289 = arith.constant 1 : i32
        %while3A_290 = scf.for %while3A_313 = %while3A_286 to %while3A_282 step %while3A_289 iter_args(%while3A_314 = %while3A_288) -> (vector<16xi32>)  : i32 {
          %mul3A_315 = arith.constant 16 : i32
          %mul3A_316 = arith.muli %while3A_313, %mul3A_315 : i32
          %get3A_317 = arith.index_cast %mul3A_316 : i32 to index
          %get3A_318 = tpu.vector_load %arg9[%get3A_317] {strides = array<i32>} : memref<32784xi32, #tpu.memory_space<vmem>>, vector<16xi32>,
          %mul3A_319 = arith.constant 16 : i32
          %mul3A_320 = arith.muli %while3A_313, %mul3A_319 : i32
          %add3A_321 = vector.broadcast %mul3A_320 : i32 to vector<16xi32>
          %add3A_322 = arith.addi %add3A_321, %iota3A : vector<16xi32>
          %lt3A_323 = vector.broadcast %get3A_120 : i32 to vector<16xi32>
          %lt3A_324 = arith.cmpi slt, %add3A_322, %lt3A_323 : vector<16xi32>
          %jit3A_325 = arith.constant 2147483647 : i32
          %broadcast_in_dim3A_326 = vector.broadcast %jit3A_325 : i32 to vector<16xi32>
          %select_n3A_327 = arith.select %lt3A_324, %get3A_318, %broadcast_in_dim3A_326 : vector<16xi1>, vector<16xi32>
          %min3A = arith.minsi %while3A_314, %select_n3A_327 : vector<16xi32>
          scf.yield %min3A : vector<16xi32>
        }
        %reduce_min3A = arith.constant true
        %reduce_min3A_291 = vector.broadcast %reduce_min3A : i1 to vector<16xi1>
        %reduce_min3A_292 = arith.constant -2147483648 : i32
        %reduce_min3A_293 = vector.broadcast %reduce_min3A_292 : i32 to vector<16xi32>
        %reduce_min3A_294 = arith.xori %while3A_290, %reduce_min3A_293 : vector<16xi32>
        %reduce_min3A_295 = tpu.scan <min>, %reduce_min3A_294 masked %reduce_min3A_291 : vector<16xi32>, vector<16xi1> -> vector<16xi32>
        %reduce_min3A_296 = arith.xori %reduce_min3A_295, %reduce_min3A_293 : vector<16xi32>
        %reduce_min3A_297 = vector.extract %reduce_min3A_296[15] : i32 from vector<16xi32>
        %add3A_298 = arith.addi %get3A_114, %while3A_277 : i32
        %broadcast_in_dim3A_299 = vector.broadcast %add3A_298 : i32 to vector<16xi32>
        %broadcast_in_dim3A_300 = vector.broadcast %reduce_min3A_297 : i32 to vector<16xi32>
        %eq3A = arith.constant 0 : i32
        %eq3A_301 = vector.broadcast %eq3A : i32 to vector<16xi32>
        %eq3A_302 = arith.cmpi eq, %iota3A, %eq3A_301 : vector<16xi32>
        tpu.vector_store_idx %arg10[%broadcast_in_dim3A_299], %broadcast_in_dim3A_300 masked %eq3A_302 : memref<80xi32, #tpu.memory_space<vmem>>[vector<16xi32>], vector<16xi32>, vector<16xi1>
        %while3A_303 = arith.constant 0 : i32
        %while3A_304 = arith.constant 0 : i32
        %while3A_305 = arith.subi %select_n3A_143, %while3A_304 : i32
        %while3A_306 = arith.addi %while3A_304, %while3A_305 : i32
        %while3A_307 = arith.constant 1 : i32
        %while3A_308 = arith.divsi %while3A_305, %while3A_307 : i32
        %while3A_309 = arith.muli %while3A_308, %while3A_307 : i32
        %while3A_310 = arith.addi %while3A_304, %while3A_309 : i32
        %while3A_311 = arith.constant 1 : i32
        scf.for %while3A_313 = %while3A_304 to %while3A_310 step %while3A_311  : i32 {
          %mul3A_314 = arith.constant 16 : i32
          %mul3A_315 = arith.muli %while3A_313, %mul3A_314 : i32
          %get3A_316 = arith.index_cast %mul3A_315 : i32 to index
          %get3A_317 = tpu.vector_load %arg9[%get3A_316] {strides = array<i32>} : memref<32784xi32, #tpu.memory_space<vmem>>, vector<16xi32>,
          %eq3A_318 = vector.broadcast %reduce_min3A_297 : i32 to vector<16xi32>
          %eq3A_319 = arith.cmpi eq, %get3A_317, %eq3A_318 : vector<16xi32>
          %jit3A_320 = arith.constant 2147483647 : i32
          %broadcast_in_dim3A_321 = vector.broadcast %jit3A_320 : i32 to vector<16xi32>
          %select_n3A_322 = arith.select %eq3A_319, %broadcast_in_dim3A_321, %get3A_317 : vector<16xi1>, vector<16xi32>
          %mul3A_323 = arith.constant 16 : i32
          %mul3A_324 = arith.muli %while3A_313, %mul3A_323 : i32
          %swap3A_325 = arith.index_cast %mul3A_324 : i32 to index
          %swap3A_326 = tpu.vector_load %arg9[%swap3A_325] {strides = array<i32>} : memref<32784xi32, #tpu.memory_space<vmem>>, vector<16xi32>,
          tpu.vector_store %arg9[%swap3A_325], %select_n3A_322 {strides = array<i32>} : memref<32784xi32, #tpu.memory_space<vmem>>, vector<16xi32>,
        }
        %while3A_312 = arith.constant 1 : i32
        scf.for %while3A_313 = %while3A_310 to %while3A_306 step %while3A_312  : i32 {
          %mul3A_314 = arith.constant 16 : i32
          %mul3A_315 = arith.muli %while3A_313, %mul3A_314 : i32
          %get3A_316 = arith.index_cast %mul3A_315 : i32 to index
          %get3A_317 = tpu.vector_load %arg9[%get3A_316] {strides = array<i32>} : memref<32784xi32, #tpu.memory_space<vmem>>, vector<16xi32>,
          %eq3A_318 = vector.broadcast %reduce_min3A_297 : i32 to vector<16xi32>
          %eq3A_319 = arith.cmpi eq, %get3A_317, %eq3A_318 : vector<16xi32>
          %jit3A_320 = arith.constant 2147483647 : i32
          %broadcast_in_dim3A_321 = vector.broadcast %jit3A_320 : i32 to vector<16xi32>
          %select_n3A_322 = arith.select %eq3A_319, %broadcast_in_dim3A_321, %get3A_317 : vector<16xi1>, vector<16xi32>
          %mul3A_323 = arith.constant 16 : i32
          %mul3A_324 = arith.muli %while3A_313, %mul3A_323 : i32
          %swap3A_325 = arith.index_cast %mul3A_324 : i32 to index
          %swap3A_326 = tpu.vector_load %arg9[%swap3A_325] {strides = array<i32>} : memref<32784xi32, #tpu.memory_space<vmem>>, vector<16xi32>,
          tpu.vector_store %arg9[%swap3A_325], %select_n3A_322 {strides = array<i32>} : memref<32784xi32, #tpu.memory_space<vmem>>, vector<16xi32>,
        }
      }
      %while3A_152 = arith.constant 1 : i32
      scf.for %while3A_277 = %while3A_150 to %while3A_146 step %while3A_152  : i32 {
        %broadcast_in_dim3A_278 = arith.constant 2147483647 : i32
        %broadcast_in_dim3A_279 = vector.broadcast %broadcast_in_dim3A_278 : i32 to vector<16xi32>
        %while3A_280 = arith.constant 0 : i32
        %while3A_281 = arith.subi %select_n3A_143, %while3A_280 : i32
        %while3A_282 = arith.addi %while3A_280, %while3A_281 : i32
        %while3A_283 = arith.constant 1 : i32
        %while3A_284 = arith.divsi %while3A_281, %while3A_283 : i32
        %while3A_285 = arith.muli %while3A_284, %while3A_283 : i32
        %while3A_286 = arith.addi %while3A_280, %while3A_285 : i32
        %while3A_287 = arith.constant 1 : i32
        %while3A_288 = scf.for %while3A_313 = %while3A_280 to %while3A_286 step %while3A_287 iter_args(%while3A_314 = %broadcast_in_dim3A_279) -> (vector<16xi32>)  : i32 {
          %mul3A_315 = arith.constant 16 : i32
          %mul3A_316 = arith.muli %while3A_313, %mul3A_315 : i32
          %get3A_317 = arith.index_cast %mul3A_316 : i32 to index
          %get3A_318 = tpu.vector_load %arg9[%get3A_317] {strides = array<i32>} : memref<32784xi32, #tpu.memory_space<vmem>>, vector<16xi32>,
          %mul3A_319 = arith.constant 16 : i32
          %mul3A_320 = arith.muli %while3A_313, %mul3A_319 : i32
          %add3A_321 = vector.broadcast %mul3A_320 : i32 to vector<16xi32>
          %add3A_322 = arith.addi %add3A_321, %iota3A : vector<16xi32>
          %lt3A_323 = vector.broadcast %get3A_120 : i32 to vector<16xi32>
          %lt3A_324 = arith.cmpi slt, %add3A_322, %lt3A_323 : vector<16xi32>
          %jit3A_325 = arith.constant 2147483647 : i32
          %broadcast_in_dim3A_326 = vector.broadcast %jit3A_325 : i32 to vector<16xi32>
          %select_n3A_327 = arith.select %lt3A_324, %get3A_318, %broadcast_in_dim3A_326 : vector<16xi1>, vector<16xi32>
          %min3A = arith.minsi %while3A_314, %select_n3A_327 : vector<16xi32>
          scf.yield %min3A : vector<16xi32>
        }
        %while3A_289 = arith.constant 1 : i32
        %while3A_290 = scf.for %while3A_313 = %while3A_286 to %while3A_282 step %while3A_289 iter_args(%while3A_314 = %while3A_288) -> (vector<16xi32>)  : i32 {
          %mul3A_315 = arith.constant 16 : i32
          %mul3A_316 = arith.muli %while3A_313, %mul3A_315 : i32
          %get3A_317 = arith.index_cast %mul3A_316 : i32 to index
          %get3A_318 = tpu.vector_load %arg9[%get3A_317] {strides = array<i32>} : memref<32784xi32, #tpu.memory_space<vmem>>, vector<16xi32>,
          %mul3A_319 = arith.constant 16 : i32
          %mul3A_320 = arith.muli %while3A_313, %mul3A_319 : i32
          %add3A_321 = vector.broadcast %mul3A_320 : i32 to vector<16xi32>
          %add3A_322 = arith.addi %add3A_321, %iota3A : vector<16xi32>
          %lt3A_323 = vector.broadcast %get3A_120 : i32 to vector<16xi32>
          %lt3A_324 = arith.cmpi slt, %add3A_322, %lt3A_323 : vector<16xi32>
          %jit3A_325 = arith.constant 2147483647 : i32
          %broadcast_in_dim3A_326 = vector.broadcast %jit3A_325 : i32 to vector<16xi32>
          %select_n3A_327 = arith.select %lt3A_324, %get3A_318, %broadcast_in_dim3A_326 : vector<16xi1>, vector<16xi32>
          %min3A = arith.minsi %while3A_314, %select_n3A_327 : vector<16xi32>
          scf.yield %min3A : vector<16xi32>
        }
        %reduce_min3A = arith.constant true
        %reduce_min3A_291 = vector.broadcast %reduce_min3A : i1 to vector<16xi1>
        %reduce_min3A_292 = arith.constant -2147483648 : i32
        %reduce_min3A_293 = vector.broadcast %reduce_min3A_292 : i32 to vector<16xi32>
        %reduce_min3A_294 = arith.xori %while3A_290, %reduce_min3A_293 : vector<16xi32>
        %reduce_min3A_295 = tpu.scan <min>, %reduce_min3A_294 masked %reduce_min3A_291 : vector<16xi32>, vector<16xi1> -> vector<16xi32>
        %reduce_min3A_296 = arith.xori %reduce_min3A_295, %reduce_min3A_293 : vector<16xi32>
        %reduce_min3A_297 = vector.extract %reduce_min3A_296[15] : i32 from vector<16xi32>
        %add3A_298 = arith.addi %get3A_114, %while3A_277 : i32
        %broadcast_in_dim3A_299 = vector.broadcast %add3A_298 : i32 to vector<16xi32>
        %broadcast_in_dim3A_300 = vector.broadcast %reduce_min3A_297 : i32 to vector<16xi32>
        %eq3A = arith.constant 0 : i32
        %eq3A_301 = vector.broadcast %eq3A : i32 to vector<16xi32>
        %eq3A_302 = arith.cmpi eq, %iota3A, %eq3A_301 : vector<16xi32>
        tpu.vector_store_idx %arg10[%broadcast_in_dim3A_299], %broadcast_in_dim3A_300 masked %eq3A_302 : memref<80xi32, #tpu.memory_space<vmem>>[vector<16xi32>], vector<16xi32>, vector<16xi1>
        %while3A_303 = arith.constant 0 : i32
        %while3A_304 = arith.constant 0 : i32
        %while3A_305 = arith.subi %select_n3A_143, %while3A_304 : i32
        %while3A_306 = arith.addi %while3A_304, %while3A_305 : i32
        %while3A_307 = arith.constant 1 : i32
        %while3A_308 = arith.divsi %while3A_305, %while3A_307 : i32
        %while3A_309 = arith.muli %while3A_308, %while3A_307 : i32
        %while3A_310 = arith.addi %while3A_304, %while3A_309 : i32
        %while3A_311 = arith.constant 1 : i32
        scf.for %while3A_313 = %while3A_304 to %while3A_310 step %while3A_311  : i32 {
          %mul3A_314 = arith.constant 16 : i32
          %mul3A_315 = arith.muli %while3A_313, %mul3A_314 : i32
          %get3A_316 = arith.index_cast %mul3A_315 : i32 to index
          %get3A_317 = tpu.vector_load %arg9[%get3A_316] {strides = array<i32>} : memref<32784xi32, #tpu.memory_space<vmem>>, vector<16xi32>,
          %eq3A_318 = vector.broadcast %reduce_min3A_297 : i32 to vector<16xi32>
          %eq3A_319 = arith.cmpi eq, %get3A_317, %eq3A_318 : vector<16xi32>
          %jit3A_320 = arith.constant 2147483647 : i32
          %broadcast_in_dim3A_321 = vector.broadcast %jit3A_320 : i32 to vector<16xi32>
          %select_n3A_322 = arith.select %eq3A_319, %broadcast_in_dim3A_321, %get3A_317 : vector<16xi1>, vector<16xi32>
          %mul3A_323 = arith.constant 16 : i32
          %mul3A_324 = arith.muli %while3A_313, %mul3A_323 : i32
          %swap3A_325 = arith.index_cast %mul3A_324 : i32 to index
          %swap3A_326 = tpu.vector_load %arg9[%swap3A_325] {strides = array<i32>} : memref<32784xi32, #tpu.memory_space<vmem>>, vector<16xi32>,
          tpu.vector_store %arg9[%swap3A_325], %select_n3A_322 {strides = array<i32>} : memref<32784xi32, #tpu.memory_space<vmem>>, vector<16xi32>,
        }
        %while3A_312 = arith.constant 1 : i32
        scf.for %while3A_313 = %while3A_310 to %while3A_306 step %while3A_312  : i32 {
          %mul3A_314 = arith.constant 16 : i32
          %mul3A_315 = arith.muli %while3A_313, %mul3A_314 : i32
          %get3A_316 = arith.index_cast %mul3A_315 : i32 to index
          %get3A_317 = tpu.vector_load %arg9[%get3A_316] {strides = array<i32>} : memref<32784xi32, #tpu.memory_space<vmem>>, vector<16xi32>,
          %eq3A_318 = vector.broadcast %reduce_min3A_297 : i32 to vector<16xi32>
          %eq3A_319 = arith.cmpi eq, %get3A_317, %eq3A_318 : vector<16xi32>
          %jit3A_320 = arith.constant 2147483647 : i32
          %broadcast_in_dim3A_321 = vector.broadcast %jit3A_320 : i32 to vector<16xi32>
          %select_n3A_322 = arith.select %eq3A_319, %broadcast_in_dim3A_321, %get3A_317 : vector<16xi1>, vector<16xi32>
          %mul3A_323 = arith.constant 16 : i32
          %mul3A_324 = arith.muli %while3A_313, %mul3A_323 : i32
          %swap3A_325 = arith.index_cast %mul3A_324 : i32 to index
          %swap3A_326 = tpu.vector_load %arg9[%swap3A_325] {strides = array<i32>} : memref<32784xi32, #tpu.memory_space<vmem>>, vector<16xi32>,
          tpu.vector_store %arg9[%swap3A_325], %select_n3A_322 {strides = array<i32>} : memref<32784xi32, #tpu.memory_space<vmem>>, vector<16xi32>,
        }
      }
      %get3A_153 = arith.constant 0 : index
      %get3A_154 = tpu.vector_load %arg10[%get3A_153] {strides = array<i32>} : memref<80xi32, #tpu.memory_space<vmem>>, vector<16xi32>,
      %gather3A = tpu.vector_load_idx %arg6[%get3A_154] : memref<32768xf32, #tpu.memory_space<vmem>>[vector<16xi32>], vector<16xf32>,
      %bitcast_convert_type3A = tpu.bitcast %gather3A : vector<16xf32> -> vector<16xi32>
      %and3A_155 = arith.constant 2147483647 : i32
      %and3A_156 = vector.broadcast %and3A_155 : i32 to vector<16xi32>
      %and3A_157 = arith.andi %bitcast_convert_type3A, %and3A_156 : vector<16xi32>
      %get3A_158 = arith.constant 16 : index
      %get3A_159 = tpu.vector_load %arg10[%get3A_158] {strides = array<i32>} : memref<80xi32, #tpu.memory_space<vmem>>, vector<16xi32>,
      %gather3A_160 = tpu.vector_load_idx %arg6[%get3A_159] : memref<32768xf32, #tpu.memory_space<vmem>>[vector<16xi32>], vector<16xf32>,
      %bitcast_convert_type3A_161 = tpu.bitcast %gather3A_160 : vector<16xf32> -> vector<16xi32>
      %and3A_162 = arith.constant 2147483647 : i32
      %and3A_163 = vector.broadcast %and3A_162 : i32 to vector<16xi32>
      %and3A_164 = arith.andi %bitcast_convert_type3A_161, %and3A_163 : vector<16xi32>
      %get3A_165 = arith.constant 32 : index
      %get3A_166 = tpu.vector_load %arg10[%get3A_165] {strides = array<i32>} : memref<80xi32, #tpu.memory_space<vmem>>, vector<16xi32>,
      %gather3A_167 = tpu.vector_load_idx %arg6[%get3A_166] : memref<32768xf32, #tpu.memory_space<vmem>>[vector<16xi32>], vector<16xf32>,
      %bitcast_convert_type3A_168 = tpu.bitcast %gather3A_167 : vector<16xf32> -> vector<16xi32>
      %and3A_169 = arith.constant 2147483647 : i32
      %and3A_170 = vector.broadcast %and3A_169 : i32 to vector<16xi32>
      %and3A_171 = arith.andi %bitcast_convert_type3A_168, %and3A_170 : vector<16xi32>
      %get3A_172 = arith.constant 48 : index
      %get3A_173 = tpu.vector_load %arg10[%get3A_172] {strides = array<i32>} : memref<80xi32, #tpu.memory_space<vmem>>, vector<16xi32>,
      %gather3A_174 = tpu.vector_load_idx %arg6[%get3A_173] : memref<32768xf32, #tpu.memory_space<vmem>>[vector<16xi32>], vector<16xf32>,
      %bitcast_convert_type3A_175 = tpu.bitcast %gather3A_174 : vector<16xf32> -> vector<16xi32>
      %and3A_176 = arith.constant 2147483647 : i32
      %and3A_177 = vector.broadcast %and3A_176 : i32 to vector<16xi32>
      %and3A_178 = arith.andi %bitcast_convert_type3A_175, %and3A_177 : vector<16xi32>
      %scan3A_179 = arith.constant 0 : i32
      %scan3A_180 = arith.constant 64 : i32
      %scan3A_181 = arith.addi %scan3A_179, %scan3A_180 : i32
      %scan3A_182 = arith.constant 1 : i32
      %scan3A_183:4 = scf.for %scan3A_277 = %scan3A_179 to %scan3A_181 step %scan3A_182 iter_args(%scan3A_278 = %and3A_157, %scan3A_279 = %and3A_164, %scan3A_280 = %and3A_171, %scan3A_281 = %and3A_178) -> (vector<16xi32>, vector<16xi32>, vector<16xi32>, vector<16xi32>)  : i32 {
        %max3A = arith.maxsi %scan3A_278, %scan3A_279 : vector<16xi32>
        %max3A_282 = arith.maxsi %scan3A_280, %scan3A_281 : vector<16xi32>
        %max3A_283 = arith.maxsi %max3A, %max3A_282 : vector<16xi32>
        %reduce_max3A = arith.constant true
        %reduce_max3A_284 = vector.broadcast %reduce_max3A : i1 to vector<16xi1>
        %reduce_max3A_285 = arith.constant -2147483648 : i32
        %reduce_max3A_286 = vector.broadcast %reduce_max3A_285 : i32 to vector<16xi32>
        %reduce_max3A_287 = arith.xori %max3A_283, %reduce_max3A_286 : vector<16xi32>
        %reduce_max3A_288 = tpu.scan <max>, %reduce_max3A_287 masked %reduce_max3A_284 : vector<16xi32>, vector<16xi1> -> vector<16xi32>
        %reduce_max3A_289 = arith.xori %reduce_max3A_288, %reduce_max3A_286 : vector<16xi32>
        %reduce_max3A_290 = vector.extract %reduce_max3A_289[15] : i32 from vector<16xi32>
        %eq3A = vector.broadcast %reduce_max3A_290 : i32 to vector<16xi32>
        %eq3A_291 = arith.cmpi eq, %scan3A_278, %eq3A : vector<16xi32>
        %jit3A_292 = arith.constant 2147483647 : i32
        %broadcast_in_dim3A_293 = vector.broadcast %jit3A_292 : i32 to vector<16xi32>
        %select_n3A_294 = arith.select %eq3A_291, %get3A_154, %broadcast_in_dim3A_293 : vector<16xi1>, vector<16xi32>
        %eq3A_295 = vector.broadcast %reduce_max3A_290 : i32 to vector<16xi32>
        %eq3A_296 = arith.cmpi eq, %scan3A_279, %eq3A_295 : vector<16xi32>
        %jit3A_297 = arith.constant 2147483647 : i32
        %broadcast_in_dim3A_298 = vector.broadcast %jit3A_297 : i32 to vector<16xi32>
        %select_n3A_299 = arith.select %eq3A_296, %get3A_159, %broadcast_in_dim3A_298 : vector<16xi1>, vector<16xi32>
        %eq3A_300 = vector.broadcast %reduce_max3A_290 : i32 to vector<16xi32>
        %eq3A_301 = arith.cmpi eq, %scan3A_280, %eq3A_300 : vector<16xi32>
        %jit3A_302 = arith.constant 2147483647 : i32
        %broadcast_in_dim3A_303 = vector.broadcast %jit3A_302 : i32 to vector<16xi32>
        %select_n3A_304 = arith.select %eq3A_301, %get3A_166, %broadcast_in_dim3A_303 : vector<16xi1>, vector<16xi32>
        %eq3A_305 = vector.broadcast %reduce_max3A_290 : i32 to vector<16xi32>
        %eq3A_306 = arith.cmpi eq, %scan3A_281, %eq3A_305 : vector<16xi32>
        %jit3A_307 = arith.constant 2147483647 : i32
        %broadcast_in_dim3A_308 = vector.broadcast %jit3A_307 : i32 to vector<16xi32>
        %select_n3A_309 = arith.select %eq3A_306, %get3A_173, %broadcast_in_dim3A_308 : vector<16xi1>, vector<16xi32>
        %min3A = arith.minsi %select_n3A_294, %select_n3A_299 : vector<16xi32>
        %min3A_310 = arith.minsi %select_n3A_304, %select_n3A_309 : vector<16xi32>
        %min3A_311 = arith.minsi %min3A, %min3A_310 : vector<16xi32>
        %reduce_min3A = arith.constant true
        %reduce_min3A_312 = vector.broadcast %reduce_min3A : i1 to vector<16xi1>
        %reduce_min3A_313 = arith.constant -2147483648 : i32
        %reduce_min3A_314 = vector.broadcast %reduce_min3A_313 : i32 to vector<16xi32>
        %reduce_min3A_315 = arith.xori %min3A_311, %reduce_min3A_314 : vector<16xi32>
        %reduce_min3A_316 = tpu.scan <min>, %reduce_min3A_315 masked %reduce_min3A_312 : vector<16xi32>, vector<16xi1> -> vector<16xi32>
        %reduce_min3A_317 = arith.xori %reduce_min3A_316, %reduce_min3A_314 : vector<16xi32>
        %reduce_min3A_318 = vector.extract %reduce_min3A_317[15] : i32 from vector<16xi32>
        %broadcast_in_dim3A_319 = vector.broadcast %scan3A_277 : i32 to vector<16xi32>
        %eq3A_320 = arith.constant 0 : i32
        %eq3A_321 = vector.broadcast %eq3A_320 : i32 to vector<16xi32>
        %eq3A_322 = arith.cmpi eq, %iota3A, %eq3A_321 : vector<16xi32>
        %broadcast_in_dim3A_323 = vector.broadcast %reduce_max3A_290 : i32 to vector<16xi32>
        tpu.vector_store_idx %arg11[%broadcast_in_dim3A_319], %broadcast_in_dim3A_323 masked %eq3A_322 : memref<64xi32, #tpu.memory_space<vmem>>[vector<16xi32>], vector<16xi32>, vector<16xi1>
        %broadcast_in_dim3A_324 = vector.broadcast %reduce_min3A_318 : i32 to vector<16xi32>
        tpu.vector_store_idx %arg12[%broadcast_in_dim3A_319], %broadcast_in_dim3A_324 masked %eq3A_322 : memref<64xi32, #tpu.memory_space<vmem>>[vector<16xi32>], vector<16xi32>, vector<16xi1>
        %eq3A_325 = vector.broadcast %reduce_max3A_290 : i32 to vector<16xi32>
        %eq3A_326 = arith.cmpi eq, %scan3A_278, %eq3A_325 : vector<16xi32>
        %eq3A_327 = vector.broadcast %reduce_min3A_318 : i32 to vector<16xi32>
        %eq3A_328 = arith.cmpi eq, %get3A_154, %eq3A_327 : vector<16xi32>
        %and3A_329 = arith.andi %eq3A_326, %eq3A_328 : vector<16xi1>
        %jit3A_330 = arith.constant -1 : i32
        %broadcast_in_dim3A_331 = vector.broadcast %jit3A_330 : i32 to vector<16xi32>
        %select_n3A_332 = arith.select %and3A_329, %broadcast_in_dim3A_331, %scan3A_278 : vector<16xi1>, vector<16xi32>
        %eq3A_333 = vector.broadcast %reduce_max3A_290 : i32 to vector<16xi32>
        %eq3A_334 = arith.cmpi eq, %scan3A_279, %eq3A_333 : vector<16xi32>
        %eq3A_335 = vector.broadcast %reduce_min3A_318 : i32 to vector<16xi32>
        %eq3A_336 = arith.cmpi eq, %get3A_159, %eq3A_335 : vector<16xi32>
        %and3A_337 = arith.andi %eq3A_334, %eq3A_336 : vector<16xi1>
        %jit3A_338 = arith.constant -1 : i32
        %broadcast_in_dim3A_339 = vector.broadcast %jit3A_338 : i32 to vector<16xi32>
        %select_n3A_340 = arith.select %and3A_337, %broadcast_in_dim3A_339, %scan3A_279 : vector<16xi1>, vector<16xi32>
        %eq3A_341 = vector.broadcast %reduce_max3A_290 : i32 to vector<16xi32>
        %eq3A_342 = arith.cmpi eq, %scan3A_280, %eq3A_341 : vector<16xi32>
        %eq3A_343 = vector.broadcast %reduce_min3A_318 : i32 to vector<16xi32>
        %eq3A_344 = arith.cmpi eq, %get3A_166, %eq3A_343 : vector<16xi32>
        %and3A_345 = arith.andi %eq3A_342, %eq3A_344 : vector<16xi1>
        %jit3A_346 = arith.constant -1 : i32
        %broadcast_in_dim3A_347 = vector.broadcast %jit3A_346 : i32 to vector<16xi32>
        %select_n3A_348 = arith.select %and3A_345, %broadcast_in_dim3A_347, %scan3A_280 : vector<16xi1>, vector<16xi32>
        %eq3A_349 = vector.broadcast %reduce_max3A_290 : i32 to vector<16xi32>
        %eq3A_350 = arith.cmpi eq, %scan3A_281, %eq3A_349 : vector<16xi32>
        %eq3A_351 = vector.broadcast %reduce_min3A_318 : i32 to vector<16xi32>
        %eq3A_352 = arith.cmpi eq, %get3A_173, %eq3A_351 : vector<16xi32>
        %and3A_353 = arith.andi %eq3A_350, %eq3A_352 : vector<16xi1>
        %jit3A_354 = arith.constant -1 : i32
        %broadcast_in_dim3A_355 = vector.broadcast %jit3A_354 : i32 to vector<16xi32>
        %select_n3A_356 = arith.select %and3A_353, %broadcast_in_dim3A_355, %scan3A_281 : vector<16xi1>, vector<16xi32>
        scf.yield %select_n3A_332, %select_n3A_340, %select_n3A_348, %select_n3A_356 : vector<16xi32>, vector<16xi32>, vector<16xi32>, vector<16xi32>
      }
      %scan3A_184 = arith.constant 64 : i32
      %get3A_185 = arith.constant 0 : index
      %get3A_186 = tpu.vector_load %arg11[%get3A_185] {strides = array<i32>} : memref<64xi32, #tpu.memory_space<vmem>>, vector<16xi32>,
      %get3A_187 = arith.constant 0 : index
      %get3A_188 = tpu.vector_load %arg12[%get3A_187] {strides = array<i32>} : memref<64xi32, #tpu.memory_space<vmem>>, vector<16xi32>,
      %bitcast_convert_type3A_189 = tpu.bitcast %get3A_186 : vector<16xi32> -> vector<16xf32>
      %swap3A_190 = arith.constant 0 : index
      %swap3A_191 = tpu.vector_load %arg13[%swap3A_190] {strides = array<i32>} : memref<64xf32, #tpu.memory_space<vmem>>, vector<16xf32>,
      tpu.vector_store %arg13[%swap3A_190], %bitcast_convert_type3A_189 {strides = array<i32>} : memref<64xf32, #tpu.memory_space<vmem>>, vector<16xf32>,
      %gather3A_192 = tpu.vector_load_idx %arg6[%get3A_188] : memref<32768xf32, #tpu.memory_space<vmem>>[vector<16xi32>], vector<16xf32>,
      %sign3A_193 = tpu.bitcast %gather3A_192 : vector<16xf32> -> vector<16xi32>
      %sign3A_194 = arith.constant -2147483648 : i32
      %sign3A_195 = vector.broadcast %sign3A_194 : i32 to vector<16xi32>
      %sign3A_196 = arith.andi %sign3A_193, %sign3A_195 : vector<16xi32>
      %sign3A_197 = arith.constant 1065353216 : i32
      %sign3A_198 = vector.broadcast %sign3A_197 : i32 to vector<16xi32>
      %sign3A_199 = arith.ori %sign3A_198, %sign3A_196 : vector<16xi32>
      %sign3A_200 = tpu.bitcast %sign3A_199 : vector<16xi32> -> vector<16xf32>
      %sign3A_201 = math.absf %gather3A_192 : vector<16xf32>
      %sign3A_202 = arith.constant 0.000000e+00 : f32
      %sign3A_203 = vector.broadcast %sign3A_202 : f32 to vector<16xf32>
      %sign3A_204 = arith.cmpf ogt, %sign3A_201, %sign3A_203 : vector<16xf32>
      %sign3A_205 = arith.select %sign3A_204, %sign3A_200, %gather3A_192 : vector<16xi1>, vector<16xf32>
      %swap3A_206 = arith.constant 0 : index
      %swap3A_207 = tpu.vector_load %arg14[%swap3A_206] {strides = array<i32>} : memref<64xf32, #tpu.memory_space<vmem>>, vector<16xf32>,
      tpu.vector_store %arg14[%swap3A_206], %sign3A_205 {strides = array<i32>} : memref<64xf32, #tpu.memory_space<vmem>>, vector<16xf32>,
      %get3A_208 = arith.constant 16 : index
      %get3A_209 = tpu.vector_load %arg11[%get3A_208] {strides = array<i32>} : memref<64xi32, #tpu.memory_space<vmem>>, vector<16xi32>,
      %get3A_210 = arith.constant 16 : index
      %get3A_211 = tpu.vector_load %arg12[%get3A_210] {strides = array<i32>} : memref<64xi32, #tpu.memory_space<vmem>>, vector<16xi32>,
      %bitcast_convert_type3A_212 = tpu.bitcast %get3A_209 : vector<16xi32> -> vector<16xf32>
      %swap3A_213 = arith.constant 16 : index
      %swap3A_214 = tpu.vector_load %arg13[%swap3A_213] {strides = array<i32>} : memref<64xf32, #tpu.memory_space<vmem>>, vector<16xf32>,
      tpu.vector_store %arg13[%swap3A_213], %bitcast_convert_type3A_212 {strides = array<i32>} : memref<64xf32, #tpu.memory_space<vmem>>, vector<16xf32>,
      %gather3A_215 = tpu.vector_load_idx %arg6[%get3A_211] : memref<32768xf32, #tpu.memory_space<vmem>>[vector<16xi32>], vector<16xf32>,
      %sign3A_216 = tpu.bitcast %gather3A_215 : vector<16xf32> -> vector<16xi32>
      %sign3A_217 = arith.constant -2147483648 : i32
      %sign3A_218 = vector.broadcast %sign3A_217 : i32 to vector<16xi32>
      %sign3A_219 = arith.andi %sign3A_216, %sign3A_218 : vector<16xi32>
      %sign3A_220 = arith.constant 1065353216 : i32
      %sign3A_221 = vector.broadcast %sign3A_220 : i32 to vector<16xi32>
      %sign3A_222 = arith.ori %sign3A_221, %sign3A_219 : vector<16xi32>
      %sign3A_223 = tpu.bitcast %sign3A_222 : vector<16xi32> -> vector<16xf32>
      %sign3A_224 = math.absf %gather3A_215 : vector<16xf32>
      %sign3A_225 = arith.constant 0.000000e+00 : f32
      %sign3A_226 = vector.broadcast %sign3A_225 : f32 to vector<16xf32>
      %sign3A_227 = arith.cmpf ogt, %sign3A_224, %sign3A_226 : vector<16xf32>
      %sign3A_228 = arith.select %sign3A_227, %sign3A_223, %gather3A_215 : vector<16xi1>, vector<16xf32>
      %swap3A_229 = arith.constant 16 : index
      %swap3A_230 = tpu.vector_load %arg14[%swap3A_229] {strides = array<i32>} : memref<64xf32, #tpu.memory_space<vmem>>, vector<16xf32>,
      tpu.vector_store %arg14[%swap3A_229], %sign3A_228 {strides = array<i32>} : memref<64xf32, #tpu.memory_space<vmem>>, vector<16xf32>,
      %get3A_231 = arith.constant 32 : index
      %get3A_232 = tpu.vector_load %arg11[%get3A_231] {strides = array<i32>} : memref<64xi32, #tpu.memory_space<vmem>>, vector<16xi32>,
      %get3A_233 = arith.constant 32 : index
      %get3A_234 = tpu.vector_load %arg12[%get3A_233] {strides = array<i32>} : memref<64xi32, #tpu.memory_space<vmem>>, vector<16xi32>,
      %bitcast_convert_type3A_235 = tpu.bitcast %get3A_232 : vector<16xi32> -> vector<16xf32>
      %swap3A_236 = arith.constant 32 : index
      %swap3A_237 = tpu.vector_load %arg13[%swap3A_236] {strides = array<i32>} : memref<64xf32, #tpu.memory_space<vmem>>, vector<16xf32>,
      tpu.vector_store %arg13[%swap3A_236], %bitcast_convert_type3A_235 {strides = array<i32>} : memref<64xf32, #tpu.memory_space<vmem>>, vector<16xf32>,
      %gather3A_238 = tpu.vector_load_idx %arg6[%get3A_234] : memref<32768xf32, #tpu.memory_space<vmem>>[vector<16xi32>], vector<16xf32>,
      %sign3A_239 = tpu.bitcast %gather3A_238 : vector<16xf32> -> vector<16xi32>
      %sign3A_240 = arith.constant -2147483648 : i32
      %sign3A_241 = vector.broadcast %sign3A_240 : i32 to vector<16xi32>
      %sign3A_242 = arith.andi %sign3A_239, %sign3A_241 : vector<16xi32>
      %sign3A_243 = arith.constant 1065353216 : i32
      %sign3A_244 = vector.broadcast %sign3A_243 : i32 to vector<16xi32>
      %sign3A_245 = arith.ori %sign3A_244, %sign3A_242 : vector<16xi32>
      %sign3A_246 = tpu.bitcast %sign3A_245 : vector<16xi32> -> vector<16xf32>
      %sign3A_247 = math.absf %gather3A_238 : vector<16xf32>
      %sign3A_248 = arith.constant 0.000000e+00 : f32
      %sign3A_249 = vector.broadcast %sign3A_248 : f32 to vector<16xf32>
      %sign3A_250 = arith.cmpf ogt, %sign3A_247, %sign3A_249 : vector<16xf32>
      %sign3A_251 = arith.select %sign3A_250, %sign3A_246, %gather3A_238 : vector<16xi1>, vector<16xf32>
      %swap3A_252 = arith.constant 32 : index
      %swap3A_253 = tpu.vector_load %arg14[%swap3A_252] {strides = array<i32>} : memref<64xf32, #tpu.memory_space<vmem>>, vector<16xf32>,
      tpu.vector_store %arg14[%swap3A_252], %sign3A_251 {strides = array<i32>} : memref<64xf32, #tpu.memory_space<vmem>>, vector<16xf32>,
      %get3A_254 = arith.constant 48 : index
      %get3A_255 = tpu.vector_load %arg11[%get3A_254] {strides = array<i32>} : memref<64xi32, #tpu.memory_space<vmem>>, vector<16xi32>,
      %get3A_256 = arith.constant 48 : index
      %get3A_257 = tpu.vector_load %arg12[%get3A_256] {strides = array<i32>} : memref<64xi32, #tpu.memory_space<vmem>>, vector<16xi32>,
      %bitcast_convert_type3A_258 = tpu.bitcast %get3A_255 : vector<16xi32> -> vector<16xf32>
      %swap3A_259 = arith.constant 48 : index
      %swap3A_260 = tpu.vector_load %arg13[%swap3A_259] {strides = array<i32>} : memref<64xf32, #tpu.memory_space<vmem>>, vector<16xf32>,
      tpu.vector_store %arg13[%swap3A_259], %bitcast_convert_type3A_258 {strides = array<i32>} : memref<64xf32, #tpu.memory_space<vmem>>, vector<16xf32>,
      %gather3A_261 = tpu.vector_load_idx %arg6[%get3A_257] : memref<32768xf32, #tpu.memory_space<vmem>>[vector<16xi32>], vector<16xf32>,
      %sign3A_262 = tpu.bitcast %gather3A_261 : vector<16xf32> -> vector<16xi32>
      %sign3A_263 = arith.constant -2147483648 : i32
      %sign3A_264 = vector.broadcast %sign3A_263 : i32 to vector<16xi32>
      %sign3A_265 = arith.andi %sign3A_262, %sign3A_264 : vector<16xi32>
      %sign3A_266 = arith.constant 1065353216 : i32
      %sign3A_267 = vector.broadcast %sign3A_266 : i32 to vector<16xi32>
      %sign3A_268 = arith.ori %sign3A_267, %sign3A_265 : vector<16xi32>
      %sign3A_269 = tpu.bitcast %sign3A_268 : vector<16xi32> -> vector<16xf32>
      %sign3A_270 = math.absf %gather3A_261 : vector<16xf32>
      %sign3A_271 = arith.constant 0.000000e+00 : f32
      %sign3A_272 = vector.broadcast %sign3A_271 : f32 to vector<16xf32>
      %sign3A_273 = arith.cmpf ogt, %sign3A_270, %sign3A_272 : vector<16xf32>
      %sign3A_274 = arith.select %sign3A_273, %sign3A_269, %gather3A_261 : vector<16xi1>, vector<16xf32>
      %swap3A_275 = arith.constant 48 : index
      %swap3A_276 = tpu.vector_load %arg14[%swap3A_275] {strides = array<i32>} : memref<64xf32, #tpu.memory_space<vmem>>, vector<16xf32>,
      tpu.vector_store %arg14[%swap3A_275], %sign3A_274 {strides = array<i32>} : memref<64xf32, #tpu.memory_space<vmem>>, vector<16xf32>,
      "tpu.region"() ({
        %run_scoped3A = tpu.sem_alloc : memref<!tpu.dma_semaphore, #tpu.memory_space<semaphore_mem>>
        %dma_start3A = arith.constant 0 : i32
        %dma_start3A_277 = tpu.memref_slice %arg3[%add3A_18, %dma_start3A] : memref<128x64xi32, #tpu.memory_space<hbm>> -> memref<1x64xi32, #tpu.memory_space<hbm>>
        %dma_start3A_278 = tpu.memref_squeeze %dma_start3A_277 : memref<1x64xi32, #tpu.memory_space<hbm>> -> memref<64xi32, #tpu.memory_space<hbm>>
        %dma_start3A_279 = arith.constant 0 : i32
        %dma_start3A_280 = tpu.memref_slice %arg3[%add3A_18, %dma_start3A_279] : memref<128x64xi32, #tpu.memory_space<hbm>> -> memref<1x64xi32, #tpu.memory_space<hbm>>
        %dma_start3A_281 = tpu.memref_squeeze %dma_start3A_280 : memref<1x64xi32, #tpu.memory_space<hbm>> -> memref<64xi32, #tpu.memory_space<hbm>>
        tpu.enqueue_dma source(%arg12 : memref<64xi32, #tpu.memory_space<vmem>>) target(%dma_start3A_281 : memref<64xi32, #tpu.memory_space<hbm>>) target_semaphore(%run_scoped3A : memref<!tpu.dma_semaphore, #tpu.memory_space<semaphore_mem>>)
        %dma_wait3A = arith.constant 0 : i32
        %dma_wait3A_282 = tpu.memref_slice %arg3[%add3A_18, %dma_wait3A] : memref<128x64xi32, #tpu.memory_space<hbm>> -> memref<1x64xi32, #tpu.memory_space<hbm>>
        %dma_wait3A_283 = tpu.memref_squeeze %dma_wait3A_282 : memref<1x64xi32, #tpu.memory_space<hbm>> -> memref<64xi32, #tpu.memory_space<hbm>>
        %dma_wait3A_284 = arith.constant 0 : i32
        %dma_wait3A_285 = tpu.memref_slice %arg3[%add3A_18, %dma_wait3A_284] : memref<128x64xi32, #tpu.memory_space<hbm>> -> memref<1x64xi32, #tpu.memory_space<hbm>>
        %dma_wait3A_286 = tpu.memref_squeeze %dma_wait3A_285 : memref<1x64xi32, #tpu.memory_space<hbm>> -> memref<64xi32, #tpu.memory_space<hbm>>
        tpu.wait_dma2 semaphore(%run_scoped3A : memref<!tpu.dma_semaphore, #tpu.memory_space<semaphore_mem>>) src(%arg12 : memref<64xi32, #tpu.memory_space<vmem>>) dst(%dma_wait3A_286 : memref<64xi32, #tpu.memory_space<hbm>>)
        tpu.yield
      }) : () -> ()
      "tpu.region"() ({
        %run_scoped3A = tpu.sem_alloc : memref<!tpu.dma_semaphore, #tpu.memory_space<semaphore_mem>>
        %dma_start3A = arith.constant 0 : i32
        %dma_start3A_277 = tpu.memref_slice %arg4[%add3A_18, %dma_start3A] : memref<128x64xf32, #tpu.memory_space<hbm>> -> memref<1x64xf32, #tpu.memory_space<hbm>>
        %dma_start3A_278 = tpu.memref_squeeze %dma_start3A_277 : memref<1x64xf32, #tpu.memory_space<hbm>> -> memref<64xf32, #tpu.memory_space<hbm>>
        %dma_start3A_279 = arith.constant 0 : i32
        %dma_start3A_280 = tpu.memref_slice %arg4[%add3A_18, %dma_start3A_279] : memref<128x64xf32, #tpu.memory_space<hbm>> -> memref<1x64xf32, #tpu.memory_space<hbm>>
        %dma_start3A_281 = tpu.memref_squeeze %dma_start3A_280 : memref<1x64xf32, #tpu.memory_space<hbm>> -> memref<64xf32, #tpu.memory_space<hbm>>
        tpu.enqueue_dma source(%arg14 : memref<64xf32, #tpu.memory_space<vmem>>) target(%dma_start3A_281 : memref<64xf32, #tpu.memory_space<hbm>>) target_semaphore(%run_scoped3A : memref<!tpu.dma_semaphore, #tpu.memory_space<semaphore_mem>>)
        %dma_wait3A = arith.constant 0 : i32
        %dma_wait3A_282 = tpu.memref_slice %arg4[%add3A_18, %dma_wait3A] : memref<128x64xf32, #tpu.memory_space<hbm>> -> memref<1x64xf32, #tpu.memory_space<hbm>>
        %dma_wait3A_283 = tpu.memref_squeeze %dma_wait3A_282 : memref<1x64xf32, #tpu.memory_space<hbm>> -> memref<64xf32, #tpu.memory_space<hbm>>
        %dma_wait3A_284 = arith.constant 0 : i32
        %dma_wait3A_285 = tpu.memref_slice %arg4[%add3A_18, %dma_wait3A_284] : memref<128x64xf32, #tpu.memory_space<hbm>> -> memref<1x64xf32, #tpu.memory_space<hbm>>
        %dma_wait3A_286 = tpu.memref_squeeze %dma_wait3A_285 : memref<1x64xf32, #tpu.memory_space<hbm>> -> memref<64xf32, #tpu.memory_space<hbm>>
        tpu.wait_dma2 semaphore(%run_scoped3A : memref<!tpu.dma_semaphore, #tpu.memory_space<semaphore_mem>>) src(%arg14 : memref<64xf32, #tpu.memory_space<vmem>>) dst(%dma_wait3A_286 : memref<64xf32, #tpu.memory_space<hbm>>)
        tpu.yield
      }) : () -> ()
      "tpu.region"() ({
        %run_scoped3A = tpu.sem_alloc : memref<!tpu.dma_semaphore, #tpu.memory_space<semaphore_mem>>
        %dma_start3A = arith.constant 0 : i32
        %dma_start3A_277 = tpu.memref_slice %arg5[%add3A_18, %dma_start3A] : memref<128x64xf32, #tpu.memory_space<hbm>> -> memref<1x64xf32, #tpu.memory_space<hbm>>
        %dma_start3A_278 = tpu.memref_squeeze %dma_start3A_277 : memref<1x64xf32, #tpu.memory_space<hbm>> -> memref<64xf32, #tpu.memory_space<hbm>>
        %dma_start3A_279 = arith.constant 0 : i32
        %dma_start3A_280 = tpu.memref_slice %arg5[%add3A_18, %dma_start3A_279] : memref<128x64xf32, #tpu.memory_space<hbm>> -> memref<1x64xf32, #tpu.memory_space<hbm>>
        %dma_start3A_281 = tpu.memref_squeeze %dma_start3A_280 : memref<1x64xf32, #tpu.memory_space<hbm>> -> memref<64xf32, #tpu.memory_space<hbm>>
        tpu.enqueue_dma source(%arg13 : memref<64xf32, #tpu.memory_space<vmem>>) target(%dma_start3A_281 : memref<64xf32, #tpu.memory_space<hbm>>) target_semaphore(%run_scoped3A : memref<!tpu.dma_semaphore, #tpu.memory_space<semaphore_mem>>)
        %dma_wait3A = arith.constant 0 : i32
        %dma_wait3A_282 = tpu.memref_slice %arg5[%add3A_18, %dma_wait3A] : memref<128x64xf32, #tpu.memory_space<hbm>> -> memref<1x64xf32, #tpu.memory_space<hbm>>
        %dma_wait3A_283 = tpu.memref_squeeze %dma_wait3A_282 : memref<1x64xf32, #tpu.memory_space<hbm>> -> memref<64xf32, #tpu.memory_space<hbm>>
        %dma_wait3A_284 = arith.constant 0 : i32
        %dma_wait3A_285 = tpu.memref_slice %arg5[%add3A_18, %dma_wait3A_284] : memref<128x64xf32, #tpu.memory_space<hbm>> -> memref<1x64xf32, #tpu.memory_space<hbm>>
        %dma_wait3A_286 = tpu.memref_squeeze %dma_wait3A_285 : memref<1x64xf32, #tpu.memory_space<hbm>> -> memref<64xf32, #tpu.memory_space<hbm>>
        tpu.wait_dma2 semaphore(%run_scoped3A : memref<!tpu.dma_semaphore, #tpu.memory_space<semaphore_mem>>) src(%arg13 : memref<64xf32, #tpu.memory_space<vmem>>) dst(%dma_wait3A_286 : memref<64xf32, #tpu.memory_space<hbm>>)
        tpu.yield
      }) : () -> ()
    }
    %scan3A_14 = arith.constant 4 : i32
    return
  }
}

</mosaic_0001>

<sc_bundles>
// kernel: kernel.3.cloned.1.call-start
scs
__scs_entry_jumppad:
0x0: {  	(pc) =	sbr.rel $0x88, $3  }
0x1: {  	(tag) =	ssettag $0x0;
	lr =	simm.s32 $0x1  }
0x2: {  	[smem:$0x3FA0] =	sst lr;
	_ =	strace $0xD0000000  }
0x3: {  	_ = 	snop  }
0x4: {  	_ = 	snop  }
0x5: {  	_ = 	snop  }
0x6: {  	_ = 	snop  }
0x7: {  	_ = 	snop  }
__scs_overlays_trampoline_lowered:
0x8: {  	[smem:$0x3FAF] =	sst s0  }
0x9: {  	[smem:$0x3FB0] =	sst s1  }
0xa: {  	[smem:$0x3FB1] =	sst s2  }
0xb: {  	[smem:$0x3FB2] =	sst s3  }
0xc: {  	[smem:$0x3FB3] =	sst s4  }
0xd: {  	[smem:$0x3FB4] =	sst s5  }
0xe: {  	[smem:$0x3FB5] =	sst s6  }
0xf: {  	[smem:$0x3FB6] =	sst s7  }
0x10: {  	[smem:$0x3FB7] =	sst s8  }
0x11: {  	[smem:$0x3FB8] =	sst s9;
	s0 =	simm.s32 @!p0 $0x0  }
0x12: {  	s1 =	sld [smem:$0x3F9E];
	s0 =	simm.s32 @p0 $0x1  }
0x13: {  	[smem:$0x3FB9] =	sst s0;
	s0 =	simm.s32 @!p1 $0x0  }
0x14: {  	s2 =	sld [smem:$0x3F9D];
	s0 =	simm.s32 @p1 $0x1  }
0x15: {  	[smem:$0x3FBA] =	sst s0;
	s0 =	simm.s32 @!p2 $0x0  }
0x16: {  	s3 =	sld [smem:$0x3FDB];
	s0 =	simm.s32 @p2 $0x1  }
0x17: {  	s4 =	simm.s32 $0x1BF5;
	[smem:$0x3FBC] =	sst s0  }
0x18: {  	s0 =	sld [smem:$0x3F9F];
	_ =	swait.ge [sflag:s4], $0x0  }
0x19: {  	s7 =	sld [smem:$0x3FA0]  }
0x1a: {  	s8 =	sadd.s32 $0xFFFFE003, lr  }
0x1b: {  	s9 =	sadd.s32 $0xFFFFFEF7, lr;
	s5 =	simm.s32 $0xFFFFFFFF;
	p2 =	slt.u32 s8, $0xFFFFF086  }
0x1c: {  	p1 =	slt.u32 s9, $0xF7A;
	s5 =	simm.s32 @!p2 $0x0  }
0x1d: {  	s5 =	simm.s32 @p1 $0x1;
	p0 =	seq.s32 s7, s2  }
0x1e: {  	s7 =	smul.u32 @!p0 $0xF7A, s2;
	p2 =	seq.s32 @!p0 s5, $0x0  }
0x1f: {  	s9 =	smul.u32 $0xF7A, s1;
	s8 =	simm.s32 @!p0 $0x1BF5;
	p2 =	por !p2, p0  }
0x20: {  	[sflag:s8] =	ssyncset.s32 @!p0 $0xFFFFF086;
	s6 =	sadd.s32 @!p0 s3, s7;
	s7 =	simm.s32 @!p0 $0x108  }
0x21: {  	s3 =	sadd.s32 s3, s9;
	s6 =	sadd.s32 @!p0 $0x88, s6;
	s7 =	simm.s32 @p2 $0x1082  }
0x22: {  	[simem:s7], [sflag:s8] =	dma.local @!p0 [hbm:s6], $0xF7A  }
0x23: {  	s9 =	sor.u32 $0xD0000000, s2;
	s6 =	simm.s32 $0x108;
	_ =	swait.ge @!p0 [sflag:s8], $0x0  }
0x24: {  	s3 =	sadd.s32 $0x88, s3;
	s6 =	simm.s32 @!p1 $0x1082;
	[sflag:s4] =	ssyncset.s32 $0xFFFFF086  }
0x25: {  	[simem:s6], [sflag:s4] =	dma.local [hbm:s3], $0xF7A  }
0x26: {  	[smem:$0x3FA0] =	sst s1;
	(tag) =	ssettag s2;
	_ =	strace s9  }
0x27: {  	s1 =	sld [smem:$0x3FB0]  }
0x28: {  	s2 =	sld [smem:$0x3FB1]  }
0x29: {  	s4 =	sld [smem:$0x3FB3]  }
0x2a: {  	p0 =	seq.s32 s5, $0x0;
	s5 =	sld [smem:$0x3FB4]  }
0x2b: {  	s6 =	sld [smem:$0x3FB5]  }
0x2c: {  	s7 =	sld [smem:$0x3FB6]  }
0x2d: {  	s3 =	simm.s32 $0x108;
	s8 =	sld [smem:$0x3FB7]  }
0x2e: {  	s3 =	simm.s32 @!p0 $0x1082;
	s9 =	sld [smem:$0x3FB8]  }
0x2f: {  	lr =	sadd.s32 s0, s3;
	s0 =	sld [smem:$0x3FAF]  }
0x30: {  	s3 =	sld [smem:$0x3FB2]  }
0x31: {  	[smem:$0x3FBB] =	sst s10  }
0x32: {  	s10 =	sld [smem:$0x3FB9];
	_ =	sdelay $0x3  }
0x33: {  	p0 =	seq.s32 s10, $0x1;
	s10 =	sld [smem:$0x3FBB];
	_ =	sdelay $0x3  }
0x34: {  	[smem:$0x3FBB] =	sst s10  }
0x35: {  	s10 =	sld [smem:$0x3FBA];
	_ =	sdelay $0x3  }
0x36: {  	p1 =	seq.s32 s10, $0x1;
	s10 =	sld [smem:$0x3FBB];
	_ =	sdelay $0x3  }
0x37: {  	[smem:$0x3FBB] =	sst s10  }
0x38: {  	s10 =	sld [smem:$0x3FBC]  }
0x39: {  	_ = 	snop;
	(pc) =	sbr.ind lr, $3  }
0x3a: {  	_ = 	snop  }
0x3b: {  	_ = 	snop  }
0x3c: {  	p2 =	seq.s32 s10, $0x1;
	s10 =	sld [smem:$0x3FBB]  }
0x3d: {  	_ =	shalt  }
0x3e: {  	_ =	shalt  }
0x3f: {  	_ =	shalt  }
0x40: {  	_ =	shalt  }
0x41: {  	_ =	shalt  }
0x42: {  	_ =	shalt  }
0x43: {  	_ =	shalt  }
0x44: {  	_ =	shalt  }
0x45: {  	_ =	shalt  }
0x46: {  	_ =	shalt  }
0x47: {  	_ =	shalt  }
0x48: {  	_ =	shalt  }
0x49: {  	_ =	shalt  }
0x4a: {  	_ =	shalt  }
0x4b: {  	_ =	shalt  }
0x4c: {  	_ =	shalt  }
0x4d: {  	_ =	shalt  }
0x4e: {  	_ =	shalt  }
0x4f: {  	_ =	shalt  }
0x50: {  	_ =	shalt  }
0x51: {  	_ =	shalt  }
0x52: {  	_ =	shalt  }
0x53: {  	_ =	shalt  }
0x54: {  	_ =	shalt  }
0x55: {  	_ =	shalt  }
0x56: {  	_ =	shalt  }
0x57: {  	_ =	shalt  }
0x58: {  	_ =	shalt  }
0x59: {  	_ =	shalt  }
0x5a: {  	_ =	shalt  }
0x5b: {  	_ =	shalt  }
0x5c: {  	_ =	shalt  }
0x5d: {  	_ =	shalt  }
0x5e: {  	_ =	shalt  }
0x5f: {  	_ =	shalt  }
0x60: {  	_ =	shalt  }
0x61: {  	_ =	shalt  }
0x62: {  	_ =	shalt  }
0x63: {  	_ =	shalt  }
0x64: {  	_ =	shalt  }
0x65: {  	_ =	shalt  }
0x66: {  	_ =	shalt  }
0x67: {  	_ =	shalt  }
0x68: {  	_ =	shalt  }
0x69: {  	_ =	shalt  }
0x6a: {  	_ =	shalt  }
0x6b: {  	_ =	shalt  }
0x6c: {  	_ =	shalt  }
0x6d: {  	_ =	shalt  }
0x6e: {  	_ =	shalt  }
0x6f: {  	_ =	shalt  }
0x70: {  	_ =	shalt  }
0x71: {  	_ =	shalt  }
0x72: {  	_ =	shalt  }
0x73: {  	_ =	shalt  }
0x74: {  	_ =	shalt  }
0x75: {  	_ =	shalt  }
0x76: {  	_ =	shalt  }
0x77: {  	_ =	shalt  }
0x78: {  	_ =	shalt  }
0x79: {  	_ =	shalt  }
0x7a: {  	_ =	shalt  }
0x7b: {  	_ =	shalt  }
0x7c: {  	_ =	shalt  }
0x7d: {  	_ =	shalt  }
0x7e: {  	_ =	shalt  }
0x7f: {  	_ =	shalt  }
0x80: {  	_ =	shalt  }
0x81: {  	_ =	shalt  }
0x82: {  	_ =	shalt  }
0x83: {  	_ =	shalt  }
0x84: {  	_ =	shalt  }
0x85: {  	_ =	shalt  }
0x86: {  	_ =	shalt  }
0x87: {  	_ =	shalt  }
.Lfunc_end0:
.L_simem_size_0:
called_computation_lowered:
.L_overlay_start_0:
0x88: {  	s2 =	sld [smem:$0x3FD9]  }
0x89: {  	s3 =	sld [smem:$0x3FFE];
	_ =	sdelay $0x1  }
0x8a: {  	s1 =	srdreg.scid  }
0x8b: {  	s0 =	sand.u32 $0x1, s1  }
0x8c: {  	s17 =	sshll.u32 s0, $0xA;
	s2 =	sadd.s32 s3, s2  }
0x8d: {  	s2 =	sadd.s32 s2, s17  }
0x8e: {  	[smem:$0x3FC7] =	sst s2  }
0x8f: {  	_ = 	snop  }
0x90: {  	s2 =	sld [smem:$0x3FC9];
	(tm) =	ssettm $0x1  }
0x91: {  	s18 =	sld [smem:$0x3FFB];
	_ =	sdelay $0x3  }
0x92: {  	_ =	strace s18  }
0x93: {  	s3 =	sld [smem:$0x3FFC];
	_ =	sdelay $0x3  }
0x94: {  	_ =	strace s3  }
0x95: {  	s3 =	sld [smem:$0x3FFD];
	_ =	sdelay $0x3  }
0x96: {  	_ =	strace s3  }
0x97: {  	_ =	strace $0x8FFFFFFF  }
0x98: {  	s19 =	sld [smem:$0x3FDB];
	_ =	sdelay $0x1  }
0x99: {  	s4 =	simm.s32 $_scs_section_size  }
0x9a: {  	s5 =	simm.s32 $_size__tile_overlayer_lowered;
	s6 =	simm.s32 $_tile_overlayer_lowered  }
0x9b: {  	s22 =	simm.s32 $0x1BFF;
	s21 =	sshll.u32 s6, $0x1;
	s3 =	sadd.s32 s4, s19  }
0x9c: {  	s7 =	simm.s32 $0x0;
	s20 =	sshll.u32 s5, $0x1;
	s5 =	sadd.s32 s21, s3  }
0x9d: {  	[timem:s7], [sflag:s22] =	dma.local [hbm:s5], s20  }
0x9e: {  	_ =	swait.ge [sflag:s22], s20  }
0x9f: {  	s4 =	ssub.s32 $0x0, s20;
	[sflag:s22] =	ssyncset.done $0x0  }
0xa0: {  	[sflag:s22] =	ssyncadd.s32 s4;
	_ =	sdelay $0x1  }
0xa1: {  	s23 =	simm.s32 $0x1B8B  }
0xa2: {  	_ =	swait.ge [sflag:s23], $0x1  }
0xa3: {  	[sflag:s23] =	ssyncset.done $0x0  }
0xa4: {  	s25 =	simm.s32 $0x1B8E;
	s24 =	sld [smem:$0x3FFE];
	[sflag:s23] =	ssyncadd.s32 $0xFFFFFFFF  }
0xa5: {  	s26 =	simm.s32 $execute0_lowered;
	[smem:$0x3FD2] =	sst s25  }
0xa6: {  	s5 =	sshll.u32 s26, $0x1;
	_ =	strace $0x80000046;
	[dreg:$0x1] =	wrdreg $0xFFFFFFFF  }
0xa7: {  	s28 =	simm.s32 $_size_execute0_lowered;
	s3 =	sadd.s32 s3, s5;
	[dreg:$0x0] =	wrdreg $0x0  }
0xa8: {  	s5 =	sshll.u32 s28, $0x1;
	[dreg:$0x2] =	wrdreg s3  }
0xa9: {  	[dreg:$0x3] =	wrdreg s5  }
0xaa: {  	[dreg:$0x4] =	wrdreg $0xC0  }
0xab: {  	_ =	task [dreg:s7], $0x5FFFF  }
0xac: {  	[dreg:$0x1] =	wrdreg $0xFFFFFFFF  }
0xad: {  	[dreg:$0x0] =	wrdreg $0x60  }
0xae: {  	[dreg:$0x2] =	wrdreg s2  }
0xaf: {  	[dreg:$0x3] =	wrdreg s24  }
0xb0: {  	[dreg:$0x4] =	wrdreg $0x9  }
0xb1: {  	_ =	task.clear_ibuf [dreg:s7], $0x5FFFF;
	_ =	strace $0x90000046  }
0xb2: {  	s29 =	simm.s32 $0x9;
	_ =	strace $0x80000048  }
0xb3: {  	_ =	swait.ge [sflag:s29], $0x1  }
0xb4: {  	[sflag:s29] =	ssyncadd.s32 $0xFFFFFFFF  }
0xb5: {  	_ =	strace $0x90000048  }
0xb6: {  	_ =	sfence  }
0xb7: {  	s30 =	sld [smem:$0x0];
	_ =	sdelay $0x2  }
0xb8: {  	s31 =	sshll.u32 s1, $0xD;
	s1 =	sshrl.u32 s1, $0x2  }
0xb9: {  	s3 =	sand.u32 $0x4000, s31;
	s1 =	sadd.s32 s1, s30  }
0xba: {  	s0 =	sor.u32 s3, s0;
	s1 =	sshll.u32 s1, $0x11  }
0xbb: {  	s0 =	sor.u32 s1, s0  }
0xbc: {  	s0 =	sadd.s32 $0x8F2B, s0  }
0xbd: {  	[sflag:s0] =	ssyncadd.remote.s32 $0x1  }
0xbe: {  	_ =	sfence.sel $0xFFFF  }
0xbf: {  	[dreg:$0x0] =	wrdreg $0xFFFFFFFF;
	(pc) =	sbr.abs _section_cstart, $3  }
0xc0: {  	[dreg:$0x1] =	wrdreg $0xFFFFFFFF  }
0xc1: {  	_ =	task.clear_ibuf [dreg:s7], $0x2FFFF;
	_ =	strace $0x9FFFFFFF  }
0xc2: {  	(tm) =	ssettm $0x7FFFFFFF  }
0xc3: {  	_ =	shalt  }
tec
execute0_lowered:
.L_overlay_start_1:
0x0: {  	(tag) =	ssettag $0x1  }
0x1: {  	s1 =	rddreg [dreg:$0x0];
	s2 =	simm.s32 $0x0  }
0x2: {  	[smem:$0x7FF] =	sst s2  }
0x3: {  	s0 =	rddreg [dreg:$0x1];
	v0 =	vimm.s32 $0xFFFFFFFF;
	_ =	strace $0x80000047  }
0x4: {  	(xrf0) =	vmin.scan.msk.u32 $0xffff, v0;
	_ =	sdelay $0x5  }
0x5: {  	v0, _, _ =	vpop (xrf0)  }
0x6: {  	(v2sf) =	vpush v0, $0xF;
	_ =	sdelay $0x8  }
0x7: {  	s3 =	srdreg.scid;
	s9 =	stileid.u32;
	s11 =	simm.s32 $0x80  }
0x8: {  	s12 =	simm.s32 $0x1;
	s13 =	simm.s32 $0x8000;
	s14 =	simm.s32 $0x10080  }
0x9: {  	s15 =	simm.s32 $0x18100;
	s16 =	simm.s32 $0x18180;
	s17 =	simm.s32 $0x18200  }
0xa: {  	s18 =	simm.s32 $0x18300;
	s19 =	simm.s32 $0x18280;
	s4 =	sand.u32 $0x1, s3  }
.Ltmp0:
0xb: {  	s20 =	simm.s32 $0x0;
	s7 =	ssub.s32 $0x2, s4;
	(pc) =	sbr.rel .LBB2_1-.Ltmp0, $4  }
0xc: {  	s3 =	sadd.s32 $0x800, s0;
	s5 =	sadd.s32 $0x1000, s0;
	s29 =	sshrl.u32 s7, $0x1  }
0xd: {  	v1 =	vimm.s32 $0x0;
	s6 =	sadd.s32 $0x1800, s0;
	s0 =	ssub.s32 s7, s29;
	s30 =	spop (v2sf)  }
0xe: {  	v2 =	vlaneseq.u32;
	v5 =	vimm.f32 $1.000000000e+00;
	v3 =	vimm.s32 $0x1;
	s8 =	sshll.u32 s9, $0x12;
	s0 =	smax.u32 s0, $0x1;
	s31 =	sxor.u32 $0x80000000, s30  }
0xf: {  	s9 =	sshll.u32 s9, $0xA;
	v4 =	vmul.u32 $0x800, v2;
	v5 =	vand.u32 $0x7FFFFFFF, v5;
	s7 =	sshll.u32 s4, $0x9;
	[dreg:$0x3] =	wrdreg s0;
	v0 =	vmov s31  }
.LBB2_153:
0x10: {  	s20 =	sadd.s32 $0x1, s20;
	s0 =	rddreg [dreg:$0x3]  }
0x11: {  	p0 =	sne.s32 s20, s0  }
.Ltmp1:
0x12: {  	_ = 	snop;
	(pc) =	sbr.rel @!p0 .LBB2_154-.Ltmp1, $1  }
0x13: {  	_ =	sdelay $0x3  }
.LBB2_1:
0x14: {  	s0 =	simm.s32 $0x8040  }
0x15: {  	[tilespmem:s0+$0xFFFFFFC0] =	vst v1  }
0x16: {  	[tilespmem:s0+$0x30] =	vst v1  }
0x17: {  	[tilespmem:s0+$0x20] =	vst v1  }
0x18: {  	[tilespmem:s0+$0x10] =	vst v1  }
0x19: {  	[tilespmem:s0+$0x0] =	vst v1  }
0x1a: {  	[tilespmem:s0+$0xFFFFFFF0] =	vst v1  }
0x1b: {  	s4 =	simm.s32 $0x0;
	[tilespmem:s0+$0xFFFFFFE0] =	vst v1  }
.LBB2_2:
0x1c: {  	s4 =	sadd.s32 $0x8, s4;
	[tilespmem:s0+$0xFFFFFFD0] =	vst v1;
	s0 =	sadd.s32 $0x80, s0  }
0x1d: {  	[tilespmem:s0+$0xFFFFFFC0] =	vst v1;
	p0 =	slt.u32 s4, $0x3F8  }
0x1e: {  	[tilespmem:s0+$0x30] =	vst v1  }
.Ltmp2:
0x1f: {  	[tilespmem:s0+$0x20] =	vst v1;
	(pc) =	sbr.rel @p0 .LBB2_2-.Ltmp2, $4  }
0x20: {  	[tilespmem:s0+$0x10] =	vst v1  }
0x21: {  	[tilespmem:s0+$0x0] =	vst v1  }
0x22: {  	[tilespmem:s0+$0xFFFFFFF0] =	vst v1  }
0x23: {  	[tilespmem:s0+$0xFFFFFFE0] =	vst v1  }
0x24: {  	[tilespmem:s0+$0xFFFFFFD0] =	vst v1;
	s21 =	simm.s32 $0x0  }
.LBB2_4:
0x25: {  	s0 =	sshll.u32 s21, $0x7  }
0x26: {  	s22 =	sadd.s32 s7, s0  }
0x27: {  	s0 =	sadd.s32 s8, s22  }
0x28: {  	s0 =	sshrl.u32 s0, $0x3  }
0x29: {  	s4 =	sadd.s32 s1, s0;
	s0 =	simm.s32 $0x400  }
0x2a: {  	[tilespmem:s2], [sflag:$0x1] =	stream.strided.gather [hbm4b:s4+s11], $0x8000, s0, s11, $0x38;
	[tilespmem:$0x18380] =	vst v63  }
0x2b: {  	_ =	swait.ge [sflag:s12], $0x8000  }
0x2c: {  	[sflag:s12] =	ssyncset.done $0x0  }
0x2d: {  	s4 =	simm.s32 $0xFFFFFFF8;
	[sflag:s12] =	ssyncadd.s32 $0xFFFF8000  }
.LBB2_5:
0x2e: {  	v6 =	vld [tilespmem:s0+$0xFFFFFC00];
	_ =	sdelay $0x4  }
0x2f: {  	v6 =	vshrl.u32 v6, $0x11  }
0x30: {  	v6 =	vand.u32 $0x3FF0, v6  }
0x31: {  	v6 =	vor.u32 v2, v6;
	_ =	sdelay $0x4  }
0x32: {  	[tilespmem:v6+s13+$0x0] =	vst.idx.add.s32.msk $0xffff, v3  }
0x33: {  	v6 =	vld [tilespmem:s0+$0xFFFFFD00];
	_ =	sdelay $0x4  }
0x34: {  	v6 =	vshrl.u32 v6, $0x11  }
0x35: {  	v6 =	vand.u32 $0x3FF0, v6  }
0x36: {  	v6 =	vor.u32 v2, v6;
	_ =	sdelay $0x4  }
0x37: {  	[tilespmem:v6+s13+$0x0] =	vst.idx.add.s32.msk $0xffff, v3  }
0x38: {  	v6 =	vld [tilespmem:s0+$0xFFFFFE00];
	_ =	sdelay $0x4  }
0x39: {  	v6 =	vshrl.u32 v6, $0x11  }
0x3a: {  	v6 =	vand.u32 $0x3FF0, v6  }
0x3b: {  	v6 =	vor.u32 v2, v6;
	_ =	sdelay $0x4  }
0x3c: {  	[tilespmem:v6+s13+$0x0] =	vst.idx.add.s32.msk $0xffff, v3  }
0x3d: {  	v6 =	vld [tilespmem:s0+$0xFFFFFF00];
	_ =	sdelay $0x4  }
0x3e: {  	v6 =	vshrl.u32 v6, $0x11  }
0x3f: {  	v6 =	vand.u32 $0x3FF0, v6  }
0x40: {  	v6 =	vor.u32 v2, v6;
	_ =	sdelay $0x4  }
0x41: {  	[tilespmem:v6+s13+$0x0] =	vst.idx.add.s32.msk $0xffff, v3  }
0x42: {  	v6 =	vld [tilespmem:s0+$0x0];
	_ =	sdelay $0x4  }
0x43: {  	v6 =	vshrl.u32 v6, $0x11  }
0x44: {  	v6 =	vand.u32 $0x3FF0, v6  }
0x45: {  	v6 =	vor.u32 v2, v6;
	_ =	sdelay $0x4  }
0x46: {  	[tilespmem:v6+s13+$0x0] =	vst.idx.add.s32.msk $0xffff, v3  }
0x47: {  	v6 =	vld [tilespmem:s0+$0x100];
	_ =	sdelay $0x4  }
0x48: {  	v6 =	vshrl.u32 v6, $0x11  }
0x49: {  	v6 =	vand.u32 $0x3FF0, v6  }
0x4a: {  	v6 =	vor.u32 v2, v6;
	_ =	sdelay $0x4  }
0x4b: {  	[tilespmem:v6+s13+$0x0] =	vst.idx.add.s32.msk $0xffff, v3  }
0x4c: {  	v6 =	vld [tilespmem:s0+$0x200];
	_ =	sdelay $0x4  }
0x4d: {  	v6 =	vshrl.u32 v6, $0x11  }
0x4e: {  	v6 =	vand.u32 $0x3FF0, v6  }
0x4f: {  	v6 =	vor.u32 v2, v6;
	_ =	sdelay $0x4  }
0x50: {  	[tilespmem:v6+s13+$0x0] =	vst.idx.add.s32.msk $0xffff, v3  }
0x51: {  	v6 =	vld [tilespmem:s0+$0x300];
	_ =	sdelay $0x4  }
0x52: {  	v6 =	vshrl.u32 v6, $0x11  }
0x53: {  	s4 =	sadd.s32 $0x8, s4;
	v6 =	vand.u32 $0x3FF0, v6  }
0x54: {  	p0 =	slt.u32 s4, $0x78;
	v6 =	vor.u32 v2, v6  }
.Ltmp3:
0x55: {  	_ = 	snop;
	(pc) =	sbr.rel @p0 .LBB2_5-.Ltmp3, $2  }
0x56: {  	_ =	sdelay $0x2  }
0x57: {  	s0 =	sadd.s32 $0x800, s0;
	[tilespmem:v6+s13+$0x0] =	vst.idx.add.s32.msk $0xffff, v3  }
0x58: {  	v6 =	vimm.s32 $0x0  }
0x59: {  	s23 =	simm.s32 $0xBFF0;
	[tilespmem:$0x10000] =	vst v6  }
0x5a: {  	v7 =	vld [tilespmem:s23+$0x0];
	_ =	sdelay $0x4  }
0x5b: {  	s24 =	simm.s32 $0xFFF0;
	v6 =	vadd.s32 v6, v7  }
0x5c: {  	[tilespmem:s24+$0x0] =	vst v6  }
0x5d: {  	v7 =	vld [tilespmem:s23+$0xFFFFFFF0];
	_ =	sdelay $0x4  }
0x5e: {  	[tilespmem:s23+$0x0] =	vst v1;
	v6 =	vadd.s32 v6, v7  }
0x5f: {  	[tilespmem:s24+$0xFFFFFFF0] =	vst v6  }
0x60: {  	v7 =	vld [tilespmem:s23+$0xFFFFFFE0];
	_ =	sdelay $0x4  }
0x61: {  	[tilespmem:s23+$0xFFFFFFF0] =	vst v1;
	v6 =	vadd.s32 v6, v7  }
0x62: {  	[tilespmem:s24+$0xFFFFFFE0] =	vst v6  }
0x63: {  	v7 =	vld [tilespmem:s23+$0xFFFFFFD0];
	_ =	sdelay $0x4  }
0x64: {  	[tilespmem:s23+$0xFFFFFFE0] =	vst v1;
	v6 =	vadd.s32 v6, v7  }
0x65: {  	[tilespmem:s24+$0xFFFFFFD0] =	vst v6  }
0x66: {  	v7 =	vld [tilespmem:s23+$0xFFFFFFC0];
	_ =	sdelay $0x4  }
0x67: {  	[tilespmem:s23+$0xFFFFFFD0] =	vst v1;
	v6 =	vadd.s32 v6, v7  }
0x68: {  	[tilespmem:s24+$0xFFFFFFC0] =	vst v6  }
0x69: {  	v7 =	vld [tilespmem:s23+$0xFFFFFFB0];
	_ =	sdelay $0x4  }
0x6a: {  	[tilespmem:s23+$0xFFFFFFC0] =	vst v1;
	v6 =	vadd.s32 v6, v7  }
0x6b: {  	[tilespmem:s24+$0xFFFFFFB0] =	vst v6  }
0x6c: {  	v7 =	vld [tilespmem:s23+$0xFFFFFFA0];
	_ =	sdelay $0x4  }
0x6d: {  	[tilespmem:s23+$0xFFFFFFB0] =	vst v1;
	v6 =	vadd.s32 v6, v7  }
0x6e: {  	[tilespmem:s24+$0xFFFFFFA0] =	vst v6  }
0x6f: {  	v7 =	vld [tilespmem:s23+$0xFFFFFF90];
	_ =	sdelay $0x4  }
0x70: {  	[tilespmem:s23+$0xFFFFFFA0] =	vst v1;
	v6 =	vadd.s32 v6, v7  }
0x71: {  	s28 =	simm.s32 $0x0;
	s29 =	simm.s32 $0xBF70;
	s25 =	simm.s32 $0x3FF;
	[tilespmem:s24+$0xFFFFFF90] =	vst v6  }
.LBB2_7:
0x72: {  	v7 =	vld [tilespmem:s29+$0x0];
	s28 =	sadd.s32 $0x8, s28;
	[tilespmem:s23+$0xFFFFFF90] =	vst v1;
	s23 =	smov.u32 s29  }
0x73: {  	p0 =	slt.u32 s28, $0x3F8;
	_ =	sdelay $0x3  }
0x74: {  	s24 =	sadd.s32 $0xFFFFFF80, s24;
	v6 =	vadd.s32 v6, v7  }
0x75: {  	[tilespmem:s24+$0x0] =	vst v6  }
0x76: {  	v7 =	vld [tilespmem:s29+$0xFFFFFFF0];
	_ =	sdelay $0x4  }
0x77: {  	[tilespmem:s29+$0x0] =	vst v1;
	v6 =	vadd.s32 v6, v7  }
0x78: {  	[tilespmem:s24+$0xFFFFFFF0] =	vst v6  }
0x79: {  	v7 =	vld [tilespmem:s29+$0xFFFFFFE0];
	_ =	sdelay $0x4  }
0x7a: {  	[tilespmem:s29+$0xFFFFFFF0] =	vst v1;
	v6 =	vadd.s32 v6, v7  }
0x7b: {  	[tilespmem:s24+$0xFFFFFFE0] =	vst v6  }
0x7c: {  	v7 =	vld [tilespmem:s29+$0xFFFFFFD0];
	_ =	sdelay $0x4  }
0x7d: {  	[tilespmem:s29+$0xFFFFFFE0] =	vst v1;
	v6 =	vadd.s32 v6, v7  }
0x7e: {  	[tilespmem:s24+$0xFFFFFFD0] =	vst v6  }
0x7f: {  	v7 =	vld [tilespmem:s29+$0xFFFFFFC0];
	_ =	sdelay $0x4  }
0x80: {  	[tilespmem:s29+$0xFFFFFFD0] =	vst v1;
	v6 =	vadd.s32 v6, v7  }
0x81: {  	[tilespmem:s24+$0xFFFFFFC0] =	vst v6  }
0x82: {  	v7 =	vld [tilespmem:s29+$0xFFFFFFB0];
	_ =	sdelay $0x4  }
0x83: {  	[tilespmem:s29+$0xFFFFFFC0] =	vst v1;
	v6 =	vadd.s32 v6, v7  }
0x84: {  	[tilespmem:s24+$0xFFFFFFB0] =	vst v6  }
0x85: {  	v7 =	vld [tilespmem:s29+$0xFFFFFFA0];
	_ =	sdelay $0x4  }
0x86: {  	[tilespmem:s29+$0xFFFFFFB0] =	vst v1;
	v6 =	vadd.s32 v6, v7  }
0x87: {  	[tilespmem:s24+$0xFFFFFFA0] =	vst v6  }
0x88: {  	[tilespmem:s29+$0xFFFFFFA0] =	vst v1;
	v7 =	vld [tilespmem:s29+$0xFFFFFF90];
	_ =	sdelay $0x1  }
.Ltmp4:
0x89: {  	(pc) =	sbr.rel @p0 .LBB2_7-.Ltmp4, $3  }
0x8a: {  	_ =	sdelay $0x1  }
0x8b: {  	v6 =	vadd.s32 v6, v7  }
0x8c: {  	s26 =	simm.s32 $0x0;
	s29 =	sadd.s32 $0xFFFFFF80, s29;
	[tilespmem:s24+$0xFFFFFF90] =	vst v6  }
0x8d: {  	[tilespmem:s23+$0xFFFFFF90] =	vst v1;
	s4 =	simm.s32 $0x3FF;
	s0 =	simm.s32 $0x9  }
.LBB2_9:
0x8e: {  	s23 =	smov.u32 s25;
	p0 =	sne.s32 s0, $0x1  }
0x8f: {  	s24 =	sadd.s32 $0x1, s4;
	p1 =	slt.u32 s4, $0x7FFFFFFF;
	s4 =	simm.s32 $0x1  }
0x90: {  	s4 =	simm.s32 @!p1 $0x0;
	s25 =	sshra.s32 s24, $0x1F  }
0x91: {  	s4 =	sadd.s32 s4, s25;
	s25 =	sand.u32 $0x1, s24  }
0x92: {  	p1 =	sne.s32 s4, $0x1;
	p2 =	seq.s32 s25, $0x1  }
0x93: {  	s4 =	sshrl.u32 s24, $0x1F;
	p1 =	por !p1, !p2  }
0x94: {  	s4 =	sadd.s32 s4, s24;
	s24 =	simm.s32 $0x1;
	p1 =	por !p1, !p1  }
0x95: {  	s4 =	sshra.s32 s4, $0x1;
	s24 =	simm.s32 @!p1 $0x0  }
0x96: {  	s4 =	ssub.s32 s4, s24  }
0x97: {  	s24 =	sshll.u32 s4, $0x6  }
0x98: {  	s24 =	sshra.s32 s24, $0x2  }
0x99: {  	v6 =	vld [tilespmem:s24+$0xC000];
	_ =	sdelay $0x4  }
0x9a: {  	(xrf0) =	vadd.scan.msk.s32 $0xffff, v6;
	_ =	sdelay $0x5  }
0x9b: {  	v6, _, _ =	vpop (xrf0)  }
0x9c: {  	(v2sf) =	vpush v6, $0xF;
	_ =	sdelay $0xd  }
.Ltmp5:
0x9d: {  	(pc) =	sbr.rel @p0 .LBB2_9-.Ltmp5, $4  }
0x9e: {  	s24 =	spop (v2sf)  }
0x9f: {  	s25 =	sadd.s32 $0xFFFFFFFF, s4;
	p1 =	sgt.s32 s24, $0x1F  }
0xa0: {  	s26 =	smov.u32 @p1 s4;
	s25 =	smov.u32 @p1 s23  }
0xa1: {  	s0 =	sadd.s32 $0xFFFFFFFF, s0;
	s4 =	sadd.s32 s26, s25  }
0xa2: {  	s0 =	sadd.s32 $0x1, s4;
	p0 =	slt.u32 s4, $0x7FFFFFFF;
	s4 =	simm.s32 $0x1  }
0xa3: {  	s4 =	simm.s32 @!p0 $0x0;
	s23 =	sshra.s32 s0, $0x1F  }
0xa4: {  	s29 =	sand.u32 $0x1, s0;
	s4 =	sadd.s32 s4, s23  }
0xa5: {  	p1 =	seq.s32 s29, $0x1;
	p6 =	sne.s32 s4, $0x1  }
0xa6: {  	s30 =	sshrl.u32 s0, $0x1F;
	p0 =	por !p6, !p1  }
0xa7: {  	s0 =	sadd.s32 s30, s0;
	s4 =	simm.s32 $0x1;
	p0 =	por !p0, !p0  }
0xa8: {  	s0 =	sshra.s32 s0, $0x1;
	s4 =	simm.s32 @!p0 $0x0  }
0xa9: {  	s0 =	ssub.s32 s0, s4  }
0xaa: {  	s4 =	sshll.u32 s0, $0x6  }
0xab: {  	s4 =	sshra.s32 s4, $0x2  }
0xac: {  	v6 =	vld [tilespmem:s4+$0xC000];
	_ =	sdelay $0x4  }
0xad: {  	(xrf0) =	vadd.scan.msk.s32 $0xffff, v6;
	_ =	sdelay $0x5  }
0xae: {  	v6, _, _ =	vpop (xrf0)  }
0xaf: {  	(v2sf) =	vpush v6, $0xF;
	_ =	sdelay $0xe  }
0xb0: {  	s31 =	spop (v2sf)  }
0xb1: {  	p0 =	sgt.s32 s31, $0x1F  }
0xb2: {  	s26 =	smov.u32 @p0 s0  }
0xb3: {  	s0 =	sshll.u32 s26, $0x15  }
0xb4: {  	s24 =	simm.s32 $0x40;
	s23 =	simm.s32 $0x70;
	v6 =	vimm.s32 $0x0;
	v7 =	vmov s0;
	s0 =	simm.s32 $0xFFFFFFF8  }
.LBB2_11:
0xb5: {  	v8 =	vld [tilespmem:s24+$0xFFFFFFC0];
	_ =	sdelay $0x4  }
0xb6: {  	v8 =	vand.u32 $0x7FFFFFFF, v8  }
0xb7: {  	vm0 =	vge.s32 v8, v7  }
0xb8: {  	v8 =	vadd.s32 v4, v6;
	_ =	sdelay $0x2  }
0xb9: {  	s4 =	sadd.s32 $0xFFFFFF90, s23  }
0xba: {  	v9 =	vor.u32 s4, v2  }
0xbb: {  	[tilespmem:v8+s14+$0x0] =	vst.idx.msk vm0, v9  }
0xbc: {  	v8 =	vld [tilespmem:s24+$0xFFFFFFD0];
	_ =	sdelay $0x4  }
0xbd: {  	v50 =	vsel vm0, $0x1, v1;
	v8 =	vand.u32 $0x7FFFFFFF, v8  }
0xbe: {  	v6 =	vadd.s32 v50, v6;
	vm9 =	vge.s32 v8, v7  }
0xbf: {  	v8 =	vadd.s32 v4, v6;
	_ =	sdelay $0x2  }
0xc0: {  	s25 =	sadd.s32 $0xFFFFFFA0, s23  }
0xc1: {  	v51 =	vor.u32 s25, v2  }
0xc2: {  	[tilespmem:v8+s14+$0x0] =	vst.idx.msk vm9, v51  }
0xc3: {  	v8 =	vld [tilespmem:s24+$0xFFFFFFE0];
	_ =	sdelay $0x4  }
0xc4: {  	v52 =	vsel vm9, $0x1, v1;
	v8 =	vand.u32 $0x7FFFFFFF, v8  }
0xc5: {  	v6 =	vadd.s32 v52, v6;
	vm10 =	vge.s32 v8, v7  }
0xc6: {  	v8 =	vadd.s32 v4, v6;
	_ =	sdelay $0x2  }
0xc7: {  	s26 =	sadd.s32 $0xFFFFFFB0, s23  }
0xc8: {  	v53 =	vor.u32 s26, v2  }
0xc9: {  	[tilespmem:v8+s14+$0x0] =	vst.idx.msk vm10, v53  }
0xca: {  	v8 =	vld [tilespmem:s24+$0xFFFFFFF0];
	_ =	sdelay $0x4  }
0xcb: {  	v54 =	vsel vm10, $0x1, v1;
	v8 =	vand.u32 $0x7FFFFFFF, v8  }
0xcc: {  	v6 =	vadd.s32 v54, v6;
	vm11 =	vge.s32 v8, v7  }
0xcd: {  	v8 =	vadd.s32 v4, v6;
	_ =	sdelay $0x2  }
0xce: {  	s28 =	sadd.s32 $0xFFFFFFC0, s23  }
0xcf: {  	v55 =	vor.u32 s28, v2  }
0xd0: {  	[tilespmem:v8+s14+$0x0] =	vst.idx.msk vm11, v55  }
0xd1: {  	v8 =	vld [tilespmem:s24+$0x0];
	_ =	sdelay $0x4  }
0xd2: {  	v56 =	vsel vm11, $0x1, v1;
	v8 =	vand.u32 $0x7FFFFFFF, v8  }
0xd3: {  	v6 =	vadd.s32 v56, v6;
	vm12 =	vge.s32 v8, v7  }
0xd4: {  	v8 =	vadd.s32 v4, v6;
	_ =	sdelay $0x2  }
0xd5: {  	s29 =	sadd.s32 $0xFFFFFFD0, s23  }
0xd6: {  	v57 =	vor.u32 s29, v2  }
0xd7: {  	[tilespmem:v8+s14+$0x0] =	vst.idx.msk vm12, v57  }
0xd8: {  	v8 =	vld [tilespmem:s24+$0x10];
	_ =	sdelay $0x4  }
0xd9: {  	v58 =	vsel vm12, $0x1, v1;
	v8 =	vand.u32 $0x7FFFFFFF, v8  }
0xda: {  	v6 =	vadd.s32 v58, v6;
	vm13 =	vge.s32 v8, v7  }
0xdb: {  	v8 =	vadd.s32 v4, v6;
	_ =	sdelay $0x2  }
0xdc: {  	s30 =	sadd.s32 $0xFFFFFFE0, s23  }
0xdd: {  	v59 =	vor.u32 s30, v2  }
0xde: {  	[tilespmem:v8+s14+$0x0] =	vst.idx.msk vm13, v59  }
0xdf: {  	v8 =	vld [tilespmem:s24+$0x20];
	_ =	sdelay $0x4  }
0xe0: {  	v60 =	vsel vm13, $0x1, v1;
	v8 =	vand.u32 $0x7FFFFFFF, v8  }
0xe1: {  	v6 =	vadd.s32 v60, v6;
	vm14 =	vge.s32 v8, v7  }
0xe2: {  	v8 =	vadd.s32 v4, v6;
	_ =	sdelay $0x2  }
0xe3: {  	s31 =	sadd.s32 $0xFFFFFFF0, s23  }
0xe4: {  	v61 =	vor.u32 s31, v2  }
0xe5: {  	[tilespmem:v8+s14+$0x0] =	vst.idx.msk vm14, v61  }
0xe6: {  	v8 =	vld [tilespmem:s24+$0x30];
	_ =	sdelay $0x4  }
0xe7: {  	v62 =	vsel vm14, $0x1, v1;
	v8 =	vand.u32 $0x7FFFFFFF, v8  }
0xe8: {  	s0 =	sadd.s32 $0x8, s0;
	v6 =	vadd.s32 v62, v6;
	vm15 =	vge.s32 v8, v7  }
0xe9: {  	p0 =	slt.u32 s0, $0x7F8;
	v8 =	vadd.s32 v4, v6  }
.Ltmp6:
0xea: {  	_ = 	snop;
	(pc) =	sbr.rel @p0 .LBB2_11-.Ltmp6, $3  }
0xeb: {  	_ =	sdelay $0x1  }
0xec: {  	v63 =	vor.u32 s23, v2;
	v10 =	vsel vm15, $0x1, v1  }
0xed: {  	s23 =	sadd.s32 $0x80, s23;
	s24 =	sadd.s32 $0x80, s24;
	v6 =	vadd.s32 v10, v6;
	[tilespmem:v8+s14+$0x0] =	vst.idx.msk vm15, v63  }
0xee: {  	(xrf0) =	vadd.scan.msk.s32 $0xffff, v6;
	_ =	sdelay $0x5  }
0xef: {  	v7, _, _ =	vpop (xrf0)  }
0xf0: {  	(v2sf) =	vpush v7, $0xF;
	_ =	sdelay $0xe  }
0xf1: {  	s24 =	spop (v2sf)  }
0xf2: {  	s0 =	sadd.s32 $0xFFFFFFC0, s24  }
0xf3: {  	p0 =	slt.u32 s0, $0x7C1  }
.Ltmp7:
0xf4: {  	_ = 	snop;
	(pc) =	sbr.rel @!p0 .LBB2_13-.Ltmp7, $1  }
0xf5: {  	_ =	sdelay $0x3  }
0xf6: {  	(v2sf) =	vpush v6, $0x0;
	_ =	sdelay $0xe  }
0xf7: {  	s23 =	spop (v2sf)  }
0xf8: {  	s0 =	sadd.s32 $0xF, s23  }
0xf9: {  	s4 =	sand.u32 $0xF, s0  }
0xfa: {  	s31 =	sshra.s32 s0, $0x1F;
	p1 =	slt.s32 s0, $0x1;
	p0 =	sne.s32 s4, $0x0  }
0xfb: {  	s4 =	sshrl.u32 s31, $0x1C;
	p0 =	por !p1, !p0  }
0xfc: {  	s0 =	sadd.s32 s4, s0;
	s4 =	simm.s32 $0x1;
	p0 =	por !p0, !p0  }
0xfd: {  	s0 =	sshra.s32 s0, $0x4;
	s4 =	simm.s32 @!p0 $0x0  }
0xfe: {  	s4 =	ssub.s32 s0, s4  }
0xff: {  	p0 =	slt.s32 s4, $0x1  }
.Ltmp8:
0x100: {  	_ = 	snop;
	(pc) =	sbr.rel @p0 .LBB2_19-.Ltmp8, $1  }
0x101: {  	_ =	sdelay $0x3  }
0x102: {  	s25 =	simm.s32 $0x10080  }
0x103: {  	p0 =	sne.s32 s4, $0x1;
	v8 =	vld [tilespmem:s25+$0x0]  }
.Ltmp9:
0x104: {  	_ = 	snop;
	(pc) =	sbr.rel @!p0 .LBB2_19-.Ltmp9, $4  }
0x105: {  	v7 =	vbroadcast v6, $0x0;
	s0 =	simm.s32 $0x0  }
0x106: {  	v9 =	vor.u32 s0, v2  }
0x107: {  	vm0 =	vlt.s32 v9, v7  }
0x108: {  	s4 =	sadd.s32 $0xFFFFFFFF, s4;
	[tilespmem:s25+$0x0] =	vst.msk vm0, v8;
	s25 =	simm.s32 $0x10090  }
.LBB2_18:
0x109: {  	v8 =	vld [tilespmem:s25+$0x0];
	p0 =	sne.s32 s4, $0x1;
	s4 =	sadd.s32 $0xFFFFFFFF, s4  }
.Ltmp10:
0x10a: {  	(pc) =	sbr.rel @p0 .LBB2_18-.Ltmp10, $4  }
0x10b: {  	s0 =	sadd.s32 $0x10, s0  }
0x10c: {  	v9 =	vor.u32 s0, v2  }
0x10d: {  	vm0 =	vlt.s32 v9, v7  }
0x10e: {  	[tilespmem:s25+$0x0] =	vst.msk vm0, v8;
	s25 =	sadd.s32 $0x10, s25  }
.LBB2_19:
0x10f: {  	(v2sf) =	vpush v6, $0x1;
	_ =	sdelay $0xe  }
0x110: {  	s25 =	spop (v2sf)  }
0x111: {  	s0 =	sadd.s32 $0xF, s25  }
0x112: {  	s4 =	sand.u32 $0xF, s0  }
0x113: {  	s31 =	sshra.s32 s0, $0x1F;
	p1 =	slt.s32 s0, $0x1;
	p0 =	sne.s32 s4, $0x0  }
0x114: {  	s4 =	sshrl.u32 s31, $0x1C;
	p0 =	por !p1, !p0  }
0x115: {  	s0 =	sadd.s32 s4, s0;
	s4 =	simm.s32 $0x1;
	p0 =	por !p0, !p0  }
0x116: {  	s0 =	sshra.s32 s0, $0x4;
	s4 =	simm.s32 @!p0 $0x0  }
0x117: {  	s4 =	ssub.s32 s0, s4  }
0x118: {  	p0 =	slt.s32 s4, $0x1  }
.Ltmp11:
0x119: {  	_ = 	snop;
	(pc) =	sbr.rel @p0 .LBB2_23-.Ltmp11, $1  }
0x11a: {  	_ =	sdelay $0x3  }
0x11b: {  	s0 =	simm.s32 $0x0  }
0x11c: {  	p0 =	sne.s32 s4, $0x1;
	s26 =	sand.u32 $0xFFFFFFF0, s0  }
.Ltmp12:
0x11d: {  	v8 =	vld [tilespmem:s26+$0x10880];
	(pc) =	sbr.rel @!p0 .LBB2_22-.Ltmp12, $4  }
0x11e: {  	_ = 	snop  }
0x11f: {  	v7 =	vbroadcast v6, $0x1  }
0x120: {  	v9 =	vor.u32 s0, v2  }
0x121: {  	s4 =	sadd.s32 $0xFFFFFFFF, s4;
	s0 =	sadd.s32 $0x10080, s23;
	vm0 =	vlt.s32 v9, v7;
	s26 =	simm.s32 $0x10  }
.LBB2_21:
0x122: {  	s28 =	sand.u32 $0xFFFFFFF0, s26;
	p0 =	sne.s32 s4, $0x1;
	s4 =	sadd.s32 $0xFFFFFFFF, s4;
	[tilespmem:s0+$0x0] =	vst.msk vm0, v8  }
.Ltmp13:
0x123: {  	v8 =	vld [tilespmem:s28+$0x10880];
	(pc) =	sbr.rel @p0 .LBB2_21-.Ltmp13, $3  }
0x124: {  	_ =	sdelay $0x1  }
0x125: {  	v9 =	vor.u32 s26, v2  }
0x126: {  	s26 =	sadd.s32 $0x10, s26;
	s0 =	sadd.s32 $0x10, s0;
	vm0 =	vlt.s32 v9, v7  }
.LBB2_22:
0x127: {  	[tilespmem:s0+$0x0] =	vst.msk vm0, v8  }
.LBB2_23:
0x128: {  	(v2sf) =	vpush v6, $0x2;
	_ =	sdelay $0xe  }
0x129: {  	s0 =	spop (v2sf)  }
0x12a: {  	s4 =	sadd.s32 $0xF, s0  }
0x12b: {  	s26 =	sand.u32 $0xF, s4  }
0x12c: {  	s31 =	sshra.s32 s4, $0x1F;
	p1 =	slt.s32 s4, $0x1;
	p0 =	sne.s32 s26, $0x0  }
0x12d: {  	s26 =	sshrl.u32 s31, $0x1C;
	p0 =	por !p1, !p0  }
0x12e: {  	s4 =	sadd.s32 s26, s4;
	s26 =	simm.s32 $0x1;
	p0 =	por !p0, !p0  }
0x12f: {  	s4 =	sshra.s32 s4, $0x4;
	s26 =	simm.s32 @!p0 $0x0  }
0x130: {  	s26 =	ssub.s32 s4, s26  }
0x131: {  	p0 =	slt.s32 s26, $0x1  }
.Ltmp14:
0x132: {  	_ = 	snop;
	(pc) =	sbr.rel @p0 .LBB2_27-.Ltmp14, $2  }
0x133: {  	_ =	sdelay $0x2  }
0x134: {  	s4 =	sadd.s32 s25, s23  }
0x135: {  	s23 =	simm.s32 $0x0  }
0x136: {  	p0 =	sne.s32 s26, $0x1;
	s28 =	sand.u32 $0xFFFFFFF0, s23  }
.Ltmp15:
0x137: {  	v8 =	vld [tilespmem:s28+$0x11080];
	(pc) =	sbr.rel @!p0 .LBB2_26-.Ltmp15, $4  }
0x138: {  	_ = 	snop  }
0x139: {  	v7 =	vbroadcast v6, $0x2  }
0x13a: {  	v9 =	vor.u32 s23, v2  }
0x13b: {  	s25 =	sadd.s32 $0xFFFFFFFF, s26;
	s26 =	simm.s32 $0x10;
	s23 =	sadd.s32 $0x10080, s4;
	vm0 =	vlt.s32 v9, v7  }
.LBB2_25:
0x13c: {  	s28 =	sand.u32 $0xFFFFFFF0, s26;
	p0 =	sne.s32 s25, $0x1;
	s25 =	sadd.s32 $0xFFFFFFFF, s25;
	[tilespmem:s23+$0x0] =	vst.msk vm0, v8  }
.Ltmp16:
0x13d: {  	v8 =	vld [tilespmem:s28+$0x11080];
	(pc) =	sbr.rel @p0 .LBB2_25-.Ltmp16, $3  }
0x13e: {  	_ =	sdelay $0x1  }
0x13f: {  	v9 =	vor.u32 s26, v2  }
0x140: {  	s26 =	sadd.s32 $0x10, s26;
	s23 =	sadd.s32 $0x10, s23;
	vm0 =	vlt.s32 v9, v7  }
.LBB2_26:
0x141: {  	[tilespmem:s23+$0x0] =	vst.msk vm0, v8  }
.LBB2_27:
0x142: {  	(v2sf) =	vpush v6, $0x3;
	_ =	sdelay $0xe  }
0x143: {  	s23 =	spop (v2sf)  }
0x144: {  	s25 =	sadd.s32 $0xF, s23  }
0x145: {  	s26 =	sand.u32 $0xF, s25  }
0x146: {  	s31 =	sshra.s32 s25, $0x1F;
	p1 =	slt.s32 s25, $0x1;
	p0 =	sne.s32 s26, $0x0  }
0x147: {  	s26 =	sshrl.u32 s31, $0x1C;
	p0 =	por !p1, !p0  }
0x148: {  	s25 =	sadd.s32 s26, s25;
	s26 =	simm.s32 $0x1;
	p0 =	por !p0, !p0  }
0x149: {  	s25 =	sshra.s32 s25, $0x4;
	s26 =	simm.s32 @!p0 $0x0  }
0x14a: {  	s25 =	ssub.s32 s25, s26  }
0x14b: {  	p0 =	slt.s32 s25, $0x1  }
.Ltmp17:
0x14c: {  	_ = 	snop;
	(pc) =	sbr.rel @p0 .LBB2_31-.Ltmp17, $2  }
0x14d: {  	_ =	sdelay $0x2  }
0x14e: {  	s4 =	sadd.s32 s0, s4  }
0x14f: {  	s0 =	simm.s32 $0x0  }
0x150: {  	p0 =	sne.s32 s25, $0x1;
	s26 =	sand.u32 $0xFFFFFFF0, s0  }
.Ltmp18:
0x151: {  	v8 =	vld [tilespmem:s26+$0x11880];
	(pc) =	sbr.rel @!p0 .LBB2_30-.Ltmp18, $4  }
0x152: {  	_ = 	snop  }
0x153: {  	v7 =	vbroadcast v6, $0x3  }
0x154: {  	v9 =	vor.u32 s0, v2  }
0x155: {  	s25 =	sadd.s32 $0xFFFFFFFF, s25;
	s0 =	sadd.s32 $0x10080, s4;
	vm0 =	vlt.s32 v9, v7;
	s26 =	simm.s32 $0x10  }
.LBB2_29:
0x156: {  	s28 =	sand.u32 $0xFFFFFFF0, s26;
	p0 =	sne.s32 s25, $0x1;
	s25 =	sadd.s32 $0xFFFFFFFF, s25;
	[tilespmem:s0+$0x0] =	vst.msk vm0, v8  }
.Ltmp19:
0x157: {  	v8 =	vld [tilespmem:s28+$0x11880];
	(pc) =	sbr.rel @p0 .LBB2_29-.Ltmp19, $3  }
0x158: {  	_ =	sdelay $0x1  }
0x159: {  	v9 =	vor.u32 s26, v2  }
0x15a: {  	s26 =	sadd.s32 $0x10, s26;
	s0 =	sadd.s32 $0x10, s0;
	vm0 =	vlt.s32 v9, v7  }
.LBB2_30:
0x15b: {  	[tilespmem:s0+$0x0] =	vst.msk vm0, v8  }
.LBB2_31:
0x15c: {  	(v2sf) =	vpush v6, $0x4;
	_ =	sdelay $0xe  }
0x15d: {  	s0 =	spop (v2sf)  }
0x15e: {  	s25 =	sadd.s32 $0xF, s0  }
0x15f: {  	s26 =	sand.u32 $0xF, s25  }
0x160: {  	s31 =	sshra.s32 s25, $0x1F;
	p1 =	slt.s32 s25, $0x1;
	p0 =	sne.s32 s26, $0x0  }
0x161: {  	s26 =	sshrl.u32 s31, $0x1C;
	p0 =	por !p1, !p0  }
0x162: {  	s25 =	sadd.s32 s26, s25;
	s26 =	simm.s32 $0x1;
	p0 =	por !p0, !p0  }
0x163: {  	s25 =	sshra.s32 s25, $0x4;
	s26 =	simm.s32 @!p0 $0x0  }
0x164: {  	s25 =	ssub.s32 s25, s26  }
0x165: {  	p0 =	slt.s32 s25, $0x1  }
.Ltmp20:
0x166: {  	_ = 	snop;
	(pc) =	sbr.rel @p0 .LBB2_35-.Ltmp20, $2  }
0x167: {  	_ =	sdelay $0x2  }
0x168: {  	s4 =	sadd.s32 s23, s4  }
0x169: {  	s23 =	simm.s32 $0x0  }
0x16a: {  	p0 =	sne.s32 s25, $0x1;
	s26 =	sand.u32 $0xFFFFFFF0, s23  }
.Ltmp21:
0x16b: {  	v8 =	vld [tilespmem:s26+$0x12080];
	(pc) =	sbr.rel @!p0 .LBB2_34-.Ltmp21, $4  }
0x16c: {  	_ = 	snop  }
0x16d: {  	v7 =	vbroadcast v6, $0x4  }
0x16e: {  	v9 =	vor.u32 s23, v2  }
0x16f: {  	s25 =	sadd.s32 $0xFFFFFFFF, s25;
	s23 =	sadd.s32 $0x10080, s4;
	vm0 =	vlt.s32 v9, v7;
	s26 =	simm.s32 $0x10  }
.LBB2_33:
0x170: {  	s28 =	sand.u32 $0xFFFFFFF0, s26;
	p0 =	sne.s32 s25, $0x1;
	s25 =	sadd.s32 $0xFFFFFFFF, s25;
	[tilespmem:s23+$0x0] =	vst.msk vm0, v8  }
.Ltmp22:
0x171: {  	v8 =	vld [tilespmem:s28+$0x12080];
	(pc) =	sbr.rel @p0 .LBB2_33-.Ltmp22, $3  }
0x172: {  	_ =	sdelay $0x1  }
0x173: {  	v9 =	vor.u32 s26, v2  }
0x174: {  	s26 =	sadd.s32 $0x10, s26;
	s23 =	sadd.s32 $0x10, s23;
	vm0 =	vlt.s32 v9, v7  }
.LBB2_34:
0x175: {  	[tilespmem:s23+$0x0] =	vst.msk vm0, v8  }
.LBB2_35:
0x176: {  	(v2sf) =	vpush v6, $0x5;
	_ =	sdelay $0xe  }
0x177: {  	s23 =	spop (v2sf)  }
0x178: {  	s25 =	sadd.s32 $0xF, s23  }
0x179: {  	s26 =	sand.u32 $0xF, s25  }
0x17a: {  	s31 =	sshra.s32 s25, $0x1F;
	p1 =	slt.s32 s25, $0x1;
	p0 =	sne.s32 s26, $0x0  }
0x17b: {  	s26 =	sshrl.u32 s31, $0x1C;
	p0 =	por !p1, !p0  }
0x17c: {  	s25 =	sadd.s32 s26, s25;
	s26 =	simm.s32 $0x1;
	p0 =	por !p0, !p0  }
0x17d: {  	s25 =	sshra.s32 s25, $0x4;
	s26 =	simm.s32 @!p0 $0x0  }
0x17e: {  	s25 =	ssub.s32 s25, s26  }
0x17f: {  	p0 =	slt.s32 s25, $0x1  }
.Ltmp23:
0x180: {  	_ = 	snop;
	(pc) =	sbr.rel @p0 .LBB2_39-.Ltmp23, $2  }
0x181: {  	_ =	sdelay $0x2  }
0x182: {  	s4 =	sadd.s32 s0, s4  }
0x183: {  	s0 =	simm.s32 $0x0  }
0x184: {  	p0 =	sne.s32 s25, $0x1;
	s26 =	sand.u32 $0xFFFFFFF0, s0  }
.Ltmp24:
0x185: {  	v8 =	vld [tilespmem:s26+$0x12880];
	(pc) =	sbr.rel @!p0 .LBB2_38-.Ltmp24, $4  }
0x186: {  	_ = 	snop  }
0x187: {  	v7 =	vbroadcast v6, $0x5  }
0x188: {  	v9 =	vor.u32 s0, v2  }
0x189: {  	s25 =	sadd.s32 $0xFFFFFFFF, s25;
	s0 =	sadd.s32 $0x10080, s4;
	vm0 =	vlt.s32 v9, v7;
	s26 =	simm.s32 $0x10  }
.LBB2_37:
0x18a: {  	s28 =	sand.u32 $0xFFFFFFF0, s26;
	p0 =	sne.s32 s25, $0x1;
	s25 =	sadd.s32 $0xFFFFFFFF, s25;
	[tilespmem:s0+$0x0] =	vst.msk vm0, v8  }
.Ltmp25:
0x18b: {  	v8 =	vld [tilespmem:s28+$0x12880];
	(pc) =	sbr.rel @p0 .LBB2_37-.Ltmp25, $3  }
0x18c: {  	_ =	sdelay $0x1  }
0x18d: {  	v9 =	vor.u32 s26, v2  }
0x18e: {  	s26 =	sadd.s32 $0x10, s26;
	s0 =	sadd.s32 $0x10, s0;
	vm0 =	vlt.s32 v9, v7  }
.LBB2_38:
0x18f: {  	[tilespmem:s0+$0x0] =	vst.msk vm0, v8  }
.LBB2_39:
0x190: {  	(v2sf) =	vpush v6, $0x6;
	_ =	sdelay $0xe  }
0x191: {  	s0 =	spop (v2sf)  }
0x192: {  	s25 =	sadd.s32 $0xF, s0  }
0x193: {  	s26 =	sand.u32 $0xF, s25  }
0x194: {  	s31 =	sshra.s32 s25, $0x1F;
	p1 =	slt.s32 s25, $0x1;
	p0 =	sne.s32 s26, $0x0  }
0x195: {  	s26 =	sshrl.u32 s31, $0x1C;
	p0 =	por !p1, !p0  }
0x196: {  	s25 =	sadd.s32 s26, s25;
	s26 =	simm.s32 $0x1;
	p0 =	por !p0, !p0  }
0x197: {  	s25 =	sshra.s32 s25, $0x4;
	s26 =	simm.s32 @!p0 $0x0  }
0x198: {  	s25 =	ssub.s32 s25, s26  }
0x199: {  	p0 =	slt.s32 s25, $0x1  }
.Ltmp26:
0x19a: {  	_ = 	snop;
	(pc) =	sbr.rel @p0 .LBB2_43-.Ltmp26, $2  }
0x19b: {  	_ =	sdelay $0x2  }
0x19c: {  	s4 =	sadd.s32 s23, s4  }
0x19d: {  	s23 =	simm.s32 $0x0  }
0x19e: {  	p0 =	sne.s32 s25, $0x1;
	s26 =	sand.u32 $0xFFFFFFF0, s23  }
.Ltmp27:
0x19f: {  	v8 =	vld [tilespmem:s26+$0x13080];
	(pc) =	sbr.rel @!p0 .LBB2_42-.Ltmp27, $4  }
0x1a0: {  	_ = 	snop  }
0x1a1: {  	v7 =	vbroadcast v6, $0x6  }
0x1a2: {  	v9 =	vor.u32 s23, v2  }
0x1a3: {  	s25 =	sadd.s32 $0xFFFFFFFF, s25;
	s23 =	sadd.s32 $0x10080, s4;
	vm0 =	vlt.s32 v9, v7;
	s26 =	simm.s32 $0x10  }
.LBB2_41:
0x1a4: {  	s28 =	sand.u32 $0xFFFFFFF0, s26;
	p0 =	sne.s32 s25, $0x1;
	s25 =	sadd.s32 $0xFFFFFFFF, s25;
	[tilespmem:s23+$0x0] =	vst.msk vm0, v8  }
.Ltmp28:
0x1a5: {  	v8 =	vld [tilespmem:s28+$0x13080];
	(pc) =	sbr.rel @p0 .LBB2_41-.Ltmp28, $3  }
0x1a6: {  	_ =	sdelay $0x1  }
0x1a7: {  	v9 =	vor.u32 s26, v2  }
0x1a8: {  	s26 =	sadd.s32 $0x10, s26;
	s23 =	sadd.s32 $0x10, s23;
	vm0 =	vlt.s32 v9, v7  }
.LBB2_42:
0x1a9: {  	[tilespmem:s23+$0x0] =	vst.msk vm0, v8  }
.LBB2_43:
0x1aa: {  	(v2sf) =	vpush v6, $0x7;
	_ =	sdelay $0xe  }
0x1ab: {  	s23 =	spop (v2sf)  }
0x1ac: {  	s25 =	sadd.s32 $0xF, s23  }
0x1ad: {  	s26 =	sand.u32 $0xF, s25  }
0x1ae: {  	s31 =	sshra.s32 s25, $0x1F;
	p1 =	slt.s32 s25, $0x1;
	p0 =	sne.s32 s26, $0x0  }
0x1af: {  	s26 =	sshrl.u32 s31, $0x1C;
	p0 =	por !p1, !p0  }
0x1b0: {  	s25 =	sadd.s32 s26, s25;
	s26 =	simm.s32 $0x1;
	p0 =	por !p0, !p0  }
0x1b1: {  	s25 =	sshra.s32 s25, $0x4;
	s26 =	simm.s32 @!p0 $0x0  }
0x1b2: {  	s25 =	ssub.s32 s25, s26  }
0x1b3: {  	p0 =	slt.s32 s25, $0x1  }
.Ltmp29:
0x1b4: {  	_ = 	snop;
	(pc) =	sbr.rel @p0 .LBB2_47-.Ltmp29, $2  }
0x1b5: {  	_ =	sdelay $0x2  }
0x1b6: {  	s4 =	sadd.s32 s0, s4  }
0x1b7: {  	s0 =	simm.s32 $0x0  }
0x1b8: {  	p0 =	sne.s32 s25, $0x1;
	s26 =	sand.u32 $0xFFFFFFF0, s0  }
.Ltmp30:
0x1b9: {  	v8 =	vld [tilespmem:s26+$0x13880];
	(pc) =	sbr.rel @!p0 .LBB2_46-.Ltmp30, $4  }
0x1ba: {  	_ = 	snop  }
0x1bb: {  	v7 =	vbroadcast v6, $0x7  }
0x1bc: {  	v9 =	vor.u32 s0, v2  }
0x1bd: {  	s25 =	sadd.s32 $0xFFFFFFFF, s25;
	s0 =	sadd.s32 $0x10080, s4;
	vm0 =	vlt.s32 v9, v7;
	s26 =	simm.s32 $0x10  }
.LBB2_45:
0x1be: {  	s28 =	sand.u32 $0xFFFFFFF0, s26;
	p0 =	sne.s32 s25, $0x1;
	s25 =	sadd.s32 $0xFFFFFFFF, s25;
	[tilespmem:s0+$0x0] =	vst.msk vm0, v8  }
.Ltmp31:
0x1bf: {  	v8 =	vld [tilespmem:s28+$0x13880];
	(pc) =	sbr.rel @p0 .LBB2_45-.Ltmp31, $3  }
0x1c0: {  	_ =	sdelay $0x1  }
0x1c1: {  	v9 =	vor.u32 s26, v2  }
0x1c2: {  	s26 =	sadd.s32 $0x10, s26;
	s0 =	sadd.s32 $0x10, s0;
	vm0 =	vlt.s32 v9, v7  }
.LBB2_46:
0x1c3: {  	[tilespmem:s0+$0x0] =	vst.msk vm0, v8  }
.LBB2_47:
0x1c4: {  	(v2sf) =	vpush v6, $0x8;
	_ =	sdelay $0xe  }
0x1c5: {  	s0 =	spop (v2sf)  }
0x1c6: {  	s25 =	sadd.s32 $0xF, s0  }
0x1c7: {  	s26 =	sand.u32 $0xF, s25  }
0x1c8: {  	s31 =	sshra.s32 s25, $0x1F;
	p1 =	slt.s32 s25, $0x1;
	p0 =	sne.s32 s26, $0x0  }
0x1c9: {  	s26 =	sshrl.u32 s31, $0x1C;
	p0 =	por !p1, !p0  }
0x1ca: {  	s25 =	sadd.s32 s26, s25;
	s26 =	simm.s32 $0x1;
	p0 =	por !p0, !p0  }
0x1cb: {  	s25 =	sshra.s32 s25, $0x4;
	s26 =	simm.s32 @!p0 $0x0  }
0x1cc: {  	s25 =	ssub.s32 s25, s26  }
0x1cd: {  	p0 =	slt.s32 s25, $0x1  }
.Ltmp32:
0x1ce: {  	_ = 	snop;
	(pc) =	sbr.rel @p0 .LBB2_51-.Ltmp32, $2  }
0x1cf: {  	_ =	sdelay $0x2  }
0x1d0: {  	s4 =	sadd.s32 s23, s4  }
0x1d1: {  	s23 =	simm.s32 $0x0  }
0x1d2: {  	p0 =	sne.s32 s25, $0x1;
	s26 =	sand.u32 $0xFFFFFFF0, s23  }
.Ltmp33:
0x1d3: {  	v8 =	vld [tilespmem:s26+$0x14080];
	(pc) =	sbr.rel @!p0 .LBB2_50-.Ltmp33, $4  }
0x1d4: {  	_ = 	snop  }
0x1d5: {  	v7 =	vbroadcast v6, $0x8  }
0x1d6: {  	v9 =	vor.u32 s23, v2  }
0x1d7: {  	s25 =	sadd.s32 $0xFFFFFFFF, s25;
	s23 =	sadd.s32 $0x10080, s4;
	vm0 =	vlt.s32 v9, v7;
	s26 =	simm.s32 $0x10  }
.LBB2_49:
0x1d8: {  	s28 =	sand.u32 $0xFFFFFFF0, s26;
	p0 =	sne.s32 s25, $0x1;
	s25 =	sadd.s32 $0xFFFFFFFF, s25;
	[tilespmem:s23+$0x0] =	vst.msk vm0, v8  }
.Ltmp34:
0x1d9: {  	v8 =	vld [tilespmem:s28+$0x14080];
	(pc) =	sbr.rel @p0 .LBB2_49-.Ltmp34, $3  }
0x1da: {  	_ =	sdelay $0x1  }
0x1db: {  	v9 =	vor.u32 s26, v2  }
0x1dc: {  	s26 =	sadd.s32 $0x10, s26;
	s23 =	sadd.s32 $0x10, s23;
	vm0 =	vlt.s32 v9, v7  }
.LBB2_50:
0x1dd: {  	[tilespmem:s23+$0x0] =	vst.msk vm0, v8  }
.LBB2_51:
0x1de: {  	(v2sf) =	vpush v6, $0x9;
	_ =	sdelay $0xe  }
0x1df: {  	s23 =	spop (v2sf)  }
0x1e0: {  	s25 =	sadd.s32 $0xF, s23  }
0x1e1: {  	s26 =	sand.u32 $0xF, s25  }
0x1e2: {  	s31 =	sshra.s32 s25, $0x1F;
	p1 =	slt.s32 s25, $0x1;
	p0 =	sne.s32 s26, $0x0  }
0x1e3: {  	s26 =	sshrl.u32 s31, $0x1C;
	p0 =	por !p1, !p0  }
0x1e4: {  	s25 =	sadd.s32 s26, s25;
	s26 =	simm.s32 $0x1;
	p0 =	por !p0, !p0  }
0x1e5: {  	s25 =	sshra.s32 s25, $0x4;
	s26 =	simm.s32 @!p0 $0x0  }
0x1e6: {  	s25 =	ssub.s32 s25, s26  }
0x1e7: {  	p0 =	slt.s32 s25, $0x1  }
.Ltmp35:
0x1e8: {  	_ = 	snop;
	(pc) =	sbr.rel @p0 .LBB2_55-.Ltmp35, $2  }
0x1e9: {  	_ =	sdelay $0x2  }
0x1ea: {  	s4 =	sadd.s32 s0, s4  }
0x1eb: {  	s0 =	simm.s32 $0x0  }
0x1ec: {  	p0 =	sne.s32 s25, $0x1;
	s26 =	sand.u32 $0xFFFFFFF0, s0  }
.Ltmp36:
0x1ed: {  	v8 =	vld [tilespmem:s26+$0x14880];
	(pc) =	sbr.rel @!p0 .LBB2_54-.Ltmp36, $4  }
0x1ee: {  	_ = 	snop  }
0x1ef: {  	v7 =	vbroadcast v6, $0x9  }
0x1f0: {  	v9 =	vor.u32 s0, v2  }
0x1f1: {  	s25 =	sadd.s32 $0xFFFFFFFF, s25;
	s0 =	sadd.s32 $0x10080, s4;
	vm0 =	vlt.s32 v9, v7;
	s26 =	simm.s32 $0x10  }
.LBB2_53:
0x1f2: {  	s28 =	sand.u32 $0xFFFFFFF0, s26;
	p0 =	sne.s32 s25, $0x1;
	s25 =	sadd.s32 $0xFFFFFFFF, s25;
	[tilespmem:s0+$0x0] =	vst.msk vm0, v8  }
.Ltmp37:
0x1f3: {  	v8 =	vld [tilespmem:s28+$0x14880];
	(pc) =	sbr.rel @p0 .LBB2_53-.Ltmp37, $3  }
0x1f4: {  	_ =	sdelay $0x1  }
0x1f5: {  	v9 =	vor.u32 s26, v2  }
0x1f6: {  	s26 =	sadd.s32 $0x10, s26;
	s0 =	sadd.s32 $0x10, s0;
	vm0 =	vlt.s32 v9, v7  }
.LBB2_54:
0x1f7: {  	[tilespmem:s0+$0x0] =	vst.msk vm0, v8  }
.LBB2_55:
0x1f8: {  	(v2sf) =	vpush v6, $0xA;
	_ =	sdelay $0xe  }
0x1f9: {  	s0 =	spop (v2sf)  }
0x1fa: {  	s25 =	sadd.s32 $0xF, s0  }
0x1fb: {  	s26 =	sand.u32 $0xF, s25  }
0x1fc: {  	s31 =	sshra.s32 s25, $0x1F;
	p1 =	slt.s32 s25, $0x1;
	p0 =	sne.s32 s26, $0x0  }
0x1fd: {  	s26 =	sshrl.u32 s31, $0x1C;
	p0 =	por !p1, !p0  }
0x1fe: {  	s25 =	sadd.s32 s26, s25;
	s26 =	simm.s32 $0x1;
	p0 =	por !p0, !p0  }
0x1ff: {  	s25 =	sshra.s32 s25, $0x4;
	s26 =	simm.s32 @!p0 $0x0  }
0x200: {  	s25 =	ssub.s32 s25, s26  }
0x201: {  	p0 =	slt.s32 s25, $0x1  }
.Ltmp38:
0x202: {  	_ = 	snop;
	(pc) =	sbr.rel @p0 .LBB2_59-.Ltmp38, $2  }
0x203: {  	_ =	sdelay $0x2  }
0x204: {  	s4 =	sadd.s32 s23, s4  }
0x205: {  	s23 =	simm.s32 $0x0  }
0x206: {  	p0 =	sne.s32 s25, $0x1;
	s26 =	sand.u32 $0xFFFFFFF0, s23  }
.Ltmp39:
0x207: {  	v8 =	vld [tilespmem:s26+$0x15080];
	(pc) =	sbr.rel @!p0 .LBB2_58-.Ltmp39, $4  }
0x208: {  	_ = 	snop  }
0x209: {  	v7 =	vbroadcast v6, $0xA  }
0x20a: {  	v9 =	vor.u32 s23, v2  }
0x20b: {  	s25 =	sadd.s32 $0xFFFFFFFF, s25;
	s23 =	sadd.s32 $0x10080, s4;
	vm0 =	vlt.s32 v9, v7;
	s26 =	simm.s32 $0x10  }
.LBB2_57:
0x20c: {  	s28 =	sand.u32 $0xFFFFFFF0, s26;
	p0 =	sne.s32 s25, $0x1;
	s25 =	sadd.s32 $0xFFFFFFFF, s25;
	[tilespmem:s23+$0x0] =	vst.msk vm0, v8  }
.Ltmp40:
0x20d: {  	v8 =	vld [tilespmem:s28+$0x15080];
	(pc) =	sbr.rel @p0 .LBB2_57-.Ltmp40, $3  }
0x20e: {  	_ =	sdelay $0x1  }
0x20f: {  	v9 =	vor.u32 s26, v2  }
0x210: {  	s26 =	sadd.s32 $0x10, s26;
	s23 =	sadd.s32 $0x10, s23;
	vm0 =	vlt.s32 v9, v7  }
.LBB2_58:
0x211: {  	[tilespmem:s23+$0x0] =	vst.msk vm0, v8  }
.LBB2_59:
0x212: {  	(v2sf) =	vpush v6, $0xB;
	_ =	sdelay $0xe  }
0x213: {  	s23 =	spop (v2sf)  }
0x214: {  	s25 =	sadd.s32 $0xF, s23  }
0x215: {  	s26 =	sand.u32 $0xF, s25  }
0x216: {  	s31 =	sshra.s32 s25, $0x1F;
	p1 =	slt.s32 s25, $0x1;
	p0 =	sne.s32 s26, $0x0  }
0x217: {  	s26 =	sshrl.u32 s31, $0x1C;
	p0 =	por !p1, !p0  }
0x218: {  	s25 =	sadd.s32 s26, s25;
	s26 =	simm.s32 $0x1;
	p0 =	por !p0, !p0  }
0x219: {  	s25 =	sshra.s32 s25, $0x4;
	s26 =	simm.s32 @!p0 $0x0  }
0x21a: {  	s25 =	ssub.s32 s25, s26  }
0x21b: {  	p0 =	slt.s32 s25, $0x1  }
.Ltmp41:
0x21c: {  	_ = 	snop;
	(pc) =	sbr.rel @p0 .LBB2_63-.Ltmp41, $2  }
0x21d: {  	_ =	sdelay $0x2  }
0x21e: {  	s4 =	sadd.s32 s0, s4  }
0x21f: {  	s0 =	simm.s32 $0x0  }
0x220: {  	p0 =	sne.s32 s25, $0x1;
	s26 =	sand.u32 $0xFFFFFFF0, s0  }
.Ltmp42:
0x221: {  	v8 =	vld [tilespmem:s26+$0x15880];
	(pc) =	sbr.rel @!p0 .LBB2_62-.Ltmp42, $4  }
0x222: {  	_ = 	snop  }
0x223: {  	v7 =	vbroadcast v6, $0xB  }
0x224: {  	v9 =	vor.u32 s0, v2  }
0x225: {  	s25 =	sadd.s32 $0xFFFFFFFF, s25;
	s0 =	sadd.s32 $0x10080, s4;
	vm0 =	vlt.s32 v9, v7;
	s26 =	simm.s32 $0x10  }
.LBB2_61:
0x226: {  	s28 =	sand.u32 $0xFFFFFFF0, s26;
	p0 =	sne.s32 s25, $0x1;
	s25 =	sadd.s32 $0xFFFFFFFF, s25;
	[tilespmem:s0+$0x0] =	vst.msk vm0, v8  }
.Ltmp43:
0x227: {  	v8 =	vld [tilespmem:s28+$0x15880];
	(pc) =	sbr.rel @p0 .LBB2_61-.Ltmp43, $3  }
0x228: {  	_ =	sdelay $0x1  }
0x229: {  	v9 =	vor.u32 s26, v2  }
0x22a: {  	s26 =	sadd.s32 $0x10, s26;
	s0 =	sadd.s32 $0x10, s0;
	vm0 =	vlt.s32 v9, v7  }
.LBB2_62:
0x22b: {  	[tilespmem:s0+$0x0] =	vst.msk vm0, v8  }
.LBB2_63:
0x22c: {  	(v2sf) =	vpush v6, $0xC;
	_ =	sdelay $0xe  }
0x22d: {  	s0 =	spop (v2sf)  }
0x22e: {  	s25 =	sadd.s32 $0xF, s0  }
0x22f: {  	s26 =	sand.u32 $0xF, s25  }
0x230: {  	s31 =	sshra.s32 s25, $0x1F;
	p1 =	slt.s32 s25, $0x1;
	p0 =	sne.s32 s26, $0x0  }
0x231: {  	s26 =	sshrl.u32 s31, $0x1C;
	p0 =	por !p1, !p0  }
0x232: {  	s25 =	sadd.s32 s26, s25;
	s26 =	simm.s32 $0x1;
	p0 =	por !p0, !p0  }
0x233: {  	s25 =	sshra.s32 s25, $0x4;
	s26 =	simm.s32 @!p0 $0x0  }
0x234: {  	s25 =	ssub.s32 s25, s26  }
0x235: {  	p0 =	slt.s32 s25, $0x1  }
.Ltmp44:
0x236: {  	_ = 	snop;
	(pc) =	sbr.rel @p0 .LBB2_67-.Ltmp44, $2  }
0x237: {  	_ =	sdelay $0x2  }
0x238: {  	s4 =	sadd.s32 s23, s4  }
0x239: {  	s23 =	simm.s32 $0x0  }
0x23a: {  	p0 =	sne.s32 s25, $0x1;
	s26 =	sand.u32 $0xFFFFFFF0, s23  }
.Ltmp45:
0x23b: {  	v8 =	vld [tilespmem:s26+$0x16080];
	(pc) =	sbr.rel @!p0 .LBB2_66-.Ltmp45, $4  }
0x23c: {  	_ = 	snop  }
0x23d: {  	v7 =	vbroadcast v6, $0xC  }
0x23e: {  	v9 =	vor.u32 s23, v2  }
0x23f: {  	s25 =	sadd.s32 $0xFFFFFFFF, s25;
	s23 =	sadd.s32 $0x10080, s4;
	vm0 =	vlt.s32 v9, v7;
	s26 =	simm.s32 $0x10  }
.LBB2_65:
0x240: {  	s28 =	sand.u32 $0xFFFFFFF0, s26;
	p0 =	sne.s32 s25, $0x1;
	s25 =	sadd.s32 $0xFFFFFFFF, s25;
	[tilespmem:s23+$0x0] =	vst.msk vm0, v8  }
.Ltmp46:
0x241: {  	v8 =	vld [tilespmem:s28+$0x16080];
	(pc) =	sbr.rel @p0 .LBB2_65-.Ltmp46, $3  }
0x242: {  	_ =	sdelay $0x1  }
0x243: {  	v9 =	vor.u32 s26, v2  }
0x244: {  	s26 =	sadd.s32 $0x10, s26;
	s23 =	sadd.s32 $0x10, s23;
	vm0 =	vlt.s32 v9, v7  }
.LBB2_66:
0x245: {  	[tilespmem:s23+$0x0] =	vst.msk vm0, v8  }
.LBB2_67:
0x246: {  	(v2sf) =	vpush v6, $0xD;
	_ =	sdelay $0xe  }
0x247: {  	s23 =	spop (v2sf)  }
0x248: {  	s25 =	sadd.s32 $0xF, s23  }
0x249: {  	s26 =	sand.u32 $0xF, s25  }
0x24a: {  	s31 =	sshra.s32 s25, $0x1F;
	p1 =	slt.s32 s25, $0x1;
	p0 =	sne.s32 s26, $0x0  }
0x24b: {  	s26 =	sshrl.u32 s31, $0x1C;
	p0 =	por !p1, !p0  }
0x24c: {  	s25 =	sadd.s32 s26, s25;
	s26 =	simm.s32 $0x1;
	p0 =	por !p0, !p0  }
0x24d: {  	s25 =	sshra.s32 s25, $0x4;
	s26 =	simm.s32 @!p0 $0x0  }
0x24e: {  	s26 =	ssub.s32 s25, s26  }
0x24f: {  	p0 =	slt.s32 s26, $0x1  }
.Ltmp47:
0x250: {  	_ = 	snop;
	(pc) =	sbr.rel @p0 .LBB2_71-.Ltmp47, $2  }
0x251: {  	_ =	sdelay $0x2  }
0x252: {  	s25 =	sadd.s32 s0, s4  }
0x253: {  	s4 =	simm.s32 $0x0  }
0x254: {  	p0 =	sne.s32 s26, $0x1;
	s28 =	sand.u32 $0xFFFFFFF0, s4  }
.Ltmp48:
0x255: {  	v8 =	vld [tilespmem:s28+$0x16880];
	(pc) =	sbr.rel @!p0 .LBB2_70-.Ltmp48, $4  }
0x256: {  	_ = 	snop  }
0x257: {  	v7 =	vbroadcast v6, $0xD;
	s0 =	sshll.u32 s25, $0x2  }
0x258: {  	s0 =	sshra.s32 s0, $0x2;
	v9 =	vor.u32 s4, v2  }
0x259: {  	s4 =	sadd.s32 $0xFFFFFFFF, s26;
	s26 =	simm.s32 $0x10;
	s0 =	sadd.s32 $0x10080, s0;
	vm0 =	vlt.s32 v9, v7  }
.LBB2_69:
0x25a: {  	s28 =	sand.u32 $0xFFFFFFF0, s26;
	p0 =	sne.s32 s4, $0x1;
	s4 =	sadd.s32 $0xFFFFFFFF, s4;
	[tilespmem:s0+$0x0] =	vst.msk vm0, v8  }
.Ltmp49:
0x25b: {  	v8 =	vld [tilespmem:s28+$0x16880];
	(pc) =	sbr.rel @p0 .LBB2_69-.Ltmp49, $3  }
0x25c: {  	_ =	sdelay $0x1  }
0x25d: {  	v9 =	vor.u32 s26, v2  }
0x25e: {  	s26 =	sadd.s32 $0x10, s26;
	s0 =	sadd.s32 $0x10, s0;
	vm0 =	vlt.s32 v9, v7  }
.LBB2_70:
0x25f: {  	[tilespmem:s0+$0x0] =	vst.msk vm0, v8  }
.LBB2_71:
0x260: {  	(v2sf) =	vpush v6, $0xE;
	_ =	sdelay $0xe  }
0x261: {  	s0 =	spop (v2sf)  }
0x262: {  	s4 =	sadd.s32 $0xF, s0  }
0x263: {  	s26 =	sand.u32 $0xF, s4  }
0x264: {  	s31 =	sshra.s32 s4, $0x1F;
	p1 =	slt.s32 s4, $0x1;
	p0 =	sne.s32 s26, $0x0  }
0x265: {  	s26 =	sshrl.u32 s31, $0x1C;
	p0 =	por !p1, !p0  }
0x266: {  	s4 =	sadd.s32 s26, s4;
	s26 =	simm.s32 $0x1;
	p0 =	por !p0, !p0  }
0x267: {  	s4 =	sshra.s32 s4, $0x4;
	s26 =	simm.s32 @!p0 $0x0  }
0x268: {  	s26 =	ssub.s32 s4, s26  }
0x269: {  	p0 =	slt.s32 s26, $0x1  }
.Ltmp50:
0x26a: {  	_ = 	snop;
	(pc) =	sbr.rel @p0 .LBB2_75-.Ltmp50, $2  }
0x26b: {  	_ =	sdelay $0x2  }
0x26c: {  	s23 =	sadd.s32 s23, s25  }
0x26d: {  	s25 =	simm.s32 $0x0  }
0x26e: {  	p0 =	sne.s32 s26, $0x1;
	s28 =	sand.u32 $0xFFFFFFF0, s25  }
.Ltmp51:
0x26f: {  	v8 =	vld [tilespmem:s28+$0x17080];
	(pc) =	sbr.rel @!p0 .LBB2_74-.Ltmp51, $4  }
0x270: {  	_ = 	snop  }
0x271: {  	v7 =	vbroadcast v6, $0xE;
	s4 =	sshll.u32 s23, $0x2  }
0x272: {  	s4 =	sshra.s32 s4, $0x2;
	v9 =	vor.u32 s25, v2  }
0x273: {  	s25 =	sadd.s32 $0xFFFFFFFF, s26;
	s26 =	simm.s32 $0x10;
	s4 =	sadd.s32 $0x10080, s4;
	vm0 =	vlt.s32 v9, v7  }
.LBB2_73:
0x274: {  	s28 =	sand.u32 $0xFFFFFFF0, s26;
	p0 =	sne.s32 s25, $0x1;
	s25 =	sadd.s32 $0xFFFFFFFF, s25;
	[tilespmem:s4+$0x0] =	vst.msk vm0, v8  }
.Ltmp52:
0x275: {  	v8 =	vld [tilespmem:s28+$0x17080];
	(pc) =	sbr.rel @p0 .LBB2_73-.Ltmp52, $3  }
0x276: {  	_ =	sdelay $0x1  }
0x277: {  	v9 =	vor.u32 s26, v2  }
0x278: {  	s26 =	sadd.s32 $0x10, s26;
	s4 =	sadd.s32 $0x10, s4;
	vm0 =	vlt.s32 v9, v7  }
.LBB2_74:
0x279: {  	[tilespmem:s4+$0x0] =	vst.msk vm0, v8  }
.LBB2_75:
0x27a: {  	(v2sf) =	vpush v6, $0xF;
	_ =	sdelay $0xe  }
0x27b: {  	s4 =	spop (v2sf)  }
0x27c: {  	s4 =	sadd.s32 $0xF, s4  }
0x27d: {  	s25 =	sand.u32 $0xF, s4  }
0x27e: {  	s31 =	sshra.s32 s4, $0x1F;
	p1 =	slt.s32 s4, $0x1;
	p0 =	sne.s32 s25, $0x0  }
0x27f: {  	s25 =	sshrl.u32 s31, $0x1C;
	p0 =	por !p1, !p0  }
0x280: {  	s4 =	sadd.s32 s25, s4;
	s25 =	simm.s32 $0x1;
	p0 =	por !p0, !p0  }
0x281: {  	s4 =	sshra.s32 s4, $0x4;
	s25 =	simm.s32 @!p0 $0x0  }
0x282: {  	s4 =	ssub.s32 s4, s25  }
0x283: {  	p0 =	slt.s32 s4, $0x1  }
.Ltmp53:
0x284: {  	_ = 	snop;
	(pc) =	sbr.rel @p0 .LBB2_79-.Ltmp53, $1  }
0x285: {  	_ =	sdelay $0x3  }
0x286: {  	s31 =	simm.s32 $0x0  }
0x287: {  	p0 =	sne.s32 s4, $0x1;
	s25 =	sand.u32 $0xFFFFFFF0, s31  }
.Ltmp54:
0x288: {  	v7 =	vld [tilespmem:s25+$0x17880];
	(pc) =	sbr.rel @!p0 .LBB2_78-.Ltmp54, $4  }
0x289: {  	s0 =	sshll.u32 s0, $0x2;
	s23 =	sshll.u32 s23, $0x2  }
0x28a: {  	v6 =	vbroadcast v6, $0xF;
	s0 =	sadd.s32 s23, s0  }
0x28b: {  	v8 =	vor.u32 s31, v2;
	s0 =	sshra.s32 s0, $0x2  }
0x28c: {  	s4 =	sadd.s32 $0xFFFFFFFF, s4;
	s23 =	simm.s32 $0x10;
	vm0 =	vlt.s32 v8, v6;
	s0 =	sadd.s32 $0x10080, s0  }
.LBB2_77:
0x28d: {  	s25 =	sand.u32 $0xFFFFFFF0, s23;
	p0 =	sne.s32 s4, $0x1;
	s4 =	sadd.s32 $0xFFFFFFFF, s4;
	[tilespmem:s0+$0x0] =	vst.msk vm0, v7  }
.Ltmp55:
0x28e: {  	v7 =	vld [tilespmem:s25+$0x17880];
	(pc) =	sbr.rel @p0 .LBB2_77-.Ltmp55, $3  }
0x28f: {  	_ =	sdelay $0x1  }
0x290: {  	v8 =	vor.u32 s23, v2  }
0x291: {  	s23 =	sadd.s32 $0x10, s23;
	s0 =	sadd.s32 $0x10, s0;
	vm0 =	vlt.s32 v8, v6  }
.LBB2_78:
.Ltmp56:
0x292: {  	(pc) =	sbr.rel .LBB2_79-.Ltmp56, $2  }
0x293: {  	_ =	sdelay $0x2  }
0x294: {  	[tilespmem:s0+$0x0] =	vst.msk vm0, v7  }
.LBB2_13:
0x295: {  	s4 =	simm.s32 $0x60  }
0x296: {  	s0 =	simm.s32 $0x100C0;
	s23 =	simm.s32 $0x10;
	v6 =	vor.u32 s4, v2  }
0x297: {  	s30 =	simm.s32 $0x40;
	v7 =	vor.u32 s23, v2;
	[tilespmem:s0+$0x20] =	vst v6  }
0x298: {  	s26 =	simm.s32 $0x20;
	v8 =	vor.u32 s30, v2;
	[tilespmem:s0+$0xFFFFFFD0] =	vst v7  }
0x299: {  	s28 =	simm.s32 $0x0;
	v6 =	vor.u32 s26, v2;
	[tilespmem:s0+$0x0] =	vst v8  }
0x29a: {  	s29 =	simm.s32 $0x30;
	v7 =	vor.u32 s28, v2;
	[tilespmem:s0+$0xFFFFFFE0] =	vst v6  }
0x29b: {  	s31 =	simm.s32 $0x70;
	s24 =	simm.s32 $0x50;
	v6 =	vor.u32 s29, v2;
	[tilespmem:s0+$0xFFFFFFC0] =	vst v7  }
0x29c: {  	s4 =	simm.s32 $0x0;
	s23 =	simm.s32 $0xF0;
	v7 =	vor.u32 s24, v2;
	[tilespmem:s0+$0xFFFFFFF0] =	vst v6;
	v6 =	vor.u32 s31, v2  }
.LBB2_14:
0x29d: {  	s24 =	sadd.s32 $0xFFFFFFA0, s23;
	s25 =	sadd.s32 $0xFFFFFFF0, s23;
	v8 =	vor.u32 s23, v2;
	s4 =	sadd.s32 $0x8, s4;
	[tilespmem:s0+$0x10] =	vst v7  }
0x29e: {  	v7 =	vor.u32 s24, v2;
	s24 =	sadd.s32 $0xFFFFFFB0, s23;
	v9 =	vor.u32 s25, v2;
	p0 =	slt.u32 s4, $0x7F8;
	[tilespmem:s0+$0x30] =	vst v6;
	s0 =	sadd.s32 $0x80, s0;
	v6 =	vmov v8  }
0x29f: {  	s26 =	sadd.s32 $0xFFFFFFE0, s23;
	s25 =	sadd.s32 $0xFFFFFFD0, s23;
	v8 =	vor.u32 s24, v2;
	s24 =	sadd.s32 $0xFFFFFFC0, s23;
	[tilespmem:s0+$0x20] =	vst v9  }
.Ltmp57:
0x2a0: {  	s28 =	sadd.s32 $0xFFFFFF90, s23;
	v10 =	vor.u32 s25, v2;
	[tilespmem:s0+$0xFFFFFFD0] =	vst v7;
	v9 =	vor.u32 s24, v2;
	v7 =	vor.u32 s26, v2;
	(pc) =	sbr.rel @p0 .LBB2_14-.Ltmp57, $4  }
0x2a1: {  	v11 =	vor.u32 s28, v2;
	[tilespmem:s0+$0xFFFFFFE0] =	vst v8  }
0x2a2: {  	[tilespmem:s0+$0xFFFFFFC0] =	vst v11  }
0x2a3: {  	[tilespmem:s0+$0xFFFFFFF0] =	vst v9  }
0x2a4: {  	s23 =	sadd.s32 $0x80, s23;
	[tilespmem:s0+$0x0] =	vst v10  }
0x2a5: {  	[tilespmem:s0+$0x10] =	vst v7  }
0x2a6: {  	[tilespmem:s0+$0x30] =	vst v6;
	s24 =	simm.s32 $0x8000  }
.LBB2_79:
0x2a7: {  	v6 =	vadd.s32 s24, v2;
	p0 =	seq.s32 s24, $0x40  }
.Ltmp58:
0x2a8: {  	_ = 	snop;
	(pc) =	sbr.rel @p0 .LBB2_140-.Ltmp58, $4  }
0x2a9: {  	s23 =	simm.s32 $0x0  }
0x2aa: {  	s25 =	simm.s32 $0x40;
	[smem:$0x0] =	sst s23  }
0x2ab: {  	[smem:$0x1] =	sst s25  }
0x2ac: {  	s26 =	simm.s32 $0x40;
	[smem:$0x2] =	sst s24;
	[tilespmem:v6+s14+$0x0] =	vst.idx.msk $0xffff, v1  }
0x2ad: {  	s0 =	sadd.s32 $0xF, s24  }
0x2ae: {  	s25 =	sshrl.u32 s0, $0x4  }
0x2af: {  	v6 =	vmov s24;
	s4 =	simm.s32 $0x0;
	s0 =	simm.s32 $0x10080;
	s23 =	smov.u32 s25  }
.LBB2_81:
0x2b0: {  	v7 =	vld [tilespmem:s0+$0x0];
	_ =	sdelay $0x7  }
0x2b1: {  	v7 =	vld.idx.msk [tilespmem:v7+s2+$0x0], $0xffff;
	_ =	sdelay $0x4  }
0x2b2: {  	v8 =	vor.u32 s4, v2;
	v7 =	vshrl.u32 v7, $0x13  }
0x2b3: {  	vm0 =	vlt.s32 v8, v6;
	v7 =	vand.u32 $0xFF0, v7  }
0x2b4: {  	p0 =	sne.s32 s23, $0x1;
	v7 =	vor.u32 v2, v7  }
.Ltmp59:
0x2b5: {  	_ = 	snop;
	(pc) =	sbr.rel @p0 .LBB2_81-.Ltmp59, $2  }
0x2b6: {  	_ =	sdelay $0x2  }
0x2b7: {  	s0 =	sadd.s32 $0x10, s0;
	s4 =	sadd.s32 $0x10, s4;
	s23 =	sadd.s32 $0xFFFFFFFF, s23;
	[tilespmem:v7+s13+$0x0] =	vst.idx.add.s32.msk vm0, v3  }
0x2b8: {  	v7 =	vimm.s32 $0x0  }
0x2b9: {  	s24 =	simm.s32 $0x8FF0;
	[tilespmem:$0xD000] =	vst v7  }
0x2ba: {  	v8 =	vld [tilespmem:s24+$0x0];
	_ =	sdelay $0x4  }
0x2bb: {  	s26 =	simm.s32 $0xCFF0;
	v7 =	vadd.s32 v7, v8  }
0x2bc: {  	[tilespmem:s26+$0x0] =	vst v7  }
0x2bd: {  	v8 =	vld [tilespmem:s24+$0xFFFFFFF0];
	_ =	sdelay $0x4  }
0x2be: {  	[tilespmem:s24+$0x0] =	vst v1;
	v7 =	vadd.s32 v7, v8  }
0x2bf: {  	[tilespmem:s26+$0xFFFFFFF0] =	vst v7  }
0x2c0: {  	v8 =	vld [tilespmem:s24+$0xFFFFFFE0];
	_ =	sdelay $0x4  }
0x2c1: {  	[tilespmem:s24+$0xFFFFFFF0] =	vst v1;
	v7 =	vadd.s32 v7, v8  }
0x2c2: {  	[tilespmem:s26+$0xFFFFFFE0] =	vst v7  }
0x2c3: {  	v8 =	vld [tilespmem:s24+$0xFFFFFFD0];
	_ =	sdelay $0x4  }
0x2c4: {  	[tilespmem:s24+$0xFFFFFFE0] =	vst v1;
	v7 =	vadd.s32 v7, v8  }
0x2c5: {  	[tilespmem:s26+$0xFFFFFFD0] =	vst v7  }
0x2c6: {  	v8 =	vld [tilespmem:s24+$0xFFFFFFC0];
	_ =	sdelay $0x4  }
0x2c7: {  	[tilespmem:s24+$0xFFFFFFD0] =	vst v1;
	v7 =	vadd.s32 v7, v8  }
0x2c8: {  	[tilespmem:s26+$0xFFFFFFC0] =	vst v7  }
0x2c9: {  	v8 =	vld [tilespmem:s24+$0xFFFFFFB0];
	_ =	sdelay $0x4  }
0x2ca: {  	[tilespmem:s24+$0xFFFFFFC0] =	vst v1;
	v7 =	vadd.s32 v7, v8  }
0x2cb: {  	[tilespmem:s26+$0xFFFFFFB0] =	vst v7  }
0x2cc: {  	v8 =	vld [tilespmem:s24+$0xFFFFFFA0];
	_ =	sdelay $0x4  }
0x2cd: {  	[tilespmem:s24+$0xFFFFFFB0] =	vst v1;
	v7 =	vadd.s32 v7, v8  }
0x2ce: {  	[tilespmem:s26+$0xFFFFFFA0] =	vst v7  }
0x2cf: {  	v8 =	vld [tilespmem:s24+$0xFFFFFF90];
	_ =	sdelay $0x4  }
0x2d0: {  	[tilespmem:s24+$0xFFFFFFA0] =	vst v1;
	v7 =	vadd.s32 v7, v8  }
0x2d1: {  	s28 =	simm.s32 $0x0;
	s29 =	simm.s32 $0x8F70;
	s23 =	simm.s32 $0xFF;
	[tilespmem:s26+$0xFFFFFF90] =	vst v7  }
.LBB2_83:
0x2d2: {  	v8 =	vld [tilespmem:s29+$0x0];
	s28 =	sadd.s32 $0x8, s28;
	[tilespmem:s24+$0xFFFFFF90] =	vst v1;
	s24 =	smov.u32 s29  }
0x2d3: {  	p0 =	slt.u32 s28, $0xF8;
	_ =	sdelay $0x3  }
0x2d4: {  	s26 =	sadd.s32 $0xFFFFFF80, s26;
	v7 =	vadd.s32 v7, v8  }
0x2d5: {  	[tilespmem:s26+$0x0] =	vst v7  }
0x2d6: {  	v8 =	vld [tilespmem:s29+$0xFFFFFFF0];
	_ =	sdelay $0x4  }
0x2d7: {  	[tilespmem:s29+$0x0] =	vst v1;
	v7 =	vadd.s32 v7, v8  }
0x2d8: {  	[tilespmem:s26+$0xFFFFFFF0] =	vst v7  }
0x2d9: {  	v8 =	vld [tilespmem:s29+$0xFFFFFFE0];
	_ =	sdelay $0x4  }
0x2da: {  	[tilespmem:s29+$0xFFFFFFF0] =	vst v1;
	v7 =	vadd.s32 v7, v8  }
0x2db: {  	[tilespmem:s26+$0xFFFFFFE0] =	vst v7  }
0x2dc: {  	v8 =	vld [tilespmem:s29+$0xFFFFFFD0];
	_ =	sdelay $0x4  }
0x2dd: {  	[tilespmem:s29+$0xFFFFFFE0] =	vst v1;
	v7 =	vadd.s32 v7, v8  }
0x2de: {  	[tilespmem:s26+$0xFFFFFFD0] =	vst v7  }
0x2df: {  	v8 =	vld [tilespmem:s29+$0xFFFFFFC0];
	_ =	sdelay $0x4  }
0x2e0: {  	[tilespmem:s29+$0xFFFFFFD0] =	vst v1;
	v7 =	vadd.s32 v7, v8  }
0x2e1: {  	[tilespmem:s26+$0xFFFFFFC0] =	vst v7  }
0x2e2: {  	v8 =	vld [tilespmem:s29+$0xFFFFFFB0];
	_ =	sdelay $0x4  }
0x2e3: {  	[tilespmem:s29+$0xFFFFFFC0] =	vst v1;
	v7 =	vadd.s32 v7, v8  }
0x2e4: {  	[tilespmem:s26+$0xFFFFFFB0] =	vst v7  }
0x2e5: {  	v8 =	vld [tilespmem:s29+$0xFFFFFFA0];
	_ =	sdelay $0x4  }
0x2e6: {  	[tilespmem:s29+$0xFFFFFFB0] =	vst v1;
	v7 =	vadd.s32 v7, v8  }
0x2e7: {  	[tilespmem:s26+$0xFFFFFFA0] =	vst v7  }
0x2e8: {  	[tilespmem:s29+$0xFFFFFFA0] =	vst v1;
	v8 =	vld [tilespmem:s29+$0xFFFFFF90];
	_ =	sdelay $0x1  }
.Ltmp60:
0x2e9: {  	(pc) =	sbr.rel @p0 .LBB2_83-.Ltmp60, $3  }
0x2ea: {  	_ =	sdelay $0x1  }
0x2eb: {  	v7 =	vadd.s32 v7, v8  }
0x2ec: {  	s30 =	simm.s32 $0x0;
	s29 =	sadd.s32 $0xFFFFFF80, s29;
	[tilespmem:s26+$0xFFFFFF90] =	vst v7  }
0x2ed: {  	[tilespmem:s24+$0xFFFFFF90] =	vst v1;
	s4 =	simm.s32 $0xFF;
	s0 =	simm.s32 $0x7  }
.LBB2_85:
0x2ee: {  	s24 =	smov.u32 s30;
	p0 =	sne.s32 s0, $0x1  }
0x2ef: {  	s26 =	sadd.s32 $0x1, s4;
	p1 =	slt.u32 s4, $0x7FFFFFFF;
	s4 =	simm.s32 $0x1  }
0x2f0: {  	s4 =	simm.s32 @!p1 $0x0;
	s28 =	sshra.s32 s26, $0x1F  }
0x2f1: {  	s4 =	sadd.s32 s4, s28;
	s28 =	sand.u32 $0x1, s26  }
0x2f2: {  	p1 =	sne.s32 s4, $0x1;
	p2 =	seq.s32 s28, $0x1  }
0x2f3: {  	s4 =	sshrl.u32 s26, $0x1F;
	p1 =	por !p1, !p2  }
0x2f4: {  	s4 =	sadd.s32 s4, s26;
	s26 =	simm.s32 $0x1;
	p1 =	por !p1, !p1  }
0x2f5: {  	s4 =	sshra.s32 s4, $0x1;
	s26 =	simm.s32 @!p1 $0x0  }
0x2f6: {  	s30 =	ssub.s32 s4, s26  }
0x2f7: {  	s4 =	sshll.u32 s30, $0x6  }
0x2f8: {  	s4 =	sshra.s32 s4, $0x2  }
0x2f9: {  	v7 =	vld [tilespmem:s4+$0xC000];
	_ =	sdelay $0x4  }
0x2fa: {  	(xrf0) =	vadd.scan.msk.s32 $0xffff, v7;
	_ =	sdelay $0x5  }
0x2fb: {  	v7, _, _ =	vpop (xrf0)  }
0x2fc: {  	(v2sf) =	vpush v7, $0xF;
	_ =	sdelay $0xd  }
.Ltmp61:
0x2fd: {  	(pc) =	sbr.rel @p0 .LBB2_85-.Ltmp61, $4  }
0x2fe: {  	s4 =	spop (v2sf)  }
0x2ff: {  	p1 =	slt.s32 s4, $0x40;
	s4 =	sadd.s32 $0xFFFFFFFF, s30  }
0x300: {  	s30 =	smov.u32 @p1 s24;
	s23 =	smov.u32 @p1 s4  }
0x301: {  	s0 =	sadd.s32 $0xFFFFFFFF, s0;
	s4 =	sadd.s32 s30, s23  }
0x302: {  	s0 =	sadd.s32 $0x1, s4;
	p0 =	slt.u32 s4, $0x7FFFFFFF;
	s4 =	simm.s32 $0x1  }
0x303: {  	s4 =	simm.s32 @!p0 $0x0;
	s23 =	sshra.s32 s0, $0x1F  }
0x304: {  	s24 =	sand.u32 $0x1, s0;
	s4 =	sadd.s32 s4, s23  }
0x305: {  	p1 =	seq.s32 s24, $0x1;
	p6 =	sne.s32 s4, $0x1  }
0x306: {  	s26 =	sshrl.u32 s0, $0x1F;
	p0 =	por !p6, !p1  }
0x307: {  	s0 =	sadd.s32 s26, s0;
	s4 =	simm.s32 $0x1;
	p0 =	por !p0, !p0  }
0x308: {  	s0 =	sshra.s32 s0, $0x1;
	s4 =	simm.s32 @!p0 $0x0  }
0x309: {  	s0 =	ssub.s32 s0, s4  }
0x30a: {  	s4 =	sshll.u32 s0, $0x6  }
0x30b: {  	s4 =	sshra.s32 s4, $0x2  }
0x30c: {  	v7 =	vld [tilespmem:s4+$0xC000];
	_ =	sdelay $0x4  }
0x30d: {  	(xrf0) =	vadd.scan.msk.s32 $0xffff, v7;
	_ =	sdelay $0x5  }
0x30e: {  	v7, _, _ =	vpop (xrf0)  }
0x30f: {  	(v2sf) =	vpush v7, $0xF;
	_ =	sdelay $0xe  }
0x310: {  	s29 =	spop (v2sf)  }
0x311: {  	p0 =	slt.s32 s29, $0x40  }
0x312: {  	s0 =	smov.u32 @p0 s30  }
0x313: {  	s30 =	sshll.u32 s0, $0x6  }
0x314: {  	s4 =	sshra.s32 s30, $0x2  }
0x315: {  	v7 =	vld [tilespmem:s4+$0xC010]  }
0x316: {  	v8 =	vld [tilespmem:s4+$0xC000];
	_ =	sdelay $0x3  }
0x317: {  	(xrf0) =	vadd.scan.msk.s32 $0xffff, v7  }
0x318: {  	(xrf0) =	vadd.scan.msk.s32 $0xffff, v8;
	_ =	sdelay $0x4  }
0x319: {  	v7, _, _ =	vpop (xrf0)  }
0x31a: {  	(v2sf) =	vpush v7, $0xF;
	v7, _, _ =	vpop (xrf0)  }
0x31b: {  	(v2sf) =	vpush v7, $0xF;
	_ =	sdelay $0xa  }
0x31c: {  	p1 =	sne.s32 s25, $0x1  }
.Ltmp62:
0x31d: {  	_ = 	snop;
	(pc) =	sbr.rel @!p1 .LBB2_87-.Ltmp62, $4  }
0x31e: {  	_ = 	snop  }
0x31f: {  	s23 =	spop (v2sf)  }
0x320: {  	s31 =	simm.s32 $0x10080;
	s28 =	simm.s32 $0x0;
	s24 =	spop (v2sf)  }
0x321: {  	p0 =	por $0x0, $0x0;
	v8 =	vmov s0;
	s0 =	sadd.s32 $0xFFFFFFFF, s25;
	v7 =	vld [tilespmem:s31+$0x0];
	s26 =	ssub.s32 s24, s23  }
0x322: {  	_ =	sdelay $0x7  }
0x323: {  	v9 =	vld.idx.msk [tilespmem:v7+s2+$0x0], $0xffff;
	_ =	sdelay $0x4  }
0x324: {  	v9 =	vand.u32 $0x7FFFFFFF, v9  }
0x325: {  	v10 =	vor.u32 s28, v2;
	p1 =	sne.s32 s0, $0x1;
	v9 =	vshrl.u32 v9, $0x17  }
.Ltmp63:
0x326: {  	vm0 =	vlt.s32 v10, v6;
	vm1 =	vgt.s32 v9, v8;
	(pc) =	sbr.rel @!p1 .LBB2_89-.Ltmp63, $4  }
0x327: {  	vm2 =	veq.s32 v9, v8;
	vm1 =	vmand vm0, vm1  }
0x328: {  	vm0 =	vmand vm0, vm2;
	[tilespmem:s28+$0x18100] =	vst.msk vm1, v7;
	v10 =	vmpcnt.ones.xlane vm1  }
0x329: {  	s30 =	simm.s32 $0x10090;
	s31 =	sadd.s32 $0xFFFFFFFF, s0;
	p0 =	por $0x1, $0x1;
	v9 =	vmpcnt.ones.xlane vm0;
	[tilespmem:s28+$0x10080] =	vst.msk vm0, v7  }
0x32a: {  	s29 =	simm.s32 $0x0;
	s0 =	simm.s32 $0x0;
	s25 =	simm.s32 $0x0;
	v7 =	vld [tilespmem:s30+$0x0];
	(v2sf) =	vpush v10, $0x0  }
.LBB2_90:
0x32b: {  	p1 =	sne.s32 s31, $0x1;
	(v2sf) =	vpush v9, $0x0;
	_ =	sdelay $0x6  }
0x32c: {  	v9 =	vld.idx.msk [tilespmem:v7+s2+$0x0], $0xffff;
	_ =	sdelay $0x5  }
0x32d: {  	s29 =	sadd.s32 $0x10, s29;
	v9 =	vand.u32 $0x7FFFFFFF, v9  }
0x32e: {  	v10 =	vor.u32 s29, v2;
	v9 =	vshrl.u32 v9, $0x17;
	s4 =	spop (v2sf)  }
.Ltmp64:
0x32f: {  	vm0 =	vlt.s32 v10, v6;
	vm1 =	vgt.s32 v9, v8;
	vm2 =	veq.s32 v9, v8;
	s0 =	sadd.s32 s0, s4;
	s4 =	spop (v2sf);
	(pc) =	sbr.rel @p1 .LBB2_90-.Ltmp64, $4  }
0x330: {  	vm1 =	vmand vm0, vm1;
	s25 =	sadd.s32 s25, s4  }
0x331: {  	vm0 =	vmand vm0, vm2;
	v10 =	vmpcnt.ones.xlane vm1;
	[tilespmem:s0+$0x18100] =	vst.msk vm1, v7  }
0x332: {  	s30 =	sadd.s32 $0x10, s30;
	v9 =	vmpcnt.ones.xlane vm0;
	[tilespmem:s25+$0x10080] =	vst.msk vm0, v7  }
0x333: {  	s31 =	sadd.s32 $0xFFFFFFFF, s31;
	v7 =	vld [tilespmem:s30+$0x0];
	(v2sf) =	vpush v10, $0x0  }
.LBB2_91:
0x334: {  	_ =	sdelay $0x7  }
0x335: {  	v10 =	vld.idx.msk [tilespmem:v7+s2+$0x0], $0xffff;
	_ =	sdelay $0x3  }
0x336: {  	s4 =	sadd.s32 @p0 $0x10, s29;
	s29 =	simm.s32 $0x0  }
0x337: {  	(v2sf) =	vpush @p0 v9, $0x0;
	s29 =	smov.u32 @p0 s4;
	v10 =	vand.u32 $0x7FFFFFFF, v10  }
0x338: {  	v11 =	vor.u32 s29, v2;
	v10 =	vshrl.u32 v10, $0x17  }
0x339: {  	vm0 =	vlt.s32 v11, v6;
	vm1 =	vgt.s32 v10, v8  }
0x33a: {  	vm2 =	veq.s32 v10, v8;
	vm1 =	vmand vm0, vm1  }
0x33b: {  	vm0 =	vmand vm0, vm2;
	v6 =	vmpcnt.ones.xlane vm1  }
0x33c: {  	v63 =	vmpcnt.ones.xlane vm0  }
0x33d: {  	(v2sf) =	vpush v6, $0x0  }
0x33e: {  	(v2sf) =	vpush v63, $0x0;
	_ =	sdelay $0x6  }
0x33f: {  	s4 =	spop @p0 (v2sf)  }
0x340: {  	s29 =	spop @p0 (v2sf)  }
0x341: {  	s0 =	sadd.s32 @p0 s0, s4;
	s4 =	simm.s32 $0x0;
	s25 =	sadd.s32 @p0 s25, s29  }
0x342: {  	v6 =	vadd.s32 s26, v2;
	s4 =	smov.u32 @p0 s0;
	s28 =	smov.u32 @p0 s25;
	p0 =	seq.s32 s24, $0x40  }
.Ltmp65:
0x343: {  	_ = 	snop;
	(pc) =	sbr.rel @!p0 .LBB2_93-.Ltmp65, $4  }
0x344: {  	_ = 	snop  }
0x345: {  	[smem:$0x0] =	sst s23;
	[tilespmem:s4+$0x18100] =	vst.msk vm1, v7;
	s25 =	ssub.s32 $0x40, s23  }
0x346: {  	[tilespmem:s28+$0x10080] =	vst.msk vm0, v7;
	[smem:$0x1] =	sst s25;
	s30 =	spop (v2sf)  }
0x347: {  	[smem:$0x2] =	sst s26;
	[tilespmem:v6+s14+$0x0] =	vst.idx.msk $0xffff, v1;
	s31 =	spop (v2sf)  }
.Ltmp66:
0x348: {  	(pc) =	sbr.rel .LBB2_140-.Ltmp66, $2  }
0x349: {  	_ =	sdelay $0x2  }
0x34a: {  	s26 =	smov.u32 s25  }
.LBB2_93:
0x34b: {  	s0 =	sadd.s32 $0xF, s26  }
0x34c: {  	s4 =	sand.u32 $0xF, s0  }
0x34d: {  	s24 =	sshra.s32 s0, $0x1F;
	p0 =	slt.s32 s0, $0x1;
	p1 =	sne.s32 s4, $0x0  }
0x34e: {  	s31 =	sshrl.u32 s24, $0x1C;
	p0 =	por !p0, !p1  }
0x34f: {  	s4 =	simm.s32 $0x1;
	s0 =	sadd.s32 s31, s0;
	p0 =	por !p0, !p0  }
0x350: {  	s0 =	sshra.s32 s0, $0x4;
	s4 =	simm.s32 @!p0 $0x0  }
0x351: {  	s24 =	ssub.s32 s0, s4  }
0x352: {  	p0 =	slt.s32 s24, $0x1  }
.Ltmp67:
0x353: {  	_ = 	snop;
	(pc) =	sbr.rel @p0 .LBB2_96-.Ltmp67, $2  }
0x354: {  	_ =	sdelay $0x2  }
0x355: {  	v6 =	vmov s26  }
0x356: {  	s0 =	simm.s32 $0x10080;
	s4 =	simm.s32 $0x0;
	s26 =	smov.u32 s24  }
.LBB2_95:
0x357: {  	v7 =	vld [tilespmem:s0+$0x0];
	_ =	sdelay $0x7  }
0x358: {  	v7 =	vld.idx.msk [tilespmem:v7+s2+$0x0], $0xffff;
	_ =	sdelay $0x4  }
0x359: {  	v8 =	vor.u32 s4, v2;
	v7 =	vshrl.u32 v7, $0xB  }
0x35a: {  	vm0 =	vlt.s32 v8, v6;
	v7 =	vand.u32 $0xFF0, v7  }
0x35b: {  	p1 =	sne.s32 s26, $0x1;
	v7 =	vor.u32 v2, v7  }
.Ltmp68:
0x35c: {  	_ = 	snop;
	(pc) =	sbr.rel @p1 .LBB2_95-.Ltmp68, $2  }
0x35d: {  	_ =	sdelay $0x2  }
0x35e: {  	s0 =	sadd.s32 $0x10, s0;
	s4 =	sadd.s32 $0x10, s4;
	s26 =	sadd.s32 $0xFFFFFFFF, s26;
	[tilespmem:v7+s13+$0x0] =	vst.idx.add.s32.msk vm0, v3  }
.LBB2_96:
0x35f: {  	v7 =	vimm.s32 $0x0  }
0x360: {  	s26 =	simm.s32 $0x8FF0;
	[tilespmem:$0xD000] =	vst v7  }
0x361: {  	v8 =	vld [tilespmem:s26+$0x0];
	_ =	sdelay $0x4  }
0x362: {  	s28 =	simm.s32 $0xCFF0;
	v7 =	vadd.s32 v7, v8  }
0x363: {  	[tilespmem:s28+$0x0] =	vst v7  }
0x364: {  	v8 =	vld [tilespmem:s26+$0xFFFFFFF0];
	_ =	sdelay $0x4  }
0x365: {  	[tilespmem:s26+$0x0] =	vst v1;
	v7 =	vadd.s32 v7, v8  }
0x366: {  	[tilespmem:s28+$0xFFFFFFF0] =	vst v7  }
0x367: {  	v8 =	vld [tilespmem:s26+$0xFFFFFFE0];
	_ =	sdelay $0x4  }
0x368: {  	[tilespmem:s26+$0xFFFFFFF0] =	vst v1;
	v7 =	vadd.s32 v7, v8  }
0x369: {  	[tilespmem:s28+$0xFFFFFFE0] =	vst v7  }
0x36a: {  	v8 =	vld [tilespmem:s26+$0xFFFFFFD0];
	_ =	sdelay $0x4  }
0x36b: {  	[tilespmem:s26+$0xFFFFFFE0] =	vst v1;
	v7 =	vadd.s32 v7, v8  }
0x36c: {  	[tilespmem:s28+$0xFFFFFFD0] =	vst v7  }
0x36d: {  	v8 =	vld [tilespmem:s26+$0xFFFFFFC0];
	_ =	sdelay $0x4  }
0x36e: {  	[tilespmem:s26+$0xFFFFFFD0] =	vst v1;
	v7 =	vadd.s32 v7, v8  }
0x36f: {  	[tilespmem:s28+$0xFFFFFFC0] =	vst v7  }
0x370: {  	v8 =	vld [tilespmem:s26+$0xFFFFFFB0];
	_ =	sdelay $0x4  }
0x371: {  	[tilespmem:s26+$0xFFFFFFC0] =	vst v1;
	v7 =	vadd.s32 v7, v8  }
0x372: {  	[tilespmem:s28+$0xFFFFFFB0] =	vst v7  }
0x373: {  	v8 =	vld [tilespmem:s26+$0xFFFFFFA0];
	_ =	sdelay $0x4  }
0x374: {  	[tilespmem:s26+$0xFFFFFFB0] =	vst v1;
	v7 =	vadd.s32 v7, v8  }
0x375: {  	[tilespmem:s28+$0xFFFFFFA0] =	vst v7  }
0x376: {  	v8 =	vld [tilespmem:s26+$0xFFFFFF90];
	_ =	sdelay $0x4  }
0x377: {  	[tilespmem:s26+$0xFFFFFFA0] =	vst v1;
	v7 =	vadd.s32 v7, v8  }
0x378: {  	s29 =	simm.s32 $0x0;
	s30 =	simm.s32 $0x8F70;
	[tilespmem:s28+$0xFFFFFF90] =	vst v7  }
.LBB2_97:
0x379: {  	v8 =	vld [tilespmem:s30+$0x0];
	s29 =	sadd.s32 $0x8, s29;
	[tilespmem:s26+$0xFFFFFF90] =	vst v1;
	s26 =	smov.u32 s30  }
0x37a: {  	p1 =	slt.u32 s29, $0xF8;
	_ =	sdelay $0x3  }
0x37b: {  	s28 =	sadd.s32 $0xFFFFFF80, s28;
	v7 =	vadd.s32 v7, v8  }
0x37c: {  	[tilespmem:s28+$0x0] =	vst v7  }
0x37d: {  	v8 =	vld [tilespmem:s30+$0xFFFFFFF0];
	_ =	sdelay $0x4  }
0x37e: {  	[tilespmem:s30+$0x0] =	vst v1;
	v7 =	vadd.s32 v7, v8  }
0x37f: {  	[tilespmem:s28+$0xFFFFFFF0] =	vst v7  }
0x380: {  	v8 =	vld [tilespmem:s30+$0xFFFFFFE0];
	_ =	sdelay $0x4  }
0x381: {  	[tilespmem:s30+$0xFFFFFFF0] =	vst v1;
	v7 =	vadd.s32 v7, v8  }
0x382: {  	[tilespmem:s28+$0xFFFFFFE0] =	vst v7  }
0x383: {  	v8 =	vld [tilespmem:s30+$0xFFFFFFD0];
	_ =	sdelay $0x4  }
0x384: {  	[tilespmem:s30+$0xFFFFFFE0] =	vst v1;
	v7 =	vadd.s32 v7, v8  }
0x385: {  	[tilespmem:s28+$0xFFFFFFD0] =	vst v7  }
0x386: {  	v8 =	vld [tilespmem:s30+$0xFFFFFFC0];
	_ =	sdelay $0x4  }
0x387: {  	[tilespmem:s30+$0xFFFFFFD0] =	vst v1;
	v7 =	vadd.s32 v7, v8  }
0x388: {  	[tilespmem:s28+$0xFFFFFFC0] =	vst v7  }
0x389: {  	v8 =	vld [tilespmem:s30+$0xFFFFFFB0];
	_ =	sdelay $0x4  }
0x38a: {  	[tilespmem:s30+$0xFFFFFFC0] =	vst v1;
	v7 =	vadd.s32 v7, v8  }
0x38b: {  	[tilespmem:s28+$0xFFFFFFB0] =	vst v7  }
0x38c: {  	v8 =	vld [tilespmem:s30+$0xFFFFFFA0];
	_ =	sdelay $0x4  }
0x38d: {  	[tilespmem:s30+$0xFFFFFFB0] =	vst v1;
	v7 =	vadd.s32 v7, v8  }
0x38e: {  	[tilespmem:s28+$0xFFFFFFA0] =	vst v7  }
0x38f: {  	[tilespmem:s30+$0xFFFFFFA0] =	vst v1;
	v8 =	vld [tilespmem:s30+$0xFFFFFF90];
	_ =	sdelay $0x1  }
.Ltmp69:
0x390: {  	(pc) =	sbr.rel @p1 .LBB2_97-.Ltmp69, $3  }
0x391: {  	_ =	sdelay $0x1  }
0x392: {  	v7 =	vadd.s32 v7, v8  }
0x393: {  	s31 =	simm.s32 $0x0;
	s0 =	simm.s32 $0xFF;
	s30 =	sadd.s32 $0xFFFFFF80, s30;
	[tilespmem:s28+$0xFFFFFF90] =	vst v7  }
0x394: {  	[tilespmem:s26+$0xFFFFFF90] =	vst v1;
	s4 =	simm.s32 $0xFF;
	s26 =	simm.s32 $0x7  }
.LBB2_99:
0x395: {  	s28 =	smov.u32 s31;
	p1 =	sne.s32 s26, $0x1  }
0x396: {  	s29 =	sadd.s32 $0x1, s4;
	p2 =	slt.u32 s4, $0x7FFFFFFF;
	s4 =	simm.s32 $0x1  }
0x397: {  	s4 =	simm.s32 @!p2 $0x0;
	s30 =	sshra.s32 s29, $0x1F  }
0x398: {  	s4 =	sadd.s32 s4, s30;
	s30 =	sand.u32 $0x1, s29  }
0x399: {  	p2 =	sne.s32 s4, $0x1;
	p3 =	seq.s32 s30, $0x1  }
0x39a: {  	s4 =	sshrl.u32 s29, $0x1F;
	p2 =	por !p2, !p3  }
0x39b: {  	s4 =	sadd.s32 s4, s29;
	s29 =	simm.s32 $0x1;
	p2 =	por !p2, !p2  }
0x39c: {  	s4 =	sshra.s32 s4, $0x1;
	s29 =	simm.s32 @!p2 $0x0  }
0x39d: {  	s31 =	ssub.s32 s4, s29  }
0x39e: {  	s4 =	sshll.u32 s31, $0x6  }
0x39f: {  	s4 =	sshra.s32 s4, $0x2  }
0x3a0: {  	v7 =	vld [tilespmem:s4+$0xC000];
	_ =	sdelay $0x4  }
0x3a1: {  	(xrf0) =	vadd.scan.msk.s32 $0xffff, v7;
	_ =	sdelay $0x5  }
0x3a2: {  	v7, _, _ =	vpop (xrf0)  }
0x3a3: {  	(v2sf) =	vpush v7, $0xF;
	_ =	sdelay $0xd  }
.Ltmp70:
0x3a4: {  	(pc) =	sbr.rel @p1 .LBB2_99-.Ltmp70, $4  }
0x3a5: {  	s4 =	spop (v2sf)  }
0x3a6: {  	p2 =	slt.s32 s4, s25;
	s4 =	sadd.s32 $0xFFFFFFFF, s31  }
0x3a7: {  	s31 =	smov.u32 @p2 s28;
	s0 =	smov.u32 @p2 s4  }
0x3a8: {  	s26 =	sadd.s32 $0xFFFFFFFF, s26;
	s4 =	sadd.s32 s31, s0  }
0x3a9: {  	s0 =	sadd.s32 $0x1, s4;
	p1 =	slt.u32 s4, $0x7FFFFFFF;
	s4 =	simm.s32 $0x1  }
0x3aa: {  	s4 =	simm.s32 @!p1 $0x0;
	s26 =	sshra.s32 s0, $0x1F  }
0x3ab: {  	s10 =	sand.u32 $0x1, s0;
	s4 =	sadd.s32 s4, s26  }
0x3ac: {  	p2 =	seq.s32 s10, $0x1;
	p6 =	sne.s32 s4, $0x1  }
0x3ad: {  	s29 =	sshrl.u32 s0, $0x1F;
	p1 =	por !p6, !p2  }
0x3ae: {  	s0 =	sadd.s32 s29, s0;
	s4 =	simm.s32 $0x1;
	p1 =	por !p1, !p1  }
0x3af: {  	s0 =	sshra.s32 s0, $0x1;
	s4 =	simm.s32 @!p1 $0x0  }
0x3b0: {  	s0 =	ssub.s32 s0, s4  }
0x3b1: {  	s4 =	sshll.u32 s0, $0x6  }
0x3b2: {  	s4 =	sshra.s32 s4, $0x2  }
0x3b3: {  	v7 =	vld [tilespmem:s4+$0xC000];
	_ =	sdelay $0x4  }
0x3b4: {  	(xrf0) =	vadd.scan.msk.s32 $0xffff, v7;
	_ =	sdelay $0x5  }
0x3b5: {  	v7, _, _ =	vpop (xrf0)  }
0x3b6: {  	(v2sf) =	vpush v7, $0xF;
	_ =	sdelay $0xe  }
0x3b7: {  	s30 =	spop (v2sf)  }
0x3b8: {  	p1 =	slt.s32 s30, s25  }
0x3b9: {  	s0 =	smov.u32 @p1 s31  }
0x3ba: {  	s31 =	sshll.u32 s0, $0x6  }
0x3bb: {  	s4 =	sshra.s32 s31, $0x2  }
0x3bc: {  	v7 =	vld [tilespmem:s4+$0xC010]  }
0x3bd: {  	v8 =	vld [tilespmem:s4+$0xC000];
	_ =	sdelay $0x3  }
0x3be: {  	(xrf0) =	vadd.scan.msk.s32 $0xffff, v7  }
0x3bf: {  	(xrf0) =	vadd.scan.msk.s32 $0xffff, v8;
	_ =	sdelay $0x4  }
0x3c0: {  	v7, _, _ =	vpop (xrf0)  }
0x3c1: {  	(v2sf) =	vpush v7, $0xF;
	v7, _, _ =	vpop (xrf0)  }
0x3c2: {  	(v2sf) =	vpush v7, $0xF;
	_ =	sdelay $0xa  }
.Ltmp71:
0x3c3: {  	_ = 	snop;
	(pc) =	sbr.rel @p0 .LBB2_107-.Ltmp71, $3  }
0x3c4: {  	_ =	sdelay $0x1  }
0x3c5: {  	s26 =	spop (v2sf)  }
0x3c6: {  	s28 =	spop (v2sf)  }
0x3c7: {  	p1 =	sne.s32 s24, $0x1  }
.Ltmp72:
0x3c8: {  	_ = 	snop;
	(pc) =	sbr.rel @!p1 .LBB2_102-.Ltmp72, $3  }
0x3c9: {  	_ =	sdelay $0x1  }
0x3ca: {  	s4 =	simm.s32 $0x10080  }
0x3cb: {  	v8 =	vmov s0;
	s29 =	simm.s32 $0x0;
	s0 =	sadd.s32 $0xFFFFFFFF, s24;
	p0 =	por $0x0, $0x0;
	v7 =	vld [tilespmem:s4+$0x0]  }
0x3cc: {  	_ =	sdelay $0x7  }
0x3cd: {  	v9 =	vld.idx.msk [tilespmem:v7+s2+$0x0], $0xffff;
	_ =	sdelay $0x4  }
0x3ce: {  	v9 =	vshrl.u32 v9, $0xF  }
0x3cf: {  	v10 =	vor.u32 s29, v2;
	p1 =	sne.s32 s0, $0x1;
	v9 =	vand.u32 $0xFF, v9  }
.Ltmp73:
0x3d0: {  	vm0 =	vlt.s32 v10, v6;
	vm1 =	vgt.s32 v9, v8;
	(pc) =	sbr.rel @!p1 .LBB2_104-.Ltmp73, $4  }
0x3d1: {  	vm2 =	veq.s32 v9, v8;
	vm1 =	vmand vm0, vm1  }
0x3d2: {  	vm0 =	vmand vm0, vm2;
	[tilespmem:s23+$0x18100] =	vst.msk vm1, v7;
	v10 =	vmpcnt.ones.xlane vm1  }
0x3d3: {  	s31 =	simm.s32 $0x10090;
	s4 =	sadd.s32 $0xFFFFFFFF, s0;
	p0 =	por $0x1, $0x1;
	v9 =	vmpcnt.ones.xlane vm0;
	[tilespmem:s29+$0x10080] =	vst.msk vm0, v7  }
0x3d4: {  	s30 =	simm.s32 $0x0;
	s0 =	smov.u32 s23;
	s24 =	simm.s32 $0x0;
	v7 =	vld [tilespmem:s31+$0x0];
	(v2sf) =	vpush v10, $0x0  }
.LBB2_105:
0x3d5: {  	p1 =	sne.s32 s4, $0x1;
	(v2sf) =	vpush v9, $0x0;
	_ =	sdelay $0x6  }
0x3d6: {  	v9 =	vld.idx.msk [tilespmem:v7+s2+$0x0], $0xffff;
	_ =	sdelay $0x5  }
0x3d7: {  	s30 =	sadd.s32 $0x10, s30;
	v9 =	vshrl.u32 v9, $0xF  }
0x3d8: {  	v10 =	vor.u32 s30, v2;
	v9 =	vand.u32 $0xFF, v9;
	s10 =	spop (v2sf)  }
.Ltmp74:
0x3d9: {  	vm0 =	vlt.s32 v10, v6;
	vm1 =	vgt.s32 v9, v8;
	vm2 =	veq.s32 v9, v8;
	s0 =	sadd.s32 s0, s10;
	s10 =	spop (v2sf);
	(pc) =	sbr.rel @p1 .LBB2_105-.Ltmp74, $4  }
0x3da: {  	vm1 =	vmand vm0, vm1;
	s24 =	sadd.s32 s24, s10  }
0x3db: {  	vm0 =	vmand vm0, vm2;
	v10 =	vmpcnt.ones.xlane vm1;
	[tilespmem:s0+$0x18100] =	vst.msk vm1, v7  }
0x3dc: {  	s31 =	sadd.s32 $0x10, s31;
	v9 =	vmpcnt.ones.xlane vm0;
	[tilespmem:s24+$0x10080] =	vst.msk vm0, v7  }
0x3dd: {  	s4 =	sadd.s32 $0xFFFFFFFF, s4;
	v7 =	vld [tilespmem:s31+$0x0];
	(v2sf) =	vpush v10, $0x0  }
.LBB2_106:
0x3de: {  	_ =	sdelay $0x7  }
0x3df: {  	v10 =	vld.idx.msk [tilespmem:v7+s2+$0x0], $0xffff;
	_ =	sdelay $0x3  }
0x3e0: {  	s4 =	sadd.s32 @p0 $0x10, s30;
	s10 =	simm.s32 $0x0  }
0x3e1: {  	s10 =	smov.u32 @p0 s4;
	v10 =	vshrl.u32 v10, $0xF  }
0x3e2: {  	v11 =	vor.u32 s10, v2;
	v10 =	vand.u32 $0xFF, v10  }
0x3e3: {  	vm0 =	vlt.s32 v11, v6;
	vm1 =	vgt.s32 v10, v8  }
0x3e4: {  	vm2 =	veq.s32 v10, v8;
	vm1 =	vmand vm0, vm1  }
0x3e5: {  	(v2sf) =	vpush @p0 v9, $0x0;
	vm0 =	vmand vm0, vm2;
	v6 =	vmpcnt.ones.xlane vm1  }
0x3e6: {  	v63 =	vmpcnt.ones.xlane vm0  }
0x3e7: {  	(v2sf) =	vpush v6, $0x0  }
0x3e8: {  	(v2sf) =	vpush v63, $0x0;
	_ =	sdelay $0xa  }
0x3e9: {  	s4 =	spop @p0 (v2sf)  }
0x3ea: {  	s10 =	spop @p0 (v2sf);
	s0 =	sadd.s32 @p0 s0, s4;
	s4 =	smov.u32 s23  }
0x3eb: {  	s10 =	sadd.s32 @p0 s24, s10;
	s4 =	smov.u32 @p0 s0  }
0x3ec: {  	[tilespmem:s4+$0x18100] =	vst.msk vm1, v7;
	s29 =	smov.u32 @p0 s10;
	s30 =	spop (v2sf)  }
0x3ed: {  	[tilespmem:s29+$0x10080] =	vst.msk vm0, v7;
	s31 =	spop (v2sf)  }
.LBB2_107:
0x3ee: {  	s0 =	ssub.s32 s28, s26  }
0x3ef: {  	p0 =	seq.s32 s28, s25;
	v6 =	vadd.s32 s0, v2  }
.Ltmp75:
0x3f0: {  	_ = 	snop;
	(pc) =	sbr.rel @!p0 .LBB2_109-.Ltmp75, $4  }
0x3f1: {  	s23 =	sadd.s32 s23, s26  }
0x3f2: {  	s26 =	ssub.s32 s25, s26;
	[smem:$0x0] =	sst s23  }
0x3f3: {  	[smem:$0x1] =	sst s26  }
0x3f4: {  	[smem:$0x2] =	sst s0;
	[tilespmem:v6+s14+$0x0] =	vst.idx.msk $0xffff, v1  }
.Ltmp76:
0x3f5: {  	(pc) =	sbr.rel .LBB2_140-.Ltmp76, $2  }
0x3f6: {  	_ =	sdelay $0x2  }
0x3f7: {  	s25 =	smov.u32 s26  }
.LBB2_109:
0x3f8: {  	s4 =	sadd.s32 $0xF, s0  }
0x3f9: {  	s10 =	sand.u32 $0xF, s4  }
0x3fa: {  	s24 =	sshra.s32 s4, $0x1F;
	p0 =	slt.s32 s4, $0x1;
	p1 =	sne.s32 s10, $0x0  }
0x3fb: {  	s31 =	sshrl.u32 s24, $0x1C;
	p0 =	por !p0, !p1  }
0x3fc: {  	s10 =	simm.s32 $0x1;
	s4 =	sadd.s32 s31, s4;
	p0 =	por !p0, !p0  }
0x3fd: {  	s4 =	sshra.s32 s4, $0x4;
	s10 =	simm.s32 @!p0 $0x0  }
0x3fe: {  	s24 =	ssub.s32 s4, s10  }
0x3ff: {  	p0 =	slt.s32 s24, $0x1  }
.Ltmp77:
0x400: {  	_ = 	snop;
	(pc) =	sbr.rel @p0 .LBB2_112-.Ltmp77, $2  }
0x401: {  	_ =	sdelay $0x2  }
0x402: {  	v6 =	vmov s0  }
0x403: {  	s0 =	simm.s32 $0x10080;
	s4 =	simm.s32 $0x0;
	s25 =	smov.u32 s24  }
.LBB2_111:
0x404: {  	v7 =	vld [tilespmem:s0+$0x0];
	_ =	sdelay $0x7  }
0x405: {  	v7 =	vld.idx.msk [tilespmem:v7+s2+$0x0], $0xffff;
	_ =	sdelay $0x4  }
0x406: {  	v8 =	vor.u32 s4, v2;
	v7 =	vshrl.u32 v7, $0x3  }
0x407: {  	vm0 =	vlt.s32 v8, v6;
	v7 =	vand.u32 $0xFF0, v7  }
0x408: {  	p1 =	sne.s32 s25, $0x1;
	v7 =	vor.u32 v2, v7  }
.Ltmp78:
0x409: {  	_ = 	snop;
	(pc) =	sbr.rel @p1 .LBB2_111-.Ltmp78, $2  }
0x40a: {  	_ =	sdelay $0x2  }
0x40b: {  	s0 =	sadd.s32 $0x10, s0;
	s4 =	sadd.s32 $0x10, s4;
	s25 =	sadd.s32 $0xFFFFFFFF, s25;
	[tilespmem:v7+s13+$0x0] =	vst.idx.add.s32.msk vm0, v3  }
.LBB2_112:
0x40c: {  	v7 =	vimm.s32 $0x0  }
0x40d: {  	s25 =	simm.s32 $0x8FF0;
	[tilespmem:$0xD000] =	vst v7  }
0x40e: {  	v8 =	vld [tilespmem:s25+$0x0];
	_ =	sdelay $0x4  }
0x40f: {  	s28 =	simm.s32 $0xCFF0;
	v7 =	vadd.s32 v7, v8  }
0x410: {  	[tilespmem:s28+$0x0] =	vst v7  }
0x411: {  	v8 =	vld [tilespmem:s25+$0xFFFFFFF0];
	_ =	sdelay $0x4  }
0x412: {  	[tilespmem:s25+$0x0] =	vst v1;
	v7 =	vadd.s32 v7, v8  }
0x413: {  	[tilespmem:s28+$0xFFFFFFF0] =	vst v7  }
0x414: {  	v8 =	vld [tilespmem:s25+$0xFFFFFFE0];
	_ =	sdelay $0x4  }
0x415: {  	[tilespmem:s25+$0xFFFFFFF0] =	vst v1;
	v7 =	vadd.s32 v7, v8  }
0x416: {  	[tilespmem:s28+$0xFFFFFFE0] =	vst v7  }
0x417: {  	v8 =	vld [tilespmem:s25+$0xFFFFFFD0];
	_ =	sdelay $0x4  }
0x418: {  	[tilespmem:s25+$0xFFFFFFE0] =	vst v1;
	v7 =	vadd.s32 v7, v8  }
0x419: {  	[tilespmem:s28+$0xFFFFFFD0] =	vst v7  }
0x41a: {  	v8 =	vld [tilespmem:s25+$0xFFFFFFC0];
	_ =	sdelay $0x4  }
0x41b: {  	[tilespmem:s25+$0xFFFFFFD0] =	vst v1;
	v7 =	vadd.s32 v7, v8  }
0x41c: {  	[tilespmem:s28+$0xFFFFFFC0] =	vst v7  }
0x41d: {  	v8 =	vld [tilespmem:s25+$0xFFFFFFB0];
	_ =	sdelay $0x4  }
0x41e: {  	[tilespmem:s25+$0xFFFFFFC0] =	vst v1;
	v7 =	vadd.s32 v7, v8  }
0x41f: {  	[tilespmem:s28+$0xFFFFFFB0] =	vst v7  }
0x420: {  	v8 =	vld [tilespmem:s25+$0xFFFFFFA0];
	_ =	sdelay $0x4  }
0x421: {  	[tilespmem:s25+$0xFFFFFFB0] =	vst v1;
	v7 =	vadd.s32 v7, v8  }
0x422: {  	[tilespmem:s28+$0xFFFFFFA0] =	vst v7  }
0x423: {  	v8 =	vld [tilespmem:s25+$0xFFFFFF90];
	_ =	sdelay $0x4  }
0x424: {  	[tilespmem:s25+$0xFFFFFFA0] =	vst v1;
	v7 =	vadd.s32 v7, v8  }
0x425: {  	s29 =	simm.s32 $0x0;
	s30 =	simm.s32 $0x8F70;
	[tilespmem:s28+$0xFFFFFF90] =	vst v7  }
.LBB2_113:
0x426: {  	v8 =	vld [tilespmem:s30+$0x0];
	s29 =	sadd.s32 $0x8, s29;
	[tilespmem:s25+$0xFFFFFF90] =	vst v1;
	s25 =	smov.u32 s30  }
0x427: {  	p1 =	slt.u32 s29, $0xF8;
	_ =	sdelay $0x3  }
0x428: {  	s28 =	sadd.s32 $0xFFFFFF80, s28;
	v7 =	vadd.s32 v7, v8  }
0x429: {  	[tilespmem:s28+$0x0] =	vst v7  }
0x42a: {  	v8 =	vld [tilespmem:s30+$0xFFFFFFF0];
	_ =	sdelay $0x4  }
0x42b: {  	[tilespmem:s30+$0x0] =	vst v1;
	v7 =	vadd.s32 v7, v8  }
0x42c: {  	[tilespmem:s28+$0xFFFFFFF0] =	vst v7  }
0x42d: {  	v8 =	vld [tilespmem:s30+$0xFFFFFFE0];
	_ =	sdelay $0x4  }
0x42e: {  	[tilespmem:s30+$0xFFFFFFF0] =	vst v1;
	v7 =	vadd.s32 v7, v8  }
0x42f: {  	[tilespmem:s28+$0xFFFFFFE0] =	vst v7  }
0x430: {  	v8 =	vld [tilespmem:s30+$0xFFFFFFD0];
	_ =	sdelay $0x4  }
0x431: {  	[tilespmem:s30+$0xFFFFFFE0] =	vst v1;
	v7 =	vadd.s32 v7, v8  }
0x432: {  	[tilespmem:s28+$0xFFFFFFD0] =	vst v7  }
0x433: {  	v8 =	vld [tilespmem:s30+$0xFFFFFFC0];
	_ =	sdelay $0x4  }
0x434: {  	[tilespmem:s30+$0xFFFFFFD0] =	vst v1;
	v7 =	vadd.s32 v7, v8  }
0x435: {  	[tilespmem:s28+$0xFFFFFFC0] =	vst v7  }
0x436: {  	v8 =	vld [tilespmem:s30+$0xFFFFFFB0];
	_ =	sdelay $0x4  }
0x437: {  	[tilespmem:s30+$0xFFFFFFC0] =	vst v1;
	v7 =	vadd.s32 v7, v8  }
0x438: {  	[tilespmem:s28+$0xFFFFFFB0] =	vst v7  }
0x439: {  	v8 =	vld [tilespmem:s30+$0xFFFFFFA0];
	_ =	sdelay $0x4  }
0x43a: {  	[tilespmem:s30+$0xFFFFFFB0] =	vst v1;
	v7 =	vadd.s32 v7, v8  }
0x43b: {  	[tilespmem:s28+$0xFFFFFFA0] =	vst v7  }
0x43c: {  	[tilespmem:s30+$0xFFFFFFA0] =	vst v1;
	v8 =	vld [tilespmem:s30+$0xFFFFFF90];
	_ =	sdelay $0x1  }
.Ltmp79:
0x43d: {  	(pc) =	sbr.rel @p1 .LBB2_113-.Ltmp79, $3  }
0x43e: {  	_ =	sdelay $0x1  }
0x43f: {  	v7 =	vadd.s32 v7, v8  }
0x440: {  	s31 =	simm.s32 $0x0;
	s0 =	simm.s32 $0xFF;
	s30 =	sadd.s32 $0xFFFFFF80, s30;
	[tilespmem:s28+$0xFFFFFF90] =	vst v7  }
0x441: {  	[tilespmem:s25+$0xFFFFFF90] =	vst v1;
	s4 =	simm.s32 $0xFF;
	s25 =	simm.s32 $0x7  }
.LBB2_115:
0x442: {  	s28 =	smov.u32 s31;
	p1 =	sne.s32 s25, $0x1  }
0x443: {  	s10 =	sadd.s32 $0x1, s4;
	p2 =	slt.u32 s4, $0x7FFFFFFF;
	s4 =	simm.s32 $0x1  }
0x444: {  	s4 =	simm.s32 @!p2 $0x0;
	s29 =	sshra.s32 s10, $0x1F  }
0x445: {  	s4 =	sadd.s32 s4, s29;
	s29 =	sand.u32 $0x1, s10  }
0x446: {  	p2 =	sne.s32 s4, $0x1;
	p3 =	seq.s32 s29, $0x1  }
0x447: {  	s4 =	sshrl.u32 s10, $0x1F;
	p2 =	por !p2, !p3  }
0x448: {  	s4 =	sadd.s32 s4, s10;
	s10 =	simm.s32 $0x1;
	p2 =	por !p2, !p2  }
0x449: {  	s4 =	sshra.s32 s4, $0x1;
	s10 =	simm.s32 @!p2 $0x0  }
0x44a: {  	s31 =	ssub.s32 s4, s10  }
0x44b: {  	s4 =	sshll.u32 s31, $0x6  }
0x44c: {  	s4 =	sshra.s32 s4, $0x2  }
0x44d: {  	v7 =	vld [tilespmem:s4+$0xC000];
	_ =	sdelay $0x4  }
0x44e: {  	(xrf0) =	vadd.scan.msk.s32 $0xffff, v7;
	_ =	sdelay $0x5  }
0x44f: {  	v7, _, _ =	vpop (xrf0)  }
0x450: {  	(v2sf) =	vpush v7, $0xF;
	_ =	sdelay $0xd  }
.Ltmp80:
0x451: {  	(pc) =	sbr.rel @p1 .LBB2_115-.Ltmp80, $4  }
0x452: {  	s4 =	spop (v2sf)  }
0x453: {  	p2 =	slt.s32 s4, s26;
	s4 =	sadd.s32 $0xFFFFFFFF, s31  }
0x454: {  	s31 =	smov.u32 @p2 s28;
	s0 =	smov.u32 @p2 s4  }
0x455: {  	s25 =	sadd.s32 $0xFFFFFFFF, s25;
	s4 =	sadd.s32 s31, s0  }
0x456: {  	s0 =	sadd.s32 $0x1, s4;
	p1 =	slt.u32 s4, $0x7FFFFFFF;
	s4 =	simm.s32 $0x1  }
0x457: {  	s4 =	simm.s32 @!p1 $0x0;
	s10 =	sshra.s32 s0, $0x1F  }
0x458: {  	s25 =	sand.u32 $0x1, s0;
	s4 =	sadd.s32 s4, s10  }
0x459: {  	p2 =	seq.s32 s25, $0x1;
	p6 =	sne.s32 s4, $0x1  }
0x45a: {  	s29 =	sshrl.u32 s0, $0x1F;
	p1 =	por !p6, !p2  }
0x45b: {  	s0 =	sadd.s32 s29, s0;
	s4 =	simm.s32 $0x1;
	p1 =	por !p1, !p1  }
0x45c: {  	s0 =	sshra.s32 s0, $0x1;
	s4 =	simm.s32 @!p1 $0x0  }
0x45d: {  	s0 =	ssub.s32 s0, s4  }
0x45e: {  	s4 =	sshll.u32 s0, $0x6  }
0x45f: {  	s4 =	sshra.s32 s4, $0x2  }
0x460: {  	v7 =	vld [tilespmem:s4+$0xC000];
	_ =	sdelay $0x4  }
0x461: {  	(xrf0) =	vadd.scan.msk.s32 $0xffff, v7;
	_ =	sdelay $0x5  }
0x462: {  	v7, _, _ =	vpop (xrf0)  }
0x463: {  	(v2sf) =	vpush v7, $0xF;
	_ =	sdelay $0xe  }
0x464: {  	s30 =	spop (v2sf)  }
0x465: {  	p1 =	slt.s32 s30, s26  }
0x466: {  	s0 =	smov.u32 @p1 s31  }
0x467: {  	s31 =	sshll.u32 s0, $0x6  }
0x468: {  	s4 =	sshra.s32 s31, $0x2  }
0x469: {  	v7 =	vld [tilespmem:s4+$0xC010]  }
0x46a: {  	v8 =	vld [tilespmem:s4+$0xC000];
	_ =	sdelay $0x3  }
0x46b: {  	(xrf0) =	vadd.scan.msk.s32 $0xffff, v7  }
0x46c: {  	(xrf0) =	vadd.scan.msk.s32 $0xffff, v8;
	_ =	sdelay $0x4  }
0x46d: {  	v7, _, _ =	vpop (xrf0)  }
0x46e: {  	(v2sf) =	vpush v7, $0xF;
	v7, _, _ =	vpop (xrf0)  }
0x46f: {  	(v2sf) =	vpush v7, $0xF;
	_ =	sdelay $0xa  }
.Ltmp81:
0x470: {  	_ = 	snop;
	(pc) =	sbr.rel @p0 .LBB2_123-.Ltmp81, $3  }
0x471: {  	_ =	sdelay $0x1  }
0x472: {  	s25 =	spop (v2sf)  }
0x473: {  	s28 =	spop (v2sf)  }
0x474: {  	p1 =	sne.s32 s24, $0x1  }
.Ltmp82:
0x475: {  	_ = 	snop;
	(pc) =	sbr.rel @!p1 .LBB2_118-.Ltmp82, $3  }
0x476: {  	_ =	sdelay $0x1  }
0x477: {  	s4 =	simm.s32 $0x10080  }
0x478: {  	v8 =	vmov s0;
	s29 =	simm.s32 $0x0;
	s0 =	sadd.s32 $0xFFFFFFFF, s24;
	p0 =	por $0x0, $0x0;
	v7 =	vld [tilespmem:s4+$0x0]  }
0x479: {  	_ =	sdelay $0x7  }
0x47a: {  	v9 =	vld.idx.msk [tilespmem:v7+s2+$0x0], $0xffff;
	_ =	sdelay $0x4  }
0x47b: {  	v9 =	vshrl.u32 v9, $0x7  }
0x47c: {  	v10 =	vor.u32 s29, v2;
	p1 =	sne.s32 s0, $0x1;
	v9 =	vand.u32 $0xFF, v9  }
.Ltmp83:
0x47d: {  	vm0 =	vlt.s32 v10, v6;
	vm1 =	vgt.s32 v9, v8;
	(pc) =	sbr.rel @!p1 .LBB2_120-.Ltmp83, $4  }
0x47e: {  	vm2 =	veq.s32 v9, v8;
	vm1 =	vmand vm0, vm1  }
0x47f: {  	vm0 =	vmand vm0, vm2;
	[tilespmem:s23+$0x18100] =	vst.msk vm1, v7;
	v10 =	vmpcnt.ones.xlane vm1  }
0x480: {  	s31 =	simm.s32 $0x10090;
	s4 =	sadd.s32 $0xFFFFFFFF, s0;
	p0 =	por $0x1, $0x1;
	v9 =	vmpcnt.ones.xlane vm0;
	[tilespmem:s29+$0x10080] =	vst.msk vm0, v7  }
0x481: {  	s30 =	simm.s32 $0x0;
	s0 =	smov.u32 s23;
	s24 =	simm.s32 $0x0;
	v7 =	vld [tilespmem:s31+$0x0];
	(v2sf) =	vpush v10, $0x0  }
.LBB2_121:
0x482: {  	p1 =	sne.s32 s4, $0x1;
	(v2sf) =	vpush v9, $0x0;
	_ =	sdelay $0x6  }
0x483: {  	v9 =	vld.idx.msk [tilespmem:v7+s2+$0x0], $0xffff;
	_ =	sdelay $0x5  }
0x484: {  	s30 =	sadd.s32 $0x10, s30;
	v9 =	vshrl.u32 v9, $0x7  }
0x485: {  	v10 =	vor.u32 s30, v2;
	v9 =	vand.u32 $0xFF, v9;
	s10 =	spop (v2sf)  }
.Ltmp84:
0x486: {  	vm0 =	vlt.s32 v10, v6;
	vm1 =	vgt.s32 v9, v8;
	vm2 =	veq.s32 v9, v8;
	s0 =	sadd.s32 s0, s10;
	s10 =	spop (v2sf);
	(pc) =	sbr.rel @p1 .LBB2_121-.Ltmp84, $4  }
0x487: {  	vm1 =	vmand vm0, vm1;
	s24 =	sadd.s32 s24, s10  }
0x488: {  	vm0 =	vmand vm0, vm2;
	v10 =	vmpcnt.ones.xlane vm1;
	[tilespmem:s0+$0x18100] =	vst.msk vm1, v7  }
0x489: {  	s31 =	sadd.s32 $0x10, s31;
	v9 =	vmpcnt.ones.xlane vm0;
	[tilespmem:s24+$0x10080] =	vst.msk vm0, v7  }
0x48a: {  	s4 =	sadd.s32 $0xFFFFFFFF, s4;
	v7 =	vld [tilespmem:s31+$0x0];
	(v2sf) =	vpush v10, $0x0  }
.LBB2_122:
0x48b: {  	_ =	sdelay $0x7  }
0x48c: {  	v10 =	vld.idx.msk [tilespmem:v7+s2+$0x0], $0xffff;
	_ =	sdelay $0x3  }
0x48d: {  	s4 =	sadd.s32 @p0 $0x10, s30;
	s10 =	simm.s32 $0x0  }
0x48e: {  	s10 =	smov.u32 @p0 s4;
	v10 =	vshrl.u32 v10, $0x7  }
0x48f: {  	v11 =	vor.u32 s10, v2;
	v10 =	vand.u32 $0xFF, v10  }
0x490: {  	vm0 =	vlt.s32 v11, v6;
	vm1 =	vgt.s32 v10, v8  }
0x491: {  	vm2 =	veq.s32 v10, v8;
	vm1 =	vmand vm0, vm1  }
0x492: {  	(v2sf) =	vpush @p0 v9, $0x0;
	vm0 =	vmand vm0, vm2;
	v6 =	vmpcnt.ones.xlane vm1  }
0x493: {  	v63 =	vmpcnt.ones.xlane vm0  }
0x494: {  	(v2sf) =	vpush v6, $0x0  }
0x495: {  	(v2sf) =	vpush v63, $0x0;
	_ =	sdelay $0xa  }
0x496: {  	s4 =	spop @p0 (v2sf)  }
0x497: {  	s10 =	spop @p0 (v2sf);
	s0 =	sadd.s32 @p0 s0, s4;
	s4 =	smov.u32 s23  }
0x498: {  	s10 =	sadd.s32 @p0 s24, s10;
	s4 =	smov.u32 @p0 s0  }
0x499: {  	[tilespmem:s4+$0x18100] =	vst.msk vm1, v7;
	s29 =	smov.u32 @p0 s10;
	s30 =	spop (v2sf)  }
0x49a: {  	[tilespmem:s29+$0x10080] =	vst.msk vm0, v7;
	s31 =	spop (v2sf)  }
.LBB2_123:
0x49b: {  	s0 =	ssub.s32 s28, s25  }
0x49c: {  	p0 =	seq.s32 s28, s26;
	v6 =	vadd.s32 s0, v2  }
.Ltmp85:
0x49d: {  	_ = 	snop;
	(pc) =	sbr.rel @!p0 .LBB2_125-.Ltmp85, $4  }
0x49e: {  	s23 =	sadd.s32 s23, s25  }
0x49f: {  	s25 =	ssub.s32 s26, s25;
	[smem:$0x0] =	sst s23  }
0x4a0: {  	[smem:$0x1] =	sst s25  }
0x4a1: {  	[smem:$0x2] =	sst s0;
	[tilespmem:v6+s14+$0x0] =	vst.idx.msk $0xffff, v1  }
.Ltmp86:
0x4a2: {  	(pc) =	sbr.rel .LBB2_140-.Ltmp86, $2  }
0x4a3: {  	_ =	sdelay $0x2  }
0x4a4: {  	s26 =	smov.u32 s25  }
.LBB2_125:
0x4a5: {  	s4 =	sadd.s32 $0xF, s0  }
0x4a6: {  	s10 =	sand.u32 $0xF, s4  }
0x4a7: {  	s24 =	sshra.s32 s4, $0x1F;
	p0 =	slt.s32 s4, $0x1;
	p1 =	sne.s32 s10, $0x0  }
0x4a8: {  	s31 =	sshrl.u32 s24, $0x1C;
	p0 =	por !p0, !p1  }
0x4a9: {  	s10 =	simm.s32 $0x1;
	s4 =	sadd.s32 s31, s4;
	p0 =	por !p0, !p0  }
0x4aa: {  	s4 =	sshra.s32 s4, $0x4;
	s10 =	simm.s32 @!p0 $0x0  }
0x4ab: {  	s24 =	ssub.s32 s4, s10  }
0x4ac: {  	p0 =	slt.s32 s24, $0x1  }
.Ltmp87:
0x4ad: {  	_ = 	snop;
	(pc) =	sbr.rel @p0 .LBB2_128-.Ltmp87, $2  }
0x4ae: {  	_ =	sdelay $0x2  }
0x4af: {  	v6 =	vmov s0  }
0x4b0: {  	s0 =	simm.s32 $0x10080;
	s4 =	simm.s32 $0x0;
	s26 =	smov.u32 s24  }
.LBB2_127:
0x4b1: {  	v7 =	vld [tilespmem:s0+$0x0];
	_ =	sdelay $0x7  }
0x4b2: {  	v7 =	vld.idx.msk [tilespmem:v7+s2+$0x0], $0xffff;
	_ =	sdelay $0x4  }
0x4b3: {  	v8 =	vor.u32 s4, v2;
	v7 =	vshll.u32 v7, $0x4  }
0x4b4: {  	vm0 =	vlt.s32 v8, v6;
	v7 =	vor.u32 v2, v7  }
0x4b5: {  	p1 =	sne.s32 s26, $0x1;
	v7 =	vand.u32 $0xFFF, v7  }
.Ltmp88:
0x4b6: {  	_ = 	snop;
	(pc) =	sbr.rel @p1 .LBB2_127-.Ltmp88, $2  }
0x4b7: {  	_ =	sdelay $0x2  }
0x4b8: {  	s0 =	sadd.s32 $0x10, s0;
	s4 =	sadd.s32 $0x10, s4;
	s26 =	sadd.s32 $0xFFFFFFFF, s26;
	[tilespmem:v7+s13+$0x0] =	vst.idx.add.s32.msk vm0, v3  }
.LBB2_128:
0x4b9: {  	v7 =	vimm.s32 $0x0  }
0x4ba: {  	s26 =	simm.s32 $0x8FF0;
	[tilespmem:$0xD000] =	vst v7  }
0x4bb: {  	v8 =	vld [tilespmem:s26+$0x0];
	_ =	sdelay $0x4  }
0x4bc: {  	s28 =	simm.s32 $0xCFF0;
	v7 =	vadd.s32 v7, v8  }
0x4bd: {  	[tilespmem:s28+$0x0] =	vst v7  }
0x4be: {  	v8 =	vld [tilespmem:s26+$0xFFFFFFF0];
	_ =	sdelay $0x4  }
0x4bf: {  	[tilespmem:s26+$0x0] =	vst v1;
	v7 =	vadd.s32 v7, v8  }
0x4c0: {  	[tilespmem:s28+$0xFFFFFFF0] =	vst v7  }
0x4c1: {  	v8 =	vld [tilespmem:s26+$0xFFFFFFE0];
	_ =	sdelay $0x4  }
0x4c2: {  	[tilespmem:s26+$0xFFFFFFF0] =	vst v1;
	v7 =	vadd.s32 v7, v8  }
0x4c3: {  	[tilespmem:s28+$0xFFFFFFE0] =	vst v7  }
0x4c4: {  	v8 =	vld [tilespmem:s26+$0xFFFFFFD0];
	_ =	sdelay $0x4  }
0x4c5: {  	[tilespmem:s26+$0xFFFFFFE0] =	vst v1;
	v7 =	vadd.s32 v7, v8  }
0x4c6: {  	[tilespmem:s28+$0xFFFFFFD0] =	vst v7  }
0x4c7: {  	v8 =	vld [tilespmem:s26+$0xFFFFFFC0];
	_ =	sdelay $0x4  }
0x4c8: {  	[tilespmem:s26+$0xFFFFFFD0] =	vst v1;
	v7 =	vadd.s32 v7, v8  }
0x4c9: {  	[tilespmem:s28+$0xFFFFFFC0] =	vst v7  }
0x4ca: {  	v8 =	vld [tilespmem:s26+$0xFFFFFFB0];
	_ =	sdelay $0x4  }
0x4cb: {  	[tilespmem:s26+$0xFFFFFFC0] =	vst v1;
	v7 =	vadd.s32 v7, v8  }
0x4cc: {  	[tilespmem:s28+$0xFFFFFFB0] =	vst v7  }
0x4cd: {  	v8 =	vld [tilespmem:s26+$0xFFFFFFA0];
	_ =	sdelay $0x4  }
0x4ce: {  	[tilespmem:s26+$0xFFFFFFB0] =	vst v1;
	v7 =	vadd.s32 v7, v8  }
0x4cf: {  	[tilespmem:s28+$0xFFFFFFA0] =	vst v7  }
0x4d0: {  	v8 =	vld [tilespmem:s26+$0xFFFFFF90];
	_ =	sdelay $0x4  }
0x4d1: {  	[tilespmem:s26+$0xFFFFFFA0] =	vst v1;
	v7 =	vadd.s32 v7, v8  }
0x4d2: {  	s29 =	simm.s32 $0x0;
	s30 =	simm.s32 $0x8F70;
	[tilespmem:s28+$0xFFFFFF90] =	vst v7  }
.LBB2_129:
0x4d3: {  	v8 =	vld [tilespmem:s30+$0x0];
	s29 =	sadd.s32 $0x8, s29;
	[tilespmem:s26+$0xFFFFFF90] =	vst v1;
	s26 =	smov.u32 s30  }
0x4d4: {  	p1 =	slt.u32 s29, $0xF8;
	_ =	sdelay $0x3  }
0x4d5: {  	s28 =	sadd.s32 $0xFFFFFF80, s28;
	v7 =	vadd.s32 v7, v8  }
0x4d6: {  	[tilespmem:s28+$0x0] =	vst v7  }
0x4d7: {  	v8 =	vld [tilespmem:s30+$0xFFFFFFF0];
	_ =	sdelay $0x4  }
0x4d8: {  	[tilespmem:s30+$0x0] =	vst v1;
	v7 =	vadd.s32 v7, v8  }
0x4d9: {  	[tilespmem:s28+$0xFFFFFFF0] =	vst v7  }
0x4da: {  	v8 =	vld [tilespmem:s30+$0xFFFFFFE0];
	_ =	sdelay $0x4  }
0x4db: {  	[tilespmem:s30+$0xFFFFFFF0] =	vst v1;
	v7 =	vadd.s32 v7, v8  }
0x4dc: {  	[tilespmem:s28+$0xFFFFFFE0] =	vst v7  }
0x4dd: {  	v8 =	vld [tilespmem:s30+$0xFFFFFFD0];
	_ =	sdelay $0x4  }
0x4de: {  	[tilespmem:s30+$0xFFFFFFE0] =	vst v1;
	v7 =	vadd.s32 v7, v8  }
0x4df: {  	[tilespmem:s28+$0xFFFFFFD0] =	vst v7  }
0x4e0: {  	v8 =	vld [tilespmem:s30+$0xFFFFFFC0];
	_ =	sdelay $0x4  }
0x4e1: {  	[tilespmem:s30+$0xFFFFFFD0] =	vst v1;
	v7 =	vadd.s32 v7, v8  }
0x4e2: {  	[tilespmem:s28+$0xFFFFFFC0] =	vst v7  }
0x4e3: {  	v8 =	vld [tilespmem:s30+$0xFFFFFFB0];
	_ =	sdelay $0x4  }
0x4e4: {  	[tilespmem:s30+$0xFFFFFFC0] =	vst v1;
	v7 =	vadd.s32 v7, v8  }
0x4e5: {  	[tilespmem:s28+$0xFFFFFFB0] =	vst v7  }
0x4e6: {  	v8 =	vld [tilespmem:s30+$0xFFFFFFA0];
	_ =	sdelay $0x4  }
0x4e7: {  	[tilespmem:s30+$0xFFFFFFB0] =	vst v1;
	v7 =	vadd.s32 v7, v8  }
0x4e8: {  	[tilespmem:s28+$0xFFFFFFA0] =	vst v7  }
0x4e9: {  	[tilespmem:s30+$0xFFFFFFA0] =	vst v1;
	v8 =	vld [tilespmem:s30+$0xFFFFFF90];
	_ =	sdelay $0x1  }
.Ltmp89:
0x4ea: {  	(pc) =	sbr.rel @p1 .LBB2_129-.Ltmp89, $3  }
0x4eb: {  	_ =	sdelay $0x1  }
0x4ec: {  	v7 =	vadd.s32 v7, v8  }
0x4ed: {  	s31 =	simm.s32 $0x0;
	s0 =	simm.s32 $0xFF;
	s30 =	sadd.s32 $0xFFFFFF80, s30;
	[tilespmem:s28+$0xFFFFFF90] =	vst v7  }
0x4ee: {  	[tilespmem:s26+$0xFFFFFF90] =	vst v1;
	s4 =	simm.s32 $0xFF;
	s26 =	simm.s32 $0x7  }
.LBB2_131:
0x4ef: {  	s28 =	smov.u32 s31;
	p1 =	sne.s32 s26, $0x1  }
0x4f0: {  	s10 =	sadd.s32 $0x1, s4;
	p2 =	slt.u32 s4, $0x7FFFFFFF;
	s4 =	simm.s32 $0x1  }
0x4f1: {  	s4 =	simm.s32 @!p2 $0x0;
	s29 =	sshra.s32 s10, $0x1F  }
0x4f2: {  	s4 =	sadd.s32 s4, s29;
	s29 =	sand.u32 $0x1, s10  }
0x4f3: {  	p2 =	sne.s32 s4, $0x1;
	p3 =	seq.s32 s29, $0x1  }
0x4f4: {  	s4 =	sshrl.u32 s10, $0x1F;
	p2 =	por !p2, !p3  }
0x4f5: {  	s4 =	sadd.s32 s4, s10;
	s10 =	simm.s32 $0x1;
	p2 =	por !p2, !p2  }
0x4f6: {  	s4 =	sshra.s32 s4, $0x1;
	s10 =	simm.s32 @!p2 $0x0  }
0x4f7: {  	s31 =	ssub.s32 s4, s10  }
0x4f8: {  	s4 =	sshll.u32 s31, $0x6  }
0x4f9: {  	s4 =	sshra.s32 s4, $0x2  }
0x4fa: {  	v7 =	vld [tilespmem:s4+$0xC000];
	_ =	sdelay $0x4  }
0x4fb: {  	(xrf0) =	vadd.scan.msk.s32 $0xffff, v7;
	_ =	sdelay $0x5  }
0x4fc: {  	v7, _, _ =	vpop (xrf0)  }
0x4fd: {  	(v2sf) =	vpush v7, $0xF;
	_ =	sdelay $0xd  }
.Ltmp90:
0x4fe: {  	(pc) =	sbr.rel @p1 .LBB2_131-.Ltmp90, $4  }
0x4ff: {  	s4 =	spop (v2sf)  }
0x500: {  	p2 =	slt.s32 s4, s25;
	s4 =	sadd.s32 $0xFFFFFFFF, s31  }
0x501: {  	s31 =	smov.u32 @p2 s28;
	s0 =	smov.u32 @p2 s4  }
0x502: {  	s26 =	sadd.s32 $0xFFFFFFFF, s26;
	s4 =	sadd.s32 s31, s0  }
0x503: {  	s0 =	sadd.s32 $0x1, s4;
	p1 =	slt.u32 s4, $0x7FFFFFFF;
	s4 =	simm.s32 $0x1  }
0x504: {  	s4 =	simm.s32 @!p1 $0x0;
	s10 =	sshra.s32 s0, $0x1F  }
0x505: {  	s26 =	sand.u32 $0x1, s0;
	s4 =	sadd.s32 s4, s10  }
0x506: {  	p2 =	seq.s32 s26, $0x1;
	p6 =	sne.s32 s4, $0x1  }
0x507: {  	s29 =	sshrl.u32 s0, $0x1F;
	p1 =	por !p6, !p2  }
0x508: {  	s0 =	sadd.s32 s29, s0;
	s4 =	simm.s32 $0x1;
	p1 =	por !p1, !p1  }
0x509: {  	s0 =	sshra.s32 s0, $0x1;
	s4 =	simm.s32 @!p1 $0x0  }
0x50a: {  	s0 =	ssub.s32 s0, s4  }
0x50b: {  	s4 =	sshll.u32 s0, $0x6  }
0x50c: {  	s4 =	sshra.s32 s4, $0x2  }
0x50d: {  	v7 =	vld [tilespmem:s4+$0xC000];
	_ =	sdelay $0x4  }
0x50e: {  	(xrf0) =	vadd.scan.msk.s32 $0xffff, v7;
	_ =	sdelay $0x5  }
0x50f: {  	v7, _, _ =	vpop (xrf0)  }
0x510: {  	(v2sf) =	vpush v7, $0xF;
	_ =	sdelay $0xe  }
0x511: {  	s30 =	spop (v2sf)  }
0x512: {  	p1 =	slt.s32 s30, s25  }
0x513: {  	s0 =	smov.u32 @p1 s31  }
0x514: {  	s31 =	sshll.u32 s0, $0x6  }
0x515: {  	s4 =	sshra.s32 s31, $0x2  }
0x516: {  	v7 =	vld [tilespmem:s4+$0xC010]  }
0x517: {  	v8 =	vld [tilespmem:s4+$0xC000];
	_ =	sdelay $0x3  }
0x518: {  	(xrf0) =	vadd.scan.msk.s32 $0xffff, v7  }
0x519: {  	(xrf0) =	vadd.scan.msk.s32 $0xffff, v8;
	_ =	sdelay $0x4  }
0x51a: {  	v7, _, _ =	vpop (xrf0)  }
0x51b: {  	(v2sf) =	vpush v7, $0xF;
	v7, _, _ =	vpop (xrf0)  }
0x51c: {  	(v2sf) =	vpush v7, $0xF;
	_ =	sdelay $0xa  }
.Ltmp91:
0x51d: {  	_ = 	snop;
	(pc) =	sbr.rel @p0 .LBB2_139-.Ltmp91, $3  }
0x51e: {  	_ =	sdelay $0x1  }
0x51f: {  	s26 =	spop (v2sf)  }
0x520: {  	s28 =	spop (v2sf)  }
0x521: {  	p1 =	sne.s32 s24, $0x1  }
.Ltmp92:
0x522: {  	_ = 	snop;
	(pc) =	sbr.rel @!p1 .LBB2_134-.Ltmp92, $3  }
0x523: {  	_ =	sdelay $0x1  }
0x524: {  	s4 =	simm.s32 $0x10080  }
0x525: {  	v8 =	vmov s0;
	s29 =	simm.s32 $0x0;
	s0 =	sadd.s32 $0xFFFFFFFF, s24;
	p0 =	por $0x0, $0x0;
	v7 =	vld [tilespmem:s4+$0x0]  }
0x526: {  	_ =	sdelay $0x7  }
0x527: {  	v9 =	vld.idx.msk [tilespmem:v7+s2+$0x0], $0xffff;
	_ =	sdelay $0x4  }
0x528: {  	v10 =	vor.u32 s29, v2;
	p1 =	sne.s32 s0, $0x1;
	v9 =	vand.u32 $0xFF, v9  }
.Ltmp93:
0x529: {  	vm0 =	vlt.s32 v10, v6;
	vm1 =	vgt.s32 v9, v8;
	(pc) =	sbr.rel @!p1 .LBB2_136-.Ltmp93, $4  }
0x52a: {  	vm2 =	veq.s32 v9, v8;
	vm1 =	vmand vm0, vm1  }
0x52b: {  	vm0 =	vmand vm0, vm2;
	[tilespmem:s23+$0x18100] =	vst.msk vm1, v7;
	v10 =	vmpcnt.ones.xlane vm1  }
0x52c: {  	s4 =	simm.s32 $0x10090;
	s31 =	sadd.s32 $0xFFFFFFFF, s0;
	p0 =	por $0x1, $0x1;
	v9 =	vmpcnt.ones.xlane vm0;
	[tilespmem:s29+$0x10080] =	vst.msk vm0, v7  }
0x52d: {  	s30 =	simm.s32 $0x0;
	s0 =	smov.u32 s23;
	s24 =	simm.s32 $0x0;
	v7 =	vld [tilespmem:s4+$0x0];
	(v2sf) =	vpush v10, $0x0  }
.LBB2_137:
0x52e: {  	p1 =	sne.s32 s31, $0x1;
	(v2sf) =	vpush v9, $0x0;
	_ =	sdelay $0x6  }
0x52f: {  	v9 =	vld.idx.msk [tilespmem:v7+s2+$0x0], $0xffff;
	_ =	sdelay $0x4  }
0x530: {  	s30 =	sadd.s32 $0x10, s30  }
0x531: {  	v10 =	vor.u32 s30, v2;
	v9 =	vand.u32 $0xFF, v9  }
.Ltmp94:
0x532: {  	vm0 =	vlt.s32 v10, v6;
	vm1 =	vgt.s32 v9, v8;
	vm2 =	veq.s32 v9, v8;
	s10 =	spop (v2sf);
	(pc) =	sbr.rel @p1 .LBB2_137-.Ltmp94, $4  }
0x533: {  	vm1 =	vmand vm0, vm1;
	s0 =	sadd.s32 s0, s10;
	s10 =	spop (v2sf)  }
0x534: {  	vm0 =	vmand vm0, vm2;
	v10 =	vmpcnt.ones.xlane vm1;
	[tilespmem:s0+$0x18100] =	vst.msk vm1, v7;
	s24 =	sadd.s32 s24, s10  }
0x535: {  	s4 =	sadd.s32 $0x10, s4;
	v9 =	vmpcnt.ones.xlane vm0;
	[tilespmem:s24+$0x10080] =	vst.msk vm0, v7  }
0x536: {  	s31 =	sadd.s32 $0xFFFFFFFF, s31;
	v7 =	vld [tilespmem:s4+$0x0];
	(v2sf) =	vpush v10, $0x0  }
.LBB2_138:
0x537: {  	_ =	sdelay $0x7  }
0x538: {  	v10 =	vld.idx.msk [tilespmem:v7+s2+$0x0], $0xffff;
	_ =	sdelay $0x2  }
0x539: {  	s4 =	sadd.s32 @p0 $0x10, s30;
	s10 =	simm.s32 $0x0  }
0x53a: {  	s10 =	smov.u32 @p0 s4  }
0x53b: {  	v11 =	vor.u32 s10, v2;
	v10 =	vand.u32 $0xFF, v10  }
0x53c: {  	vm0 =	vlt.s32 v11, v6;
	vm1 =	vgt.s32 v10, v8  }
0x53d: {  	vm2 =	veq.s32 v10, v8;
	vm1 =	vmand vm0, vm1  }
0x53e: {  	(v2sf) =	vpush @p0 v9, $0x0;
	vm0 =	vmand vm0, vm2;
	v6 =	vmpcnt.ones.xlane vm1  }
0x53f: {  	v63 =	vmpcnt.ones.xlane vm0  }
0x540: {  	(v2sf) =	vpush v6, $0x0  }
0x541: {  	(v2sf) =	vpush v63, $0x0;
	_ =	sdelay $0xa  }
0x542: {  	s4 =	spop @p0 (v2sf)  }
0x543: {  	s10 =	spop @p0 (v2sf);
	s0 =	sadd.s32 @p0 s0, s4;
	s4 =	smov.u32 s23  }
0x544: {  	s4 =	smov.u32 @p0 s0;
	s0 =	sadd.s32 @p0 s24, s10  }
0x545: {  	[tilespmem:s4+$0x18100] =	vst.msk vm1, v7;
	s29 =	smov.u32 @p0 s0;
	s30 =	spop (v2sf)  }
0x546: {  	[tilespmem:s29+$0x10080] =	vst.msk vm0, v7;
	s31 =	spop (v2sf)  }
.LBB2_139:
0x547: {  	s0 =	ssub.s32 s28, s26  }
0x548: {  	v6 =	vadd.s32 s0, v2;
	_ =	sdelay $0x1  }
0x549: {  	s23 =	sadd.s32 s23, s26  }
0x54a: {  	s26 =	ssub.s32 s25, s26;
	[smem:$0x0] =	sst s23  }
0x54b: {  	[smem:$0x1] =	sst s26  }
0x54c: {  	s25 =	smov.u32 s0;
	[smem:$0x2] =	sst s0;
	[tilespmem:v6+s14+$0x0] =	vst.idx.msk $0xffff, v1  }
.LBB2_140:
0x54d: {  	p0 =	slt.s32 s26, $0x1  }
.Ltmp95:
0x54e: {  	_ = 	snop;
	(pc) =	sbr.rel @p0 .LBB2_150-.Ltmp95, $1  }
0x54f: {  	_ =	sdelay $0x3  }
0x550: {  	s0 =	sadd.s32 $0xF, s25  }
0x551: {  	s4 =	sand.u32 $0xF, s0  }
0x552: {  	s31 =	sshra.s32 s0, $0x1F;
	p1 =	slt.s32 s0, $0x1;
	p0 =	sne.s32 s4, $0x0  }
.Ltmp96:
0x553: {  	s4 =	sshrl.u32 s31, $0x1C;
	p0 =	por !p1, !p0;
	(pc) =	sbr.rel .LBB2_142-.Ltmp96, $4  }
0x554: {  	s0 =	sadd.s32 s4, s0;
	s4 =	simm.s32 $0x1;
	p0 =	por !p0, !p0  }
0x555: {  	s0 =	sshra.s32 s0, $0x4;
	s4 =	simm.s32 @!p0 $0x0  }
0x556: {  	s24 =	ssub.s32 s0, s4  }
0x557: {  	v6 =	vmov s25;
	s25 =	simm.s32 $0x0;
	s28 =	simm.s32 $0x0;
	p0 =	slt.s32 s24, $0x1  }
.LBB2_148:
0x558: {  	s0 =	sadd.s32 s23, s28  }
0x559: {  	v7 =	vmov s0;
	_ =	sdelay $0x4  }
0x55a: {  	[tilespmem:v7+s15+$0x0] =	vst.idx.msk $0x1, v0  }
.LBB2_149:
0x55b: {  	s28 =	sadd.s32 $0x1, s28  }
0x55c: {  	p1 =	sne.s32 s28, s26  }
.Ltmp97:
0x55d: {  	_ = 	snop;
	(pc) =	sbr.rel @!p1 .LBB2_150-.Ltmp97, $1  }
0x55e: {  	_ =	sdelay $0x3  }
.LBB2_142:
.Ltmp98:
0x55f: {  	(pc) =	sbr.rel @p0 .LBB2_148-.Ltmp98, $1  }
0x560: {  	_ =	sdelay $0x3  }
0x561: {  	s0 =	simm.s32 $0x10080  }
0x562: {  	p1 =	sne.s32 s24, $0x1;
	v8 =	vld [tilespmem:s0+$0x0]  }
.Ltmp99:
0x563: {  	_ = 	snop;
	(pc) =	sbr.rel @!p1 .LBB2_145-.Ltmp99, $4  }
0x564: {  	_ = 	snop  }
0x565: {  	v7 =	vor.u32 s25, v2  }
0x566: {  	vm0 =	vlt.s32 v7, v6  }
0x567: {  	s4 =	sadd.s32 $0xFFFFFFFF, s24;
	s29 =	simm.s32 $0x10090;
	s30 =	simm.s32 $0x0;
	v7 =	vimm.s32 $0x7FFFFFFF;
	v8 =	vnsel vm0, $0x7FFFFFFF, v8  }
.LBB2_144:
0x568: {  	v9 =	vld [tilespmem:s29+$0x0];
	p1 =	sne.s32 s4, $0x1;
	s4 =	sadd.s32 $0xFFFFFFFF, s4;
	vm0 =	vlt.s32 v7, v8  }
.Ltmp100:
0x569: {  	v7 =	vsel vm0, v7, v8;
	(pc) =	sbr.rel @p1 .LBB2_144-.Ltmp100, $4  }
0x56a: {  	s30 =	sadd.s32 $0x10, s30  }
0x56b: {  	v8 =	vor.u32 s30, v2  }
0x56c: {  	vm0 =	vlt.s32 v8, v6  }
0x56d: {  	s29 =	sadd.s32 $0x10, s29;
	v8 =	vnsel vm0, $0x7FFFFFFF, v9  }
.LBB2_145:
0x56e: {  	vm0 =	vlt.s32 v7, v8  }
0x56f: {  	v7 =	vsel vm0, v7, v8  }
0x570: {  	v7 =	vxor.u32 $0x80000000, v7  }
0x571: {  	(xrf0) =	vmin.scan.msk.u32 $0xffff, v7;
	_ =	sdelay $0x5  }
0x572: {  	v7, _, _ =	vpop (xrf0)  }
0x573: {  	(v2sf) =	vpush v7, $0xF;
	_ =	sdelay $0xb  }
0x574: {  	s4 =	sadd.s32 s23, s28  }
0x575: {  	v8 =	vmov s4  }
0x576: {  	p1 =	seq.s32 s24, $0x1  }
.Ltmp101:
0x577: {  	s31 =	spop (v2sf);
	(pc) =	sbr.rel @p1 .LBB2_147-.Ltmp101, $4  }
0x578: {  	s4 =	sxor.u32 $0x80000000, s31  }
0x579: {  	v7 =	vmov s4  }
0x57a: {  	[tilespmem:v8+s15+$0x0] =	vst.idx.msk $0x1, v7  }
0x57b: {  	s4 =	sadd.s32 $0xFFFFFFFF, s24;
	v8 =	vld [tilespmem:s0+$0x0]  }
.LBB2_146:
0x57c: {  	p1 =	seq.s32 s4, $0x1;
	_ =	sdelay $0x2  }
.Ltmp102:
0x57d: {  	(pc) =	sbr.rel @!p1 .LBB2_146-.Ltmp102, $4  }
0x57e: {  	vm0 =	veq.s32 v8, v7  }
0x57f: {  	v8 =	vsel vm0, $0x7FFFFFFF, v8  }
0x580: {  	[tilespmem:s0+$0x0] =	vst v8;
	s0 =	sadd.s32 $0x10, s0  }
0x581: {  	s4 =	sadd.s32 $0xFFFFFFFF, s4;
	v8 =	vld [tilespmem:s0+$0x0]  }
.LBB2_147:
0x582: {  	_ =	sdelay $0x1  }
.Ltmp103:
0x583: {  	_ = 	snop;
	(pc) =	sbr.rel .LBB2_149-.Ltmp103, $4  }
0x584: {  	_ = 	snop  }
0x585: {  	vm0 =	veq.s32 v8, v7  }
0x586: {  	v7 =	vsel vm0, $0x7FFFFFFF, v8  }
0x587: {  	[tilespmem:s0+$0x0] =	vst v7  }
.LBB2_150:
0x588: {  	v6 =	vld [tilespmem:$0x18100]  }
0x589: {  	v7 =	vld [tilespmem:$0x18110]  }
0x58a: {  	v8 =	vld [tilespmem:$0x18120]  }
0x58b: {  	v9 =	vld [tilespmem:$0x18130];
	_ =	sdelay $0x3  }
0x58c: {  	s0 =	simm.s32 $0x0  }
0x58d: {  	v10 =	vld.idx.msk [tilespmem:v6+s0+$0x0], $0xffff  }
0x58e: {  	v11 =	vld.idx.msk [tilespmem:v7+s0+$0x0], $0xffff  }
0x58f: {  	v12 =	vld.idx.msk [tilespmem:v8+s0+$0x0], $0xffff  }
0x590: {  	v13 =	vld.idx.msk [tilespmem:v9+s0+$0x0], $0xffff;
	_ =	sdelay $0x3  }
0x591: {  	v10 =	vand.u32 $0x7FFFFFFF, v10  }
0x592: {  	v11 =	vand.u32 $0x7FFFFFFF, v11;
	v12 =	vand.u32 $0x7FFFFFFF, v12;
	v13 =	vand.u32 $0x7FFFFFFF, v13  }
0x593: {  	vm0 =	vgt.s32 v10, v11;
	vm1 =	vgt.s32 v12, v13  }
0x594: {  	v14 =	vsel vm0, v10, v11;
	v15 =	vsel vm1, v12, v13  }
0x595: {  	vm0 =	vgt.s32 v14, v15  }
0x596: {  	v14 =	vsel vm0, v14, v15  }
0x597: {  	v14 =	vxor.u32 $0x80000000, v14  }
0x598: {  	(xrf0) =	vmax.scan.msk.u32 $0xffff, v14;
	_ =	sdelay $0x5  }
0x599: {  	v14, _, _ =	vpop (xrf0)  }
0x59a: {  	(v2sf) =	vpush v14, $0xF;
	_ =	sdelay $0xe  }
0x59b: {  	s4 =	spop (v2sf)  }
0x59c: {  	s4 =	sxor.u32 $0x80000000, s4  }
0x59d: {  	vm3 =	veq.s32 v11, s4;
	vm0 =	veq.s32 v13, s4  }
0x59e: {  	v14 =	vnsel vm3, $0x7FFFFFFF, v7;
	v15 =	vnsel vm0, $0x7FFFFFFF, v9  }
0x59f: {  	vm1 =	veq.s32 v12, s4;
	vm4 =	vlt.s32 v6, v14;
	vm5 =	vlt.s32 v8, v15  }
0x5a0: {  	vm2 =	veq.s32 v10, s4;
	v16 =	vsel vm4, v6, v14;
	v17 =	vsel vm5, v8, v15  }
0x5a1: {  	v14 =	vsel vm2, v16, v14;
	v15 =	vsel vm1, v17, v15  }
0x5a2: {  	vm4 =	vlt.s32 v14, v15  }
0x5a3: {  	v14 =	vsel vm4, v14, v15  }
0x5a4: {  	v14 =	vxor.u32 $0x80000000, v14  }
0x5a5: {  	(xrf0) =	vmin.scan.msk.u32 $0xffff, v14;
	_ =	sdelay $0x5  }
0x5a6: {  	v14, _, _ =	vpop (xrf0)  }
0x5a7: {  	(v2sf) =	vpush v14, $0xF;
	_ =	sdelay $0xb  }
0x5a8: {  	v14 =	vmov s0;
	_ =	sdelay $0x2  }
0x5a9: {  	s31 =	spop (v2sf)  }
0x5aa: {  	v15 =	vmov s4;
	s0 =	sxor.u32 $0x80000000, s31  }
0x5ab: {  	[tilespmem:v14+s16+$0x0] =	vst.idx.msk $0x1, v15;
	v15 =	vmov s0;
	vm6 =	veq.s32 v7, s0;
	vm4 =	veq.s32 v8, s0  }
0x5ac: {  	s23 =	simm.s32 $0x1;
	vm5 =	veq.s32 v6, s0;
	[tilespmem:v14+s17+$0x0] =	vst.idx.msk $0x1, v15;
	vm3 =	vmand vm3, vm6;
	vm6 =	veq.s32 v9, s0  }
.LBB2_151:
0x5ad: {  	p0 =	sne.s32 s23, $0x3F;
	vm2 =	vmand vm2, vm5;
	v11 =	vsel vm3, $0xFFFFFFFF, v11;
	vm0 =	vmand vm0, vm6;
	s24 =	smov.u32 s23;
	s23 =	sadd.s32 $0x1, s23  }
0x5ae: {  	vm1 =	vmand vm1, vm4;
	v10 =	vsel vm2, $0xFFFFFFFF, v10;
	v13 =	vsel vm0, $0xFFFFFFFF, v13  }
0x5af: {  	v12 =	vsel vm1, $0xFFFFFFFF, v12;
	vm0 =	vgt.s32 v10, v11  }
0x5b0: {  	vm1 =	vgt.s32 v12, v13  }
0x5b1: {  	v14 =	vsel vm0, v10, v11;
	v15 =	vsel vm1, v12, v13  }
0x5b2: {  	vm0 =	vgt.s32 v14, v15  }
0x5b3: {  	v14 =	vsel vm0, v14, v15  }
0x5b4: {  	v14 =	vxor.u32 $0x80000000, v14  }
0x5b5: {  	(xrf0) =	vmax.scan.msk.u32 $0xffff, v14;
	_ =	sdelay $0x5  }
0x5b6: {  	v14, _, _ =	vpop (xrf0)  }
0x5b7: {  	(v2sf) =	vpush v14, $0xF;
	_ =	sdelay $0xe  }
0x5b8: {  	s0 =	spop (v2sf)  }
0x5b9: {  	s0 =	sxor.u32 $0x80000000, s0  }
0x5ba: {  	v14 =	vmov s0;
	vm3 =	veq.s32 v11, s0;
	vm0 =	veq.s32 v13, s0  }
0x5bb: {  	v15 =	vnsel vm3, $0x7FFFFFFF, v7;
	v16 =	vnsel vm0, $0x7FFFFFFF, v9  }
0x5bc: {  	vm1 =	veq.s32 v12, s0;
	vm4 =	vlt.s32 v6, v15;
	vm5 =	vlt.s32 v8, v16  }
0x5bd: {  	vm2 =	veq.s32 v10, s0;
	v17 =	vsel vm4, v6, v15;
	v18 =	vsel vm5, v8, v16  }
0x5be: {  	v15 =	vsel vm2, v17, v15;
	v16 =	vsel vm1, v18, v16  }
0x5bf: {  	vm4 =	vlt.s32 v15, v16  }
0x5c0: {  	v15 =	vsel vm4, v15, v16  }
0x5c1: {  	v15 =	vxor.u32 $0x80000000, v15  }
0x5c2: {  	(xrf0) =	vmin.scan.msk.u32 $0xffff, v15;
	_ =	sdelay $0x5  }
0x5c3: {  	v15, _, _ =	vpop (xrf0)  }
0x5c4: {  	(v2sf) =	vpush v15, $0xF;
	_ =	sdelay $0xb  }
0x5c5: {  	v15 =	vmov s24;
	_ =	sdelay $0x1  }
.Ltmp104:
0x5c6: {  	(pc) =	sbr.rel @p0 .LBB2_151-.Ltmp104, $4  }
0x5c7: {  	s0 =	spop (v2sf)  }
0x5c8: {  	s0 =	sxor.u32 $0x80000000, s0  }
0x5c9: {  	[tilespmem:v15+s16+$0x0] =	vst.idx.msk $0x1, v14;
	v14 =	vmov s0;
	vm6 =	veq.s32 v7, s0;
	vm4 =	veq.s32 v8, s0  }
0x5ca: {  	vm5 =	veq.s32 v6, s0;
	[tilespmem:v15+s17+$0x0] =	vst.idx.msk $0x1, v14;
	vm3 =	vmand vm3, vm6;
	vm6 =	veq.s32 v9, s0  }
0x5cb: {  	v6 =	vld [tilespmem:$0x18200];
	_ =	sdelay $0x1  }
0x5cc: {  	v7 =	vld [tilespmem:$0x18180];
	_ =	sdelay $0x4  }
0x5cd: {  	[tilespmem:$0x18280] =	vst v7  }
0x5ce: {  	v6 =	vld.idx.msk [tilespmem:v6+s2+$0x0], $0xffff  }
0x5cf: {  	v7 =	vld [tilespmem:$0x18210]  }
0x5d0: {  	v8 =	vld [tilespmem:$0x18190];
	_ =	sdelay $0x2  }
0x5d1: {  	v9 =	vand.u32 $0x80000000, v6;
	vm0 =	vlt.f32 v6, $0.0e+00;
	vm1 =	vgt.f32 v6, $0.0e+00  }
0x5d2: {  	v9 =	vor.u32 v9, v5;
	vm0 =	vmor vm1, vm0  }
0x5d3: {  	[tilespmem:$0x18290] =	vst v8;
	v6 =	vsel vm0, v9, v6  }
0x5d4: {  	[tilespmem:$0x18300] =	vst v6  }
0x5d5: {  	v6 =	vld.idx.msk [tilespmem:v7+s2+$0x0], $0xffff  }
0x5d6: {  	v7 =	vld [tilespmem:$0x18220]  }
0x5d7: {  	v60 =	vld [tilespmem:$0x181A0];
	_ =	sdelay $0x2  }
0x5d8: {  	v61 =	vand.u32 $0x80000000, v6;
	vm10 =	vlt.f32 v6, $0.0e+00;
	vm11 =	vgt.f32 v6, $0.0e+00  }
0x5d9: {  	v9 =	vor.u32 v61, v5;
	vm0 =	vmor vm11, vm10  }
0x5da: {  	[tilespmem:$0x182A0] =	vst v60;
	v6 =	vsel vm0, v9, v6  }
0x5db: {  	[tilespmem:$0x18310] =	vst v6  }
0x5dc: {  	v6 =	vld.idx.msk [tilespmem:v7+s2+$0x0], $0xffff  }
0x5dd: {  	v7 =	vld [tilespmem:$0x18230]  }
0x5de: {  	v62 =	vld [tilespmem:$0x181B0];
	_ =	sdelay $0x2  }
0x5df: {  	v63 =	vand.u32 $0x80000000, v6;
	vm12 =	vlt.f32 v6, $0.0e+00;
	vm13 =	vgt.f32 v6, $0.0e+00  }
0x5e0: {  	vm0 =	vmor vm13, vm12;
	v9 =	vor.u32 v63, v5  }
0x5e1: {  	[tilespmem:$0x182B0] =	vst v62;
	v6 =	vsel vm0, v9, v6  }
0x5e2: {  	[tilespmem:$0x18320] =	vst v6  }
0x5e3: {  	v6 =	vld.idx.msk [tilespmem:v7+s2+$0x0], $0xffff;
	_ =	sdelay $0x4  }
0x5e4: {  	v7 =	vand.u32 $0x80000000, v6;
	vm14 =	vlt.f32 v6, $0.0e+00;
	vm15 =	vgt.f32 v6, $0.0e+00  }
0x5e5: {  	s0 =	sadd.s32 s9, s22;
	v7 =	vor.u32 v7, v5;
	vm0 =	vmor vm15, vm14  }
0x5e6: {  	s0 =	sshrl.u32 s0, $0x3;
	v6 =	vsel vm0, v7, v6  }
0x5e7: {  	s4 =	sadd.s32 s3, s0;
	[tilespmem:$0x18330] =	vst v6  }
0x5e8: {  	[hbm4b:s4+s2] =	stream.linear.scatter [tilespmem:s17], [sflag:$0x1], $0x80, $0x38;
	[tilespmem:$0x18380] =	vst v63  }
0x5e9: {  	_ =	swait.ge [sflag:s12], $0x80  }
0x5ea: {  	[sflag:s12] =	ssyncset.done $0x0  }
0x5eb: {  	s31 =	sadd.s32 s5, s0;
	[sflag:s12] =	ssyncadd.s32 $0xFFFFFF80  }
0x5ec: {  	[hbm4b:s31+s2] =	stream.linear.scatter [tilespmem:s18], [sflag:$0x1], $0x80, $0x38;
	[tilespmem:$0x18380] =	vst v63  }
0x5ed: {  	_ =	swait.ge [sflag:s12], $0x80  }
0x5ee: {  	s21 =	sadd.s32 $0x1, s21;
	[sflag:s12] =	ssyncset.done $0x0  }
0x5ef: {  	p0 =	sne.s32 s21, $0x4;
	s0 =	sadd.s32 s6, s0;
	[sflag:s12] =	ssyncadd.s32 $0xFFFFFF80  }
0x5f0: {  	[hbm4b:s0+s2] =	stream.linear.scatter [tilespmem:s19], [sflag:$0x1], $0x80, $0x38;
	[tilespmem:$0x18380] =	vst v63  }
.Ltmp105:
0x5f1: {  	_ = 	snop;
	(pc) =	sbr.rel @p0 .LBB2_4-.Ltmp105, $4  }
.Ltmp106:
0x5f2: {  	_ = 	snop;
	(pc) =	sbr.rel @!p0 .LBB2_153-.Ltmp106, $4  }
0x5f3: {  	_ =	swait.ge [sflag:s12], $0x80  }
0x5f4: {  	[sflag:s12] =	ssyncset.done $0x0  }
0x5f5: {  	[sflag:s12] =	ssyncadd.s32 $0xFFFFFF80  }
0x5f6: {  	_ = 	snop  }
.LBB2_87:
.Ltmp107:
0x5f7: {  	(pc) =	sbr.rel .LBB2_91-.Ltmp107, $2  }
0x5f8: {  	_ =	sdelay $0x2  }
0x5f9: {  	s29 =	simm.s32 $0x0;
	s0 =	simm.s32 $0x0;
	s25 =	simm.s32 $0x0  }
.LBB2_89:
.Ltmp108:
0x5fa: {  	(pc) =	sbr.rel .LBB2_91-.Ltmp108, $2  }
0x5fb: {  	_ =	sdelay $0x2  }
0x5fc: {  	s29 =	simm.s32 $0x0;
	s0 =	simm.s32 $0x0;
	s25 =	simm.s32 $0x0  }
.LBB2_102:
.Ltmp109:
0x5fd: {  	(pc) =	sbr.rel .LBB2_106-.Ltmp109, $2  }
0x5fe: {  	_ =	sdelay $0x2  }
0x5ff: {  	s30 =	simm.s32 $0x0;
	s0 =	smov.u32 s23;
	s24 =	simm.s32 $0x0  }
.LBB2_104:
.Ltmp110:
0x600: {  	(pc) =	sbr.rel .LBB2_106-.Ltmp110, $2  }
0x601: {  	_ =	sdelay $0x2  }
0x602: {  	s30 =	simm.s32 $0x0;
	s0 =	smov.u32 s23;
	s24 =	simm.s32 $0x0  }
.LBB2_118:
.Ltmp111:
0x603: {  	(pc) =	sbr.rel .LBB2_122-.Ltmp111, $2  }
0x604: {  	_ =	sdelay $0x2  }
0x605: {  	s30 =	simm.s32 $0x0;
	s0 =	smov.u32 s23;
	s24 =	simm.s32 $0x0  }
.LBB2_120:
.Ltmp112:
0x606: {  	(pc) =	sbr.rel .LBB2_122-.Ltmp112, $2  }
0x607: {  	_ =	sdelay $0x2  }
0x608: {  	s30 =	simm.s32 $0x0;
	s0 =	smov.u32 s23;
	s24 =	simm.s32 $0x0  }
.LBB2_134:
.Ltmp113:
0x609: {  	(pc) =	sbr.rel .LBB2_138-.Ltmp113, $2  }
0x60a: {  	_ =	sdelay $0x2  }
0x60b: {  	s30 =	simm.s32 $0x0;
	s0 =	smov.u32 s23;
	s24 =	simm.s32 $0x0  }
.LBB2_136:
.Ltmp114:
0x60c: {  	(pc) =	sbr.rel .LBB2_138-.Ltmp114, $2  }
0x60d: {  	_ =	sdelay $0x2  }
0x60e: {  	s30 =	simm.s32 $0x0;
	s0 =	smov.u32 s23;
	s24 =	simm.s32 $0x0  }
.LBB2_154:
0x60f: {  	_ =	sfence.sel $0x180000  }
0x610: {  	[bflag:$0x0] =	sbarrier.arrive $0xFFFF  }
0x611: {  	_ =	strace $0x90000047  }
0x612: {  	s0 =	stileid.u32;
	[bflag:$0x2] =	sbarrier.arrive $0xFFFF  }
0x613: {  	p0 =	sne.s32 s0, $0x0;
	s0 =	rddreg [dreg:$0x2]  }
0x614: {  	s0 =	sadd.s32 @!p0 $0x100000, s0  }
0x615: {  	[sflag:s0] =	ssyncadd.tile.s32 @!p0 $0x1;
	_ =	shalt  }
.Lfunc_end2:
_tile_overlayer_lowered:
.L_overlay_start_2:
0x616: {  	(tag) =	ssettag $0x2  }
0x617: {  	s0 =	rddreg [dreg:$0x0];
	s2 =	stileid.u32  }
0x618: {  	s1 =	rddreg [dreg:$0x1];
	p0 =	sne.s32 s2, $0x0  }
0x619: {  	s3 =	rddreg [dreg:$0x2];
	[bflag:$0x3] =	sbarrier.arrive $0xFFFF;
	s2 =	simm.s32 @!p0 $0x1C01  }
0x61a: {  	[timem:s3], [sflag:s2] =	dma.local @!p0 [hbm:s0], s1  }
0x61b: {  	s0 =	simm.s32 @!p0 $0x1  }
0x61c: {  	_ =	swait.ge @!p0 [sflag:s0], s1  }
0x61d: {  	s1 =	ssub.s32 @!p0 $0x0, s1;
	[sflag:s0] =	ssyncset.done @!p0 $0x0  }
0x61e: {  	[sflag:s0] =	ssyncadd.s32 @!p0 s1  }
0x61f: {  	[bflag:$0x3] =	sbarrier.arrive $0xFFFF  }
0x620: {  	_ =	shalt  }

</sc_bundles>
